<compile_context>
chip_gen: v7x
topology: tpu7x:2x2x1
jax: 0.10.2.dev20260603
libtpu: 0.0.44.dev20260713+nightly
codegen_flags: <defaults>
</compile_context>

<pallas_src>
import functools

import jax
import jax.numpy as jnp
from jax import lax
from jax.experimental import pallas as pl
from jax.experimental.pallas import tpu as pltpu
from jax.experimental.pallas import tpu_sc as plsc

N, E, D, L, B = 10000, 320000, 128, 3, 400
NC, NS = 2, 16
NW = NC * NS
C = 120
CA = 135
CB = 33
NBUF = 3
CHT = CA + CB
EP = NS * CHT * C
HP = 10016
NEG = -1.0e9


def _sc_edge_body(idx_hbm, g_hbm, zeros_hbm, out_hbm,
                  idx_r, rows0, rows1, rows2,
                  agg_sh, sem0, sem1, sem2):
    rows = (rows0, rows1, rows2)
    sems = (sem0, sem1, sem2)
    cid = lax.axis_index("c")
    sid = lax.axis_index("s")
    off = sid * CHT + cid * CA
    n_groups = jnp.where(cid == 0, CA // NBUF - 1, CB // NBUF - 1)

    @pl.when(sid == 0)
    def _init():
        pltpu.sync_copy(zeros_hbm, agg_sh)

    plsc.subcore_barrier()

    for b in range(NBUF):
        pltpu.sync_copy(idx_hbm.at[off + b], idx_r.at[b])
        pltpu.async_copy(g_hbm.at[idx_r.at[b, 0]], rows[b], sems[b])

    def group(gi, carry):
        for b in range(NBUF):
            j = gi * NBUF + b
            pltpu.make_async_copy(g_hbm.at[idx_r.at[b, 0]], rows[b], sems[b]).wait()
            pltpu.sync_copy(rows[b], agg_sh.at[idx_r.at[b, 1]], add=True)
            pltpu.sync_copy(idx_hbm.at[off + j + NBUF], idx_r.at[b])
            pltpu.async_copy(g_hbm.at[idx_r.at[b, 0]], rows[b], sems[b])
        return carry

    lax.fori_loop(0, n_groups, group, 0)
    for b in range(NBUF):
        pltpu.make_async_copy(g_hbm.at[idx_r.at[b, 0]], rows[b], sems[b]).wait()
        pltpu.sync_copy(rows[b], agg_sh.at[idx_r.at[b, 1]], add=True)

    plsc.subcore_barrier()

    @pl.when(sid == 0)
    def _writeback():
        pltpu.sync_copy(agg_sh, out_hbm.at[cid])


_sc_edge = pl.kernel(
    _sc_edge_body,
    out_type=jax.ShapeDtypeStruct((NC, HP, D), jnp.float32),
    mesh=plsc.VectorSubcoreMesh(core_axis_name="c", subcore_axis_name="s"),
    scratch_types=(
        [pltpu.VMEM((NBUF, 2, C), jnp.int32)]
        + [pltpu.VMEM((C, D), jnp.float32) for _ in range(NBUF)]
        + [pltpu.VMEM_SHARED((HP, D), jnp.float32)]
        + [pltpu.SemaphoreType.DMA for _ in range(NBUF)]
    ),
)


def _embed_body(x0_ref, ae_ref, out_ref):
    ids = lax.broadcasted_iota(jnp.int32, (1, 128), 1)
    oh = (x0_ref[...] == ids).astype(jnp.float32)
    h = jnp.dot(oh, ae_ref[...], preferred_element_type=jnp.float32,
                precision=lax.Precision.HIGHEST)
    rid = lax.broadcasted_iota(jnp.int32, (HP, 1), 0)
    out_ref[...] = jnp.where(rid < N, h, NEG)


_embed = pl.pallas_call(
    _embed_body,
    out_shape=jax.ShapeDtypeStruct((HP, D), jnp.float32),
)


def _makeg_body(h_ref, bond_ref, out_ref):
    b = pl.program_id(0)
    row = bond_ref[pl.ds(b, 1), :]
    out_ref[...] = jnp.maximum(h_ref[...] + row, 0.0)


_makeg = pl.pallas_call(
    _makeg_body,
    grid=(8,),
    in_specs=[
        pl.BlockSpec((HP, D), lambda b: (0, 0)),
        pl.BlockSpec((8, D), lambda b: (0, 0)),
    ],
    out_specs=pl.BlockSpec((HP, D), lambda b: (b, 0)),
    out_shape=jax.ShapeDtypeStruct((8 * HP, D), jnp.float32),
)


def _mlp_bn(h_ref, agg_ref, w1_ref, b1_ref, w2_ref, b2_ref,
            eps_ref, gam_ref, bet_ref):
    h = h_ref[:N, :]
    z = (1.0 + eps_ref[0, 0]) * h + agg_ref[0, :N, :] + agg_ref[1, :N, :]
    z = jnp.dot(z, w1_ref[...], preferred_element_type=jnp.float32) + b1_ref[...]
    z = jnp.maximum(z, 0.0)
    z = jnp.dot(z, w2_ref[...], preferred_element_type=jnp.float32) + b2_ref[...]
    mu = jnp.mean(z, axis=0, keepdims=True)
    zc = z - mu
    var = jnp.mean(zc * zc, axis=0, keepdims=True)
    return gam_ref[...] * zc * lax.rsqrt(var + 1e-5) + bet_ref[...]


def _dense_mid_body(h_ref, agg_ref, w1_ref, b1_ref, w2_ref, b2_ref,
                    eps_ref, gam_ref, bet_ref, out_ref):
    zn = _mlp_bn(h_ref, agg_ref, w1_ref, b1_ref, w2_ref, b2_ref,
                 eps_ref, gam_ref, bet_ref)
    out_ref[:N, :] = jnp.maximum(zn, 0.0)
    out_ref[N:, :] = jnp.full((HP - N, D), NEG, jnp.float32)


_dense_mid = pl.pallas_call(
    _dense_mid_body,
    out_shape=jax.ShapeDtypeStruct((HP, D), jnp.float32),
)


def _dense_pool_body(h_ref, agg_ref, w1_ref, b1_ref, w2_ref, b2_ref,
                     eps_ref, gam_ref, bet_ref, b_ref, out_ref):
    zn = _mlp_bn(h_ref, agg_ref, w1_ref, b1_ref, w2_ref, b2_ref,
                 eps_ref, gam_ref, bet_ref)
    ids = lax.broadcasted_iota(jnp.int32, (1, B), 1)
    P = (b_ref[:N, :] == ids).astype(jnp.float32)
    sums = lax.dot_general(P, zn, (((0,), (0,)), ((), ())),
                           preferred_element_type=jnp.float32,
                           precision=lax.Precision.HIGHEST)
    counts = jnp.sum(P, axis=0)[:, None]
    out_ref[...] = sums / jnp.maximum(counts, 1.0)


_dense_pool = pl.pallas_call(
    _dense_pool_body,
    out_shape=jax.ShapeDtypeStruct((B, D), jnp.float32),
)


def kernel(x, edge_index, edge_attr, batch, atom_embed, bond_embed,
           W1, b1, W2, b2, eps, gamma, beta):
    f32 = jnp.float32
    x0 = jnp.pad(x[:, 0].astype(jnp.int32)[:, None], ((0, HP - N), (0, 0)),
                 constant_values=127)
    src = edge_index[0].astype(jnp.int32)
    dst = edge_index[1].astype(jnp.int32)
    attr = edge_attr[:, 0].astype(jnp.int32)
    cidx = jnp.pad(attr * HP + src, (0, EP - E),
                   constant_values=N).reshape(NS * CHT, C)
    pad_dst = N + (jnp.arange(EP - E, dtype=jnp.int32) % (HP - N))
    dstp = jnp.concatenate([dst, pad_dst]).reshape(NS * CHT, C)
    idx2 = jnp.stack([cidx, dstp], axis=1)
    ae_pad = jnp.pad(atom_embed.astype(f32), ((0, 128 - 119), (0, 0)))
    bond = bond_embed.astype(f32)
    zeros = jnp.zeros((HP, D), f32)
    batch_p = jnp.pad(batch.astype(jnp.int32)[:, None], ((0, HP - N), (0, 0)),
                      constant_values=B)

    h = _embed(x0, ae_pad)
    out = None
    for l in range(L):
        g = _makeg(h, bond)
        agg2 = _sc_edge(idx2, g, zeros)
        args = (h, agg2, W1[l], b1[l][None, :], W2[l], b2[l][None, :],
                eps[l].reshape(1, 1), gamma[l][None, :], beta[l][None, :])
        if l == L - 1:
            out = _dense_pool(*args, batch_p)
        else:
            h = _dense_mid(*args)
    return out

# --- scband reference (transcript-rebuilt; emitter-appended) ---
"""Pipeline reference for scband-drug-2d-encoder-17205638988649 (READ-ONLY COPY).

The authoritative reference and input builder live on the scoring server;
editing this copy changes nothing except your own understanding.
"""

import jax, jax.numpy as jnp
import numpy as np

N, E, D, L, B = 10000, 320000, 128, 3, 400


def setup_inputs(seed: int = 0) -> dict:
    key = jax.random.key(seed)
    k = lambda i: jax.random.fold_in(key, i)
    x = jax.random.randint(k(0), (N, 9), 0, 119)
    edge_index = jax.random.randint(k(1), (2, E), 0, N)
    edge_attr = jax.random.randint(k(2), (E, 3), 0, 8)
    batch = jnp.sort(jax.random.randint(k(3), (N,), 0, B))
    atom_embed = jax.random.normal(k(4), (119, D), jnp.float32) * 0.1
    bond_embed = jax.random.normal(k(5), (8, D), jnp.float32) * 0.1
    W1 = jax.random.normal(k(6), (L, D, 2 * D), jnp.float32) * 0.05
    b1 = jnp.zeros((L, 2 * D), jnp.float32)
    W2 = jax.random.normal(k(7), (L, 2 * D, D), jnp.float32) * 0.05
    b2 = jnp.zeros((L, D), jnp.float32)
    eps = jnp.zeros((L,), jnp.float32)
    gamma = jnp.ones((L, D), jnp.float32)
    beta = jnp.zeros((L, D), jnp.float32)
    return {"x": x, "edge_index": edge_index, "edge_attr": edge_attr, "batch": batch,
            "atom_embed": atom_embed, "bond_embed": bond_embed, "W1": W1, "b1": b1,
            "W2": W2, "b2": b2, "eps": eps, "gamma": gamma, "beta": beta}


def reference(x, edge_index, edge_attr, batch, atom_embed, bond_embed, W1, b1, W2, b2, eps, gamma, beta):
    n = x.shape[0]
    n_layers = W1.shape[0]
    # atom / bond integer-feature embeddings (column 0 only, as in the torch code)
    h = atom_embed[x[:, 0]]
    ea = bond_embed[edge_attr[:, 0]]
    src, dst = edge_index[0], edge_index[1]
    for l in range(n_layers):
        # GIN(E) conv: message = relu(h_src + edge_attr); scatter-add to dst
        msg = jax.nn.relu(h[src] + ea)
        agg = jax.ops.segment_sum(msg, dst, num_segments=n)
        z = (1.0 + eps[l]) * h + agg
        # 2-layer MLP
        z = jax.nn.relu(z @ W1[l] + b1[l]) @ W2[l] + b2[l]
        # BatchNorm1d (training-style batch statistics, biased variance)
        mean = z.mean(axis=0)
        var = z.var(axis=0)
        z = gamma[l] * (z - mean) / jnp.sqrt(var + 1e-5) + beta[l]
        # dropout is identity in eval; relu on all but last layer
        if l < n_layers - 1:
            z = jax.nn.relu(z)
        h = z
    # global_mean_pool over graph ids
    sums = jax.ops.segment_sum(h, batch, num_segments=B)
    counts = jax.ops.segment_sum(jnp.ones((n,), h.dtype), batch, num_segments=B)
    return sums / jnp.maximum(counts, 1.0)[:, None]

if __name__ == "__main__":
    import jax
    _d = setup_inputs()
    print(jax.jit(kernel)(*tuple(_d.values())))

</pallas_src>

<mosaic_0001>
#map = affine_map<(d0, d1) -> (0, 0, 0)>
#map1 = affine_map<(d0, d1) -> (0, 0)>
module attributes {stable_mosaic.version = 14 : i64} {
  func.func @_sc_edge_body(%arg0: i32, %arg1: i32, %arg2: memref<2688x2x120xi32, #tpu.memory_space<hbm>>, %arg3: memref<80128x128xf32, #tpu.memory_space<hbm>>, %arg4: memref<10016x128xf32, #tpu.memory_space<hbm>>, %arg5: memref<2x10016x128xf32, #tpu.memory_space<hbm>>, %arg6: memref<3x2x120xi32, #tpu.memory_space<vmem>>, %arg7: memref<120x128xf32, #tpu.memory_space<vmem>>, %arg8: memref<120x128xf32, #tpu.memory_space<vmem>>, %arg9: memref<120x128xf32, #tpu.memory_space<vmem>>, %arg10: memref<10016x128xf32, #tpu.memory_space<vmem_shared>>, %arg11: memref<!tpu.dma_semaphore, #tpu.memory_space<semaphore_mem>>, %arg12: memref<!tpu.dma_semaphore, #tpu.memory_space<semaphore_mem>>, %arg13: memref<!tpu.dma_semaphore, #tpu.memory_space<semaphore_mem>>) attributes {dimension_semantics = [#tpu.dimension_semantics<core_parallel>, #tpu.dimension_semantics<subcore_parallel>], iteration_bounds = array<i64: 2, 16>, scalar_prefetch = 0 : i64, scratch_operands = 8 : i64, tpu.core_type = #tpu.core_type<sc_vector_subcore>, window_params = [{transform_indices = #map}, {transform_indices = #map1}, {transform_indices = #map1}, {transform_indices = #map}]} {
    %mul3A = arith.constant 168 : i32
    %mul3A_0 = arith.muli %arg1, %mul3A : i32
    %mul3A_1 = arith.constant 135 : i32
    %mul3A_2 = arith.muli %arg0, %mul3A_1 : i32
    %add3A = arith.addi %mul3A_0, %mul3A_2 : i32
    %eq3A = arith.constant 0 : i32
    %eq3A_3 = arith.cmpi eq, %arg0, %eq3A : i32
    %jit3A = arith.constant 44 : i32
    %jit3A_4 = arith.constant 10 : i32
    %select_n3A = arith.select %eq3A_3, %jit3A, %jit3A_4 : i32
    %eq3A_5 = arith.constant 0 : i32
    %eq3A_6 = arith.cmpi eq, %arg1, %eq3A_5 : i32
    %convert_element_type3A = arith.extui %eq3A_6 : i1 to i32
    %cond3A = arith.constant 0 : i32
    %cond3A_7 = arith.cmpi ne, %convert_element_type3A, %cond3A : i32
    scf.if %cond3A_7 {
      "tpu.region"() ({
        %run_scoped3A_83 = tpu.sem_alloc : memref<!tpu.dma_semaphore, #tpu.memory_space<semaphore_mem>>
        tpu.enqueue_dma source(%arg4 : memref<10016x128xf32, #tpu.memory_space<hbm>>) target(%arg10 : memref<10016x128xf32, #tpu.memory_space<vmem_shared>>) target_semaphore(%run_scoped3A_83 : memref<!tpu.dma_semaphore, #tpu.memory_space<semaphore_mem>>)
        tpu.wait_dma2 semaphore(%run_scoped3A_83 : memref<!tpu.dma_semaphore, #tpu.memory_space<semaphore_mem>>) src(%arg4 : memref<10016x128xf32, #tpu.memory_space<hbm>>) dst(%arg10 : memref<10016x128xf32, #tpu.memory_space<vmem_shared>>)
        tpu.yield
      }) : () -> ()
    } else {
    }
    %barrier3A = arith.constant 0 : index
    tpu.barrier barrier_id(%barrier3A)
    %add3A_8 = arith.constant 0 : i32
    %add3A_9 = arith.addi %add3A, %add3A_8 : i32
    %run_scoped3A = arith.constant 0 : i32
    "tpu.region"() ({
      %run_scoped3A_83 = tpu.sem_alloc : memref<!tpu.dma_semaphore, #tpu.memory_space<semaphore_mem>>
      %dma_start3A_84 = arith.constant 0 : i32
      %dma_start3A_85 = arith.constant 0 : i32
      %dma_start3A_86 = tpu.memref_slice %arg6[%run_scoped3A, %dma_start3A_84, %dma_start3A_85] : memref<3x2x120xi32, #tpu.memory_space<vmem>> -> memref<1x2x120xi32, #tpu.memory_space<vmem>>
      %dma_start3A_87 = tpu.memref_squeeze %dma_start3A_86 : memref<1x2x120xi32, #tpu.memory_space<vmem>> -> memref<2x120xi32, #tpu.memory_space<vmem>>
      %dma_start3A_88 = arith.constant 0 : i32
      %dma_start3A_89 = arith.constant 0 : i32
      %dma_start3A_90 = tpu.memref_slice %arg2[%add3A_9, %dma_start3A_88, %dma_start3A_89] : memref<2688x2x120xi32, #tpu.memory_space<hbm>> -> memref<1x2x120xi32, #tpu.memory_space<hbm>>
      %dma_start3A_91 = tpu.memref_squeeze %dma_start3A_90 : memref<1x2x120xi32, #tpu.memory_space<hbm>> -> memref<2x120xi32, #tpu.memory_space<hbm>>
      %dma_start3A_92 = arith.constant 0 : i32
      %dma_start3A_93 = arith.constant 0 : i32
      %dma_start3A_94 = tpu.memref_slice %arg6[%run_scoped3A, %dma_start3A_92, %dma_start3A_93] : memref<3x2x120xi32, #tpu.memory_space<vmem>> -> memref<1x2x120xi32, #tpu.memory_space<vmem>>
      %dma_start3A_95 = tpu.memref_squeeze %dma_start3A_94 : memref<1x2x120xi32, #tpu.memory_space<vmem>> -> memref<2x120xi32, #tpu.memory_space<vmem>>
      %dma_start3A_96 = arith.constant 0 : i32
      %dma_start3A_97 = arith.constant 0 : i32
      %dma_start3A_98 = tpu.memref_slice %arg2[%add3A_9, %dma_start3A_96, %dma_start3A_97] : memref<2688x2x120xi32, #tpu.memory_space<hbm>> -> memref<1x2x120xi32, #tpu.memory_space<hbm>>
      %dma_start3A_99 = tpu.memref_squeeze %dma_start3A_98 : memref<1x2x120xi32, #tpu.memory_space<hbm>> -> memref<2x120xi32, #tpu.memory_space<hbm>>
      tpu.enqueue_dma source(%dma_start3A_99 : memref<2x120xi32, #tpu.memory_space<hbm>>) target(%dma_start3A_95 : memref<2x120xi32, #tpu.memory_space<vmem>>) target_semaphore(%run_scoped3A_83 : memref<!tpu.dma_semaphore, #tpu.memory_space<semaphore_mem>>)
      %dma_wait3A_100 = arith.constant 0 : i32
      %dma_wait3A_101 = arith.constant 0 : i32
      %dma_wait3A_102 = tpu.memref_slice %arg6[%run_scoped3A, %dma_wait3A_100, %dma_wait3A_101] : memref<3x2x120xi32, #tpu.memory_space<vmem>> -> memref<1x2x120xi32, #tpu.memory_space<vmem>>
      %dma_wait3A_103 = tpu.memref_squeeze %dma_wait3A_102 : memref<1x2x120xi32, #tpu.memory_space<vmem>> -> memref<2x120xi32, #tpu.memory_space<vmem>>
      %dma_wait3A_104 = arith.constant 0 : i32
      %dma_wait3A_105 = arith.constant 0 : i32
      %dma_wait3A_106 = tpu.memref_slice %arg2[%add3A_9, %dma_wait3A_104, %dma_wait3A_105] : memref<2688x2x120xi32, #tpu.memory_space<hbm>> -> memref<1x2x120xi32, #tpu.memory_space<hbm>>
      %dma_wait3A_107 = tpu.memref_squeeze %dma_wait3A_106 : memref<1x2x120xi32, #tpu.memory_space<hbm>> -> memref<2x120xi32, #tpu.memory_space<hbm>>
      %dma_wait3A_108 = arith.constant 0 : i32
      %dma_wait3A_109 = arith.constant 0 : i32
      %dma_wait3A_110 = tpu.memref_slice %arg6[%run_scoped3A, %dma_wait3A_108, %dma_wait3A_109] : memref<3x2x120xi32, #tpu.memory_space<vmem>> -> memref<1x2x120xi32, #tpu.memory_space<vmem>>
      %dma_wait3A_111 = tpu.memref_squeeze %dma_wait3A_110 : memref<1x2x120xi32, #tpu.memory_space<vmem>> -> memref<2x120xi32, #tpu.memory_space<vmem>>
      %dma_wait3A_112 = arith.constant 0 : i32
      %dma_wait3A_113 = arith.constant 0 : i32
      %dma_wait3A_114 = tpu.memref_slice %arg2[%add3A_9, %dma_wait3A_112, %dma_wait3A_113] : memref<2688x2x120xi32, #tpu.memory_space<hbm>> -> memref<1x2x120xi32, #tpu.memory_space<hbm>>
      %dma_wait3A_115 = tpu.memref_squeeze %dma_wait3A_114 : memref<1x2x120xi32, #tpu.memory_space<hbm>> -> memref<2x120xi32, #tpu.memory_space<hbm>>
      tpu.wait_dma2 semaphore(%run_scoped3A_83 : memref<!tpu.dma_semaphore, #tpu.memory_space<semaphore_mem>>) src(%dma_wait3A_115 : memref<2x120xi32, #tpu.memory_space<hbm>>) dst(%dma_wait3A_111 : memref<2x120xi32, #tpu.memory_space<vmem>>)
      tpu.yield
    }) : () -> ()
    %dma_start3A = arith.constant 0 : i32
    %dma_start3A_10 = arith.constant 0 : i32
    %dma_start3A_11 = arith.constant 0 : i32
    %dma_start3A_12 = tpu.memref_slice %arg6[%dma_start3A, %dma_start3A_10, %dma_start3A_11] : memref<3x2x120xi32, #tpu.memory_space<vmem>> -> memref<1x1x120xi32, #tpu.memory_space<vmem>>
    %dma_start3A_13 = tpu.memref_squeeze %dma_start3A_12 : memref<1x1x120xi32, #tpu.memory_space<vmem>> -> memref<120xi32, #tpu.memory_space<vmem>>
    %dma_start3A_14 = arith.constant 0 : i32
    %dma_start3A_15 = arith.constant 0 : i32
    %dma_start3A_16 = tpu.memref_slice %arg3[%dma_start3A_14, %dma_start3A_15] : memref<80128x128xf32, #tpu.memory_space<hbm>> -> memref<80128x128xf32, #tpu.memory_space<hbm>>
    tpu.enqueue_indirect_dma source(%dma_start3A_16 : memref<80128x128xf32, #tpu.memory_space<hbm>>) target(%arg7 : memref<120x128xf32, #tpu.memory_space<vmem>>) offsets(%dma_start3A_13 : memref<120xi32, #tpu.memory_space<vmem>>) semaphore(%arg11 : memref<!tpu.dma_semaphore, #tpu.memory_space<semaphore_mem>>)
    %add3A_17 = arith.constant 1 : i32
    %add3A_18 = arith.addi %add3A, %add3A_17 : i32
    %run_scoped3A_19 = arith.constant 1 : i32
    "tpu.region"() ({
      %run_scoped3A_83 = tpu.sem_alloc : memref<!tpu.dma_semaphore, #tpu.memory_space<semaphore_mem>>
      %dma_start3A_84 = arith.constant 0 : i32
      %dma_start3A_85 = arith.constant 0 : i32
      %dma_start3A_86 = tpu.memref_slice %arg6[%run_scoped3A_19, %dma_start3A_84, %dma_start3A_85] : memref<3x2x120xi32, #tpu.memory_space<vmem>> -> memref<1x2x120xi32, #tpu.memory_space<vmem>>
      %dma_start3A_87 = tpu.memref_squeeze %dma_start3A_86 : memref<1x2x120xi32, #tpu.memory_space<vmem>> -> memref<2x120xi32, #tpu.memory_space<vmem>>
      %dma_start3A_88 = arith.constant 0 : i32
      %dma_start3A_89 = arith.constant 0 : i32
      %dma_start3A_90 = tpu.memref_slice %arg2[%add3A_18, %dma_start3A_88, %dma_start3A_89] : memref<2688x2x120xi32, #tpu.memory_space<hbm>> -> memref<1x2x120xi32, #tpu.memory_space<hbm>>
      %dma_start3A_91 = tpu.memref_squeeze %dma_start3A_90 : memref<1x2x120xi32, #tpu.memory_space<hbm>> -> memref<2x120xi32, #tpu.memory_space<hbm>>
      %dma_start3A_92 = arith.constant 0 : i32
      %dma_start3A_93 = arith.constant 0 : i32
      %dma_start3A_94 = tpu.memref_slice %arg6[%run_scoped3A_19, %dma_start3A_92, %dma_start3A_93] : memref<3x2x120xi32, #tpu.memory_space<vmem>> -> memref<1x2x120xi32, #tpu.memory_space<vmem>>
      %dma_start3A_95 = tpu.memref_squeeze %dma_start3A_94 : memref<1x2x120xi32, #tpu.memory_space<vmem>> -> memref<2x120xi32, #tpu.memory_space<vmem>>
      %dma_start3A_96 = arith.constant 0 : i32
      %dma_start3A_97 = arith.constant 0 : i32
      %dma_start3A_98 = tpu.memref_slice %arg2[%add3A_18, %dma_start3A_96, %dma_start3A_97] : memref<2688x2x120xi32, #tpu.memory_space<hbm>> -> memref<1x2x120xi32, #tpu.memory_space<hbm>>
      %dma_start3A_99 = tpu.memref_squeeze %dma_start3A_98 : memref<1x2x120xi32, #tpu.memory_space<hbm>> -> memref<2x120xi32, #tpu.memory_space<hbm>>
      tpu.enqueue_dma source(%dma_start3A_99 : memref<2x120xi32, #tpu.memory_space<hbm>>) target(%dma_start3A_95 : memref<2x120xi32, #tpu.memory_space<vmem>>) target_semaphore(%run_scoped3A_83 : memref<!tpu.dma_semaphore, #tpu.memory_space<semaphore_mem>>)
      %dma_wait3A_100 = arith.constant 0 : i32
      %dma_wait3A_101 = arith.constant 0 : i32
      %dma_wait3A_102 = tpu.memref_slice %arg6[%run_scoped3A_19, %dma_wait3A_100, %dma_wait3A_101] : memref<3x2x120xi32, #tpu.memory_space<vmem>> -> memref<1x2x120xi32, #tpu.memory_space<vmem>>
      %dma_wait3A_103 = tpu.memref_squeeze %dma_wait3A_102 : memref<1x2x120xi32, #tpu.memory_space<vmem>> -> memref<2x120xi32, #tpu.memory_space<vmem>>
      %dma_wait3A_104 = arith.constant 0 : i32
      %dma_wait3A_105 = arith.constant 0 : i32
      %dma_wait3A_106 = tpu.memref_slice %arg2[%add3A_18, %dma_wait3A_104, %dma_wait3A_105] : memref<2688x2x120xi32, #tpu.memory_space<hbm>> -> memref<1x2x120xi32, #tpu.memory_space<hbm>>
      %dma_wait3A_107 = tpu.memref_squeeze %dma_wait3A_106 : memref<1x2x120xi32, #tpu.memory_space<hbm>> -> memref<2x120xi32, #tpu.memory_space<hbm>>
      %dma_wait3A_108 = arith.constant 0 : i32
      %dma_wait3A_109 = arith.constant 0 : i32
      %dma_wait3A_110 = tpu.memref_slice %arg6[%run_scoped3A_19, %dma_wait3A_108, %dma_wait3A_109] : memref<3x2x120xi32, #tpu.memory_space<vmem>> -> memref<1x2x120xi32, #tpu.memory_space<vmem>>
      %dma_wait3A_111 = tpu.memref_squeeze %dma_wait3A_110 : memref<1x2x120xi32, #tpu.memory_space<vmem>> -> memref<2x120xi32, #tpu.memory_space<vmem>>
      %dma_wait3A_112 = arith.constant 0 : i32
      %dma_wait3A_113 = arith.constant 0 : i32
      %dma_wait3A_114 = tpu.memref_slice %arg2[%add3A_18, %dma_wait3A_112, %dma_wait3A_113] : memref<2688x2x120xi32, #tpu.memory_space<hbm>> -> memref<1x2x120xi32, #tpu.memory_space<hbm>>
      %dma_wait3A_115 = tpu.memref_squeeze %dma_wait3A_114 : memref<1x2x120xi32, #tpu.memory_space<hbm>> -> memref<2x120xi32, #tpu.memory_space<hbm>>
      tpu.wait_dma2 semaphore(%run_scoped3A_83 : memref<!tpu.dma_semaphore, #tpu.memory_space<semaphore_mem>>) src(%dma_wait3A_115 : memref<2x120xi32, #tpu.memory_space<hbm>>) dst(%dma_wait3A_111 : memref<2x120xi32, #tpu.memory_space<vmem>>)
      tpu.yield
    }) : () -> ()
    %dma_start3A_20 = arith.constant 1 : i32
    %dma_start3A_21 = arith.constant 0 : i32
    %dma_start3A_22 = arith.constant 0 : i32
    %dma_start3A_23 = tpu.memref_slice %arg6[%dma_start3A_20, %dma_start3A_21, %dma_start3A_22] : memref<3x2x120xi32, #tpu.memory_space<vmem>> -> memref<1x1x120xi32, #tpu.memory_space<vmem>>
    %dma_start3A_24 = tpu.memref_squeeze %dma_start3A_23 : memref<1x1x120xi32, #tpu.memory_space<vmem>> -> memref<120xi32, #tpu.memory_space<vmem>>
    %dma_start3A_25 = arith.constant 0 : i32
    %dma_start3A_26 = arith.constant 0 : i32
    %dma_start3A_27 = tpu.memref_slice %arg3[%dma_start3A_25, %dma_start3A_26] : memref<80128x128xf32, #tpu.memory_space<hbm>> -> memref<80128x128xf32, #tpu.memory_space<hbm>>
    tpu.enqueue_indirect_dma source(%dma_start3A_27 : memref<80128x128xf32, #tpu.memory_space<hbm>>) target(%arg8 : memref<120x128xf32, #tpu.memory_space<vmem>>) offsets(%dma_start3A_24 : memref<120xi32, #tpu.memory_space<vmem>>) semaphore(%arg12 : memref<!tpu.dma_semaphore, #tpu.memory_space<semaphore_mem>>)
    %add3A_28 = arith.constant 2 : i32
    %add3A_29 = arith.addi %add3A, %add3A_28 : i32
    %run_scoped3A_30 = arith.constant 2 : i32
    "tpu.region"() ({
      %run_scoped3A_83 = tpu.sem_alloc : memref<!tpu.dma_semaphore, #tpu.memory_space<semaphore_mem>>
      %dma_start3A_84 = arith.constant 0 : i32
      %dma_start3A_85 = arith.constant 0 : i32
      %dma_start3A_86 = tpu.memref_slice %arg6[%run_scoped3A_30, %dma_start3A_84, %dma_start3A_85] : memref<3x2x120xi32, #tpu.memory_space<vmem>> -> memref<1x2x120xi32, #tpu.memory_space<vmem>>
      %dma_start3A_87 = tpu.memref_squeeze %dma_start3A_86 : memref<1x2x120xi32, #tpu.memory_space<vmem>> -> memref<2x120xi32, #tpu.memory_space<vmem>>
      %dma_start3A_88 = arith.constant 0 : i32
      %dma_start3A_89 = arith.constant 0 : i32
      %dma_start3A_90 = tpu.memref_slice %arg2[%add3A_29, %dma_start3A_88, %dma_start3A_89] : memref<2688x2x120xi32, #tpu.memory_space<hbm>> -> memref<1x2x120xi32, #tpu.memory_space<hbm>>
      %dma_start3A_91 = tpu.memref_squeeze %dma_start3A_90 : memref<1x2x120xi32, #tpu.memory_space<hbm>> -> memref<2x120xi32, #tpu.memory_space<hbm>>
      %dma_start3A_92 = arith.constant 0 : i32
      %dma_start3A_93 = arith.constant 0 : i32
      %dma_start3A_94 = tpu.memref_slice %arg6[%run_scoped3A_30, %dma_start3A_92, %dma_start3A_93] : memref<3x2x120xi32, #tpu.memory_space<vmem>> -> memref<1x2x120xi32, #tpu.memory_space<vmem>>
      %dma_start3A_95 = tpu.memref_squeeze %dma_start3A_94 : memref<1x2x120xi32, #tpu.memory_space<vmem>> -> memref<2x120xi32, #tpu.memory_space<vmem>>
      %dma_start3A_96 = arith.constant 0 : i32
      %dma_start3A_97 = arith.constant 0 : i32
      %dma_start3A_98 = tpu.memref_slice %arg2[%add3A_29, %dma_start3A_96, %dma_start3A_97] : memref<2688x2x120xi32, #tpu.memory_space<hbm>> -> memref<1x2x120xi32, #tpu.memory_space<hbm>>
      %dma_start3A_99 = tpu.memref_squeeze %dma_start3A_98 : memref<1x2x120xi32, #tpu.memory_space<hbm>> -> memref<2x120xi32, #tpu.memory_space<hbm>>
      tpu.enqueue_dma source(%dma_start3A_99 : memref<2x120xi32, #tpu.memory_space<hbm>>) target(%dma_start3A_95 : memref<2x120xi32, #tpu.memory_space<vmem>>) target_semaphore(%run_scoped3A_83 : memref<!tpu.dma_semaphore, #tpu.memory_space<semaphore_mem>>)
      %dma_wait3A_100 = arith.constant 0 : i32
      %dma_wait3A_101 = arith.constant 0 : i32
      %dma_wait3A_102 = tpu.memref_slice %arg6[%run_scoped3A_30, %dma_wait3A_100, %dma_wait3A_101] : memref<3x2x120xi32, #tpu.memory_space<vmem>> -> memref<1x2x120xi32, #tpu.memory_space<vmem>>
      %dma_wait3A_103 = tpu.memref_squeeze %dma_wait3A_102 : memref<1x2x120xi32, #tpu.memory_space<vmem>> -> memref<2x120xi32, #tpu.memory_space<vmem>>
      %dma_wait3A_104 = arith.constant 0 : i32
      %dma_wait3A_105 = arith.constant 0 : i32
      %dma_wait3A_106 = tpu.memref_slice %arg2[%add3A_29, %dma_wait3A_104, %dma_wait3A_105] : memref<2688x2x120xi32, #tpu.memory_space<hbm>> -> memref<1x2x120xi32, #tpu.memory_space<hbm>>
      %dma_wait3A_107 = tpu.memref_squeeze %dma_wait3A_106 : memref<1x2x120xi32, #tpu.memory_space<hbm>> -> memref<2x120xi32, #tpu.memory_space<hbm>>
      %dma_wait3A_108 = arith.constant 0 : i32
      %dma_wait3A_109 = arith.constant 0 : i32
      %dma_wait3A_110 = tpu.memref_slice %arg6[%run_scoped3A_30, %dma_wait3A_108, %dma_wait3A_109] : memref<3x2x120xi32, #tpu.memory_space<vmem>> -> memref<1x2x120xi32, #tpu.memory_space<vmem>>
      %dma_wait3A_111 = tpu.memref_squeeze %dma_wait3A_110 : memref<1x2x120xi32, #tpu.memory_space<vmem>> -> memref<2x120xi32, #tpu.memory_space<vmem>>
      %dma_wait3A_112 = arith.constant 0 : i32
      %dma_wait3A_113 = arith.constant 0 : i32
      %dma_wait3A_114 = tpu.memref_slice %arg2[%add3A_29, %dma_wait3A_112, %dma_wait3A_113] : memref<2688x2x120xi32, #tpu.memory_space<hbm>> -> memref<1x2x120xi32, #tpu.memory_space<hbm>>
      %dma_wait3A_115 = tpu.memref_squeeze %dma_wait3A_114 : memref<1x2x120xi32, #tpu.memory_space<hbm>> -> memref<2x120xi32, #tpu.memory_space<hbm>>
      tpu.wait_dma2 semaphore(%run_scoped3A_83 : memref<!tpu.dma_semaphore, #tpu.memory_space<semaphore_mem>>) src(%dma_wait3A_115 : memref<2x120xi32, #tpu.memory_space<hbm>>) dst(%dma_wait3A_111 : memref<2x120xi32, #tpu.memory_space<vmem>>)
      tpu.yield
    }) : () -> ()
    %dma_start3A_31 = arith.constant 2 : i32
    %dma_start3A_32 = arith.constant 0 : i32
    %dma_start3A_33 = arith.constant 0 : i32
    %dma_start3A_34 = tpu.memref_slice %arg6[%dma_start3A_31, %dma_start3A_32, %dma_start3A_33] : memref<3x2x120xi32, #tpu.memory_space<vmem>> -> memref<1x1x120xi32, #tpu.memory_space<vmem>>
    %dma_start3A_35 = tpu.memref_squeeze %dma_start3A_34 : memref<1x1x120xi32, #tpu.memory_space<vmem>> -> memref<120xi32, #tpu.memory_space<vmem>>
    %dma_start3A_36 = arith.constant 0 : i32
    %dma_start3A_37 = arith.constant 0 : i32
    %dma_start3A_38 = tpu.memref_slice %arg3[%dma_start3A_36, %dma_start3A_37] : memref<80128x128xf32, #tpu.memory_space<hbm>> -> memref<80128x128xf32, #tpu.memory_space<hbm>>
    tpu.enqueue_indirect_dma source(%dma_start3A_38 : memref<80128x128xf32, #tpu.memory_space<hbm>>) target(%arg9 : memref<120x128xf32, #tpu.memory_space<vmem>>) offsets(%dma_start3A_35 : memref<120xi32, #tpu.memory_space<vmem>>) semaphore(%arg13 : memref<!tpu.dma_semaphore, #tpu.memory_space<semaphore_mem>>)
    %while3A = arith.constant 0 : i32
    %while3A_39 = arith.constant 0 : i32
    %while3A_40 = arith.subi %select_n3A, %while3A_39 : i32
    %while3A_41 = arith.addi %while3A_39, %while3A_40 : i32
    %while3A_42 = arith.constant 1 : i32
    %while3A_43 = arith.divsi %while3A_40, %while3A_42 : i32
    %while3A_44 = arith.muli %while3A_43, %while3A_42 : i32
    %while3A_45 = arith.addi %while3A_39, %while3A_44 : i32
    %while3A_46 = arith.constant 1 : i32
    scf.for %while3A_83 = %while3A_39 to %while3A_45 step %while3A_46  : i32 {
      %mul3A_84 = arith.constant 3 : i32
      %mul3A_85 = arith.muli %while3A_83, %mul3A_84 : i32
      %add3A_86 = arith.constant 0 : i32
      %add3A_87 = arith.addi %mul3A_85, %add3A_86 : i32
      %dma_wait3A_88 = arith.constant 0 : i32
      %dma_wait3A_89 = arith.constant 0 : i32
      %dma_wait3A_90 = arith.constant 0 : i32
      %dma_wait3A_91 = tpu.memref_slice %arg6[%dma_wait3A_88, %dma_wait3A_89, %dma_wait3A_90] : memref<3x2x120xi32, #tpu.memory_space<vmem>> -> memref<1x1x120xi32, #tpu.memory_space<vmem>>
      %dma_wait3A_92 = tpu.memref_squeeze %dma_wait3A_91 : memref<1x1x120xi32, #tpu.memory_space<vmem>> -> memref<120xi32, #tpu.memory_space<vmem>>
      %dma_wait3A_93 = arith.constant 0 : i32
      %dma_wait3A_94 = arith.constant 0 : i32
      %dma_wait3A_95 = tpu.memref_slice %arg3[%dma_wait3A_93, %dma_wait3A_94] : memref<80128x128xf32, #tpu.memory_space<hbm>> -> memref<80128x128xf32, #tpu.memory_space<hbm>>
      tpu.wait_indirect_dma semaphore(%arg11 : memref<!tpu.dma_semaphore, #tpu.memory_space<semaphore_mem>>) src(%dma_wait3A_95 : memref<80128x128xf32, #tpu.memory_space<hbm>>) dst(%arg7 : memref<120x128xf32, #tpu.memory_space<vmem>>)
      %run_scoped3A_96 = arith.constant 0 : i32
      %run_scoped3A_97 = arith.constant 1 : i32
      "tpu.region"() ({
        %run_scoped3A_162 = tpu.sem_alloc : memref<!tpu.dma_semaphore, #tpu.memory_space<semaphore_mem>>
        %dma_start3A_163 = arith.constant 0 : i32
        %dma_start3A_164 = tpu.memref_slice %arg6[%run_scoped3A_96, %run_scoped3A_97, %dma_start3A_163] : memref<3x2x120xi32, #tpu.memory_space<vmem>> -> memref<1x1x120xi32, #tpu.memory_space<vmem>>
        %dma_start3A_165 = tpu.memref_squeeze %dma_start3A_164 : memref<1x1x120xi32, #tpu.memory_space<vmem>> -> memref<120xi32, #tpu.memory_space<vmem>>
        %dma_start3A_166 = arith.constant 0 : i32
        %dma_start3A_167 = arith.constant 0 : i32
        %dma_start3A_168 = tpu.memref_slice %arg10[%dma_start3A_166, %dma_start3A_167] : memref<10016x128xf32, #tpu.memory_space<vmem_shared>> -> memref<10016x128xf32, #tpu.memory_space<vmem_shared>>
        tpu.enqueue_indirect_dma source(%arg7 : memref<120x128xf32, #tpu.memory_space<vmem>>) target(%dma_start3A_168 : memref<10016x128xf32, #tpu.memory_space<vmem_shared>>) offsets(%dma_start3A_165 : memref<120xi32, #tpu.memory_space<vmem>>) semaphore(%run_scoped3A_162 : memref<!tpu.dma_semaphore, #tpu.memory_space<semaphore_mem>>) {add = true}
        %dma_wait3A_169 = arith.constant 0 : i32
        %dma_wait3A_170 = tpu.memref_slice %arg6[%run_scoped3A_96, %run_scoped3A_97, %dma_wait3A_169] : memref<3x2x120xi32, #tpu.memory_space<vmem>> -> memref<1x1x120xi32, #tpu.memory_space<vmem>>
        %dma_wait3A_171 = tpu.memref_squeeze %dma_wait3A_170 : memref<1x1x120xi32, #tpu.memory_space<vmem>> -> memref<120xi32, #tpu.memory_space<vmem>>
        %dma_wait3A_172 = arith.constant 0 : i32
        %dma_wait3A_173 = arith.constant 0 : i32
        %dma_wait3A_174 = tpu.memref_slice %arg10[%dma_wait3A_172, %dma_wait3A_173] : memref<10016x128xf32, #tpu.memory_space<vmem_shared>> -> memref<10016x128xf32, #tpu.memory_space<vmem_shared>>
        tpu.wait_indirect_dma semaphore(%run_scoped3A_162 : memref<!tpu.dma_semaphore, #tpu.memory_space<semaphore_mem>>) src(%arg7 : memref<120x128xf32, #tpu.memory_space<vmem>>) dst(%dma_wait3A_174 : memref<10016x128xf32, #tpu.memory_space<vmem_shared>>)
        tpu.yield
      }) : () -> ()
      %add3A_98 = arith.addi %add3A, %add3A_87 : i32
      %add3A_99 = arith.constant 3 : i32
      %add3A_100 = arith.addi %add3A_98, %add3A_99 : i32
      %run_scoped3A_101 = arith.constant 0 : i32
      "tpu.region"() ({
        %run_scoped3A_162 = tpu.sem_alloc : memref<!tpu.dma_semaphore, #tpu.memory_space<semaphore_mem>>
        %dma_start3A_163 = arith.constant 0 : i32
        %dma_start3A_164 = arith.constant 0 : i32
        %dma_start3A_165 = tpu.memref_slice %arg6[%run_scoped3A_101, %dma_start3A_163, %dma_start3A_164] : memref<3x2x120xi32, #tpu.memory_space<vmem>> -> memref<1x2x120xi32, #tpu.memory_space<vmem>>
        %dma_start3A_166 = tpu.memref_squeeze %dma_start3A_165 : memref<1x2x120xi32, #tpu.memory_space<vmem>> -> memref<2x120xi32, #tpu.memory_space<vmem>>
        %dma_start3A_167 = arith.constant 0 : i32
        %dma_start3A_168 = arith.constant 0 : i32
        %dma_start3A_169 = tpu.memref_slice %arg2[%add3A_100, %dma_start3A_167, %dma_start3A_168] : memref<2688x2x120xi32, #tpu.memory_space<hbm>> -> memref<1x2x120xi32, #tpu.memory_space<hbm>>
        %dma_start3A_170 = tpu.memref_squeeze %dma_start3A_169 : memref<1x2x120xi32, #tpu.memory_space<hbm>> -> memref<2x120xi32, #tpu.memory_space<hbm>>
        %dma_start3A_171 = arith.constant 0 : i32
        %dma_start3A_172 = arith.constant 0 : i32
        %dma_start3A_173 = tpu.memref_slice %arg6[%run_scoped3A_101, %dma_start3A_171, %dma_start3A_172] : memref<3x2x120xi32, #tpu.memory_space<vmem>> -> memref<1x2x120xi32, #tpu.memory_space<vmem>>
        %dma_start3A_174 = tpu.memref_squeeze %dma_start3A_173 : memref<1x2x120xi32, #tpu.memory_space<vmem>> -> memref<2x120xi32, #tpu.memory_space<vmem>>
        %dma_start3A_175 = arith.constant 0 : i32
        %dma_start3A_176 = arith.constant 0 : i32
        %dma_start3A_177 = tpu.memref_slice %arg2[%add3A_100, %dma_start3A_175, %dma_start3A_176] : memref<2688x2x120xi32, #tpu.memory_space<hbm>> -> memref<1x2x120xi32, #tpu.memory_space<hbm>>
        %dma_start3A_178 = tpu.memref_squeeze %dma_start3A_177 : memref<1x2x120xi32, #tpu.memory_space<hbm>> -> memref<2x120xi32, #tpu.memory_space<hbm>>
        tpu.enqueue_dma source(%dma_start3A_178 : memref<2x120xi32, #tpu.memory_space<hbm>>) target(%dma_start3A_174 : memref<2x120xi32, #tpu.memory_space<vmem>>) target_semaphore(%run_scoped3A_162 : memref<!tpu.dma_semaphore, #tpu.memory_space<semaphore_mem>>)
        %dma_wait3A_179 = arith.constant 0 : i32
        %dma_wait3A_180 = arith.constant 0 : i32
        %dma_wait3A_181 = tpu.memref_slice %arg6[%run_scoped3A_101, %dma_wait3A_179, %dma_wait3A_180] : memref<3x2x120xi32, #tpu.memory_space<vmem>> -> memref<1x2x120xi32, #tpu.memory_space<vmem>>
        %dma_wait3A_182 = tpu.memref_squeeze %dma_wait3A_181 : memref<1x2x120xi32, #tpu.memory_space<vmem>> -> memref<2x120xi32, #tpu.memory_space<vmem>>
        %dma_wait3A_183 = arith.constant 0 : i32
        %dma_wait3A_184 = arith.constant 0 : i32
        %dma_wait3A_185 = tpu.memref_slice %arg2[%add3A_100, %dma_wait3A_183, %dma_wait3A_184] : memref<2688x2x120xi32, #tpu.memory_space<hbm>> -> memref<1x2x120xi32, #tpu.memory_space<hbm>>
        %dma_wait3A_186 = tpu.memref_squeeze %dma_wait3A_185 : memref<1x2x120xi32, #tpu.memory_space<hbm>> -> memref<2x120xi32, #tpu.memory_space<hbm>>
        %dma_wait3A_187 = arith.constant 0 : i32
        %dma_wait3A_188 = arith.constant 0 : i32
        %dma_wait3A_189 = tpu.memref_slice %arg6[%run_scoped3A_101, %dma_wait3A_187, %dma_wait3A_188] : memref<3x2x120xi32, #tpu.memory_space<vmem>> -> memref<1x2x120xi32, #tpu.memory_space<vmem>>
        %dma_wait3A_190 = tpu.memref_squeeze %dma_wait3A_189 : memref<1x2x120xi32, #tpu.memory_space<vmem>> -> memref<2x120xi32, #tpu.memory_space<vmem>>
        %dma_wait3A_191 = arith.constant 0 : i32
        %dma_wait3A_192 = arith.constant 0 : i32
        %dma_wait3A_193 = tpu.memref_slice %arg2[%add3A_100, %dma_wait3A_191, %dma_wait3A_192] : memref<2688x2x120xi32, #tpu.memory_space<hbm>> -> memref<1x2x120xi32, #tpu.memory_space<hbm>>
        %dma_wait3A_194 = tpu.memref_squeeze %dma_wait3A_193 : memref<1x2x120xi32, #tpu.memory_space<hbm>> -> memref<2x120xi32, #tpu.memory_space<hbm>>
        tpu.wait_dma2 semaphore(%run_scoped3A_162 : memref<!tpu.dma_semaphore, #tpu.memory_space<semaphore_mem>>) src(%dma_wait3A_194 : memref<2x120xi32, #tpu.memory_space<hbm>>) dst(%dma_wait3A_190 : memref<2x120xi32, #tpu.memory_space<vmem>>)
        tpu.yield
      }) : () -> ()
      %dma_start3A_102 = arith.constant 0 : i32
      %dma_start3A_103 = arith.constant 0 : i32
      %dma_start3A_104 = arith.constant 0 : i32
      %dma_start3A_105 = tpu.memref_slice %arg6[%dma_start3A_102, %dma_start3A_103, %dma_start3A_104] : memref<3x2x120xi32, #tpu.memory_space<vmem>> -> memref<1x1x120xi32, #tpu.memory_space<vmem>>
      %dma_start3A_106 = tpu.memref_squeeze %dma_start3A_105 : memref<1x1x120xi32, #tpu.memory_space<vmem>> -> memref<120xi32, #tpu.memory_space<vmem>>
      %dma_start3A_107 = arith.constant 0 : i32
      %dma_start3A_108 = arith.constant 0 : i32
      %dma_start3A_109 = tpu.memref_slice %arg3[%dma_start3A_107, %dma_start3A_108] : memref<80128x128xf32, #tpu.memory_space<hbm>> -> memref<80128x128xf32, #tpu.memory_space<hbm>>
      tpu.enqueue_indirect_dma source(%dma_start3A_109 : memref<80128x128xf32, #tpu.memory_space<hbm>>) target(%arg7 : memref<120x128xf32, #tpu.memory_space<vmem>>) offsets(%dma_start3A_106 : memref<120xi32, #tpu.memory_space<vmem>>) semaphore(%arg11 : memref<!tpu.dma_semaphore, #tpu.memory_space<semaphore_mem>>)
      %mul3A_110 = arith.constant 3 : i32
      %mul3A_111 = arith.muli %while3A_83, %mul3A_110 : i32
      %add3A_112 = arith.constant 1 : i32
      %add3A_113 = arith.addi %mul3A_111, %add3A_112 : i32
      %dma_wait3A_114 = arith.constant 1 : i32
      %dma_wait3A_115 = arith.constant 0 : i32
      %dma_wait3A_116 = arith.constant 0 : i32
      %dma_wait3A_117 = tpu.memref_slice %arg6[%dma_wait3A_114, %dma_wait3A_115, %dma_wait3A_116] : memref<3x2x120xi32, #tpu.memory_space<vmem>> -> memref<1x1x120xi32, #tpu.memory_space<vmem>>
      %dma_wait3A_118 = tpu.memref_squeeze %dma_wait3A_117 : memref<1x1x120xi32, #tpu.memory_space<vmem>> -> memref<120xi32, #tpu.memory_space<vmem>>
      %dma_wait3A_119 = arith.constant 0 : i32
      %dma_wait3A_120 = arith.constant 0 : i32
      %dma_wait3A_121 = tpu.memref_slice %arg3[%dma_wait3A_119, %dma_wait3A_120] : memref<80128x128xf32, #tpu.memory_space<hbm>> -> memref<80128x128xf32, #tpu.memory_space<hbm>>
      tpu.wait_indirect_dma semaphore(%arg12 : memref<!tpu.dma_semaphore, #tpu.memory_space<semaphore_mem>>) src(%dma_wait3A_121 : memref<80128x128xf32, #tpu.memory_space<hbm>>) dst(%arg8 : memref<120x128xf32, #tpu.memory_space<vmem>>)
      %run_scoped3A_122 = arith.constant 1 : i32
      %run_scoped3A_123 = arith.constant 1 : i32
      "tpu.region"() ({
        %run_scoped3A_162 = tpu.sem_alloc : memref<!tpu.dma_semaphore, #tpu.memory_space<semaphore_mem>>
        %dma_start3A_163 = arith.constant 0 : i32
        %dma_start3A_164 = tpu.memref_slice %arg6[%run_scoped3A_122, %run_scoped3A_123, %dma_start3A_163] : memref<3x2x120xi32, #tpu.memory_space<vmem>> -> memref<1x1x120xi32, #tpu.memory_space<vmem>>
        %dma_start3A_165 = tpu.memref_squeeze %dma_start3A_164 : memref<1x1x120xi32, #tpu.memory_space<vmem>> -> memref<120xi32, #tpu.memory_space<vmem>>
        %dma_start3A_166 = arith.constant 0 : i32
        %dma_start3A_167 = arith.constant 0 : i32
        %dma_start3A_168 = tpu.memref_slice %arg10[%dma_start3A_166, %dma_start3A_167] : memref<10016x128xf32, #tpu.memory_space<vmem_shared>> -> memref<10016x128xf32, #tpu.memory_space<vmem_shared>>
        tpu.enqueue_indirect_dma source(%arg8 : memref<120x128xf32, #tpu.memory_space<vmem>>) target(%dma_start3A_168 : memref<10016x128xf32, #tpu.memory_space<vmem_shared>>) offsets(%dma_start3A_165 : memref<120xi32, #tpu.memory_space<vmem>>) semaphore(%run_scoped3A_162 : memref<!tpu.dma_semaphore, #tpu.memory_space<semaphore_mem>>) {add = true}
        %dma_wait3A_169 = arith.constant 0 : i32
        %dma_wait3A_170 = tpu.memref_slice %arg6[%run_scoped3A_122, %run_scoped3A_123, %dma_wait3A_169] : memref<3x2x120xi32, #tpu.memory_space<vmem>> -> memref<1x1x120xi32, #tpu.memory_space<vmem>>
        %dma_wait3A_171 = tpu.memref_squeeze %dma_wait3A_170 : memref<1x1x120xi32, #tpu.memory_space<vmem>> -> memref<120xi32, #tpu.memory_space<vmem>>
        %dma_wait3A_172 = arith.constant 0 : i32
        %dma_wait3A_173 = arith.constant 0 : i32
        %dma_wait3A_174 = tpu.memref_slice %arg10[%dma_wait3A_172, %dma_wait3A_173] : memref<10016x128xf32, #tpu.memory_space<vmem_shared>> -> memref<10016x128xf32, #tpu.memory_space<vmem_shared>>
        tpu.wait_indirect_dma semaphore(%run_scoped3A_162 : memref<!tpu.dma_semaphore, #tpu.memory_space<semaphore_mem>>) src(%arg8 : memref<120x128xf32, #tpu.memory_space<vmem>>) dst(%dma_wait3A_174 : memref<10016x128xf32, #tpu.memory_space<vmem_shared>>)
        tpu.yield
      }) : () -> ()
      %add3A_124 = arith.addi %add3A, %add3A_113 : i32
      %add3A_125 = arith.constant 3 : i32
      %add3A_126 = arith.addi %add3A_124, %add3A_125 : i32
      %run_scoped3A_127 = arith.constant 1 : i32
      "tpu.region"() ({
        %run_scoped3A_162 = tpu.sem_alloc : memref<!tpu.dma_semaphore, #tpu.memory_space<semaphore_mem>>
        %dma_start3A_163 = arith.constant 0 : i32
        %dma_start3A_164 = arith.constant 0 : i32
        %dma_start3A_165 = tpu.memref_slice %arg6[%run_scoped3A_127, %dma_start3A_163, %dma_start3A_164] : memref<3x2x120xi32, #tpu.memory_space<vmem>> -> memref<1x2x120xi32, #tpu.memory_space<vmem>>
        %dma_start3A_166 = tpu.memref_squeeze %dma_start3A_165 : memref<1x2x120xi32, #tpu.memory_space<vmem>> -> memref<2x120xi32, #tpu.memory_space<vmem>>
        %dma_start3A_167 = arith.constant 0 : i32
        %dma_start3A_168 = arith.constant 0 : i32
        %dma_start3A_169 = tpu.memref_slice %arg2[%add3A_126, %dma_start3A_167, %dma_start3A_168] : memref<2688x2x120xi32, #tpu.memory_space<hbm>> -> memref<1x2x120xi32, #tpu.memory_space<hbm>>
        %dma_start3A_170 = tpu.memref_squeeze %dma_start3A_169 : memref<1x2x120xi32, #tpu.memory_space<hbm>> -> memref<2x120xi32, #tpu.memory_space<hbm>>
        %dma_start3A_171 = arith.constant 0 : i32
        %dma_start3A_172 = arith.constant 0 : i32
        %dma_start3A_173 = tpu.memref_slice %arg6[%run_scoped3A_127, %dma_start3A_171, %dma_start3A_172] : memref<3x2x120xi32, #tpu.memory_space<vmem>> -> memref<1x2x120xi32, #tpu.memory_space<vmem>>
        %dma_start3A_174 = tpu.memref_squeeze %dma_start3A_173 : memref<1x2x120xi32, #tpu.memory_space<vmem>> -> memref<2x120xi32, #tpu.memory_space<vmem>>
        %dma_start3A_175 = arith.constant 0 : i32
        %dma_start3A_176 = arith.constant 0 : i32
        %dma_start3A_177 = tpu.memref_slice %arg2[%add3A_126, %dma_start3A_175, %dma_start3A_176] : memref<2688x2x120xi32, #tpu.memory_space<hbm>> -> memref<1x2x120xi32, #tpu.memory_space<hbm>>
        %dma_start3A_178 = tpu.memref_squeeze %dma_start3A_177 : memref<1x2x120xi32, #tpu.memory_space<hbm>> -> memref<2x120xi32, #tpu.memory_space<hbm>>
        tpu.enqueue_dma source(%dma_start3A_178 : memref<2x120xi32, #tpu.memory_space<hbm>>) target(%dma_start3A_174 : memref<2x120xi32, #tpu.memory_space<vmem>>) target_semaphore(%run_scoped3A_162 : memref<!tpu.dma_semaphore, #tpu.memory_space<semaphore_mem>>)
        %dma_wait3A_179 = arith.constant 0 : i32
        %dma_wait3A_180 = arith.constant 0 : i32
        %dma_wait3A_181 = tpu.memref_slice %arg6[%run_scoped3A_127, %dma_wait3A_179, %dma_wait3A_180] : memref<3x2x120xi32, #tpu.memory_space<vmem>> -> memref<1x2x120xi32, #tpu.memory_space<vmem>>
        %dma_wait3A_182 = tpu.memref_squeeze %dma_wait3A_181 : memref<1x2x120xi32, #tpu.memory_space<vmem>> -> memref<2x120xi32, #tpu.memory_space<vmem>>
        %dma_wait3A_183 = arith.constant 0 : i32
        %dma_wait3A_184 = arith.constant 0 : i32
        %dma_wait3A_185 = tpu.memref_slice %arg2[%add3A_126, %dma_wait3A_183, %dma_wait3A_184] : memref<2688x2x120xi32, #tpu.memory_space<hbm>> -> memref<1x2x120xi32, #tpu.memory_space<hbm>>
        %dma_wait3A_186 = tpu.memref_squeeze %dma_wait3A_185 : memref<1x2x120xi32, #tpu.memory_space<hbm>> -> memref<2x120xi32, #tpu.memory_space<hbm>>
        %dma_wait3A_187 = arith.constant 0 : i32
        %dma_wait3A_188 = arith.constant 0 : i32
        %dma_wait3A_189 = tpu.memref_slice %arg6[%run_scoped3A_127, %dma_wait3A_187, %dma_wait3A_188] : memref<3x2x120xi32, #tpu.memory_space<vmem>> -> memref<1x2x120xi32, #tpu.memory_space<vmem>>
        %dma_wait3A_190 = tpu.memref_squeeze %dma_wait3A_189 : memref<1x2x120xi32, #tpu.memory_space<vmem>> -> memref<2x120xi32, #tpu.memory_space<vmem>>
        %dma_wait3A_191 = arith.constant 0 : i32
        %dma_wait3A_192 = arith.constant 0 : i32
        %dma_wait3A_193 = tpu.memref_slice %arg2[%add3A_126, %dma_wait3A_191, %dma_wait3A_192] : memref<2688x2x120xi32, #tpu.memory_space<hbm>> -> memref<1x2x120xi32, #tpu.memory_space<hbm>>
        %dma_wait3A_194 = tpu.memref_squeeze %dma_wait3A_193 : memref<1x2x120xi32, #tpu.memory_space<hbm>> -> memref<2x120xi32, #tpu.memory_space<hbm>>
        tpu.wait_dma2 semaphore(%run_scoped3A_162 : memref<!tpu.dma_semaphore, #tpu.memory_space<semaphore_mem>>) src(%dma_wait3A_194 : memref<2x120xi32, #tpu.memory_space<hbm>>) dst(%dma_wait3A_190 : memref<2x120xi32, #tpu.memory_space<vmem>>)
        tpu.yield
      }) : () -> ()
      %dma_start3A_128 = arith.constant 1 : i32
      %dma_start3A_129 = arith.constant 0 : i32
      %dma_start3A_130 = arith.constant 0 : i32
      %dma_start3A_131 = tpu.memref_slice %arg6[%dma_start3A_128, %dma_start3A_129, %dma_start3A_130] : memref<3x2x120xi32, #tpu.memory_space<vmem>> -> memref<1x1x120xi32, #tpu.memory_space<vmem>>
      %dma_start3A_132 = tpu.memref_squeeze %dma_start3A_131 : memref<1x1x120xi32, #tpu.memory_space<vmem>> -> memref<120xi32, #tpu.memory_space<vmem>>
      %dma_start3A_133 = arith.constant 0 : i32
      %dma_start3A_134 = arith.constant 0 : i32
      %dma_start3A_135 = tpu.memref_slice %arg3[%dma_start3A_133, %dma_start3A_134] : memref<80128x128xf32, #tpu.memory_space<hbm>> -> memref<80128x128xf32, #tpu.memory_space<hbm>>
      tpu.enqueue_indirect_dma source(%dma_start3A_135 : memref<80128x128xf32, #tpu.memory_space<hbm>>) target(%arg8 : memref<120x128xf32, #tpu.memory_space<vmem>>) offsets(%dma_start3A_132 : memref<120xi32, #tpu.memory_space<vmem>>) semaphore(%arg12 : memref<!tpu.dma_semaphore, #tpu.memory_space<semaphore_mem>>)
      %mul3A_136 = arith.constant 3 : i32
      %mul3A_137 = arith.muli %while3A_83, %mul3A_136 : i32
      %add3A_138 = arith.constant 2 : i32
      %add3A_139 = arith.addi %mul3A_137, %add3A_138 : i32
      %dma_wait3A_140 = arith.constant 2 : i32
      %dma_wait3A_141 = arith.constant 0 : i32
      %dma_wait3A_142 = arith.constant 0 : i32
      %dma_wait3A_143 = tpu.memref_slice %arg6[%dma_wait3A_140, %dma_wait3A_141, %dma_wait3A_142] : memref<3x2x120xi32, #tpu.memory_space<vmem>> -> memref<1x1x120xi32, #tpu.memory_space<vmem>>
      %dma_wait3A_144 = tpu.memref_squeeze %dma_wait3A_143 : memref<1x1x120xi32, #tpu.memory_space<vmem>> -> memref<120xi32, #tpu.memory_space<vmem>>
      %dma_wait3A_145 = arith.constant 0 : i32
      %dma_wait3A_146 = arith.constant 0 : i32
      %dma_wait3A_147 = tpu.memref_slice %arg3[%dma_wait3A_145, %dma_wait3A_146] : memref<80128x128xf32, #tpu.memory_space<hbm>> -> memref<80128x128xf32, #tpu.memory_space<hbm>>
      tpu.wait_indirect_dma semaphore(%arg13 : memref<!tpu.dma_semaphore, #tpu.memory_space<semaphore_mem>>) src(%dma_wait3A_147 : memref<80128x128xf32, #tpu.memory_space<hbm>>) dst(%arg9 : memref<120x128xf32, #tpu.memory_space<vmem>>)
      %run_scoped3A_148 = arith.constant 2 : i32
      %run_scoped3A_149 = arith.constant 1 : i32
      "tpu.region"() ({
        %run_scoped3A_162 = tpu.sem_alloc : memref<!tpu.dma_semaphore, #tpu.memory_space<semaphore_mem>>
        %dma_start3A_163 = arith.constant 0 : i32
        %dma_start3A_164 = tpu.memref_slice %arg6[%run_scoped3A_148, %run_scoped3A_149, %dma_start3A_163] : memref<3x2x120xi32, #tpu.memory_space<vmem>> -> memref<1x1x120xi32, #tpu.memory_space<vmem>>
        %dma_start3A_165 = tpu.memref_squeeze %dma_start3A_164 : memref<1x1x120xi32, #tpu.memory_space<vmem>> -> memref<120xi32, #tpu.memory_space<vmem>>
        %dma_start3A_166 = arith.constant 0 : i32
        %dma_start3A_167 = arith.constant 0 : i32
        %dma_start3A_168 = tpu.memref_slice %arg10[%dma_start3A_166, %dma_start3A_167] : memref<10016x128xf32, #tpu.memory_space<vmem_shared>> -> memref<10016x128xf32, #tpu.memory_space<vmem_shared>>
        tpu.enqueue_indirect_dma source(%arg9 : memref<120x128xf32, #tpu.memory_space<vmem>>) target(%dma_start3A_168 : memref<10016x128xf32, #tpu.memory_space<vmem_shared>>) offsets(%dma_start3A_165 : memref<120xi32, #tpu.memory_space<vmem>>) semaphore(%run_scoped3A_162 : memref<!tpu.dma_semaphore, #tpu.memory_space<semaphore_mem>>) {add = true}
        %dma_wait3A_169 = arith.constant 0 : i32
        %dma_wait3A_170 = tpu.memref_slice %arg6[%run_scoped3A_148, %run_scoped3A_149, %dma_wait3A_169] : memref<3x2x120xi32, #tpu.memory_space<vmem>> -> memref<1x1x120xi32, #tpu.memory_space<vmem>>
        %dma_wait3A_171 = tpu.memref_squeeze %dma_wait3A_170 : memref<1x1x120xi32, #tpu.memory_space<vmem>> -> memref<120xi32, #tpu.memory_space<vmem>>
        %dma_wait3A_172 = arith.constant 0 : i32
        %dma_wait3A_173 = arith.constant 0 : i32
        %dma_wait3A_174 = tpu.memref_slice %arg10[%dma_wait3A_172, %dma_wait3A_173] : memref<10016x128xf32, #tpu.memory_space<vmem_shared>> -> memref<10016x128xf32, #tpu.memory_space<vmem_shared>>
        tpu.wait_indirect_dma semaphore(%run_scoped3A_162 : memref<!tpu.dma_semaphore, #tpu.memory_space<semaphore_mem>>) src(%arg9 : memref<120x128xf32, #tpu.memory_space<vmem>>) dst(%dma_wait3A_174 : memref<10016x128xf32, #tpu.memory_space<vmem_shared>>)
        tpu.yield
      }) : () -> ()
      %add3A_150 = arith.addi %add3A, %add3A_139 : i32
      %add3A_151 = arith.constant 3 : i32
      %add3A_152 = arith.addi %add3A_150, %add3A_151 : i32
      %run_scoped3A_153 = arith.constant 2 : i32
      "tpu.region"() ({
        %run_scoped3A_162 = tpu.sem_alloc : memref<!tpu.dma_semaphore, #tpu.memory_space<semaphore_mem>>
        %dma_start3A_163 = arith.constant 0 : i32
        %dma_start3A_164 = arith.constant 0 : i32
        %dma_start3A_165 = tpu.memref_slice %arg6[%run_scoped3A_153, %dma_start3A_163, %dma_start3A_164] : memref<3x2x120xi32, #tpu.memory_space<vmem>> -> memref<1x2x120xi32, #tpu.memory_space<vmem>>
        %dma_start3A_166 = tpu.memref_squeeze %dma_start3A_165 : memref<1x2x120xi32, #tpu.memory_space<vmem>> -> memref<2x120xi32, #tpu.memory_space<vmem>>
        %dma_start3A_167 = arith.constant 0 : i32
        %dma_start3A_168 = arith.constant 0 : i32
        %dma_start3A_169 = tpu.memref_slice %arg2[%add3A_152, %dma_start3A_167, %dma_start3A_168] : memref<2688x2x120xi32, #tpu.memory_space<hbm>> -> memref<1x2x120xi32, #tpu.memory_space<hbm>>
        %dma_start3A_170 = tpu.memref_squeeze %dma_start3A_169 : memref<1x2x120xi32, #tpu.memory_space<hbm>> -> memref<2x120xi32, #tpu.memory_space<hbm>>
        %dma_start3A_171 = arith.constant 0 : i32
        %dma_start3A_172 = arith.constant 0 : i32
        %dma_start3A_173 = tpu.memref_slice %arg6[%run_scoped3A_153, %dma_start3A_171, %dma_start3A_172] : memref<3x2x120xi32, #tpu.memory_space<vmem>> -> memref<1x2x120xi32, #tpu.memory_space<vmem>>
        %dma_start3A_174 = tpu.memref_squeeze %dma_start3A_173 : memref<1x2x120xi32, #tpu.memory_space<vmem>> -> memref<2x120xi32, #tpu.memory_space<vmem>>
        %dma_start3A_175 = arith.constant 0 : i32
        %dma_start3A_176 = arith.constant 0 : i32
        %dma_start3A_177 = tpu.memref_slice %arg2[%add3A_152, %dma_start3A_175, %dma_start3A_176] : memref<2688x2x120xi32, #tpu.memory_space<hbm>> -> memref<1x2x120xi32, #tpu.memory_space<hbm>>
        %dma_start3A_178 = tpu.memref_squeeze %dma_start3A_177 : memref<1x2x120xi32, #tpu.memory_space<hbm>> -> memref<2x120xi32, #tpu.memory_space<hbm>>
        tpu.enqueue_dma source(%dma_start3A_178 : memref<2x120xi32, #tpu.memory_space<hbm>>) target(%dma_start3A_174 : memref<2x120xi32, #tpu.memory_space<vmem>>) target_semaphore(%run_scoped3A_162 : memref<!tpu.dma_semaphore, #tpu.memory_space<semaphore_mem>>)
        %dma_wait3A_179 = arith.constant 0 : i32
        %dma_wait3A_180 = arith.constant 0 : i32
        %dma_wait3A_181 = tpu.memref_slice %arg6[%run_scoped3A_153, %dma_wait3A_179, %dma_wait3A_180] : memref<3x2x120xi32, #tpu.memory_space<vmem>> -> memref<1x2x120xi32, #tpu.memory_space<vmem>>
        %dma_wait3A_182 = tpu.memref_squeeze %dma_wait3A_181 : memref<1x2x120xi32, #tpu.memory_space<vmem>> -> memref<2x120xi32, #tpu.memory_space<vmem>>
        %dma_wait3A_183 = arith.constant 0 : i32
        %dma_wait3A_184 = arith.constant 0 : i32
        %dma_wait3A_185 = tpu.memref_slice %arg2[%add3A_152, %dma_wait3A_183, %dma_wait3A_184] : memref<2688x2x120xi32, #tpu.memory_space<hbm>> -> memref<1x2x120xi32, #tpu.memory_space<hbm>>
        %dma_wait3A_186 = tpu.memref_squeeze %dma_wait3A_185 : memref<1x2x120xi32, #tpu.memory_space<hbm>> -> memref<2x120xi32, #tpu.memory_space<hbm>>
        %dma_wait3A_187 = arith.constant 0 : i32
        %dma_wait3A_188 = arith.constant 0 : i32
        %dma_wait3A_189 = tpu.memref_slice %arg6[%run_scoped3A_153, %dma_wait3A_187, %dma_wait3A_188] : memref<3x2x120xi32, #tpu.memory_space<vmem>> -> memref<1x2x120xi32, #tpu.memory_space<vmem>>
        %dma_wait3A_190 = tpu.memref_squeeze %dma_wait3A_189 : memref<1x2x120xi32, #tpu.memory_space<vmem>> -> memref<2x120xi32, #tpu.memory_space<vmem>>
        %dma_wait3A_191 = arith.constant 0 : i32
        %dma_wait3A_192 = arith.constant 0 : i32
        %dma_wait3A_193 = tpu.memref_slice %arg2[%add3A_152, %dma_wait3A_191, %dma_wait3A_192] : memref<2688x2x120xi32, #tpu.memory_space<hbm>> -> memref<1x2x120xi32, #tpu.memory_space<hbm>>
        %dma_wait3A_194 = tpu.memref_squeeze %dma_wait3A_193 : memref<1x2x120xi32, #tpu.memory_space<hbm>> -> memref<2x120xi32, #tpu.memory_space<hbm>>
        tpu.wait_dma2 semaphore(%run_scoped3A_162 : memref<!tpu.dma_semaphore, #tpu.memory_space<semaphore_mem>>) src(%dma_wait3A_194 : memref<2x120xi32, #tpu.memory_space<hbm>>) dst(%dma_wait3A_190 : memref<2x120xi32, #tpu.memory_space<vmem>>)
        tpu.yield
      }) : () -> ()
      %dma_start3A_154 = arith.constant 2 : i32
      %dma_start3A_155 = arith.constant 0 : i32
      %dma_start3A_156 = arith.constant 0 : i32
      %dma_start3A_157 = tpu.memref_slice %arg6[%dma_start3A_154, %dma_start3A_155, %dma_start3A_156] : memref<3x2x120xi32, #tpu.memory_space<vmem>> -> memref<1x1x120xi32, #tpu.memory_space<vmem>>
      %dma_start3A_158 = tpu.memref_squeeze %dma_start3A_157 : memref<1x1x120xi32, #tpu.memory_space<vmem>> -> memref<120xi32, #tpu.memory_space<vmem>>
      %dma_start3A_159 = arith.constant 0 : i32
      %dma_start3A_160 = arith.constant 0 : i32
      %dma_start3A_161 = tpu.memref_slice %arg3[%dma_start3A_159, %dma_start3A_160] : memref<80128x128xf32, #tpu.memory_space<hbm>> -> memref<80128x128xf32, #tpu.memory_space<hbm>>
      tpu.enqueue_indirect_dma source(%dma_start3A_161 : memref<80128x128xf32, #tpu.memory_space<hbm>>) target(%arg9 : memref<120x128xf32, #tpu.memory_space<vmem>>) offsets(%dma_start3A_158 : memref<120xi32, #tpu.memory_space<vmem>>) semaphore(%arg13 : memref<!tpu.dma_semaphore, #tpu.memory_space<semaphore_mem>>)
    }
    %while3A_47 = arith.constant 1 : i32
    scf.for %while3A_83 = %while3A_45 to %while3A_41 step %while3A_47  : i32 {
      %mul3A_84 = arith.constant 3 : i32
      %mul3A_85 = arith.muli %while3A_83, %mul3A_84 : i32
      %add3A_86 = arith.constant 0 : i32
      %add3A_87 = arith.addi %mul3A_85, %add3A_86 : i32
      %dma_wait3A_88 = arith.constant 0 : i32
      %dma_wait3A_89 = arith.constant 0 : i32
      %dma_wait3A_90 = arith.constant 0 : i32
      %dma_wait3A_91 = tpu.memref_slice %arg6[%dma_wait3A_88, %dma_wait3A_89, %dma_wait3A_90] : memref<3x2x120xi32, #tpu.memory_space<vmem>> -> memref<1x1x120xi32, #tpu.memory_space<vmem>>
      %dma_wait3A_92 = tpu.memref_squeeze %dma_wait3A_91 : memref<1x1x120xi32, #tpu.memory_space<vmem>> -> memref<120xi32, #tpu.memory_space<vmem>>
      %dma_wait3A_93 = arith.constant 0 : i32
      %dma_wait3A_94 = arith.constant 0 : i32
      %dma_wait3A_95 = tpu.memref_slice %arg3[%dma_wait3A_93, %dma_wait3A_94] : memref<80128x128xf32, #tpu.memory_space<hbm>> -> memref<80128x128xf32, #tpu.memory_space<hbm>>
      tpu.wait_indirect_dma semaphore(%arg11 : memref<!tpu.dma_semaphore, #tpu.memory_space<semaphore_mem>>) src(%dma_wait3A_95 : memref<80128x128xf32, #tpu.memory_space<hbm>>) dst(%arg7 : memref<120x128xf32, #tpu.memory_space<vmem>>)
      %run_scoped3A_96 = arith.constant 0 : i32
      %run_scoped3A_97 = arith.constant 1 : i32
      "tpu.region"() ({
        %run_scoped3A_162 = tpu.sem_alloc : memref<!tpu.dma_semaphore, #tpu.memory_space<semaphore_mem>>
        %dma_start3A_163 = arith.constant 0 : i32
        %dma_start3A_164 = tpu.memref_slice %arg6[%run_scoped3A_96, %run_scoped3A_97, %dma_start3A_163] : memref<3x2x120xi32, #tpu.memory_space<vmem>> -> memref<1x1x120xi32, #tpu.memory_space<vmem>>
        %dma_start3A_165 = tpu.memref_squeeze %dma_start3A_164 : memref<1x1x120xi32, #tpu.memory_space<vmem>> -> memref<120xi32, #tpu.memory_space<vmem>>
        %dma_start3A_166 = arith.constant 0 : i32
        %dma_start3A_167 = arith.constant 0 : i32
        %dma_start3A_168 = tpu.memref_slice %arg10[%dma_start3A_166, %dma_start3A_167] : memref<10016x128xf32, #tpu.memory_space<vmem_shared>> -> memref<10016x128xf32, #tpu.memory_space<vmem_shared>>
        tpu.enqueue_indirect_dma source(%arg7 : memref<120x128xf32, #tpu.memory_space<vmem>>) target(%dma_start3A_168 : memref<10016x128xf32, #tpu.memory_space<vmem_shared>>) offsets(%dma_start3A_165 : memref<120xi32, #tpu.memory_space<vmem>>) semaphore(%run_scoped3A_162 : memref<!tpu.dma_semaphore, #tpu.memory_space<semaphore_mem>>) {add = true}
        %dma_wait3A_169 = arith.constant 0 : i32
        %dma_wait3A_170 = tpu.memref_slice %arg6[%run_scoped3A_96, %run_scoped3A_97, %dma_wait3A_169] : memref<3x2x120xi32, #tpu.memory_space<vmem>> -> memref<1x1x120xi32, #tpu.memory_space<vmem>>
        %dma_wait3A_171 = tpu.memref_squeeze %dma_wait3A_170 : memref<1x1x120xi32, #tpu.memory_space<vmem>> -> memref<120xi32, #tpu.memory_space<vmem>>
        %dma_wait3A_172 = arith.constant 0 : i32
        %dma_wait3A_173 = arith.constant 0 : i32
        %dma_wait3A_174 = tpu.memref_slice %arg10[%dma_wait3A_172, %dma_wait3A_173] : memref<10016x128xf32, #tpu.memory_space<vmem_shared>> -> memref<10016x128xf32, #tpu.memory_space<vmem_shared>>
        tpu.wait_indirect_dma semaphore(%run_scoped3A_162 : memref<!tpu.dma_semaphore, #tpu.memory_space<semaphore_mem>>) src(%arg7 : memref<120x128xf32, #tpu.memory_space<vmem>>) dst(%dma_wait3A_174 : memref<10016x128xf32, #tpu.memory_space<vmem_shared>>)
        tpu.yield
      }) : () -> ()
      %add3A_98 = arith.addi %add3A, %add3A_87 : i32
      %add3A_99 = arith.constant 3 : i32
      %add3A_100 = arith.addi %add3A_98, %add3A_99 : i32
      %run_scoped3A_101 = arith.constant 0 : i32
      "tpu.region"() ({
        %run_scoped3A_162 = tpu.sem_alloc : memref<!tpu.dma_semaphore, #tpu.memory_space<semaphore_mem>>
        %dma_start3A_163 = arith.constant 0 : i32
        %dma_start3A_164 = arith.constant 0 : i32
        %dma_start3A_165 = tpu.memref_slice %arg6[%run_scoped3A_101, %dma_start3A_163, %dma_start3A_164] : memref<3x2x120xi32, #tpu.memory_space<vmem>> -> memref<1x2x120xi32, #tpu.memory_space<vmem>>
        %dma_start3A_166 = tpu.memref_squeeze %dma_start3A_165 : memref<1x2x120xi32, #tpu.memory_space<vmem>> -> memref<2x120xi32, #tpu.memory_space<vmem>>
        %dma_start3A_167 = arith.constant 0 : i32
        %dma_start3A_168 = arith.constant 0 : i32
        %dma_start3A_169 = tpu.memref_slice %arg2[%add3A_100, %dma_start3A_167, %dma_start3A_168] : memref<2688x2x120xi32, #tpu.memory_space<hbm>> -> memref<1x2x120xi32, #tpu.memory_space<hbm>>
        %dma_start3A_170 = tpu.memref_squeeze %dma_start3A_169 : memref<1x2x120xi32, #tpu.memory_space<hbm>> -> memref<2x120xi32, #tpu.memory_space<hbm>>
        %dma_start3A_171 = arith.constant 0 : i32
        %dma_start3A_172 = arith.constant 0 : i32
        %dma_start3A_173 = tpu.memref_slice %arg6[%run_scoped3A_101, %dma_start3A_171, %dma_start3A_172] : memref<3x2x120xi32, #tpu.memory_space<vmem>> -> memref<1x2x120xi32, #tpu.memory_space<vmem>>
        %dma_start3A_174 = tpu.memref_squeeze %dma_start3A_173 : memref<1x2x120xi32, #tpu.memory_space<vmem>> -> memref<2x120xi32, #tpu.memory_space<vmem>>
        %dma_start3A_175 = arith.constant 0 : i32
        %dma_start3A_176 = arith.constant 0 : i32
        %dma_start3A_177 = tpu.memref_slice %arg2[%add3A_100, %dma_start3A_175, %dma_start3A_176] : memref<2688x2x120xi32, #tpu.memory_space<hbm>> -> memref<1x2x120xi32, #tpu.memory_space<hbm>>
        %dma_start3A_178 = tpu.memref_squeeze %dma_start3A_177 : memref<1x2x120xi32, #tpu.memory_space<hbm>> -> memref<2x120xi32, #tpu.memory_space<hbm>>
        tpu.enqueue_dma source(%dma_start3A_178 : memref<2x120xi32, #tpu.memory_space<hbm>>) target(%dma_start3A_174 : memref<2x120xi32, #tpu.memory_space<vmem>>) target_semaphore(%run_scoped3A_162 : memref<!tpu.dma_semaphore, #tpu.memory_space<semaphore_mem>>)
        %dma_wait3A_179 = arith.constant 0 : i32
        %dma_wait3A_180 = arith.constant 0 : i32
        %dma_wait3A_181 = tpu.memref_slice %arg6[%run_scoped3A_101, %dma_wait3A_179, %dma_wait3A_180] : memref<3x2x120xi32, #tpu.memory_space<vmem>> -> memref<1x2x120xi32, #tpu.memory_space<vmem>>
        %dma_wait3A_182 = tpu.memref_squeeze %dma_wait3A_181 : memref<1x2x120xi32, #tpu.memory_space<vmem>> -> memref<2x120xi32, #tpu.memory_space<vmem>>
        %dma_wait3A_183 = arith.constant 0 : i32
        %dma_wait3A_184 = arith.constant 0 : i32
        %dma_wait3A_185 = tpu.memref_slice %arg2[%add3A_100, %dma_wait3A_183, %dma_wait3A_184] : memref<2688x2x120xi32, #tpu.memory_space<hbm>> -> memref<1x2x120xi32, #tpu.memory_space<hbm>>
        %dma_wait3A_186 = tpu.memref_squeeze %dma_wait3A_185 : memref<1x2x120xi32, #tpu.memory_space<hbm>> -> memref<2x120xi32, #tpu.memory_space<hbm>>
        %dma_wait3A_187 = arith.constant 0 : i32
        %dma_wait3A_188 = arith.constant 0 : i32
        %dma_wait3A_189 = tpu.memref_slice %arg6[%run_scoped3A_101, %dma_wait3A_187, %dma_wait3A_188] : memref<3x2x120xi32, #tpu.memory_space<vmem>> -> memref<1x2x120xi32, #tpu.memory_space<vmem>>
        %dma_wait3A_190 = tpu.memref_squeeze %dma_wait3A_189 : memref<1x2x120xi32, #tpu.memory_space<vmem>> -> memref<2x120xi32, #tpu.memory_space<vmem>>
        %dma_wait3A_191 = arith.constant 0 : i32
        %dma_wait3A_192 = arith.constant 0 : i32
        %dma_wait3A_193 = tpu.memref_slice %arg2[%add3A_100, %dma_wait3A_191, %dma_wait3A_192] : memref<2688x2x120xi32, #tpu.memory_space<hbm>> -> memref<1x2x120xi32, #tpu.memory_space<hbm>>
        %dma_wait3A_194 = tpu.memref_squeeze %dma_wait3A_193 : memref<1x2x120xi32, #tpu.memory_space<hbm>> -> memref<2x120xi32, #tpu.memory_space<hbm>>
        tpu.wait_dma2 semaphore(%run_scoped3A_162 : memref<!tpu.dma_semaphore, #tpu.memory_space<semaphore_mem>>) src(%dma_wait3A_194 : memref<2x120xi32, #tpu.memory_space<hbm>>) dst(%dma_wait3A_190 : memref<2x120xi32, #tpu.memory_space<vmem>>)
        tpu.yield
      }) : () -> ()
      %dma_start3A_102 = arith.constant 0 : i32
      %dma_start3A_103 = arith.constant 0 : i32
      %dma_start3A_104 = arith.constant 0 : i32
      %dma_start3A_105 = tpu.memref_slice %arg6[%dma_start3A_102, %dma_start3A_103, %dma_start3A_104] : memref<3x2x120xi32, #tpu.memory_space<vmem>> -> memref<1x1x120xi32, #tpu.memory_space<vmem>>
      %dma_start3A_106 = tpu.memref_squeeze %dma_start3A_105 : memref<1x1x120xi32, #tpu.memory_space<vmem>> -> memref<120xi32, #tpu.memory_space<vmem>>
      %dma_start3A_107 = arith.constant 0 : i32
      %dma_start3A_108 = arith.constant 0 : i32
      %dma_start3A_109 = tpu.memref_slice %arg3[%dma_start3A_107, %dma_start3A_108] : memref<80128x128xf32, #tpu.memory_space<hbm>> -> memref<80128x128xf32, #tpu.memory_space<hbm>>
      tpu.enqueue_indirect_dma source(%dma_start3A_109 : memref<80128x128xf32, #tpu.memory_space<hbm>>) target(%arg7 : memref<120x128xf32, #tpu.memory_space<vmem>>) offsets(%dma_start3A_106 : memref<120xi32, #tpu.memory_space<vmem>>) semaphore(%arg11 : memref<!tpu.dma_semaphore, #tpu.memory_space<semaphore_mem>>)
      %mul3A_110 = arith.constant 3 : i32
      %mul3A_111 = arith.muli %while3A_83, %mul3A_110 : i32
      %add3A_112 = arith.constant 1 : i32
      %add3A_113 = arith.addi %mul3A_111, %add3A_112 : i32
      %dma_wait3A_114 = arith.constant 1 : i32
      %dma_wait3A_115 = arith.constant 0 : i32
      %dma_wait3A_116 = arith.constant 0 : i32
      %dma_wait3A_117 = tpu.memref_slice %arg6[%dma_wait3A_114, %dma_wait3A_115, %dma_wait3A_116] : memref<3x2x120xi32, #tpu.memory_space<vmem>> -> memref<1x1x120xi32, #tpu.memory_space<vmem>>
      %dma_wait3A_118 = tpu.memref_squeeze %dma_wait3A_117 : memref<1x1x120xi32, #tpu.memory_space<vmem>> -> memref<120xi32, #tpu.memory_space<vmem>>
      %dma_wait3A_119 = arith.constant 0 : i32
      %dma_wait3A_120 = arith.constant 0 : i32
      %dma_wait3A_121 = tpu.memref_slice %arg3[%dma_wait3A_119, %dma_wait3A_120] : memref<80128x128xf32, #tpu.memory_space<hbm>> -> memref<80128x128xf32, #tpu.memory_space<hbm>>
      tpu.wait_indirect_dma semaphore(%arg12 : memref<!tpu.dma_semaphore, #tpu.memory_space<semaphore_mem>>) src(%dma_wait3A_121 : memref<80128x128xf32, #tpu.memory_space<hbm>>) dst(%arg8 : memref<120x128xf32, #tpu.memory_space<vmem>>)
      %run_scoped3A_122 = arith.constant 1 : i32
      %run_scoped3A_123 = arith.constant 1 : i32
      "tpu.region"() ({
        %run_scoped3A_162 = tpu.sem_alloc : memref<!tpu.dma_semaphore, #tpu.memory_space<semaphore_mem>>
        %dma_start3A_163 = arith.constant 0 : i32
        %dma_start3A_164 = tpu.memref_slice %arg6[%run_scoped3A_122, %run_scoped3A_123, %dma_start3A_163] : memref<3x2x120xi32, #tpu.memory_space<vmem>> -> memref<1x1x120xi32, #tpu.memory_space<vmem>>
        %dma_start3A_165 = tpu.memref_squeeze %dma_start3A_164 : memref<1x1x120xi32, #tpu.memory_space<vmem>> -> memref<120xi32, #tpu.memory_space<vmem>>
        %dma_start3A_166 = arith.constant 0 : i32
        %dma_start3A_167 = arith.constant 0 : i32
        %dma_start3A_168 = tpu.memref_slice %arg10[%dma_start3A_166, %dma_start3A_167] : memref<10016x128xf32, #tpu.memory_space<vmem_shared>> -> memref<10016x128xf32, #tpu.memory_space<vmem_shared>>
        tpu.enqueue_indirect_dma source(%arg8 : memref<120x128xf32, #tpu.memory_space<vmem>>) target(%dma_start3A_168 : memref<10016x128xf32, #tpu.memory_space<vmem_shared>>) offsets(%dma_start3A_165 : memref<120xi32, #tpu.memory_space<vmem>>) semaphore(%run_scoped3A_162 : memref<!tpu.dma_semaphore, #tpu.memory_space<semaphore_mem>>) {add = true}
        %dma_wait3A_169 = arith.constant 0 : i32
        %dma_wait3A_170 = tpu.memref_slice %arg6[%run_scoped3A_122, %run_scoped3A_123, %dma_wait3A_169] : memref<3x2x120xi32, #tpu.memory_space<vmem>> -> memref<1x1x120xi32, #tpu.memory_space<vmem>>
        %dma_wait3A_171 = tpu.memref_squeeze %dma_wait3A_170 : memref<1x1x120xi32, #tpu.memory_space<vmem>> -> memref<120xi32, #tpu.memory_space<vmem>>
        %dma_wait3A_172 = arith.constant 0 : i32
        %dma_wait3A_173 = arith.constant 0 : i32
        %dma_wait3A_174 = tpu.memref_slice %arg10[%dma_wait3A_172, %dma_wait3A_173] : memref<10016x128xf32, #tpu.memory_space<vmem_shared>> -> memref<10016x128xf32, #tpu.memory_space<vmem_shared>>
        tpu.wait_indirect_dma semaphore(%run_scoped3A_162 : memref<!tpu.dma_semaphore, #tpu.memory_space<semaphore_mem>>) src(%arg8 : memref<120x128xf32, #tpu.memory_space<vmem>>) dst(%dma_wait3A_174 : memref<10016x128xf32, #tpu.memory_space<vmem_shared>>)
        tpu.yield
      }) : () -> ()
      %add3A_124 = arith.addi %add3A, %add3A_113 : i32
      %add3A_125 = arith.constant 3 : i32
      %add3A_126 = arith.addi %add3A_124, %add3A_125 : i32
      %run_scoped3A_127 = arith.constant 1 : i32
      "tpu.region"() ({
        %run_scoped3A_162 = tpu.sem_alloc : memref<!tpu.dma_semaphore, #tpu.memory_space<semaphore_mem>>
        %dma_start3A_163 = arith.constant 0 : i32
        %dma_start3A_164 = arith.constant 0 : i32
        %dma_start3A_165 = tpu.memref_slice %arg6[%run_scoped3A_127, %dma_start3A_163, %dma_start3A_164] : memref<3x2x120xi32, #tpu.memory_space<vmem>> -> memref<1x2x120xi32, #tpu.memory_space<vmem>>
        %dma_start3A_166 = tpu.memref_squeeze %dma_start3A_165 : memref<1x2x120xi32, #tpu.memory_space<vmem>> -> memref<2x120xi32, #tpu.memory_space<vmem>>
        %dma_start3A_167 = arith.constant 0 : i32
        %dma_start3A_168 = arith.constant 0 : i32
        %dma_start3A_169 = tpu.memref_slice %arg2[%add3A_126, %dma_start3A_167, %dma_start3A_168] : memref<2688x2x120xi32, #tpu.memory_space<hbm>> -> memref<1x2x120xi32, #tpu.memory_space<hbm>>
        %dma_start3A_170 = tpu.memref_squeeze %dma_start3A_169 : memref<1x2x120xi32, #tpu.memory_space<hbm>> -> memref<2x120xi32, #tpu.memory_space<hbm>>
        %dma_start3A_171 = arith.constant 0 : i32
        %dma_start3A_172 = arith.constant 0 : i32
        %dma_start3A_173 = tpu.memref_slice %arg6[%run_scoped3A_127, %dma_start3A_171, %dma_start3A_172] : memref<3x2x120xi32, #tpu.memory_space<vmem>> -> memref<1x2x120xi32, #tpu.memory_space<vmem>>
        %dma_start3A_174 = tpu.memref_squeeze %dma_start3A_173 : memref<1x2x120xi32, #tpu.memory_space<vmem>> -> memref<2x120xi32, #tpu.memory_space<vmem>>
        %dma_start3A_175 = arith.constant 0 : i32
        %dma_start3A_176 = arith.constant 0 : i32
        %dma_start3A_177 = tpu.memref_slice %arg2[%add3A_126, %dma_start3A_175, %dma_start3A_176] : memref<2688x2x120xi32, #tpu.memory_space<hbm>> -> memref<1x2x120xi32, #tpu.memory_space<hbm>>
        %dma_start3A_178 = tpu.memref_squeeze %dma_start3A_177 : memref<1x2x120xi32, #tpu.memory_space<hbm>> -> memref<2x120xi32, #tpu.memory_space<hbm>>
        tpu.enqueue_dma source(%dma_start3A_178 : memref<2x120xi32, #tpu.memory_space<hbm>>) target(%dma_start3A_174 : memref<2x120xi32, #tpu.memory_space<vmem>>) target_semaphore(%run_scoped3A_162 : memref<!tpu.dma_semaphore, #tpu.memory_space<semaphore_mem>>)
        %dma_wait3A_179 = arith.constant 0 : i32
        %dma_wait3A_180 = arith.constant 0 : i32
        %dma_wait3A_181 = tpu.memref_slice %arg6[%run_scoped3A_127, %dma_wait3A_179, %dma_wait3A_180] : memref<3x2x120xi32, #tpu.memory_space<vmem>> -> memref<1x2x120xi32, #tpu.memory_space<vmem>>
        %dma_wait3A_182 = tpu.memref_squeeze %dma_wait3A_181 : memref<1x2x120xi32, #tpu.memory_space<vmem>> -> memref<2x120xi32, #tpu.memory_space<vmem>>
        %dma_wait3A_183 = arith.constant 0 : i32
        %dma_wait3A_184 = arith.constant 0 : i32
        %dma_wait3A_185 = tpu.memref_slice %arg2[%add3A_126, %dma_wait3A_183, %dma_wait3A_184] : memref<2688x2x120xi32, #tpu.memory_space<hbm>> -> memref<1x2x120xi32, #tpu.memory_space<hbm>>
        %dma_wait3A_186 = tpu.memref_squeeze %dma_wait3A_185 : memref<1x2x120xi32, #tpu.memory_space<hbm>> -> memref<2x120xi32, #tpu.memory_space<hbm>>
        %dma_wait3A_187 = arith.constant 0 : i32
        %dma_wait3A_188 = arith.constant 0 : i32
        %dma_wait3A_189 = tpu.memref_slice %arg6[%run_scoped3A_127, %dma_wait3A_187, %dma_wait3A_188] : memref<3x2x120xi32, #tpu.memory_space<vmem>> -> memref<1x2x120xi32, #tpu.memory_space<vmem>>
        %dma_wait3A_190 = tpu.memref_squeeze %dma_wait3A_189 : memref<1x2x120xi32, #tpu.memory_space<vmem>> -> memref<2x120xi32, #tpu.memory_space<vmem>>
        %dma_wait3A_191 = arith.constant 0 : i32
        %dma_wait3A_192 = arith.constant 0 : i32
        %dma_wait3A_193 = tpu.memref_slice %arg2[%add3A_126, %dma_wait3A_191, %dma_wait3A_192] : memref<2688x2x120xi32, #tpu.memory_space<hbm>> -> memref<1x2x120xi32, #tpu.memory_space<hbm>>
        %dma_wait3A_194 = tpu.memref_squeeze %dma_wait3A_193 : memref<1x2x120xi32, #tpu.memory_space<hbm>> -> memref<2x120xi32, #tpu.memory_space<hbm>>
        tpu.wait_dma2 semaphore(%run_scoped3A_162 : memref<!tpu.dma_semaphore, #tpu.memory_space<semaphore_mem>>) src(%dma_wait3A_194 : memref<2x120xi32, #tpu.memory_space<hbm>>) dst(%dma_wait3A_190 : memref<2x120xi32, #tpu.memory_space<vmem>>)
        tpu.yield
      }) : () -> ()
      %dma_start3A_128 = arith.constant 1 : i32
      %dma_start3A_129 = arith.constant 0 : i32
      %dma_start3A_130 = arith.constant 0 : i32
      %dma_start3A_131 = tpu.memref_slice %arg6[%dma_start3A_128, %dma_start3A_129, %dma_start3A_130] : memref<3x2x120xi32, #tpu.memory_space<vmem>> -> memref<1x1x120xi32, #tpu.memory_space<vmem>>
      %dma_start3A_132 = tpu.memref_squeeze %dma_start3A_131 : memref<1x1x120xi32, #tpu.memory_space<vmem>> -> memref<120xi32, #tpu.memory_space<vmem>>
      %dma_start3A_133 = arith.constant 0 : i32
      %dma_start3A_134 = arith.constant 0 : i32
      %dma_start3A_135 = tpu.memref_slice %arg3[%dma_start3A_133, %dma_start3A_134] : memref<80128x128xf32, #tpu.memory_space<hbm>> -> memref<80128x128xf32, #tpu.memory_space<hbm>>
      tpu.enqueue_indirect_dma source(%dma_start3A_135 : memref<80128x128xf32, #tpu.memory_space<hbm>>) target(%arg8 : memref<120x128xf32, #tpu.memory_space<vmem>>) offsets(%dma_start3A_132 : memref<120xi32, #tpu.memory_space<vmem>>) semaphore(%arg12 : memref<!tpu.dma_semaphore, #tpu.memory_space<semaphore_mem>>)
      %mul3A_136 = arith.constant 3 : i32
      %mul3A_137 = arith.muli %while3A_83, %mul3A_136 : i32
      %add3A_138 = arith.constant 2 : i32
      %add3A_139 = arith.addi %mul3A_137, %add3A_138 : i32
      %dma_wait3A_140 = arith.constant 2 : i32
      %dma_wait3A_141 = arith.constant 0 : i32
      %dma_wait3A_142 = arith.constant 0 : i32
      %dma_wait3A_143 = tpu.memref_slice %arg6[%dma_wait3A_140, %dma_wait3A_141, %dma_wait3A_142] : memref<3x2x120xi32, #tpu.memory_space<vmem>> -> memref<1x1x120xi32, #tpu.memory_space<vmem>>
      %dma_wait3A_144 = tpu.memref_squeeze %dma_wait3A_143 : memref<1x1x120xi32, #tpu.memory_space<vmem>> -> memref<120xi32, #tpu.memory_space<vmem>>
      %dma_wait3A_145 = arith.constant 0 : i32
      %dma_wait3A_146 = arith.constant 0 : i32
      %dma_wait3A_147 = tpu.memref_slice %arg3[%dma_wait3A_145, %dma_wait3A_146] : memref<80128x128xf32, #tpu.memory_space<hbm>> -> memref<80128x128xf32, #tpu.memory_space<hbm>>
      tpu.wait_indirect_dma semaphore(%arg13 : memref<!tpu.dma_semaphore, #tpu.memory_space<semaphore_mem>>) src(%dma_wait3A_147 : memref<80128x128xf32, #tpu.memory_space<hbm>>) dst(%arg9 : memref<120x128xf32, #tpu.memory_space<vmem>>)
      %run_scoped3A_148 = arith.constant 2 : i32
      %run_scoped3A_149 = arith.constant 1 : i32
      "tpu.region"() ({
        %run_scoped3A_162 = tpu.sem_alloc : memref<!tpu.dma_semaphore, #tpu.memory_space<semaphore_mem>>
        %dma_start3A_163 = arith.constant 0 : i32
        %dma_start3A_164 = tpu.memref_slice %arg6[%run_scoped3A_148, %run_scoped3A_149, %dma_start3A_163] : memref<3x2x120xi32, #tpu.memory_space<vmem>> -> memref<1x1x120xi32, #tpu.memory_space<vmem>>
        %dma_start3A_165 = tpu.memref_squeeze %dma_start3A_164 : memref<1x1x120xi32, #tpu.memory_space<vmem>> -> memref<120xi32, #tpu.memory_space<vmem>>
        %dma_start3A_166 = arith.constant 0 : i32
        %dma_start3A_167 = arith.constant 0 : i32
        %dma_start3A_168 = tpu.memref_slice %arg10[%dma_start3A_166, %dma_start3A_167] : memref<10016x128xf32, #tpu.memory_space<vmem_shared>> -> memref<10016x128xf32, #tpu.memory_space<vmem_shared>>
        tpu.enqueue_indirect_dma source(%arg9 : memref<120x128xf32, #tpu.memory_space<vmem>>) target(%dma_start3A_168 : memref<10016x128xf32, #tpu.memory_space<vmem_shared>>) offsets(%dma_start3A_165 : memref<120xi32, #tpu.memory_space<vmem>>) semaphore(%run_scoped3A_162 : memref<!tpu.dma_semaphore, #tpu.memory_space<semaphore_mem>>) {add = true}
        %dma_wait3A_169 = arith.constant 0 : i32
        %dma_wait3A_170 = tpu.memref_slice %arg6[%run_scoped3A_148, %run_scoped3A_149, %dma_wait3A_169] : memref<3x2x120xi32, #tpu.memory_space<vmem>> -> memref<1x1x120xi32, #tpu.memory_space<vmem>>
        %dma_wait3A_171 = tpu.memref_squeeze %dma_wait3A_170 : memref<1x1x120xi32, #tpu.memory_space<vmem>> -> memref<120xi32, #tpu.memory_space<vmem>>
        %dma_wait3A_172 = arith.constant 0 : i32
        %dma_wait3A_173 = arith.constant 0 : i32
        %dma_wait3A_174 = tpu.memref_slice %arg10[%dma_wait3A_172, %dma_wait3A_173] : memref<10016x128xf32, #tpu.memory_space<vmem_shared>> -> memref<10016x128xf32, #tpu.memory_space<vmem_shared>>
        tpu.wait_indirect_dma semaphore(%run_scoped3A_162 : memref<!tpu.dma_semaphore, #tpu.memory_space<semaphore_mem>>) src(%arg9 : memref<120x128xf32, #tpu.memory_space<vmem>>) dst(%dma_wait3A_174 : memref<10016x128xf32, #tpu.memory_space<vmem_shared>>)
        tpu.yield
      }) : () -> ()
      %add3A_150 = arith.addi %add3A, %add3A_139 : i32
      %add3A_151 = arith.constant 3 : i32
      %add3A_152 = arith.addi %add3A_150, %add3A_151 : i32
      %run_scoped3A_153 = arith.constant 2 : i32
      "tpu.region"() ({
        %run_scoped3A_162 = tpu.sem_alloc : memref<!tpu.dma_semaphore, #tpu.memory_space<semaphore_mem>>
        %dma_start3A_163 = arith.constant 0 : i32
        %dma_start3A_164 = arith.constant 0 : i32
        %dma_start3A_165 = tpu.memref_slice %arg6[%run_scoped3A_153, %dma_start3A_163, %dma_start3A_164] : memref<3x2x120xi32, #tpu.memory_space<vmem>> -> memref<1x2x120xi32, #tpu.memory_space<vmem>>
        %dma_start3A_166 = tpu.memref_squeeze %dma_start3A_165 : memref<1x2x120xi32, #tpu.memory_space<vmem>> -> memref<2x120xi32, #tpu.memory_space<vmem>>
        %dma_start3A_167 = arith.constant 0 : i32
        %dma_start3A_168 = arith.constant 0 : i32
        %dma_start3A_169 = tpu.memref_slice %arg2[%add3A_152, %dma_start3A_167, %dma_start3A_168] : memref<2688x2x120xi32, #tpu.memory_space<hbm>> -> memref<1x2x120xi32, #tpu.memory_space<hbm>>
        %dma_start3A_170 = tpu.memref_squeeze %dma_start3A_169 : memref<1x2x120xi32, #tpu.memory_space<hbm>> -> memref<2x120xi32, #tpu.memory_space<hbm>>
        %dma_start3A_171 = arith.constant 0 : i32
        %dma_start3A_172 = arith.constant 0 : i32
        %dma_start3A_173 = tpu.memref_slice %arg6[%run_scoped3A_153, %dma_start3A_171, %dma_start3A_172] : memref<3x2x120xi32, #tpu.memory_space<vmem>> -> memref<1x2x120xi32, #tpu.memory_space<vmem>>
        %dma_start3A_174 = tpu.memref_squeeze %dma_start3A_173 : memref<1x2x120xi32, #tpu.memory_space<vmem>> -> memref<2x120xi32, #tpu.memory_space<vmem>>
        %dma_start3A_175 = arith.constant 0 : i32
        %dma_start3A_176 = arith.constant 0 : i32
        %dma_start3A_177 = tpu.memref_slice %arg2[%add3A_152, %dma_start3A_175, %dma_start3A_176] : memref<2688x2x120xi32, #tpu.memory_space<hbm>> -> memref<1x2x120xi32, #tpu.memory_space<hbm>>
        %dma_start3A_178 = tpu.memref_squeeze %dma_start3A_177 : memref<1x2x120xi32, #tpu.memory_space<hbm>> -> memref<2x120xi32, #tpu.memory_space<hbm>>
        tpu.enqueue_dma source(%dma_start3A_178 : memref<2x120xi32, #tpu.memory_space<hbm>>) target(%dma_start3A_174 : memref<2x120xi32, #tpu.memory_space<vmem>>) target_semaphore(%run_scoped3A_162 : memref<!tpu.dma_semaphore, #tpu.memory_space<semaphore_mem>>)
        %dma_wait3A_179 = arith.constant 0 : i32
        %dma_wait3A_180 = arith.constant 0 : i32
        %dma_wait3A_181 = tpu.memref_slice %arg6[%run_scoped3A_153, %dma_wait3A_179, %dma_wait3A_180] : memref<3x2x120xi32, #tpu.memory_space<vmem>> -> memref<1x2x120xi32, #tpu.memory_space<vmem>>
        %dma_wait3A_182 = tpu.memref_squeeze %dma_wait3A_181 : memref<1x2x120xi32, #tpu.memory_space<vmem>> -> memref<2x120xi32, #tpu.memory_space<vmem>>
        %dma_wait3A_183 = arith.constant 0 : i32
        %dma_wait3A_184 = arith.constant 0 : i32
        %dma_wait3A_185 = tpu.memref_slice %arg2[%add3A_152, %dma_wait3A_183, %dma_wait3A_184] : memref<2688x2x120xi32, #tpu.memory_space<hbm>> -> memref<1x2x120xi32, #tpu.memory_space<hbm>>
        %dma_wait3A_186 = tpu.memref_squeeze %dma_wait3A_185 : memref<1x2x120xi32, #tpu.memory_space<hbm>> -> memref<2x120xi32, #tpu.memory_space<hbm>>
        %dma_wait3A_187 = arith.constant 0 : i32
        %dma_wait3A_188 = arith.constant 0 : i32
        %dma_wait3A_189 = tpu.memref_slice %arg6[%run_scoped3A_153, %dma_wait3A_187, %dma_wait3A_188] : memref<3x2x120xi32, #tpu.memory_space<vmem>> -> memref<1x2x120xi32, #tpu.memory_space<vmem>>
        %dma_wait3A_190 = tpu.memref_squeeze %dma_wait3A_189 : memref<1x2x120xi32, #tpu.memory_space<vmem>> -> memref<2x120xi32, #tpu.memory_space<vmem>>
        %dma_wait3A_191 = arith.constant 0 : i32
        %dma_wait3A_192 = arith.constant 0 : i32
        %dma_wait3A_193 = tpu.memref_slice %arg2[%add3A_152, %dma_wait3A_191, %dma_wait3A_192] : memref<2688x2x120xi32, #tpu.memory_space<hbm>> -> memref<1x2x120xi32, #tpu.memory_space<hbm>>
        %dma_wait3A_194 = tpu.memref_squeeze %dma_wait3A_193 : memref<1x2x120xi32, #tpu.memory_space<hbm>> -> memref<2x120xi32, #tpu.memory_space<hbm>>
        tpu.wait_dma2 semaphore(%run_scoped3A_162 : memref<!tpu.dma_semaphore, #tpu.memory_space<semaphore_mem>>) src(%dma_wait3A_194 : memref<2x120xi32, #tpu.memory_space<hbm>>) dst(%dma_wait3A_190 : memref<2x120xi32, #tpu.memory_space<vmem>>)
        tpu.yield
      }) : () -> ()
      %dma_start3A_154 = arith.constant 2 : i32
      %dma_start3A_155 = arith.constant 0 : i32
      %dma_start3A_156 = arith.constant 0 : i32
      %dma_start3A_157 = tpu.memref_slice %arg6[%dma_start3A_154, %dma_start3A_155, %dma_start3A_156] : memref<3x2x120xi32, #tpu.memory_space<vmem>> -> memref<1x1x120xi32, #tpu.memory_space<vmem>>
      %dma_start3A_158 = tpu.memref_squeeze %dma_start3A_157 : memref<1x1x120xi32, #tpu.memory_space<vmem>> -> memref<120xi32, #tpu.memory_space<vmem>>
      %dma_start3A_159 = arith.constant 0 : i32
      %dma_start3A_160 = arith.constant 0 : i32
      %dma_start3A_161 = tpu.memref_slice %arg3[%dma_start3A_159, %dma_start3A_160] : memref<80128x128xf32, #tpu.memory_space<hbm>> -> memref<80128x128xf32, #tpu.memory_space<hbm>>
      tpu.enqueue_indirect_dma source(%dma_start3A_161 : memref<80128x128xf32, #tpu.memory_space<hbm>>) target(%arg9 : memref<120x128xf32, #tpu.memory_space<vmem>>) offsets(%dma_start3A_158 : memref<120xi32, #tpu.memory_space<vmem>>) semaphore(%arg13 : memref<!tpu.dma_semaphore, #tpu.memory_space<semaphore_mem>>)
    }
    %dma_wait3A = arith.constant 0 : i32
    %dma_wait3A_48 = arith.constant 0 : i32
    %dma_wait3A_49 = arith.constant 0 : i32
    %dma_wait3A_50 = tpu.memref_slice %arg6[%dma_wait3A, %dma_wait3A_48, %dma_wait3A_49] : memref<3x2x120xi32, #tpu.memory_space<vmem>> -> memref<1x1x120xi32, #tpu.memory_space<vmem>>
    %dma_wait3A_51 = tpu.memref_squeeze %dma_wait3A_50 : memref<1x1x120xi32, #tpu.memory_space<vmem>> -> memref<120xi32, #tpu.memory_space<vmem>>
    %dma_wait3A_52 = arith.constant 0 : i32
    %dma_wait3A_53 = arith.constant 0 : i32
    %dma_wait3A_54 = tpu.memref_slice %arg3[%dma_wait3A_52, %dma_wait3A_53] : memref<80128x128xf32, #tpu.memory_space<hbm>> -> memref<80128x128xf32, #tpu.memory_space<hbm>>
    tpu.wait_indirect_dma semaphore(%arg11 : memref<!tpu.dma_semaphore, #tpu.memory_space<semaphore_mem>>) src(%dma_wait3A_54 : memref<80128x128xf32, #tpu.memory_space<hbm>>) dst(%arg7 : memref<120x128xf32, #tpu.memory_space<vmem>>)
    %run_scoped3A_55 = arith.constant 0 : i32
    %run_scoped3A_56 = arith.constant 1 : i32
    "tpu.region"() ({
      %run_scoped3A_83 = tpu.sem_alloc : memref<!tpu.dma_semaphore, #tpu.memory_space<semaphore_mem>>
      %dma_start3A_84 = arith.constant 0 : i32
      %dma_start3A_85 = tpu.memref_slice %arg6[%run_scoped3A_55, %run_scoped3A_56, %dma_start3A_84] : memref<3x2x120xi32, #tpu.memory_space<vmem>> -> memref<1x1x120xi32, #tpu.memory_space<vmem>>
      %dma_start3A_86 = tpu.memref_squeeze %dma_start3A_85 : memref<1x1x120xi32, #tpu.memory_space<vmem>> -> memref<120xi32, #tpu.memory_space<vmem>>
      %dma_start3A_87 = arith.constant 0 : i32
      %dma_start3A_88 = arith.constant 0 : i32
      %dma_start3A_89 = tpu.memref_slice %arg10[%dma_start3A_87, %dma_start3A_88] : memref<10016x128xf32, #tpu.memory_space<vmem_shared>> -> memref<10016x128xf32, #tpu.memory_space<vmem_shared>>
      tpu.enqueue_indirect_dma source(%arg7 : memref<120x128xf32, #tpu.memory_space<vmem>>) target(%dma_start3A_89 : memref<10016x128xf32, #tpu.memory_space<vmem_shared>>) offsets(%dma_start3A_86 : memref<120xi32, #tpu.memory_space<vmem>>) semaphore(%run_scoped3A_83 : memref<!tpu.dma_semaphore, #tpu.memory_space<semaphore_mem>>) {add = true}
      %dma_wait3A_90 = arith.constant 0 : i32
      %dma_wait3A_91 = tpu.memref_slice %arg6[%run_scoped3A_55, %run_scoped3A_56, %dma_wait3A_90] : memref<3x2x120xi32, #tpu.memory_space<vmem>> -> memref<1x1x120xi32, #tpu.memory_space<vmem>>
      %dma_wait3A_92 = tpu.memref_squeeze %dma_wait3A_91 : memref<1x1x120xi32, #tpu.memory_space<vmem>> -> memref<120xi32, #tpu.memory_space<vmem>>
      %dma_wait3A_93 = arith.constant 0 : i32
      %dma_wait3A_94 = arith.constant 0 : i32
      %dma_wait3A_95 = tpu.memref_slice %arg10[%dma_wait3A_93, %dma_wait3A_94] : memref<10016x128xf32, #tpu.memory_space<vmem_shared>> -> memref<10016x128xf32, #tpu.memory_space<vmem_shared>>
      tpu.wait_indirect_dma semaphore(%run_scoped3A_83 : memref<!tpu.dma_semaphore, #tpu.memory_space<semaphore_mem>>) src(%arg7 : memref<120x128xf32, #tpu.memory_space<vmem>>) dst(%dma_wait3A_95 : memref<10016x128xf32, #tpu.memory_space<vmem_shared>>)
      tpu.yield
    }) : () -> ()
    %dma_wait3A_57 = arith.constant 1 : i32
    %dma_wait3A_58 = arith.constant 0 : i32
    %dma_wait3A_59 = arith.constant 0 : i32
    %dma_wait3A_60 = tpu.memref_slice %arg6[%dma_wait3A_57, %dma_wait3A_58, %dma_wait3A_59] : memref<3x2x120xi32, #tpu.memory_space<vmem>> -> memref<1x1x120xi32, #tpu.memory_space<vmem>>
    %dma_wait3A_61 = tpu.memref_squeeze %dma_wait3A_60 : memref<1x1x120xi32, #tpu.memory_space<vmem>> -> memref<120xi32, #tpu.memory_space<vmem>>
    %dma_wait3A_62 = arith.constant 0 : i32
    %dma_wait3A_63 = arith.constant 0 : i32
    %dma_wait3A_64 = tpu.memref_slice %arg3[%dma_wait3A_62, %dma_wait3A_63] : memref<80128x128xf32, #tpu.memory_space<hbm>> -> memref<80128x128xf32, #tpu.memory_space<hbm>>
    tpu.wait_indirect_dma semaphore(%arg12 : memref<!tpu.dma_semaphore, #tpu.memory_space<semaphore_mem>>) src(%dma_wait3A_64 : memref<80128x128xf32, #tpu.memory_space<hbm>>) dst(%arg8 : memref<120x128xf32, #tpu.memory_space<vmem>>)
    %run_scoped3A_65 = arith.constant 1 : i32
    %run_scoped3A_66 = arith.constant 1 : i32
    "tpu.region"() ({
      %run_scoped3A_83 = tpu.sem_alloc : memref<!tpu.dma_semaphore, #tpu.memory_space<semaphore_mem>>
      %dma_start3A_84 = arith.constant 0 : i32
      %dma_start3A_85 = tpu.memref_slice %arg6[%run_scoped3A_65, %run_scoped3A_66, %dma_start3A_84] : memref<3x2x120xi32, #tpu.memory_space<vmem>> -> memref<1x1x120xi32, #tpu.memory_space<vmem>>
      %dma_start3A_86 = tpu.memref_squeeze %dma_start3A_85 : memref<1x1x120xi32, #tpu.memory_space<vmem>> -> memref<120xi32, #tpu.memory_space<vmem>>
      %dma_start3A_87 = arith.constant 0 : i32
      %dma_start3A_88 = arith.constant 0 : i32
      %dma_start3A_89 = tpu.memref_slice %arg10[%dma_start3A_87, %dma_start3A_88] : memref<10016x128xf32, #tpu.memory_space<vmem_shared>> -> memref<10016x128xf32, #tpu.memory_space<vmem_shared>>
      tpu.enqueue_indirect_dma source(%arg8 : memref<120x128xf32, #tpu.memory_space<vmem>>) target(%dma_start3A_89 : memref<10016x128xf32, #tpu.memory_space<vmem_shared>>) offsets(%dma_start3A_86 : memref<120xi32, #tpu.memory_space<vmem>>) semaphore(%run_scoped3A_83 : memref<!tpu.dma_semaphore, #tpu.memory_space<semaphore_mem>>) {add = true}
      %dma_wait3A_90 = arith.constant 0 : i32
      %dma_wait3A_91 = tpu.memref_slice %arg6[%run_scoped3A_65, %run_scoped3A_66, %dma_wait3A_90] : memref<3x2x120xi32, #tpu.memory_space<vmem>> -> memref<1x1x120xi32, #tpu.memory_space<vmem>>
      %dma_wait3A_92 = tpu.memref_squeeze %dma_wait3A_91 : memref<1x1x120xi32, #tpu.memory_space<vmem>> -> memref<120xi32, #tpu.memory_space<vmem>>
      %dma_wait3A_93 = arith.constant 0 : i32
      %dma_wait3A_94 = arith.constant 0 : i32
      %dma_wait3A_95 = tpu.memref_slice %arg10[%dma_wait3A_93, %dma_wait3A_94] : memref<10016x128xf32, #tpu.memory_space<vmem_shared>> -> memref<10016x128xf32, #tpu.memory_space<vmem_shared>>
      tpu.wait_indirect_dma semaphore(%run_scoped3A_83 : memref<!tpu.dma_semaphore, #tpu.memory_space<semaphore_mem>>) src(%arg8 : memref<120x128xf32, #tpu.memory_space<vmem>>) dst(%dma_wait3A_95 : memref<10016x128xf32, #tpu.memory_space<vmem_shared>>)
      tpu.yield
    }) : () -> ()
    %dma_wait3A_67 = arith.constant 2 : i32
    %dma_wait3A_68 = arith.constant 0 : i32
    %dma_wait3A_69 = arith.constant 0 : i32
    %dma_wait3A_70 = tpu.memref_slice %arg6[%dma_wait3A_67, %dma_wait3A_68, %dma_wait3A_69] : memref<3x2x120xi32, #tpu.memory_space<vmem>> -> memref<1x1x120xi32, #tpu.memory_space<vmem>>
    %dma_wait3A_71 = tpu.memref_squeeze %dma_wait3A_70 : memref<1x1x120xi32, #tpu.memory_space<vmem>> -> memref<120xi32, #tpu.memory_space<vmem>>
    %dma_wait3A_72 = arith.constant 0 : i32
    %dma_wait3A_73 = arith.constant 0 : i32
    %dma_wait3A_74 = tpu.memref_slice %arg3[%dma_wait3A_72, %dma_wait3A_73] : memref<80128x128xf32, #tpu.memory_space<hbm>> -> memref<80128x128xf32, #tpu.memory_space<hbm>>
    tpu.wait_indirect_dma semaphore(%arg13 : memref<!tpu.dma_semaphore, #tpu.memory_space<semaphore_mem>>) src(%dma_wait3A_74 : memref<80128x128xf32, #tpu.memory_space<hbm>>) dst(%arg9 : memref<120x128xf32, #tpu.memory_space<vmem>>)
    %run_scoped3A_75 = arith.constant 2 : i32
    %run_scoped3A_76 = arith.constant 1 : i32
    "tpu.region"() ({
      %run_scoped3A_83 = tpu.sem_alloc : memref<!tpu.dma_semaphore, #tpu.memory_space<semaphore_mem>>
      %dma_start3A_84 = arith.constant 0 : i32
      %dma_start3A_85 = tpu.memref_slice %arg6[%run_scoped3A_75, %run_scoped3A_76, %dma_start3A_84] : memref<3x2x120xi32, #tpu.memory_space<vmem>> -> memref<1x1x120xi32, #tpu.memory_space<vmem>>
      %dma_start3A_86 = tpu.memref_squeeze %dma_start3A_85 : memref<1x1x120xi32, #tpu.memory_space<vmem>> -> memref<120xi32, #tpu.memory_space<vmem>>
      %dma_start3A_87 = arith.constant 0 : i32
      %dma_start3A_88 = arith.constant 0 : i32
      %dma_start3A_89 = tpu.memref_slice %arg10[%dma_start3A_87, %dma_start3A_88] : memref<10016x128xf32, #tpu.memory_space<vmem_shared>> -> memref<10016x128xf32, #tpu.memory_space<vmem_shared>>
      tpu.enqueue_indirect_dma source(%arg9 : memref<120x128xf32, #tpu.memory_space<vmem>>) target(%dma_start3A_89 : memref<10016x128xf32, #tpu.memory_space<vmem_shared>>) offsets(%dma_start3A_86 : memref<120xi32, #tpu.memory_space<vmem>>) semaphore(%run_scoped3A_83 : memref<!tpu.dma_semaphore, #tpu.memory_space<semaphore_mem>>) {add = true}
      %dma_wait3A_90 = arith.constant 0 : i32
      %dma_wait3A_91 = tpu.memref_slice %arg6[%run_scoped3A_75, %run_scoped3A_76, %dma_wait3A_90] : memref<3x2x120xi32, #tpu.memory_space<vmem>> -> memref<1x1x120xi32, #tpu.memory_space<vmem>>
      %dma_wait3A_92 = tpu.memref_squeeze %dma_wait3A_91 : memref<1x1x120xi32, #tpu.memory_space<vmem>> -> memref<120xi32, #tpu.memory_space<vmem>>
      %dma_wait3A_93 = arith.constant 0 : i32
      %dma_wait3A_94 = arith.constant 0 : i32
      %dma_wait3A_95 = tpu.memref_slice %arg10[%dma_wait3A_93, %dma_wait3A_94] : memref<10016x128xf32, #tpu.memory_space<vmem_shared>> -> memref<10016x128xf32, #tpu.memory_space<vmem_shared>>
      tpu.wait_indirect_dma semaphore(%run_scoped3A_83 : memref<!tpu.dma_semaphore, #tpu.memory_space<semaphore_mem>>) src(%arg9 : memref<120x128xf32, #tpu.memory_space<vmem>>) dst(%dma_wait3A_95 : memref<10016x128xf32, #tpu.memory_space<vmem_shared>>)
      tpu.yield
    }) : () -> ()
    %barrier3A_77 = arith.constant 0 : index
    tpu.barrier barrier_id(%barrier3A_77)
    %eq3A_78 = arith.constant 0 : i32
    %eq3A_79 = arith.cmpi eq, %arg1, %eq3A_78 : i32
    %convert_element_type3A_80 = arith.extui %eq3A_79 : i1 to i32
    %cond3A_81 = arith.constant 0 : i32
    %cond3A_82 = arith.cmpi ne, %convert_element_type3A_80, %cond3A_81 : i32
    scf.if %cond3A_82 {
      "tpu.region"() ({
        %run_scoped3A_83 = tpu.sem_alloc : memref<!tpu.dma_semaphore, #tpu.memory_space<semaphore_mem>>
        %dma_start3A_84 = arith.constant 0 : i32
        %dma_start3A_85 = arith.constant 0 : i32
        %dma_start3A_86 = tpu.memref_slice %arg5[%arg0, %dma_start3A_84, %dma_start3A_85] : memref<2x10016x128xf32, #tpu.memory_space<hbm>> -> memref<1x10016x128xf32, #tpu.memory_space<hbm>>
        %dma_start3A_87 = tpu.memref_squeeze %dma_start3A_86 : memref<1x10016x128xf32, #tpu.memory_space<hbm>> -> memref<10016x128xf32, #tpu.memory_space<hbm>>
        tpu.enqueue_dma source(%arg10 : memref<10016x128xf32, #tpu.memory_space<vmem_shared>>) target(%dma_start3A_87 : memref<10016x128xf32, #tpu.memory_space<hbm>>) target_semaphore(%run_scoped3A_83 : memref<!tpu.dma_semaphore, #tpu.memory_space<semaphore_mem>>)
        %dma_wait3A_88 = arith.constant 0 : i32
        %dma_wait3A_89 = arith.constant 0 : i32
        %dma_wait3A_90 = tpu.memref_slice %arg5[%arg0, %dma_wait3A_88, %dma_wait3A_89] : memref<2x10016x128xf32, #tpu.memory_space<hbm>> -> memref<1x10016x128xf32, #tpu.memory_space<hbm>>
        %dma_wait3A_91 = tpu.memref_squeeze %dma_wait3A_90 : memref<1x10016x128xf32, #tpu.memory_space<hbm>> -> memref<10016x128xf32, #tpu.memory_space<hbm>>
        tpu.wait_dma2 semaphore(%run_scoped3A_83 : memref<!tpu.dma_semaphore, #tpu.memory_space<semaphore_mem>>) src(%arg10 : memref<10016x128xf32, #tpu.memory_space<vmem_shared>>) dst(%dma_wait3A_91 : memref<10016x128xf32, #tpu.memory_space<hbm>>)
        tpu.yield
      }) : () -> ()
    } else {
    }
    return
  }
}

#map = affine_map<(d0, d1) -> (0, 0, 0)>
#map1 = affine_map<(d0, d1) -> (0, 0)>
module attributes {stable_mosaic.version = 14 : i64} {
  func.func @_sc_edge_body(%arg0: i32, %arg1: i32, %arg2: memref<2688x2x120xi32, #tpu.memory_space<hbm>>, %arg3: memref<80128x128xf32, #tpu.memory_space<hbm>>, %arg4: memref<10016x128xf32, #tpu.memory_space<hbm>>, %arg5: memref<2x10016x128xf32, #tpu.memory_space<hbm>>, %arg6: memref<3x2x120xi32, #tpu.memory_space<vmem>>, %arg7: memref<120x128xf32, #tpu.memory_space<vmem>>, %arg8: memref<120x128xf32, #tpu.memory_space<vmem>>, %arg9: memref<120x128xf32, #tpu.memory_space<vmem>>, %arg10: memref<10016x128xf32, #tpu.memory_space<vmem_shared>>, %arg11: memref<!tpu.dma_semaphore, #tpu.memory_space<semaphore_mem>>, %arg12: memref<!tpu.dma_semaphore, #tpu.memory_space<semaphore_mem>>, %arg13: memref<!tpu.dma_semaphore, #tpu.memory_space<semaphore_mem>>) attributes {dimension_semantics = [#tpu.dimension_semantics<core_parallel>, #tpu.dimension_semantics<subcore_parallel>], iteration_bounds = array<i64: 2, 16>, scalar_prefetch = 0 : i64, scratch_operands = 8 : i64, tpu.core_type = #tpu.core_type<sc_vector_subcore>, window_params = [{transform_indices = #map}, {transform_indices = #map1}, {transform_indices = #map1}, {transform_indices = #map}]} {
    %mul3A = arith.constant 168 : i32
    %mul3A_0 = arith.muli %arg1, %mul3A : i32
    %mul3A_1 = arith.constant 135 : i32
    %mul3A_2 = arith.muli %arg0, %mul3A_1 : i32
    %add3A = arith.addi %mul3A_0, %mul3A_2 : i32
    %eq3A = arith.constant 0 : i32
    %eq3A_3 = arith.cmpi eq, %arg0, %eq3A : i32
    %jit3A = arith.constant 44 : i32
    %jit3A_4 = arith.constant 10 : i32
    %select_n3A = arith.select %eq3A_3, %jit3A, %jit3A_4 : i32
    %eq3A_5 = arith.constant 0 : i32
    %eq3A_6 = arith.cmpi eq, %arg1, %eq3A_5 : i32
    %convert_element_type3A = arith.extui %eq3A_6 : i1 to i32
    %cond3A = arith.constant 0 : i32
    %cond3A_7 = arith.cmpi ne, %convert_element_type3A, %cond3A : i32
    scf.if %cond3A_7 {
      "tpu.region"() ({
        %run_scoped3A_83 = tpu.sem_alloc : memref<!tpu.dma_semaphore, #tpu.memory_space<semaphore_mem>>
        tpu.enqueue_dma source(%arg4 : memref<10016x128xf32, #tpu.memory_space<hbm>>) target(%arg10 : memref<10016x128xf32, #tpu.memory_space<vmem_shared>>) target_semaphore(%run_scoped3A_83 : memref<!tpu.dma_semaphore, #tpu.memory_space<semaphore_mem>>)
        tpu.wait_dma2 semaphore(%run_scoped3A_83 : memref<!tpu.dma_semaphore, #tpu.memory_space<semaphore_mem>>) src(%arg4 : memref<10016x128xf32, #tpu.memory_space<hbm>>) dst(%arg10 : memref<10016x128xf32, #tpu.memory_space<vmem_shared>>)
        tpu.yield
      }) : () -> ()
    } else {
    }
    %barrier3A = arith.constant 0 : index
    tpu.barrier barrier_id(%barrier3A)
    %add3A_8 = arith.constant 0 : i32
    %add3A_9 = arith.addi %add3A, %add3A_8 : i32
    %run_scoped3A = arith.constant 0 : i32
    "tpu.region"() ({
      %run_scoped3A_83 = tpu.sem_alloc : memref<!tpu.dma_semaphore, #tpu.memory_space<semaphore_mem>>
      %dma_start3A_84 = arith.constant 0 : i32
      %dma_start3A_85 = arith.constant 0 : i32
      %dma_start3A_86 = tpu.memref_slice %arg6[%run_scoped3A, %dma_start3A_84, %dma_start3A_85] : memref<3x2x120xi32, #tpu.memory_space<vmem>> -> memref<1x2x120xi32, #tpu.memory_space<vmem>>
      %dma_start3A_87 = tpu.memref_squeeze %dma_start3A_86 : memref<1x2x120xi32, #tpu.memory_space<vmem>> -> memref<2x120xi32, #tpu.memory_space<vmem>>
      %dma_start3A_88 = arith.constant 0 : i32
      %dma_start3A_89 = arith.constant 0 : i32
      %dma_start3A_90 = tpu.memref_slice %arg2[%add3A_9, %dma_start3A_88, %dma_start3A_89] : memref<2688x2x120xi32, #tpu.memory_space<hbm>> -> memref<1x2x120xi32, #tpu.memory_space<hbm>>
      %dma_start3A_91 = tpu.memref_squeeze %dma_start3A_90 : memref<1x2x120xi32, #tpu.memory_space<hbm>> -> memref<2x120xi32, #tpu.memory_space<hbm>>
      %dma_start3A_92 = arith.constant 0 : i32
      %dma_start3A_93 = arith.constant 0 : i32
      %dma_start3A_94 = tpu.memref_slice %arg6[%run_scoped3A, %dma_start3A_92, %dma_start3A_93] : memref<3x2x120xi32, #tpu.memory_space<vmem>> -> memref<1x2x120xi32, #tpu.memory_space<vmem>>
      %dma_start3A_95 = tpu.memref_squeeze %dma_start3A_94 : memref<1x2x120xi32, #tpu.memory_space<vmem>> -> memref<2x120xi32, #tpu.memory_space<vmem>>
      %dma_start3A_96 = arith.constant 0 : i32
      %dma_start3A_97 = arith.constant 0 : i32
      %dma_start3A_98 = tpu.memref_slice %arg2[%add3A_9, %dma_start3A_96, %dma_start3A_97] : memref<2688x2x120xi32, #tpu.memory_space<hbm>> -> memref<1x2x120xi32, #tpu.memory_space<hbm>>
      %dma_start3A_99 = tpu.memref_squeeze %dma_start3A_98 : memref<1x2x120xi32, #tpu.memory_space<hbm>> -> memref<2x120xi32, #tpu.memory_space<hbm>>
      tpu.enqueue_dma source(%dma_start3A_99 : memref<2x120xi32, #tpu.memory_space<hbm>>) target(%dma_start3A_95 : memref<2x120xi32, #tpu.memory_space<vmem>>) target_semaphore(%run_scoped3A_83 : memref<!tpu.dma_semaphore, #tpu.memory_space<semaphore_mem>>)
      %dma_wait3A_100 = arith.constant 0 : i32
      %dma_wait3A_101 = arith.constant 0 : i32
      %dma_wait3A_102 = tpu.memref_slice %arg6[%run_scoped3A, %dma_wait3A_100, %dma_wait3A_101] : memref<3x2x120xi32, #tpu.memory_space<vmem>> -> memref<1x2x120xi32, #tpu.memory_space<vmem>>
      %dma_wait3A_103 = tpu.memref_squeeze %dma_wait3A_102 : memref<1x2x120xi32, #tpu.memory_space<vmem>> -> memref<2x120xi32, #tpu.memory_space<vmem>>
      %dma_wait3A_104 = arith.constant 0 : i32
      %dma_wait3A_105 = arith.constant 0 : i32
      %dma_wait3A_106 = tpu.memref_slice %arg2[%add3A_9, %dma_wait3A_104, %dma_wait3A_105] : memref<2688x2x120xi32, #tpu.memory_space<hbm>> -> memref<1x2x120xi32, #tpu.memory_space<hbm>>
      %dma_wait3A_107 = tpu.memref_squeeze %dma_wait3A_106 : memref<1x2x120xi32, #tpu.memory_space<hbm>> -> memref<2x120xi32, #tpu.memory_space<hbm>>
      %dma_wait3A_108 = arith.constant 0 : i32
      %dma_wait3A_109 = arith.constant 0 : i32
      %dma_wait3A_110 = tpu.memref_slice %arg6[%run_scoped3A, %dma_wait3A_108, %dma_wait3A_109] : memref<3x2x120xi32, #tpu.memory_space<vmem>> -> memref<1x2x120xi32, #tpu.memory_space<vmem>>
      %dma_wait3A_111 = tpu.memref_squeeze %dma_wait3A_110 : memref<1x2x120xi32, #tpu.memory_space<vmem>> -> memref<2x120xi32, #tpu.memory_space<vmem>>
      %dma_wait3A_112 = arith.constant 0 : i32
      %dma_wait3A_113 = arith.constant 0 : i32
      %dma_wait3A_114 = tpu.memref_slice %arg2[%add3A_9, %dma_wait3A_112, %dma_wait3A_113] : memref<2688x2x120xi32, #tpu.memory_space<hbm>> -> memref<1x2x120xi32, #tpu.memory_space<hbm>>
      %dma_wait3A_115 = tpu.memref_squeeze %dma_wait3A_114 : memref<1x2x120xi32, #tpu.memory_space<hbm>> -> memref<2x120xi32, #tpu.memory_space<hbm>>
      tpu.wait_dma2 semaphore(%run_scoped3A_83 : memref<!tpu.dma_semaphore, #tpu.memory_space<semaphore_mem>>) src(%dma_wait3A_115 : memref<2x120xi32, #tpu.memory_space<hbm>>) dst(%dma_wait3A_111 : memref<2x120xi32, #tpu.memory_space<vmem>>)
      tpu.yield
    }) : () -> ()
    %dma_start3A = arith.constant 0 : i32
    %dma_start3A_10 = arith.constant 0 : i32
    %dma_start3A_11 = arith.constant 0 : i32
    %dma_start3A_12 = tpu.memref_slice %arg6[%dma_start3A, %dma_start3A_10, %dma_start3A_11] : memref<3x2x120xi32, #tpu.memory_space<vmem>> -> memref<1x1x120xi32, #tpu.memory_space<vmem>>
    %dma_start3A_13 = tpu.memref_squeeze %dma_start3A_12 : memref<1x1x120xi32, #tpu.memory_space<vmem>> -> memref<120xi32, #tpu.memory_space<vmem>>
    %dma_start3A_14 = arith.constant 0 : i32
    %dma_start3A_15 = arith.constant 0 : i32
    %dma_start3A_16 = tpu.memref_slice %arg3[%dma_start3A_14, %dma_start3A_15] : memref<80128x128xf32, #tpu.memory_space<hbm>> -> memref<80128x128xf32, #tpu.memory_space<hbm>>
    tpu.enqueue_indirect_dma source(%dma_start3A_16 : memref<80128x128xf32, #tpu.memory_space<hbm>>) target(%arg7 : memref<120x128xf32, #tpu.memory_space<vmem>>) offsets(%dma_start3A_13 : memref<120xi32, #tpu.memory_space<vmem>>) semaphore(%arg11 : memref<!tpu.dma_semaphore, #tpu.memory_space<semaphore_mem>>)
    %add3A_17 = arith.constant 1 : i32
    %add3A_18 = arith.addi %add3A, %add3A_17 : i32
    %run_scoped3A_19 = arith.constant 1 : i32
    "tpu.region"() ({
      %run_scoped3A_83 = tpu.sem_alloc : memref<!tpu.dma_semaphore, #tpu.memory_space<semaphore_mem>>
      %dma_start3A_84 = arith.constant 0 : i32
      %dma_start3A_85 = arith.constant 0 : i32
      %dma_start3A_86 = tpu.memref_slice %arg6[%run_scoped3A_19, %dma_start3A_84, %dma_start3A_85] : memref<3x2x120xi32, #tpu.memory_space<vmem>> -> memref<1x2x120xi32, #tpu.memory_space<vmem>>
      %dma_start3A_87 = tpu.memref_squeeze %dma_start3A_86 : memref<1x2x120xi32, #tpu.memory_space<vmem>> -> memref<2x120xi32, #tpu.memory_space<vmem>>
      %dma_start3A_88 = arith.constant 0 : i32
      %dma_start3A_89 = arith.constant 0 : i32
      %dma_start3A_90 = tpu.memref_slice %arg2[%add3A_18, %dma_start3A_88, %dma_start3A_89] : memref<2688x2x120xi32, #tpu.memory_space<hbm>> -> memref<1x2x120xi32, #tpu.memory_space<hbm>>
      %dma_start3A_91 = tpu.memref_squeeze %dma_start3A_90 : memref<1x2x120xi32, #tpu.memory_space<hbm>> -> memref<2x120xi32, #tpu.memory_space<hbm>>
      %dma_start3A_92 = arith.constant 0 : i32
      %dma_start3A_93 = arith.constant 0 : i32
      %dma_start3A_94 = tpu.memref_slice %arg6[%run_scoped3A_19, %dma_start3A_92, %dma_start3A_93] : memref<3x2x120xi32, #tpu.memory_space<vmem>> -> memref<1x2x120xi32, #tpu.memory_space<vmem>>
      %dma_start3A_95 = tpu.memref_squeeze %dma_start3A_94 : memref<1x2x120xi32, #tpu.memory_space<vmem>> -> memref<2x120xi32, #tpu.memory_space<vmem>>
      %dma_start3A_96 = arith.constant 0 : i32
      %dma_start3A_97 = arith.constant 0 : i32
      %dma_start3A_98 = tpu.memref_slice %arg2[%add3A_18, %dma_start3A_96, %dma_start3A_97] : memref<2688x2x120xi32, #tpu.memory_space<hbm>> -> memref<1x2x120xi32, #tpu.memory_space<hbm>>
      %dma_start3A_99 = tpu.memref_squeeze %dma_start3A_98 : memref<1x2x120xi32, #tpu.memory_space<hbm>> -> memref<2x120xi32, #tpu.memory_space<hbm>>
      tpu.enqueue_dma source(%dma_start3A_99 : memref<2x120xi32, #tpu.memory_space<hbm>>) target(%dma_start3A_95 : memref<2x120xi32, #tpu.memory_space<vmem>>) target_semaphore(%run_scoped3A_83 : memref<!tpu.dma_semaphore, #tpu.memory_space<semaphore_mem>>)
      %dma_wait3A_100 = arith.constant 0 : i32
      %dma_wait3A_101 = arith.constant 0 : i32
      %dma_wait3A_102 = tpu.memref_slice %arg6[%run_scoped3A_19, %dma_wait3A_100, %dma_wait3A_101] : memref<3x2x120xi32, #tpu.memory_space<vmem>> -> memref<1x2x120xi32, #tpu.memory_space<vmem>>
      %dma_wait3A_103 = tpu.memref_squeeze %dma_wait3A_102 : memref<1x2x120xi32, #tpu.memory_space<vmem>> -> memref<2x120xi32, #tpu.memory_space<vmem>>
      %dma_wait3A_104 = arith.constant 0 : i32
      %dma_wait3A_105 = arith.constant 0 : i32
      %dma_wait3A_106 = tpu.memref_slice %arg2[%add3A_18, %dma_wait3A_104, %dma_wait3A_105] : memref<2688x2x120xi32, #tpu.memory_space<hbm>> -> memref<1x2x120xi32, #tpu.memory_space<hbm>>
      %dma_wait3A_107 = tpu.memref_squeeze %dma_wait3A_106 : memref<1x2x120xi32, #tpu.memory_space<hbm>> -> memref<2x120xi32, #tpu.memory_space<hbm>>
      %dma_wait3A_108 = arith.constant 0 : i32
      %dma_wait3A_109 = arith.constant 0 : i32
      %dma_wait3A_110 = tpu.memref_slice %arg6[%run_scoped3A_19, %dma_wait3A_108, %dma_wait3A_109] : memref<3x2x120xi32, #tpu.memory_space<vmem>> -> memref<1x2x120xi32, #tpu.memory_space<vmem>>
      %dma_wait3A_111 = tpu.memref_squeeze %dma_wait3A_110 : memref<1x2x120xi32, #tpu.memory_space<vmem>> -> memref<2x120xi32, #tpu.memory_space<vmem>>
      %dma_wait3A_112 = arith.constant 0 : i32
      %dma_wait3A_113 = arith.constant 0 : i32
      %dma_wait3A_114 = tpu.memref_slice %arg2[%add3A_18, %dma_wait3A_112, %dma_wait3A_113] : memref<2688x2x120xi32, #tpu.memory_space<hbm>> -> memref<1x2x120xi32, #tpu.memory_space<hbm>>
      %dma_wait3A_115 = tpu.memref_squeeze %dma_wait3A_114 : memref<1x2x120xi32, #tpu.memory_space<hbm>> -> memref<2x120xi32, #tpu.memory_space<hbm>>
      tpu.wait_dma2 semaphore(%run_scoped3A_83 : memref<!tpu.dma_semaphore, #tpu.memory_space<semaphore_mem>>) src(%dma_wait3A_115 : memref<2x120xi32, #tpu.memory_space<hbm>>) dst(%dma_wait3A_111 : memref<2x120xi32, #tpu.memory_space<vmem>>)
      tpu.yield
    }) : () -> ()
    %dma_start3A_20 = arith.constant 1 : i32
    %dma_start3A_21 = arith.constant 0 : i32
    %dma_start3A_22 = arith.constant 0 : i32
    %dma_start3A_23 = tpu.memref_slice %arg6[%dma_start3A_20, %dma_start3A_21, %dma_start3A_22] : memref<3x2x120xi32, #tpu.memory_space<vmem>> -> memref<1x1x120xi32, #tpu.memory_space<vmem>>
    %dma_start3A_24 = tpu.memref_squeeze %dma_start3A_23 : memref<1x1x120xi32, #tpu.memory_space<vmem>> -> memref<120xi32, #tpu.memory_space<vmem>>
    %dma_start3A_25 = arith.constant 0 : i32
    %dma_start3A_26 = arith.constant 0 : i32
    %dma_start3A_27 = tpu.memref_slice %arg3[%dma_start3A_25, %dma_start3A_26] : memref<80128x128xf32, #tpu.memory_space<hbm>> -> memref<80128x128xf32, #tpu.memory_space<hbm>>
    tpu.enqueue_indirect_dma source(%dma_start3A_27 : memref<80128x128xf32, #tpu.memory_space<hbm>>) target(%arg8 : memref<120x128xf32, #tpu.memory_space<vmem>>) offsets(%dma_start3A_24 : memref<120xi32, #tpu.memory_space<vmem>>) semaphore(%arg12 : memref<!tpu.dma_semaphore, #tpu.memory_space<semaphore_mem>>)
    %add3A_28 = arith.constant 2 : i32
    %add3A_29 = arith.addi %add3A, %add3A_28 : i32
    %run_scoped3A_30 = arith.constant 2 : i32
    "tpu.region"() ({
      %run_scoped3A_83 = tpu.sem_alloc : memref<!tpu.dma_semaphore, #tpu.memory_space<semaphore_mem>>
      %dma_start3A_84 = arith.constant 0 : i32
      %dma_start3A_85 = arith.constant 0 : i32
      %dma_start3A_86 = tpu.memref_slice %arg6[%run_scoped3A_30, %dma_start3A_84, %dma_start3A_85] : memref<3x2x120xi32, #tpu.memory_space<vmem>> -> memref<1x2x120xi32, #tpu.memory_space<vmem>>
      %dma_start3A_87 = tpu.memref_squeeze %dma_start3A_86 : memref<1x2x120xi32, #tpu.memory_space<vmem>> -> memref<2x120xi32, #tpu.memory_space<vmem>>
      %dma_start3A_88 = arith.constant 0 : i32
      %dma_start3A_89 = arith.constant 0 : i32
      %dma_start3A_90 = tpu.memref_slice %arg2[%add3A_29, %dma_start3A_88, %dma_start3A_89] : memref<2688x2x120xi32, #tpu.memory_space<hbm>> -> memref<1x2x120xi32, #tpu.memory_space<hbm>>
      %dma_start3A_91 = tpu.memref_squeeze %dma_start3A_90 : memref<1x2x120xi32, #tpu.memory_space<hbm>> -> memref<2x120xi32, #tpu.memory_space<hbm>>
      %dma_start3A_92 = arith.constant 0 : i32
      %dma_start3A_93 = arith.constant 0 : i32
      %dma_start3A_94 = tpu.memref_slice %arg6[%run_scoped3A_30, %dma_start3A_92, %dma_start3A_93] : memref<3x2x120xi32, #tpu.memory_space<vmem>> -> memref<1x2x120xi32, #tpu.memory_space<vmem>>
      %dma_start3A_95 = tpu.memref_squeeze %dma_start3A_94 : memref<1x2x120xi32, #tpu.memory_space<vmem>> -> memref<2x120xi32, #tpu.memory_space<vmem>>
      %dma_start3A_96 = arith.constant 0 : i32
      %dma_start3A_97 = arith.constant 0 : i32
      %dma_start3A_98 = tpu.memref_slice %arg2[%add3A_29, %dma_start3A_96, %dma_start3A_97] : memref<2688x2x120xi32, #tpu.memory_space<hbm>> -> memref<1x2x120xi32, #tpu.memory_space<hbm>>
      %dma_start3A_99 = tpu.memref_squeeze %dma_start3A_98 : memref<1x2x120xi32, #tpu.memory_space<hbm>> -> memref<2x120xi32, #tpu.memory_space<hbm>>
      tpu.enqueue_dma source(%dma_start3A_99 : memref<2x120xi32, #tpu.memory_space<hbm>>) target(%dma_start3A_95 : memref<2x120xi32, #tpu.memory_space<vmem>>) target_semaphore(%run_scoped3A_83 : memref<!tpu.dma_semaphore, #tpu.memory_space<semaphore_mem>>)
      %dma_wait3A_100 = arith.constant 0 : i32
      %dma_wait3A_101 = arith.constant 0 : i32
      %dma_wait3A_102 = tpu.memref_slice %arg6[%run_scoped3A_30, %dma_wait3A_100, %dma_wait3A_101] : memref<3x2x120xi32, #tpu.memory_space<vmem>> -> memref<1x2x120xi32, #tpu.memory_space<vmem>>
      %dma_wait3A_103 = tpu.memref_squeeze %dma_wait3A_102 : memref<1x2x120xi32, #tpu.memory_space<vmem>> -> memref<2x120xi32, #tpu.memory_space<vmem>>
      %dma_wait3A_104 = arith.constant 0 : i32
      %dma_wait3A_105 = arith.constant 0 : i32
      %dma_wait3A_106 = tpu.memref_slice %arg2[%add3A_29, %dma_wait3A_104, %dma_wait3A_105] : memref<2688x2x120xi32, #tpu.memory_space<hbm>> -> memref<1x2x120xi32, #tpu.memory_space<hbm>>
      %dma_wait3A_107 = tpu.memref_squeeze %dma_wait3A_106 : memref<1x2x120xi32, #tpu.memory_space<hbm>> -> memref<2x120xi32, #tpu.memory_space<hbm>>
      %dma_wait3A_108 = arith.constant 0 : i32
      %dma_wait3A_109 = arith.constant 0 : i32
      %dma_wait3A_110 = tpu.memref_slice %arg6[%run_scoped3A_30, %dma_wait3A_108, %dma_wait3A_109] : memref<3x2x120xi32, #tpu.memory_space<vmem>> -> memref<1x2x120xi32, #tpu.memory_space<vmem>>
      %dma_wait3A_111 = tpu.memref_squeeze %dma_wait3A_110 : memref<1x2x120xi32, #tpu.memory_space<vmem>> -> memref<2x120xi32, #tpu.memory_space<vmem>>
      %dma_wait3A_112 = arith.constant 0 : i32
      %dma_wait3A_113 = arith.constant 0 : i32
      %dma_wait3A_114 = tpu.memref_slice %arg2[%add3A_29, %dma_wait3A_112, %dma_wait3A_113] : memref<2688x2x120xi32, #tpu.memory_space<hbm>> -> memref<1x2x120xi32, #tpu.memory_space<hbm>>
      %dma_wait3A_115 = tpu.memref_squeeze %dma_wait3A_114 : memref<1x2x120xi32, #tpu.memory_space<hbm>> -> memref<2x120xi32, #tpu.memory_space<hbm>>
      tpu.wait_dma2 semaphore(%run_scoped3A_83 : memref<!tpu.dma_semaphore, #tpu.memory_space<semaphore_mem>>) src(%dma_wait3A_115 : memref<2x120xi32, #tpu.memory_space<hbm>>) dst(%dma_wait3A_111 : memref<2x120xi32, #tpu.memory_space<vmem>>)
      tpu.yield
    }) : () -> ()
    %dma_start3A_31 = arith.constant 2 : i32
    %dma_start3A_32 = arith.constant 0 : i32
    %dma_start3A_33 = arith.constant 0 : i32
    %dma_start3A_34 = tpu.memref_slice %arg6[%dma_start3A_31, %dma_start3A_32, %dma_start3A_33] : memref<3x2x120xi32, #tpu.memory_space<vmem>> -> memref<1x1x120xi32, #tpu.memory_space<vmem>>
    %dma_start3A_35 = tpu.memref_squeeze %dma_start3A_34 : memref<1x1x120xi32, #tpu.memory_space<vmem>> -> memref<120xi32, #tpu.memory_space<vmem>>
    %dma_start3A_36 = arith.constant 0 : i32
    %dma_start3A_37 = arith.constant 0 : i32
    %dma_start3A_38 = tpu.memref_slice %arg3[%dma_start3A_36, %dma_start3A_37] : memref<80128x128xf32, #tpu.memory_space<hbm>> -> memref<80128x128xf32, #tpu.memory_space<hbm>>
    tpu.enqueue_indirect_dma source(%dma_start3A_38 : memref<80128x128xf32, #tpu.memory_space<hbm>>) target(%arg9 : memref<120x128xf32, #tpu.memory_space<vmem>>) offsets(%dma_start3A_35 : memref<120xi32, #tpu.memory_space<vmem>>) semaphore(%arg13 : memref<!tpu.dma_semaphore, #tpu.memory_space<semaphore_mem>>)
    %while3A = arith.constant 0 : i32
    %while3A_39 = arith.constant 0 : i32
    %while3A_40 = arith.subi %select_n3A, %while3A_39 : i32
    %while3A_41 = arith.addi %while3A_39, %while3A_40 : i32
    %while3A_42 = arith.constant 1 : i32
    %while3A_43 = arith.divsi %while3A_40, %while3A_42 : i32
    %while3A_44 = arith.muli %while3A_43, %while3A_42 : i32
    %while3A_45 = arith.addi %while3A_39, %while3A_44 : i32
    %while3A_46 = arith.constant 1 : i32
    scf.for %while3A_83 = %while3A_39 to %while3A_45 step %while3A_46  : i32 {
      %mul3A_84 = arith.constant 3 : i32
      %mul3A_85 = arith.muli %while3A_83, %mul3A_84 : i32
      %add3A_86 = arith.constant 0 : i32
      %add3A_87 = arith.addi %mul3A_85, %add3A_86 : i32
      %dma_wait3A_88 = arith.constant 0 : i32
      %dma_wait3A_89 = arith.constant 0 : i32
      %dma_wait3A_90 = arith.constant 0 : i32
      %dma_wait3A_91 = tpu.memref_slice %arg6[%dma_wait3A_88, %dma_wait3A_89, %dma_wait3A_90] : memref<3x2x120xi32, #tpu.memory_space<vmem>> -> memref<1x1x120xi32, #tpu.memory_space<vmem>>
      %dma_wait3A_92 = tpu.memref_squeeze %dma_wait3A_91 : memref<1x1x120xi32, #tpu.memory_space<vmem>> -> memref<120xi32, #tpu.memory_space<vmem>>
      %dma_wait3A_93 = arith.constant 0 : i32
      %dma_wait3A_94 = arith.constant 0 : i32
      %dma_wait3A_95 = tpu.memref_slice %arg3[%dma_wait3A_93, %dma_wait3A_94] : memref<80128x128xf32, #tpu.memory_space<hbm>> -> memref<80128x128xf32, #tpu.memory_space<hbm>>
      tpu.wait_indirect_dma semaphore(%arg11 : memref<!tpu.dma_semaphore, #tpu.memory_space<semaphore_mem>>) src(%dma_wait3A_95 : memref<80128x128xf32, #tpu.memory_space<hbm>>) dst(%arg7 : memref<120x128xf32, #tpu.memory_space<vmem>>)
      %run_scoped3A_96 = arith.constant 0 : i32
      %run_scoped3A_97 = arith.constant 1 : i32
      "tpu.region"() ({
        %run_scoped3A_162 = tpu.sem_alloc : memref<!tpu.dma_semaphore, #tpu.memory_space<semaphore_mem>>
        %dma_start3A_163 = arith.constant 0 : i32
        %dma_start3A_164 = tpu.memref_slice %arg6[%run_scoped3A_96, %run_scoped3A_97, %dma_start3A_163] : memref<3x2x120xi32, #tpu.memory_space<vmem>> -> memref<1x1x120xi32, #tpu.memory_space<vmem>>
        %dma_start3A_165 = tpu.memref_squeeze %dma_start3A_164 : memref<1x1x120xi32, #tpu.memory_space<vmem>> -> memref<120xi32, #tpu.memory_space<vmem>>
        %dma_start3A_166 = arith.constant 0 : i32
        %dma_start3A_167 = arith.constant 0 : i32
        %dma_start3A_168 = tpu.memref_slice %arg10[%dma_start3A_166, %dma_start3A_167] : memref<10016x128xf32, #tpu.memory_space<vmem_shared>> -> memref<10016x128xf32, #tpu.memory_space<vmem_shared>>
        tpu.enqueue_indirect_dma source(%arg7 : memref<120x128xf32, #tpu.memory_space<vmem>>) target(%dma_start3A_168 : memref<10016x128xf32, #tpu.memory_space<vmem_shared>>) offsets(%dma_start3A_165 : memref<120xi32, #tpu.memory_space<vmem>>) semaphore(%run_scoped3A_162 : memref<!tpu.dma_semaphore, #tpu.memory_space<semaphore_mem>>) {add = true}
        %dma_wait3A_169 = arith.constant 0 : i32
        %dma_wait3A_170 = tpu.memref_slice %arg6[%run_scoped3A_96, %run_scoped3A_97, %dma_wait3A_169] : memref<3x2x120xi32, #tpu.memory_space<vmem>> -> memref<1x1x120xi32, #tpu.memory_space<vmem>>
        %dma_wait3A_171 = tpu.memref_squeeze %dma_wait3A_170 : memref<1x1x120xi32, #tpu.memory_space<vmem>> -> memref<120xi32, #tpu.memory_space<vmem>>
        %dma_wait3A_172 = arith.constant 0 : i32
        %dma_wait3A_173 = arith.constant 0 : i32
        %dma_wait3A_174 = tpu.memref_slice %arg10[%dma_wait3A_172, %dma_wait3A_173] : memref<10016x128xf32, #tpu.memory_space<vmem_shared>> -> memref<10016x128xf32, #tpu.memory_space<vmem_shared>>
        tpu.wait_indirect_dma semaphore(%run_scoped3A_162 : memref<!tpu.dma_semaphore, #tpu.memory_space<semaphore_mem>>) src(%arg7 : memref<120x128xf32, #tpu.memory_space<vmem>>) dst(%dma_wait3A_174 : memref<10016x128xf32, #tpu.memory_space<vmem_shared>>)
        tpu.yield
      }) : () -> ()
      %add3A_98 = arith.addi %add3A, %add3A_87 : i32
      %add3A_99 = arith.constant 3 : i32
      %add3A_100 = arith.addi %add3A_98, %add3A_99 : i32
      %run_scoped3A_101 = arith.constant 0 : i32
      "tpu.region"() ({
        %run_scoped3A_162 = tpu.sem_alloc : memref<!tpu.dma_semaphore, #tpu.memory_space<semaphore_mem>>
        %dma_start3A_163 = arith.constant 0 : i32
        %dma_start3A_164 = arith.constant 0 : i32
        %dma_start3A_165 = tpu.memref_slice %arg6[%run_scoped3A_101, %dma_start3A_163, %dma_start3A_164] : memref<3x2x120xi32, #tpu.memory_space<vmem>> -> memref<1x2x120xi32, #tpu.memory_space<vmem>>
        %dma_start3A_166 = tpu.memref_squeeze %dma_start3A_165 : memref<1x2x120xi32, #tpu.memory_space<vmem>> -> memref<2x120xi32, #tpu.memory_space<vmem>>
        %dma_start3A_167 = arith.constant 0 : i32
        %dma_start3A_168 = arith.constant 0 : i32
        %dma_start3A_169 = tpu.memref_slice %arg2[%add3A_100, %dma_start3A_167, %dma_start3A_168] : memref<2688x2x120xi32, #tpu.memory_space<hbm>> -> memref<1x2x120xi32, #tpu.memory_space<hbm>>
        %dma_start3A_170 = tpu.memref_squeeze %dma_start3A_169 : memref<1x2x120xi32, #tpu.memory_space<hbm>> -> memref<2x120xi32, #tpu.memory_space<hbm>>
        %dma_start3A_171 = arith.constant 0 : i32
        %dma_start3A_172 = arith.constant 0 : i32
        %dma_start3A_173 = tpu.memref_slice %arg6[%run_scoped3A_101, %dma_start3A_171, %dma_start3A_172] : memref<3x2x120xi32, #tpu.memory_space<vmem>> -> memref<1x2x120xi32, #tpu.memory_space<vmem>>
        %dma_start3A_174 = tpu.memref_squeeze %dma_start3A_173 : memref<1x2x120xi32, #tpu.memory_space<vmem>> -> memref<2x120xi32, #tpu.memory_space<vmem>>
        %dma_start3A_175 = arith.constant 0 : i32
        %dma_start3A_176 = arith.constant 0 : i32
        %dma_start3A_177 = tpu.memref_slice %arg2[%add3A_100, %dma_start3A_175, %dma_start3A_176] : memref<2688x2x120xi32, #tpu.memory_space<hbm>> -> memref<1x2x120xi32, #tpu.memory_space<hbm>>
        %dma_start3A_178 = tpu.memref_squeeze %dma_start3A_177 : memref<1x2x120xi32, #tpu.memory_space<hbm>> -> memref<2x120xi32, #tpu.memory_space<hbm>>
        tpu.enqueue_dma source(%dma_start3A_178 : memref<2x120xi32, #tpu.memory_space<hbm>>) target(%dma_start3A_174 : memref<2x120xi32, #tpu.memory_space<vmem>>) target_semaphore(%run_scoped3A_162 : memref<!tpu.dma_semaphore, #tpu.memory_space<semaphore_mem>>)
        %dma_wait3A_179 = arith.constant 0 : i32
        %dma_wait3A_180 = arith.constant 0 : i32
        %dma_wait3A_181 = tpu.memref_slice %arg6[%run_scoped3A_101, %dma_wait3A_179, %dma_wait3A_180] : memref<3x2x120xi32, #tpu.memory_space<vmem>> -> memref<1x2x120xi32, #tpu.memory_space<vmem>>
        %dma_wait3A_182 = tpu.memref_squeeze %dma_wait3A_181 : memref<1x2x120xi32, #tpu.memory_space<vmem>> -> memref<2x120xi32, #tpu.memory_space<vmem>>
        %dma_wait3A_183 = arith.constant 0 : i32
        %dma_wait3A_184 = arith.constant 0 : i32
        %dma_wait3A_185 = tpu.memref_slice %arg2[%add3A_100, %dma_wait3A_183, %dma_wait3A_184] : memref<2688x2x120xi32, #tpu.memory_space<hbm>> -> memref<1x2x120xi32, #tpu.memory_space<hbm>>
        %dma_wait3A_186 = tpu.memref_squeeze %dma_wait3A_185 : memref<1x2x120xi32, #tpu.memory_space<hbm>> -> memref<2x120xi32, #tpu.memory_space<hbm>>
        %dma_wait3A_187 = arith.constant 0 : i32
        %dma_wait3A_188 = arith.constant 0 : i32
        %dma_wait3A_189 = tpu.memref_slice %arg6[%run_scoped3A_101, %dma_wait3A_187, %dma_wait3A_188] : memref<3x2x120xi32, #tpu.memory_space<vmem>> -> memref<1x2x120xi32, #tpu.memory_space<vmem>>
        %dma_wait3A_190 = tpu.memref_squeeze %dma_wait3A_189 : memref<1x2x120xi32, #tpu.memory_space<vmem>> -> memref<2x120xi32, #tpu.memory_space<vmem>>
        %dma_wait3A_191 = arith.constant 0 : i32
        %dma_wait3A_192 = arith.constant 0 : i32
        %dma_wait3A_193 = tpu.memref_slice %arg2[%add3A_100, %dma_wait3A_191, %dma_wait3A_192] : memref<2688x2x120xi32, #tpu.memory_space<hbm>> -> memref<1x2x120xi32, #tpu.memory_space<hbm>>
        %dma_wait3A_194 = tpu.memref_squeeze %dma_wait3A_193 : memref<1x2x120xi32, #tpu.memory_space<hbm>> -> memref<2x120xi32, #tpu.memory_space<hbm>>
        tpu.wait_dma2 semaphore(%run_scoped3A_162 : memref<!tpu.dma_semaphore, #tpu.memory_space<semaphore_mem>>) src(%dma_wait3A_194 : memref<2x120xi32, #tpu.memory_space<hbm>>) dst(%dma_wait3A_190 : memref<2x120xi32, #tpu.memory_space<vmem>>)
        tpu.yield
      }) : () -> ()
      %dma_start3A_102 = arith.constant 0 : i32
      %dma_start3A_103 = arith.constant 0 : i32
      %dma_start3A_104 = arith.constant 0 : i32
      %dma_start3A_105 = tpu.memref_slice %arg6[%dma_start3A_102, %dma_start3A_103, %dma_start3A_104] : memref<3x2x120xi32, #tpu.memory_space<vmem>> -> memref<1x1x120xi32, #tpu.memory_space<vmem>>
      %dma_start3A_106 = tpu.memref_squeeze %dma_start3A_105 : memref<1x1x120xi32, #tpu.memory_space<vmem>> -> memref<120xi32, #tpu.memory_space<vmem>>
      %dma_start3A_107 = arith.constant 0 : i32
      %dma_start3A_108 = arith.constant 0 : i32
      %dma_start3A_109 = tpu.memref_slice %arg3[%dma_start3A_107, %dma_start3A_108] : memref<80128x128xf32, #tpu.memory_space<hbm>> -> memref<80128x128xf32, #tpu.memory_space<hbm>>
      tpu.enqueue_indirect_dma source(%dma_start3A_109 : memref<80128x128xf32, #tpu.memory_space<hbm>>) target(%arg7 : memref<120x128xf32, #tpu.memory_space<vmem>>) offsets(%dma_start3A_106 : memref<120xi32, #tpu.memory_space<vmem>>) semaphore(%arg11 : memref<!tpu.dma_semaphore, #tpu.memory_space<semaphore_mem>>)
      %mul3A_110 = arith.constant 3 : i32
      %mul3A_111 = arith.muli %while3A_83, %mul3A_110 : i32
      %add3A_112 = arith.constant 1 : i32
      %add3A_113 = arith.addi %mul3A_111, %add3A_112 : i32
      %dma_wait3A_114 = arith.constant 1 : i32
      %dma_wait3A_115 = arith.constant 0 : i32
      %dma_wait3A_116 = arith.constant 0 : i32
      %dma_wait3A_117 = tpu.memref_slice %arg6[%dma_wait3A_114, %dma_wait3A_115, %dma_wait3A_116] : memref<3x2x120xi32, #tpu.memory_space<vmem>> -> memref<1x1x120xi32, #tpu.memory_space<vmem>>
      %dma_wait3A_118 = tpu.memref_squeeze %dma_wait3A_117 : memref<1x1x120xi32, #tpu.memory_space<vmem>> -> memref<120xi32, #tpu.memory_space<vmem>>
      %dma_wait3A_119 = arith.constant 0 : i32
      %dma_wait3A_120 = arith.constant 0 : i32
      %dma_wait3A_121 = tpu.memref_slice %arg3[%dma_wait3A_119, %dma_wait3A_120] : memref<80128x128xf32, #tpu.memory_space<hbm>> -> memref<80128x128xf32, #tpu.memory_space<hbm>>
      tpu.wait_indirect_dma semaphore(%arg12 : memref<!tpu.dma_semaphore, #tpu.memory_space<semaphore_mem>>) src(%dma_wait3A_121 : memref<80128x128xf32, #tpu.memory_space<hbm>>) dst(%arg8 : memref<120x128xf32, #tpu.memory_space<vmem>>)
      %run_scoped3A_122 = arith.constant 1 : i32
      %run_scoped3A_123 = arith.constant 1 : i32
      "tpu.region"() ({
        %run_scoped3A_162 = tpu.sem_alloc : memref<!tpu.dma_semaphore, #tpu.memory_space<semaphore_mem>>
        %dma_start3A_163 = arith.constant 0 : i32
        %dma_start3A_164 = tpu.memref_slice %arg6[%run_scoped3A_122, %run_scoped3A_123, %dma_start3A_163] : memref<3x2x120xi32, #tpu.memory_space<vmem>> -> memref<1x1x120xi32, #tpu.memory_space<vmem>>
        %dma_start3A_165 = tpu.memref_squeeze %dma_start3A_164 : memref<1x1x120xi32, #tpu.memory_space<vmem>> -> memref<120xi32, #tpu.memory_space<vmem>>
        %dma_start3A_166 = arith.constant 0 : i32
        %dma_start3A_167 = arith.constant 0 : i32
        %dma_start3A_168 = tpu.memref_slice %arg10[%dma_start3A_166, %dma_start3A_167] : memref<10016x128xf32, #tpu.memory_space<vmem_shared>> -> memref<10016x128xf32, #tpu.memory_space<vmem_shared>>
        tpu.enqueue_indirect_dma source(%arg8 : memref<120x128xf32, #tpu.memory_space<vmem>>) target(%dma_start3A_168 : memref<10016x128xf32, #tpu.memory_space<vmem_shared>>) offsets(%dma_start3A_165 : memref<120xi32, #tpu.memory_space<vmem>>) semaphore(%run_scoped3A_162 : memref<!tpu.dma_semaphore, #tpu.memory_space<semaphore_mem>>) {add = true}
        %dma_wait3A_169 = arith.constant 0 : i32
        %dma_wait3A_170 = tpu.memref_slice %arg6[%run_scoped3A_122, %run_scoped3A_123, %dma_wait3A_169] : memref<3x2x120xi32, #tpu.memory_space<vmem>> -> memref<1x1x120xi32, #tpu.memory_space<vmem>>
        %dma_wait3A_171 = tpu.memref_squeeze %dma_wait3A_170 : memref<1x1x120xi32, #tpu.memory_space<vmem>> -> memref<120xi32, #tpu.memory_space<vmem>>
        %dma_wait3A_172 = arith.constant 0 : i32
        %dma_wait3A_173 = arith.constant 0 : i32
        %dma_wait3A_174 = tpu.memref_slice %arg10[%dma_wait3A_172, %dma_wait3A_173] : memref<10016x128xf32, #tpu.memory_space<vmem_shared>> -> memref<10016x128xf32, #tpu.memory_space<vmem_shared>>
        tpu.wait_indirect_dma semaphore(%run_scoped3A_162 : memref<!tpu.dma_semaphore, #tpu.memory_space<semaphore_mem>>) src(%arg8 : memref<120x128xf32, #tpu.memory_space<vmem>>) dst(%dma_wait3A_174 : memref<10016x128xf32, #tpu.memory_space<vmem_shared>>)
        tpu.yield
      }) : () -> ()
      %add3A_124 = arith.addi %add3A, %add3A_113 : i32
      %add3A_125 = arith.constant 3 : i32
      %add3A_126 = arith.addi %add3A_124, %add3A_125 : i32
      %run_scoped3A_127 = arith.constant 1 : i32
      "tpu.region"() ({
        %run_scoped3A_162 = tpu.sem_alloc : memref<!tpu.dma_semaphore, #tpu.memory_space<semaphore_mem>>
        %dma_start3A_163 = arith.constant 0 : i32
        %dma_start3A_164 = arith.constant 0 : i32
        %dma_start3A_165 = tpu.memref_slice %arg6[%run_scoped3A_127, %dma_start3A_163, %dma_start3A_164] : memref<3x2x120xi32, #tpu.memory_space<vmem>> -> memref<1x2x120xi32, #tpu.memory_space<vmem>>
        %dma_start3A_166 = tpu.memref_squeeze %dma_start3A_165 : memref<1x2x120xi32, #tpu.memory_space<vmem>> -> memref<2x120xi32, #tpu.memory_space<vmem>>
        %dma_start3A_167 = arith.constant 0 : i32
        %dma_start3A_168 = arith.constant 0 : i32
        %dma_start3A_169 = tpu.memref_slice %arg2[%add3A_126, %dma_start3A_167, %dma_start3A_168] : memref<2688x2x120xi32, #tpu.memory_space<hbm>> -> memref<1x2x120xi32, #tpu.memory_space<hbm>>
        %dma_start3A_170 = tpu.memref_squeeze %dma_start3A_169 : memref<1x2x120xi32, #tpu.memory_space<hbm>> -> memref<2x120xi32, #tpu.memory_space<hbm>>
        %dma_start3A_171 = arith.constant 0 : i32
        %dma_start3A_172 = arith.constant 0 : i32
        %dma_start3A_173 = tpu.memref_slice %arg6[%run_scoped3A_127, %dma_start3A_171, %dma_start3A_172] : memref<3x2x120xi32, #tpu.memory_space<vmem>> -> memref<1x2x120xi32, #tpu.memory_space<vmem>>
        %dma_start3A_174 = tpu.memref_squeeze %dma_start3A_173 : memref<1x2x120xi32, #tpu.memory_space<vmem>> -> memref<2x120xi32, #tpu.memory_space<vmem>>
        %dma_start3A_175 = arith.constant 0 : i32
        %dma_start3A_176 = arith.constant 0 : i32
        %dma_start3A_177 = tpu.memref_slice %arg2[%add3A_126, %dma_start3A_175, %dma_start3A_176] : memref<2688x2x120xi32, #tpu.memory_space<hbm>> -> memref<1x2x120xi32, #tpu.memory_space<hbm>>
        %dma_start3A_178 = tpu.memref_squeeze %dma_start3A_177 : memref<1x2x120xi32, #tpu.memory_space<hbm>> -> memref<2x120xi32, #tpu.memory_space<hbm>>
        tpu.enqueue_dma source(%dma_start3A_178 : memref<2x120xi32, #tpu.memory_space<hbm>>) target(%dma_start3A_174 : memref<2x120xi32, #tpu.memory_space<vmem>>) target_semaphore(%run_scoped3A_162 : memref<!tpu.dma_semaphore, #tpu.memory_space<semaphore_mem>>)
        %dma_wait3A_179 = arith.constant 0 : i32
        %dma_wait3A_180 = arith.constant 0 : i32
        %dma_wait3A_181 = tpu.memref_slice %arg6[%run_scoped3A_127, %dma_wait3A_179, %dma_wait3A_180] : memref<3x2x120xi32, #tpu.memory_space<vmem>> -> memref<1x2x120xi32, #tpu.memory_space<vmem>>
        %dma_wait3A_182 = tpu.memref_squeeze %dma_wait3A_181 : memref<1x2x120xi32, #tpu.memory_space<vmem>> -> memref<2x120xi32, #tpu.memory_space<vmem>>
        %dma_wait3A_183 = arith.constant 0 : i32
        %dma_wait3A_184 = arith.constant 0 : i32
        %dma_wait3A_185 = tpu.memref_slice %arg2[%add3A_126, %dma_wait3A_183, %dma_wait3A_184] : memref<2688x2x120xi32, #tpu.memory_space<hbm>> -> memref<1x2x120xi32, #tpu.memory_space<hbm>>
        %dma_wait3A_186 = tpu.memref_squeeze %dma_wait3A_185 : memref<1x2x120xi32, #tpu.memory_space<hbm>> -> memref<2x120xi32, #tpu.memory_space<hbm>>
        %dma_wait3A_187 = arith.constant 0 : i32
        %dma_wait3A_188 = arith.constant 0 : i32
        %dma_wait3A_189 = tpu.memref_slice %arg6[%run_scoped3A_127, %dma_wait3A_187, %dma_wait3A_188] : memref<3x2x120xi32, #tpu.memory_space<vmem>> -> memref<1x2x120xi32, #tpu.memory_space<vmem>>
        %dma_wait3A_190 = tpu.memref_squeeze %dma_wait3A_189 : memref<1x2x120xi32, #tpu.memory_space<vmem>> -> memref<2x120xi32, #tpu.memory_space<vmem>>
        %dma_wait3A_191 = arith.constant 0 : i32
        %dma_wait3A_192 = arith.constant 0 : i32
        %dma_wait3A_193 = tpu.memref_slice %arg2[%add3A_126, %dma_wait3A_191, %dma_wait3A_192] : memref<2688x2x120xi32, #tpu.memory_space<hbm>> -> memref<1x2x120xi32, #tpu.memory_space<hbm>>
        %dma_wait3A_194 = tpu.memref_squeeze %dma_wait3A_193 : memref<1x2x120xi32, #tpu.memory_space<hbm>> -> memref<2x120xi32, #tpu.memory_space<hbm>>
        tpu.wait_dma2 semaphore(%run_scoped3A_162 : memref<!tpu.dma_semaphore, #tpu.memory_space<semaphore_mem>>) src(%dma_wait3A_194 : memref<2x120xi32, #tpu.memory_space<hbm>>) dst(%dma_wait3A_190 : memref<2x120xi32, #tpu.memory_space<vmem>>)
        tpu.yield
      }) : () -> ()
      %dma_start3A_128 = arith.constant 1 : i32
      %dma_start3A_129 = arith.constant 0 : i32
      %dma_start3A_130 = arith.constant 0 : i32
      %dma_start3A_131 = tpu.memref_slice %arg6[%dma_start3A_128, %dma_start3A_129, %dma_start3A_130] : memref<3x2x120xi32, #tpu.memory_space<vmem>> -> memref<1x1x120xi32, #tpu.memory_space<vmem>>
      %dma_start3A_132 = tpu.memref_squeeze %dma_start3A_131 : memref<1x1x120xi32, #tpu.memory_space<vmem>> -> memref<120xi32, #tpu.memory_space<vmem>>
      %dma_start3A_133 = arith.constant 0 : i32
      %dma_start3A_134 = arith.constant 0 : i32
      %dma_start3A_135 = tpu.memref_slice %arg3[%dma_start3A_133, %dma_start3A_134] : memref<80128x128xf32, #tpu.memory_space<hbm>> -> memref<80128x128xf32, #tpu.memory_space<hbm>>
      tpu.enqueue_indirect_dma source(%dma_start3A_135 : memref<80128x128xf32, #tpu.memory_space<hbm>>) target(%arg8 : memref<120x128xf32, #tpu.memory_space<vmem>>) offsets(%dma_start3A_132 : memref<120xi32, #tpu.memory_space<vmem>>) semaphore(%arg12 : memref<!tpu.dma_semaphore, #tpu.memory_space<semaphore_mem>>)
      %mul3A_136 = arith.constant 3 : i32
      %mul3A_137 = arith.muli %while3A_83, %mul3A_136 : i32
      %add3A_138 = arith.constant 2 : i32
      %add3A_139 = arith.addi %mul3A_137, %add3A_138 : i32
      %dma_wait3A_140 = arith.constant 2 : i32
      %dma_wait3A_141 = arith.constant 0 : i32
      %dma_wait3A_142 = arith.constant 0 : i32
      %dma_wait3A_143 = tpu.memref_slice %arg6[%dma_wait3A_140, %dma_wait3A_141, %dma_wait3A_142] : memref<3x2x120xi32, #tpu.memory_space<vmem>> -> memref<1x1x120xi32, #tpu.memory_space<vmem>>
      %dma_wait3A_144 = tpu.memref_squeeze %dma_wait3A_143 : memref<1x1x120xi32, #tpu.memory_space<vmem>> -> memref<120xi32, #tpu.memory_space<vmem>>
      %dma_wait3A_145 = arith.constant 0 : i32
      %dma_wait3A_146 = arith.constant 0 : i32
      %dma_wait3A_147 = tpu.memref_slice %arg3[%dma_wait3A_145, %dma_wait3A_146] : memref<80128x128xf32, #tpu.memory_space<hbm>> -> memref<80128x128xf32, #tpu.memory_space<hbm>>
      tpu.wait_indirect_dma semaphore(%arg13 : memref<!tpu.dma_semaphore, #tpu.memory_space<semaphore_mem>>) src(%dma_wait3A_147 : memref<80128x128xf32, #tpu.memory_space<hbm>>) dst(%arg9 : memref<120x128xf32, #tpu.memory_space<vmem>>)
      %run_scoped3A_148 = arith.constant 2 : i32
      %run_scoped3A_149 = arith.constant 1 : i32
      "tpu.region"() ({
        %run_scoped3A_162 = tpu.sem_alloc : memref<!tpu.dma_semaphore, #tpu.memory_space<semaphore_mem>>
        %dma_start3A_163 = arith.constant 0 : i32
        %dma_start3A_164 = tpu.memref_slice %arg6[%run_scoped3A_148, %run_scoped3A_149, %dma_start3A_163] : memref<3x2x120xi32, #tpu.memory_space<vmem>> -> memref<1x1x120xi32, #tpu.memory_space<vmem>>
        %dma_start3A_165 = tpu.memref_squeeze %dma_start3A_164 : memref<1x1x120xi32, #tpu.memory_space<vmem>> -> memref<120xi32, #tpu.memory_space<vmem>>
        %dma_start3A_166 = arith.constant 0 : i32
        %dma_start3A_167 = arith.constant 0 : i32
        %dma_start3A_168 = tpu.memref_slice %arg10[%dma_start3A_166, %dma_start3A_167] : memref<10016x128xf32, #tpu.memory_space<vmem_shared>> -> memref<10016x128xf32, #tpu.memory_space<vmem_shared>>
        tpu.enqueue_indirect_dma source(%arg9 : memref<120x128xf32, #tpu.memory_space<vmem>>) target(%dma_start3A_168 : memref<10016x128xf32, #tpu.memory_space<vmem_shared>>) offsets(%dma_start3A_165 : memref<120xi32, #tpu.memory_space<vmem>>) semaphore(%run_scoped3A_162 : memref<!tpu.dma_semaphore, #tpu.memory_space<semaphore_mem>>) {add = true}
        %dma_wait3A_169 = arith.constant 0 : i32
        %dma_wait3A_170 = tpu.memref_slice %arg6[%run_scoped3A_148, %run_scoped3A_149, %dma_wait3A_169] : memref<3x2x120xi32, #tpu.memory_space<vmem>> -> memref<1x1x120xi32, #tpu.memory_space<vmem>>
        %dma_wait3A_171 = tpu.memref_squeeze %dma_wait3A_170 : memref<1x1x120xi32, #tpu.memory_space<vmem>> -> memref<120xi32, #tpu.memory_space<vmem>>
        %dma_wait3A_172 = arith.constant 0 : i32
        %dma_wait3A_173 = arith.constant 0 : i32
        %dma_wait3A_174 = tpu.memref_slice %arg10[%dma_wait3A_172, %dma_wait3A_173] : memref<10016x128xf32, #tpu.memory_space<vmem_shared>> -> memref<10016x128xf32, #tpu.memory_space<vmem_shared>>
        tpu.wait_indirect_dma semaphore(%run_scoped3A_162 : memref<!tpu.dma_semaphore, #tpu.memory_space<semaphore_mem>>) src(%arg9 : memref<120x128xf32, #tpu.memory_space<vmem>>) dst(%dma_wait3A_174 : memref<10016x128xf32, #tpu.memory_space<vmem_shared>>)
        tpu.yield
      }) : () -> ()
      %add3A_150 = arith.addi %add3A, %add3A_139 : i32
      %add3A_151 = arith.constant 3 : i32
      %add3A_152 = arith.addi %add3A_150, %add3A_151 : i32
      %run_scoped3A_153 = arith.constant 2 : i32
      "tpu.region"() ({
        %run_scoped3A_162 = tpu.sem_alloc : memref<!tpu.dma_semaphore, #tpu.memory_space<semaphore_mem>>
        %dma_start3A_163 = arith.constant 0 : i32
        %dma_start3A_164 = arith.constant 0 : i32
        %dma_start3A_165 = tpu.memref_slice %arg6[%run_scoped3A_153, %dma_start3A_163, %dma_start3A_164] : memref<3x2x120xi32, #tpu.memory_space<vmem>> -> memref<1x2x120xi32, #tpu.memory_space<vmem>>
        %dma_start3A_166 = tpu.memref_squeeze %dma_start3A_165 : memref<1x2x120xi32, #tpu.memory_space<vmem>> -> memref<2x120xi32, #tpu.memory_space<vmem>>
        %dma_start3A_167 = arith.constant 0 : i32
        %dma_start3A_168 = arith.constant 0 : i32
        %dma_start3A_169 = tpu.memref_slice %arg2[%add3A_152, %dma_start3A_167, %dma_start3A_168] : memref<2688x2x120xi32, #tpu.memory_space<hbm>> -> memref<1x2x120xi32, #tpu.memory_space<hbm>>
        %dma_start3A_170 = tpu.memref_squeeze %dma_start3A_169 : memref<1x2x120xi32, #tpu.memory_space<hbm>> -> memref<2x120xi32, #tpu.memory_space<hbm>>
        %dma_start3A_171 = arith.constant 0 : i32
        %dma_start3A_172 = arith.constant 0 : i32
        %dma_start3A_173 = tpu.memref_slice %arg6[%run_scoped3A_153, %dma_start3A_171, %dma_start3A_172] : memref<3x2x120xi32, #tpu.memory_space<vmem>> -> memref<1x2x120xi32, #tpu.memory_space<vmem>>
        %dma_start3A_174 = tpu.memref_squeeze %dma_start3A_173 : memref<1x2x120xi32, #tpu.memory_space<vmem>> -> memref<2x120xi32, #tpu.memory_space<vmem>>
        %dma_start3A_175 = arith.constant 0 : i32
        %dma_start3A_176 = arith.constant 0 : i32
        %dma_start3A_177 = tpu.memref_slice %arg2[%add3A_152, %dma_start3A_175, %dma_start3A_176] : memref<2688x2x120xi32, #tpu.memory_space<hbm>> -> memref<1x2x120xi32, #tpu.memory_space<hbm>>
        %dma_start3A_178 = tpu.memref_squeeze %dma_start3A_177 : memref<1x2x120xi32, #tpu.memory_space<hbm>> -> memref<2x120xi32, #tpu.memory_space<hbm>>
        tpu.enqueue_dma source(%dma_start3A_178 : memref<2x120xi32, #tpu.memory_space<hbm>>) target(%dma_start3A_174 : memref<2x120xi32, #tpu.memory_space<vmem>>) target_semaphore(%run_scoped3A_162 : memref<!tpu.dma_semaphore, #tpu.memory_space<semaphore_mem>>)
        %dma_wait3A_179 = arith.constant 0 : i32
        %dma_wait3A_180 = arith.constant 0 : i32
        %dma_wait3A_181 = tpu.memref_slice %arg6[%run_scoped3A_153, %dma_wait3A_179, %dma_wait3A_180] : memref<3x2x120xi32, #tpu.memory_space<vmem>> -> memref<1x2x120xi32, #tpu.memory_space<vmem>>
        %dma_wait3A_182 = tpu.memref_squeeze %dma_wait3A_181 : memref<1x2x120xi32, #tpu.memory_space<vmem>> -> memref<2x120xi32, #tpu.memory_space<vmem>>
        %dma_wait3A_183 = arith.constant 0 : i32
        %dma_wait3A_184 = arith.constant 0 : i32
        %dma_wait3A_185 = tpu.memref_slice %arg2[%add3A_152, %dma_wait3A_183, %dma_wait3A_184] : memref<2688x2x120xi32, #tpu.memory_space<hbm>> -> memref<1x2x120xi32, #tpu.memory_space<hbm>>
        %dma_wait3A_186 = tpu.memref_squeeze %dma_wait3A_185 : memref<1x2x120xi32, #tpu.memory_space<hbm>> -> memref<2x120xi32, #tpu.memory_space<hbm>>
        %dma_wait3A_187 = arith.constant 0 : i32
        %dma_wait3A_188 = arith.constant 0 : i32
        %dma_wait3A_189 = tpu.memref_slice %arg6[%run_scoped3A_153, %dma_wait3A_187, %dma_wait3A_188] : memref<3x2x120xi32, #tpu.memory_space<vmem>> -> memref<1x2x120xi32, #tpu.memory_space<vmem>>
        %dma_wait3A_190 = tpu.memref_squeeze %dma_wait3A_189 : memref<1x2x120xi32, #tpu.memory_space<vmem>> -> memref<2x120xi32, #tpu.memory_space<vmem>>
        %dma_wait3A_191 = arith.constant 0 : i32
        %dma_wait3A_192 = arith.constant 0 : i32
        %dma_wait3A_193 = tpu.memref_slice %arg2[%add3A_152, %dma_wait3A_191, %dma_wait3A_192] : memref<2688x2x120xi32, #tpu.memory_space<hbm>> -> memref<1x2x120xi32, #tpu.memory_space<hbm>>
        %dma_wait3A_194 = tpu.memref_squeeze %dma_wait3A_193 : memref<1x2x120xi32, #tpu.memory_space<hbm>> -> memref<2x120xi32, #tpu.memory_space<hbm>>
        tpu.wait_dma2 semaphore(%run_scoped3A_162 : memref<!tpu.dma_semaphore, #tpu.memory_space<semaphore_mem>>) src(%dma_wait3A_194 : memref<2x120xi32, #tpu.memory_space<hbm>>) dst(%dma_wait3A_190 : memref<2x120xi32, #tpu.memory_space<vmem>>)
        tpu.yield
      }) : () -> ()
      %dma_start3A_154 = arith.constant 2 : i32
      %dma_start3A_155 = arith.constant 0 : i32
      %dma_start3A_156 = arith.constant 0 : i32
      %dma_start3A_157 = tpu.memref_slice %arg6[%dma_start3A_154, %dma_start3A_155, %dma_start3A_156] : memref<3x2x120xi32, #tpu.memory_space<vmem>> -> memref<1x1x120xi32, #tpu.memory_space<vmem>>
      %dma_start3A_158 = tpu.memref_squeeze %dma_start3A_157 : memref<1x1x120xi32, #tpu.memory_space<vmem>> -> memref<120xi32, #tpu.memory_space<vmem>>
      %dma_start3A_159 = arith.constant 0 : i32
      %dma_start3A_160 = arith.constant 0 : i32
      %dma_start3A_161 = tpu.memref_slice %arg3[%dma_start3A_159, %dma_start3A_160] : memref<80128x128xf32, #tpu.memory_space<hbm>> -> memref<80128x128xf32, #tpu.memory_space<hbm>>
      tpu.enqueue_indirect_dma source(%dma_start3A_161 : memref<80128x128xf32, #tpu.memory_space<hbm>>) target(%arg9 : memref<120x128xf32, #tpu.memory_space<vmem>>) offsets(%dma_start3A_158 : memref<120xi32, #tpu.memory_space<vmem>>) semaphore(%arg13 : memref<!tpu.dma_semaphore, #tpu.memory_space<semaphore_mem>>)
    }
    %while3A_47 = arith.constant 1 : i32
    scf.for %while3A_83 = %while3A_45 to %while3A_41 step %while3A_47  : i32 {
      %mul3A_84 = arith.constant 3 : i32
      %mul3A_85 = arith.muli %while3A_83, %mul3A_84 : i32
      %add3A_86 = arith.constant 0 : i32
      %add3A_87 = arith.addi %mul3A_85, %add3A_86 : i32
      %dma_wait3A_88 = arith.constant 0 : i32
      %dma_wait3A_89 = arith.constant 0 : i32
      %dma_wait3A_90 = arith.constant 0 : i32
      %dma_wait3A_91 = tpu.memref_slice %arg6[%dma_wait3A_88, %dma_wait3A_89, %dma_wait3A_90] : memref<3x2x120xi32, #tpu.memory_space<vmem>> -> memref<1x1x120xi32, #tpu.memory_space<vmem>>
      %dma_wait3A_92 = tpu.memref_squeeze %dma_wait3A_91 : memref<1x1x120xi32, #tpu.memory_space<vmem>> -> memref<120xi32, #tpu.memory_space<vmem>>
      %dma_wait3A_93 = arith.constant 0 : i32
      %dma_wait3A_94 = arith.constant 0 : i32
      %dma_wait3A_95 = tpu.memref_slice %arg3[%dma_wait3A_93, %dma_wait3A_94] : memref<80128x128xf32, #tpu.memory_space<hbm>> -> memref<80128x128xf32, #tpu.memory_space<hbm>>
      tpu.wait_indirect_dma semaphore(%arg11 : memref<!tpu.dma_semaphore, #tpu.memory_space<semaphore_mem>>) src(%dma_wait3A_95 : memref<80128x128xf32, #tpu.memory_space<hbm>>) dst(%arg7 : memref<120x128xf32, #tpu.memory_space<vmem>>)
      %run_scoped3A_96 = arith.constant 0 : i32
      %run_scoped3A_97 = arith.constant 1 : i32
      "tpu.region"() ({
        %run_scoped3A_162 = tpu.sem_alloc : memref<!tpu.dma_semaphore, #tpu.memory_space<semaphore_mem>>
        %dma_start3A_163 = arith.constant 0 : i32
        %dma_start3A_164 = tpu.memref_slice %arg6[%run_scoped3A_96, %run_scoped3A_97, %dma_start3A_163] : memref<3x2x120xi32, #tpu.memory_space<vmem>> -> memref<1x1x120xi32, #tpu.memory_space<vmem>>
        %dma_start3A_165 = tpu.memref_squeeze %dma_start3A_164 : memref<1x1x120xi32, #tpu.memory_space<vmem>> -> memref<120xi32, #tpu.memory_space<vmem>>
        %dma_start3A_166 = arith.constant 0 : i32
        %dma_start3A_167 = arith.constant 0 : i32
        %dma_start3A_168 = tpu.memref_slice %arg10[%dma_start3A_166, %dma_start3A_167] : memref<10016x128xf32, #tpu.memory_space<vmem_shared>> -> memref<10016x128xf32, #tpu.memory_space<vmem_shared>>
        tpu.enqueue_indirect_dma source(%arg7 : memref<120x128xf32, #tpu.memory_space<vmem>>) target(%dma_start3A_168 : memref<10016x128xf32, #tpu.memory_space<vmem_shared>>) offsets(%dma_start3A_165 : memref<120xi32, #tpu.memory_space<vmem>>) semaphore(%run_scoped3A_162 : memref<!tpu.dma_semaphore, #tpu.memory_space<semaphore_mem>>) {add = true}
        %dma_wait3A_169 = arith.constant 0 : i32
        %dma_wait3A_170 = tpu.memref_slice %arg6[%run_scoped3A_96, %run_scoped3A_97, %dma_wait3A_169] : memref<3x2x120xi32, #tpu.memory_space<vmem>> -> memref<1x1x120xi32, #tpu.memory_space<vmem>>
        %dma_wait3A_171 = tpu.memref_squeeze %dma_wait3A_170 : memref<1x1x120xi32, #tpu.memory_space<vmem>> -> memref<120xi32, #tpu.memory_space<vmem>>
        %dma_wait3A_172 = arith.constant 0 : i32
        %dma_wait3A_173 = arith.constant 0 : i32
        %dma_wait3A_174 = tpu.memref_slice %arg10[%dma_wait3A_172, %dma_wait3A_173] : memref<10016x128xf32, #tpu.memory_space<vmem_shared>> -> memref<10016x128xf32, #tpu.memory_space<vmem_shared>>
        tpu.wait_indirect_dma semaphore(%run_scoped3A_162 : memref<!tpu.dma_semaphore, #tpu.memory_space<semaphore_mem>>) src(%arg7 : memref<120x128xf32, #tpu.memory_space<vmem>>) dst(%dma_wait3A_174 : memref<10016x128xf32, #tpu.memory_space<vmem_shared>>)
        tpu.yield
      }) : () -> ()
      %add3A_98 = arith.addi %add3A, %add3A_87 : i32
      %add3A_99 = arith.constant 3 : i32
      %add3A_100 = arith.addi %add3A_98, %add3A_99 : i32
      %run_scoped3A_101 = arith.constant 0 : i32
      "tpu.region"() ({
        %run_scoped3A_162 = tpu.sem_alloc : memref<!tpu.dma_semaphore, #tpu.memory_space<semaphore_mem>>
        %dma_start3A_163 = arith.constant 0 : i32
        %dma_start3A_164 = arith.constant 0 : i32
        %dma_start3A_165 = tpu.memref_slice %arg6[%run_scoped3A_101, %dma_start3A_163, %dma_start3A_164] : memref<3x2x120xi32, #tpu.memory_space<vmem>> -> memref<1x2x120xi32, #tpu.memory_space<vmem>>
        %dma_start3A_166 = tpu.memref_squeeze %dma_start3A_165 : memref<1x2x120xi32, #tpu.memory_space<vmem>> -> memref<2x120xi32, #tpu.memory_space<vmem>>
        %dma_start3A_167 = arith.constant 0 : i32
        %dma_start3A_168 = arith.constant 0 : i32
        %dma_start3A_169 = tpu.memref_slice %arg2[%add3A_100, %dma_start3A_167, %dma_start3A_168] : memref<2688x2x120xi32, #tpu.memory_space<hbm>> -> memref<1x2x120xi32, #tpu.memory_space<hbm>>
        %dma_start3A_170 = tpu.memref_squeeze %dma_start3A_169 : memref<1x2x120xi32, #tpu.memory_space<hbm>> -> memref<2x120xi32, #tpu.memory_space<hbm>>
        %dma_start3A_171 = arith.constant 0 : i32
        %dma_start3A_172 = arith.constant 0 : i32
        %dma_start3A_173 = tpu.memref_slice %arg6[%run_scoped3A_101, %dma_start3A_171, %dma_start3A_172] : memref<3x2x120xi32, #tpu.memory_space<vmem>> -> memref<1x2x120xi32, #tpu.memory_space<vmem>>
        %dma_start3A_174 = tpu.memref_squeeze %dma_start3A_173 : memref<1x2x120xi32, #tpu.memory_space<vmem>> -> memref<2x120xi32, #tpu.memory_space<vmem>>
        %dma_start3A_175 = arith.constant 0 : i32
        %dma_start3A_176 = arith.constant 0 : i32
        %dma_start3A_177 = tpu.memref_slice %arg2[%add3A_100, %dma_start3A_175, %dma_start3A_176] : memref<2688x2x120xi32, #tpu.memory_space<hbm>> -> memref<1x2x120xi32, #tpu.memory_space<hbm>>
        %dma_start3A_178 = tpu.memref_squeeze %dma_start3A_177 : memref<1x2x120xi32, #tpu.memory_space<hbm>> -> memref<2x120xi32, #tpu.memory_space<hbm>>
        tpu.enqueue_dma source(%dma_start3A_178 : memref<2x120xi32, #tpu.memory_space<hbm>>) target(%dma_start3A_174 : memref<2x120xi32, #tpu.memory_space<vmem>>) target_semaphore(%run_scoped3A_162 : memref<!tpu.dma_semaphore, #tpu.memory_space<semaphore_mem>>)
        %dma_wait3A_179 = arith.constant 0 : i32
        %dma_wait3A_180 = arith.constant 0 : i32
        %dma_wait3A_181 = tpu.memref_slice %arg6[%run_scoped3A_101, %dma_wait3A_179, %dma_wait3A_180] : memref<3x2x120xi32, #tpu.memory_space<vmem>> -> memref<1x2x120xi32, #tpu.memory_space<vmem>>
        %dma_wait3A_182 = tpu.memref_squeeze %dma_wait3A_181 : memref<1x2x120xi32, #tpu.memory_space<vmem>> -> memref<2x120xi32, #tpu.memory_space<vmem>>
        %dma_wait3A_183 = arith.constant 0 : i32
        %dma_wait3A_184 = arith.constant 0 : i32
        %dma_wait3A_185 = tpu.memref_slice %arg2[%add3A_100, %dma_wait3A_183, %dma_wait3A_184] : memref<2688x2x120xi32, #tpu.memory_space<hbm>> -> memref<1x2x120xi32, #tpu.memory_space<hbm>>
        %dma_wait3A_186 = tpu.memref_squeeze %dma_wait3A_185 : memref<1x2x120xi32, #tpu.memory_space<hbm>> -> memref<2x120xi32, #tpu.memory_space<hbm>>
        %dma_wait3A_187 = arith.constant 0 : i32
        %dma_wait3A_188 = arith.constant 0 : i32
        %dma_wait3A_189 = tpu.memref_slice %arg6[%run_scoped3A_101, %dma_wait3A_187, %dma_wait3A_188] : memref<3x2x120xi32, #tpu.memory_space<vmem>> -> memref<1x2x120xi32, #tpu.memory_space<vmem>>
        %dma_wait3A_190 = tpu.memref_squeeze %dma_wait3A_189 : memref<1x2x120xi32, #tpu.memory_space<vmem>> -> memref<2x120xi32, #tpu.memory_space<vmem>>
        %dma_wait3A_191 = arith.constant 0 : i32
        %dma_wait3A_192 = arith.constant 0 : i32
        %dma_wait3A_193 = tpu.memref_slice %arg2[%add3A_100, %dma_wait3A_191, %dma_wait3A_192] : memref<2688x2x120xi32, #tpu.memory_space<hbm>> -> memref<1x2x120xi32, #tpu.memory_space<hbm>>
        %dma_wait3A_194 = tpu.memref_squeeze %dma_wait3A_193 : memref<1x2x120xi32, #tpu.memory_space<hbm>> -> memref<2x120xi32, #tpu.memory_space<hbm>>
        tpu.wait_dma2 semaphore(%run_scoped3A_162 : memref<!tpu.dma_semaphore, #tpu.memory_space<semaphore_mem>>) src(%dma_wait3A_194 : memref<2x120xi32, #tpu.memory_space<hbm>>) dst(%dma_wait3A_190 : memref<2x120xi32, #tpu.memory_space<vmem>>)
        tpu.yield
      }) : () -> ()
      %dma_start3A_102 = arith.constant 0 : i32
      %dma_start3A_103 = arith.constant 0 : i32
      %dma_start3A_104 = arith.constant 0 : i32
      %dma_start3A_105 = tpu.memref_slice %arg6[%dma_start3A_102, %dma_start3A_103, %dma_start3A_104] : memref<3x2x120xi32, #tpu.memory_space<vmem>> -> memref<1x1x120xi32, #tpu.memory_space<vmem>>
      %dma_start3A_106 = tpu.memref_squeeze %dma_start3A_105 : memref<1x1x120xi32, #tpu.memory_space<vmem>> -> memref<120xi32, #tpu.memory_space<vmem>>
      %dma_start3A_107 = arith.constant 0 : i32
      %dma_start3A_108 = arith.constant 0 : i32
      %dma_start3A_109 = tpu.memref_slice %arg3[%dma_start3A_107, %dma_start3A_108] : memref<80128x128xf32, #tpu.memory_space<hbm>> -> memref<80128x128xf32, #tpu.memory_space<hbm>>
      tpu.enqueue_indirect_dma source(%dma_start3A_109 : memref<80128x128xf32, #tpu.memory_space<hbm>>) target(%arg7 : memref<120x128xf32, #tpu.memory_space<vmem>>) offsets(%dma_start3A_106 : memref<120xi32, #tpu.memory_space<vmem>>) semaphore(%arg11 : memref<!tpu.dma_semaphore, #tpu.memory_space<semaphore_mem>>)
      %mul3A_110 = arith.constant 3 : i32
      %mul3A_111 = arith.muli %while3A_83, %mul3A_110 : i32
      %add3A_112 = arith.constant 1 : i32
      %add3A_113 = arith.addi %mul3A_111, %add3A_112 : i32
      %dma_wait3A_114 = arith.constant 1 : i32
      %dma_wait3A_115 = arith.constant 0 : i32
      %dma_wait3A_116 = arith.constant 0 : i32
      %dma_wait3A_117 = tpu.memref_slice %arg6[%dma_wait3A_114, %dma_wait3A_115, %dma_wait3A_116] : memref<3x2x120xi32, #tpu.memory_space<vmem>> -> memref<1x1x120xi32, #tpu.memory_space<vmem>>
      %dma_wait3A_118 = tpu.memref_squeeze %dma_wait3A_117 : memref<1x1x120xi32, #tpu.memory_space<vmem>> -> memref<120xi32, #tpu.memory_space<vmem>>
      %dma_wait3A_119 = arith.constant 0 : i32
      %dma_wait3A_120 = arith.constant 0 : i32
      %dma_wait3A_121 = tpu.memref_slice %arg3[%dma_wait3A_119, %dma_wait3A_120] : memref<80128x128xf32, #tpu.memory_space<hbm>> -> memref<80128x128xf32, #tpu.memory_space<hbm>>
      tpu.wait_indirect_dma semaphore(%arg12 : memref<!tpu.dma_semaphore, #tpu.memory_space<semaphore_mem>>) src(%dma_wait3A_121 : memref<80128x128xf32, #tpu.memory_space<hbm>>) dst(%arg8 : memref<120x128xf32, #tpu.memory_space<vmem>>)
      %run_scoped3A_122 = arith.constant 1 : i32
      %run_scoped3A_123 = arith.constant 1 : i32
      "tpu.region"() ({
        %run_scoped3A_162 = tpu.sem_alloc : memref<!tpu.dma_semaphore, #tpu.memory_space<semaphore_mem>>
        %dma_start3A_163 = arith.constant 0 : i32
        %dma_start3A_164 = tpu.memref_slice %arg6[%run_scoped3A_122, %run_scoped3A_123, %dma_start3A_163] : memref<3x2x120xi32, #tpu.memory_space<vmem>> -> memref<1x1x120xi32, #tpu.memory_space<vmem>>
        %dma_start3A_165 = tpu.memref_squeeze %dma_start3A_164 : memref<1x1x120xi32, #tpu.memory_space<vmem>> -> memref<120xi32, #tpu.memory_space<vmem>>
        %dma_start3A_166 = arith.constant 0 : i32
        %dma_start3A_167 = arith.constant 0 : i32
        %dma_start3A_168 = tpu.memref_slice %arg10[%dma_start3A_166, %dma_start3A_167] : memref<10016x128xf32, #tpu.memory_space<vmem_shared>> -> memref<10016x128xf32, #tpu.memory_space<vmem_shared>>
        tpu.enqueue_indirect_dma source(%arg8 : memref<120x128xf32, #tpu.memory_space<vmem>>) target(%dma_start3A_168 : memref<10016x128xf32, #tpu.memory_space<vmem_shared>>) offsets(%dma_start3A_165 : memref<120xi32, #tpu.memory_space<vmem>>) semaphore(%run_scoped3A_162 : memref<!tpu.dma_semaphore, #tpu.memory_space<semaphore_mem>>) {add = true}
        %dma_wait3A_169 = arith.constant 0 : i32
        %dma_wait3A_170 = tpu.memref_slice %arg6[%run_scoped3A_122, %run_scoped3A_123, %dma_wait3A_169] : memref<3x2x120xi32, #tpu.memory_space<vmem>> -> memref<1x1x120xi32, #tpu.memory_space<vmem>>
        %dma_wait3A_171 = tpu.memref_squeeze %dma_wait3A_170 : memref<1x1x120xi32, #tpu.memory_space<vmem>> -> memref<120xi32, #tpu.memory_space<vmem>>
        %dma_wait3A_172 = arith.constant 0 : i32
        %dma_wait3A_173 = arith.constant 0 : i32
        %dma_wait3A_174 = tpu.memref_slice %arg10[%dma_wait3A_172, %dma_wait3A_173] : memref<10016x128xf32, #tpu.memory_space<vmem_shared>> -> memref<10016x128xf32, #tpu.memory_space<vmem_shared>>
        tpu.wait_indirect_dma semaphore(%run_scoped3A_162 : memref<!tpu.dma_semaphore, #tpu.memory_space<semaphore_mem>>) src(%arg8 : memref<120x128xf32, #tpu.memory_space<vmem>>) dst(%dma_wait3A_174 : memref<10016x128xf32, #tpu.memory_space<vmem_shared>>)
        tpu.yield
      }) : () -> ()
      %add3A_124 = arith.addi %add3A, %add3A_113 : i32
      %add3A_125 = arith.constant 3 : i32
      %add3A_126 = arith.addi %add3A_124, %add3A_125 : i32
      %run_scoped3A_127 = arith.constant 1 : i32
      "tpu.region"() ({
        %run_scoped3A_162 = tpu.sem_alloc : memref<!tpu.dma_semaphore, #tpu.memory_space<semaphore_mem>>
        %dma_start3A_163 = arith.constant 0 : i32
        %dma_start3A_164 = arith.constant 0 : i32
        %dma_start3A_165 = tpu.memref_slice %arg6[%run_scoped3A_127, %dma_start3A_163, %dma_start3A_164] : memref<3x2x120xi32, #tpu.memory_space<vmem>> -> memref<1x2x120xi32, #tpu.memory_space<vmem>>
        %dma_start3A_166 = tpu.memref_squeeze %dma_start3A_165 : memref<1x2x120xi32, #tpu.memory_space<vmem>> -> memref<2x120xi32, #tpu.memory_space<vmem>>
        %dma_start3A_167 = arith.constant 0 : i32
        %dma_start3A_168 = arith.constant 0 : i32
        %dma_start3A_169 = tpu.memref_slice %arg2[%add3A_126, %dma_start3A_167, %dma_start3A_168] : memref<2688x2x120xi32, #tpu.memory_space<hbm>> -> memref<1x2x120xi32, #tpu.memory_space<hbm>>
        %dma_start3A_170 = tpu.memref_squeeze %dma_start3A_169 : memref<1x2x120xi32, #tpu.memory_space<hbm>> -> memref<2x120xi32, #tpu.memory_space<hbm>>
        %dma_start3A_171 = arith.constant 0 : i32
        %dma_start3A_172 = arith.constant 0 : i32
        %dma_start3A_173 = tpu.memref_slice %arg6[%run_scoped3A_127, %dma_start3A_171, %dma_start3A_172] : memref<3x2x120xi32, #tpu.memory_space<vmem>> -> memref<1x2x120xi32, #tpu.memory_space<vmem>>
        %dma_start3A_174 = tpu.memref_squeeze %dma_start3A_173 : memref<1x2x120xi32, #tpu.memory_space<vmem>> -> memref<2x120xi32, #tpu.memory_space<vmem>>
        %dma_start3A_175 = arith.constant 0 : i32
        %dma_start3A_176 = arith.constant 0 : i32
        %dma_start3A_177 = tpu.memref_slice %arg2[%add3A_126, %dma_start3A_175, %dma_start3A_176] : memref<2688x2x120xi32, #tpu.memory_space<hbm>> -> memref<1x2x120xi32, #tpu.memory_space<hbm>>
        %dma_start3A_178 = tpu.memref_squeeze %dma_start3A_177 : memref<1x2x120xi32, #tpu.memory_space<hbm>> -> memref<2x120xi32, #tpu.memory_space<hbm>>
        tpu.enqueue_dma source(%dma_start3A_178 : memref<2x120xi32, #tpu.memory_space<hbm>>) target(%dma_start3A_174 : memref<2x120xi32, #tpu.memory_space<vmem>>) target_semaphore(%run_scoped3A_162 : memref<!tpu.dma_semaphore, #tpu.memory_space<semaphore_mem>>)
        %dma_wait3A_179 = arith.constant 0 : i32
        %dma_wait3A_180 = arith.constant 0 : i32
        %dma_wait3A_181 = tpu.memref_slice %arg6[%run_scoped3A_127, %dma_wait3A_179, %dma_wait3A_180] : memref<3x2x120xi32, #tpu.memory_space<vmem>> -> memref<1x2x120xi32, #tpu.memory_space<vmem>>
        %dma_wait3A_182 = tpu.memref_squeeze %dma_wait3A_181 : memref<1x2x120xi32, #tpu.memory_space<vmem>> -> memref<2x120xi32, #tpu.memory_space<vmem>>
        %dma_wait3A_183 = arith.constant 0 : i32
        %dma_wait3A_184 = arith.constant 0 : i32
        %dma_wait3A_185 = tpu.memref_slice %arg2[%add3A_126, %dma_wait3A_183, %dma_wait3A_184] : memref<2688x2x120xi32, #tpu.memory_space<hbm>> -> memref<1x2x120xi32, #tpu.memory_space<hbm>>
        %dma_wait3A_186 = tpu.memref_squeeze %dma_wait3A_185 : memref<1x2x120xi32, #tpu.memory_space<hbm>> -> memref<2x120xi32, #tpu.memory_space<hbm>>
        %dma_wait3A_187 = arith.constant 0 : i32
        %dma_wait3A_188 = arith.constant 0 : i32
        %dma_wait3A_189 = tpu.memref_slice %arg6[%run_scoped3A_127, %dma_wait3A_187, %dma_wait3A_188] : memref<3x2x120xi32, #tpu.memory_space<vmem>> -> memref<1x2x120xi32, #tpu.memory_space<vmem>>
        %dma_wait3A_190 = tpu.memref_squeeze %dma_wait3A_189 : memref<1x2x120xi32, #tpu.memory_space<vmem>> -> memref<2x120xi32, #tpu.memory_space<vmem>>
        %dma_wait3A_191 = arith.constant 0 : i32
        %dma_wait3A_192 = arith.constant 0 : i32
        %dma_wait3A_193 = tpu.memref_slice %arg2[%add3A_126, %dma_wait3A_191, %dma_wait3A_192] : memref<2688x2x120xi32, #tpu.memory_space<hbm>> -> memref<1x2x120xi32, #tpu.memory_space<hbm>>
        %dma_wait3A_194 = tpu.memref_squeeze %dma_wait3A_193 : memref<1x2x120xi32, #tpu.memory_space<hbm>> -> memref<2x120xi32, #tpu.memory_space<hbm>>
        tpu.wait_dma2 semaphore(%run_scoped3A_162 : memref<!tpu.dma_semaphore, #tpu.memory_space<semaphore_mem>>) src(%dma_wait3A_194 : memref<2x120xi32, #tpu.memory_space<hbm>>) dst(%dma_wait3A_190 : memref<2x120xi32, #tpu.memory_space<vmem>>)
        tpu.yield
      }) : () -> ()
      %dma_start3A_128 = arith.constant 1 : i32
      %dma_start3A_129 = arith.constant 0 : i32
      %dma_start3A_130 = arith.constant 0 : i32
      %dma_start3A_131 = tpu.memref_slice %arg6[%dma_start3A_128, %dma_start3A_129, %dma_start3A_130] : memref<3x2x120xi32, #tpu.memory_space<vmem>> -> memref<1x1x120xi32, #tpu.memory_space<vmem>>
      %dma_start3A_132 = tpu.memref_squeeze %dma_start3A_131 : memref<1x1x120xi32, #tpu.memory_space<vmem>> -> memref<120xi32, #tpu.memory_space<vmem>>
      %dma_start3A_133 = arith.constant 0 : i32
      %dma_start3A_134 = arith.constant 0 : i32
      %dma_start3A_135 = tpu.memref_slice %arg3[%dma_start3A_133, %dma_start3A_134] : memref<80128x128xf32, #tpu.memory_space<hbm>> -> memref<80128x128xf32, #tpu.memory_space<hbm>>
      tpu.enqueue_indirect_dma source(%dma_start3A_135 : memref<80128x128xf32, #tpu.memory_space<hbm>>) target(%arg8 : memref<120x128xf32, #tpu.memory_space<vmem>>) offsets(%dma_start3A_132 : memref<120xi32, #tpu.memory_space<vmem>>) semaphore(%arg12 : memref<!tpu.dma_semaphore, #tpu.memory_space<semaphore_mem>>)
      %mul3A_136 = arith.constant 3 : i32
      %mul3A_137 = arith.muli %while3A_83, %mul3A_136 : i32
      %add3A_138 = arith.constant 2 : i32
      %add3A_139 = arith.addi %mul3A_137, %add3A_138 : i32
      %dma_wait3A_140 = arith.constant 2 : i32
      %dma_wait3A_141 = arith.constant 0 : i32
      %dma_wait3A_142 = arith.constant 0 : i32
      %dma_wait3A_143 = tpu.memref_slice %arg6[%dma_wait3A_140, %dma_wait3A_141, %dma_wait3A_142] : memref<3x2x120xi32, #tpu.memory_space<vmem>> -> memref<1x1x120xi32, #tpu.memory_space<vmem>>
      %dma_wait3A_144 = tpu.memref_squeeze %dma_wait3A_143 : memref<1x1x120xi32, #tpu.memory_space<vmem>> -> memref<120xi32, #tpu.memory_space<vmem>>
      %dma_wait3A_145 = arith.constant 0 : i32
      %dma_wait3A_146 = arith.constant 0 : i32
      %dma_wait3A_147 = tpu.memref_slice %arg3[%dma_wait3A_145, %dma_wait3A_146] : memref<80128x128xf32, #tpu.memory_space<hbm>> -> memref<80128x128xf32, #tpu.memory_space<hbm>>
      tpu.wait_indirect_dma semaphore(%arg13 : memref<!tpu.dma_semaphore, #tpu.memory_space<semaphore_mem>>) src(%dma_wait3A_147 : memref<80128x128xf32, #tpu.memory_space<hbm>>) dst(%arg9 : memref<120x128xf32, #tpu.memory_space<vmem>>)
      %run_scoped3A_148 = arith.constant 2 : i32
      %run_scoped3A_149 = arith.constant 1 : i32
      "tpu.region"() ({
        %run_scoped3A_162 = tpu.sem_alloc : memref<!tpu.dma_semaphore, #tpu.memory_space<semaphore_mem>>
        %dma_start3A_163 = arith.constant 0 : i32
        %dma_start3A_164 = tpu.memref_slice %arg6[%run_scoped3A_148, %run_scoped3A_149, %dma_start3A_163] : memref<3x2x120xi32, #tpu.memory_space<vmem>> -> memref<1x1x120xi32, #tpu.memory_space<vmem>>
        %dma_start3A_165 = tpu.memref_squeeze %dma_start3A_164 : memref<1x1x120xi32, #tpu.memory_space<vmem>> -> memref<120xi32, #tpu.memory_space<vmem>>
        %dma_start3A_166 = arith.constant 0 : i32
        %dma_start3A_167 = arith.constant 0 : i32
        %dma_start3A_168 = tpu.memref_slice %arg10[%dma_start3A_166, %dma_start3A_167] : memref<10016x128xf32, #tpu.memory_space<vmem_shared>> -> memref<10016x128xf32, #tpu.memory_space<vmem_shared>>
        tpu.enqueue_indirect_dma source(%arg9 : memref<120x128xf32, #tpu.memory_space<vmem>>) target(%dma_start3A_168 : memref<10016x128xf32, #tpu.memory_space<vmem_shared>>) offsets(%dma_start3A_165 : memref<120xi32, #tpu.memory_space<vmem>>) semaphore(%run_scoped3A_162 : memref<!tpu.dma_semaphore, #tpu.memory_space<semaphore_mem>>) {add = true}
        %dma_wait3A_169 = arith.constant 0 : i32
        %dma_wait3A_170 = tpu.memref_slice %arg6[%run_scoped3A_148, %run_scoped3A_149, %dma_wait3A_169] : memref<3x2x120xi32, #tpu.memory_space<vmem>> -> memref<1x1x120xi32, #tpu.memory_space<vmem>>
        %dma_wait3A_171 = tpu.memref_squeeze %dma_wait3A_170 : memref<1x1x120xi32, #tpu.memory_space<vmem>> -> memref<120xi32, #tpu.memory_space<vmem>>
        %dma_wait3A_172 = arith.constant 0 : i32
        %dma_wait3A_173 = arith.constant 0 : i32
        %dma_wait3A_174 = tpu.memref_slice %arg10[%dma_wait3A_172, %dma_wait3A_173] : memref<10016x128xf32, #tpu.memory_space<vmem_shared>> -> memref<10016x128xf32, #tpu.memory_space<vmem_shared>>
        tpu.wait_indirect_dma semaphore(%run_scoped3A_162 : memref<!tpu.dma_semaphore, #tpu.memory_space<semaphore_mem>>) src(%arg9 : memref<120x128xf32, #tpu.memory_space<vmem>>) dst(%dma_wait3A_174 : memref<10016x128xf32, #tpu.memory_space<vmem_shared>>)
        tpu.yield
      }) : () -> ()
      %add3A_150 = arith.addi %add3A, %add3A_139 : i32
      %add3A_151 = arith.constant 3 : i32
      %add3A_152 = arith.addi %add3A_150, %add3A_151 : i32
      %run_scoped3A_153 = arith.constant 2 : i32
      "tpu.region"() ({
        %run_scoped3A_162 = tpu.sem_alloc : memref<!tpu.dma_semaphore, #tpu.memory_space<semaphore_mem>>
        %dma_start3A_163 = arith.constant 0 : i32
        %dma_start3A_164 = arith.constant 0 : i32
        %dma_start3A_165 = tpu.memref_slice %arg6[%run_scoped3A_153, %dma_start3A_163, %dma_start3A_164] : memref<3x2x120xi32, #tpu.memory_space<vmem>> -> memref<1x2x120xi32, #tpu.memory_space<vmem>>
        %dma_start3A_166 = tpu.memref_squeeze %dma_start3A_165 : memref<1x2x120xi32, #tpu.memory_space<vmem>> -> memref<2x120xi32, #tpu.memory_space<vmem>>
        %dma_start3A_167 = arith.constant 0 : i32
        %dma_start3A_168 = arith.constant 0 : i32
        %dma_start3A_169 = tpu.memref_slice %arg2[%add3A_152, %dma_start3A_167, %dma_start3A_168] : memref<2688x2x120xi32, #tpu.memory_space<hbm>> -> memref<1x2x120xi32, #tpu.memory_space<hbm>>
        %dma_start3A_170 = tpu.memref_squeeze %dma_start3A_169 : memref<1x2x120xi32, #tpu.memory_space<hbm>> -> memref<2x120xi32, #tpu.memory_space<hbm>>
        %dma_start3A_171 = arith.constant 0 : i32
        %dma_start3A_172 = arith.constant 0 : i32
        %dma_start3A_173 = tpu.memref_slice %arg6[%run_scoped3A_153, %dma_start3A_171, %dma_start3A_172] : memref<3x2x120xi32, #tpu.memory_space<vmem>> -> memref<1x2x120xi32, #tpu.memory_space<vmem>>
        %dma_start3A_174 = tpu.memref_squeeze %dma_start3A_173 : memref<1x2x120xi32, #tpu.memory_space<vmem>> -> memref<2x120xi32, #tpu.memory_space<vmem>>
        %dma_start3A_175 = arith.constant 0 : i32
        %dma_start3A_176 = arith.constant 0 : i32
        %dma_start3A_177 = tpu.memref_slice %arg2[%add3A_152, %dma_start3A_175, %dma_start3A_176] : memref<2688x2x120xi32, #tpu.memory_space<hbm>> -> memref<1x2x120xi32, #tpu.memory_space<hbm>>
        %dma_start3A_178 = tpu.memref_squeeze %dma_start3A_177 : memref<1x2x120xi32, #tpu.memory_space<hbm>> -> memref<2x120xi32, #tpu.memory_space<hbm>>
        tpu.enqueue_dma source(%dma_start3A_178 : memref<2x120xi32, #tpu.memory_space<hbm>>) target(%dma_start3A_174 : memref<2x120xi32, #tpu.memory_space<vmem>>) target_semaphore(%run_scoped3A_162 : memref<!tpu.dma_semaphore, #tpu.memory_space<semaphore_mem>>)
        %dma_wait3A_179 = arith.constant 0 : i32
        %dma_wait3A_180 = arith.constant 0 : i32
        %dma_wait3A_181 = tpu.memref_slice %arg6[%run_scoped3A_153, %dma_wait3A_179, %dma_wait3A_180] : memref<3x2x120xi32, #tpu.memory_space<vmem>> -> memref<1x2x120xi32, #tpu.memory_space<vmem>>
        %dma_wait3A_182 = tpu.memref_squeeze %dma_wait3A_181 : memref<1x2x120xi32, #tpu.memory_space<vmem>> -> memref<2x120xi32, #tpu.memory_space<vmem>>
        %dma_wait3A_183 = arith.constant 0 : i32
        %dma_wait3A_184 = arith.constant 0 : i32
        %dma_wait3A_185 = tpu.memref_slice %arg2[%add3A_152, %dma_wait3A_183, %dma_wait3A_184] : memref<2688x2x120xi32, #tpu.memory_space<hbm>> -> memref<1x2x120xi32, #tpu.memory_space<hbm>>
        %dma_wait3A_186 = tpu.memref_squeeze %dma_wait3A_185 : memref<1x2x120xi32, #tpu.memory_space<hbm>> -> memref<2x120xi32, #tpu.memory_space<hbm>>
        %dma_wait3A_187 = arith.constant 0 : i32
        %dma_wait3A_188 = arith.constant 0 : i32
        %dma_wait3A_189 = tpu.memref_slice %arg6[%run_scoped3A_153, %dma_wait3A_187, %dma_wait3A_188] : memref<3x2x120xi32, #tpu.memory_space<vmem>> -> memref<1x2x120xi32, #tpu.memory_space<vmem>>
        %dma_wait3A_190 = tpu.memref_squeeze %dma_wait3A_189 : memref<1x2x120xi32, #tpu.memory_space<vmem>> -> memref<2x120xi32, #tpu.memory_space<vmem>>
        %dma_wait3A_191 = arith.constant 0 : i32
        %dma_wait3A_192 = arith.constant 0 : i32
        %dma_wait3A_193 = tpu.memref_slice %arg2[%add3A_152, %dma_wait3A_191, %dma_wait3A_192] : memref<2688x2x120xi32, #tpu.memory_space<hbm>> -> memref<1x2x120xi32, #tpu.memory_space<hbm>>
        %dma_wait3A_194 = tpu.memref_squeeze %dma_wait3A_193 : memref<1x2x120xi32, #tpu.memory_space<hbm>> -> memref<2x120xi32, #tpu.memory_space<hbm>>
        tpu.wait_dma2 semaphore(%run_scoped3A_162 : memref<!tpu.dma_semaphore, #tpu.memory_space<semaphore_mem>>) src(%dma_wait3A_194 : memref<2x120xi32, #tpu.memory_space<hbm>>) dst(%dma_wait3A_190 : memref<2x120xi32, #tpu.memory_space<vmem>>)
        tpu.yield
      }) : () -> ()
      %dma_start3A_154 = arith.constant 2 : i32
      %dma_start3A_155 = arith.constant 0 : i32
      %dma_start3A_156 = arith.constant 0 : i32
      %dma_start3A_157 = tpu.memref_slice %arg6[%dma_start3A_154, %dma_start3A_155, %dma_start3A_156] : memref<3x2x120xi32, #tpu.memory_space<vmem>> -> memref<1x1x120xi32, #tpu.memory_space<vmem>>
      %dma_start3A_158 = tpu.memref_squeeze %dma_start3A_157 : memref<1x1x120xi32, #tpu.memory_space<vmem>> -> memref<120xi32, #tpu.memory_space<vmem>>
      %dma_start3A_159 = arith.constant 0 : i32
      %dma_start3A_160 = arith.constant 0 : i32
      %dma_start3A_161 = tpu.memref_slice %arg3[%dma_start3A_159, %dma_start3A_160] : memref<80128x128xf32, #tpu.memory_space<hbm>> -> memref<80128x128xf32, #tpu.memory_space<hbm>>
      tpu.enqueue_indirect_dma source(%dma_start3A_161 : memref<80128x128xf32, #tpu.memory_space<hbm>>) target(%arg9 : memref<120x128xf32, #tpu.memory_space<vmem>>) offsets(%dma_start3A_158 : memref<120xi32, #tpu.memory_space<vmem>>) semaphore(%arg13 : memref<!tpu.dma_semaphore, #tpu.memory_space<semaphore_mem>>)
    }
    %dma_wait3A = arith.constant 0 : i32
    %dma_wait3A_48 = arith.constant 0 : i32
    %dma_wait3A_49 = arith.constant 0 : i32
    %dma_wait3A_50 = tpu.memref_slice %arg6[%dma_wait3A, %dma_wait3A_48, %dma_wait3A_49] : memref<3x2x120xi32, #tpu.memory_space<vmem>> -> memref<1x1x120xi32, #tpu.memory_space<vmem>>
    %dma_wait3A_51 = tpu.memref_squeeze %dma_wait3A_50 : memref<1x1x120xi32, #tpu.memory_space<vmem>> -> memref<120xi32, #tpu.memory_space<vmem>>
    %dma_wait3A_52 = arith.constant 0 : i32
    %dma_wait3A_53 = arith.constant 0 : i32
    %dma_wait3A_54 = tpu.memref_slice %arg3[%dma_wait3A_52, %dma_wait3A_53] : memref<80128x128xf32, #tpu.memory_space<hbm>> -> memref<80128x128xf32, #tpu.memory_space<hbm>>
    tpu.wait_indirect_dma semaphore(%arg11 : memref<!tpu.dma_semaphore, #tpu.memory_space<semaphore_mem>>) src(%dma_wait3A_54 : memref<80128x128xf32, #tpu.memory_space<hbm>>) dst(%arg7 : memref<120x128xf32, #tpu.memory_space<vmem>>)
    %run_scoped3A_55 = arith.constant 0 : i32
    %run_scoped3A_56 = arith.constant 1 : i32
    "tpu.region"() ({
      %run_scoped3A_83 = tpu.sem_alloc : memref<!tpu.dma_semaphore, #tpu.memory_space<semaphore_mem>>
      %dma_start3A_84 = arith.constant 0 : i32
      %dma_start3A_85 = tpu.memref_slice %arg6[%run_scoped3A_55, %run_scoped3A_56, %dma_start3A_84] : memref<3x2x120xi32, #tpu.memory_space<vmem>> -> memref<1x1x120xi32, #tpu.memory_space<vmem>>
      %dma_start3A_86 = tpu.memref_squeeze %dma_start3A_85 : memref<1x1x120xi32, #tpu.memory_space<vmem>> -> memref<120xi32, #tpu.memory_space<vmem>>
      %dma_start3A_87 = arith.constant 0 : i32
      %dma_start3A_88 = arith.constant 0 : i32
      %dma_start3A_89 = tpu.memref_slice %arg10[%dma_start3A_87, %dma_start3A_88] : memref<10016x128xf32, #tpu.memory_space<vmem_shared>> -> memref<10016x128xf32, #tpu.memory_space<vmem_shared>>
      tpu.enqueue_indirect_dma source(%arg7 : memref<120x128xf32, #tpu.memory_space<vmem>>) target(%dma_start3A_89 : memref<10016x128xf32, #tpu.memory_space<vmem_shared>>) offsets(%dma_start3A_86 : memref<120xi32, #tpu.memory_space<vmem>>) semaphore(%run_scoped3A_83 : memref<!tpu.dma_semaphore, #tpu.memory_space<semaphore_mem>>) {add = true}
      %dma_wait3A_90 = arith.constant 0 : i32
      %dma_wait3A_91 = tpu.memref_slice %arg6[%run_scoped3A_55, %run_scoped3A_56, %dma_wait3A_90] : memref<3x2x120xi32, #tpu.memory_space<vmem>> -> memref<1x1x120xi32, #tpu.memory_space<vmem>>
      %dma_wait3A_92 = tpu.memref_squeeze %dma_wait3A_91 : memref<1x1x120xi32, #tpu.memory_space<vmem>> -> memref<120xi32, #tpu.memory_space<vmem>>
      %dma_wait3A_93 = arith.constant 0 : i32
      %dma_wait3A_94 = arith.constant 0 : i32
      %dma_wait3A_95 = tpu.memref_slice %arg10[%dma_wait3A_93, %dma_wait3A_94] : memref<10016x128xf32, #tpu.memory_space<vmem_shared>> -> memref<10016x128xf32, #tpu.memory_space<vmem_shared>>
      tpu.wait_indirect_dma semaphore(%run_scoped3A_83 : memref<!tpu.dma_semaphore, #tpu.memory_space<semaphore_mem>>) src(%arg7 : memref<120x128xf32, #tpu.memory_space<vmem>>) dst(%dma_wait3A_95 : memref<10016x128xf32, #tpu.memory_space<vmem_shared>>)
      tpu.yield
    }) : () -> ()
    %dma_wait3A_57 = arith.constant 1 : i32
    %dma_wait3A_58 = arith.constant 0 : i32
    %dma_wait3A_59 = arith.constant 0 : i32
    %dma_wait3A_60 = tpu.memref_slice %arg6[%dma_wait3A_57, %dma_wait3A_58, %dma_wait3A_59] : memref<3x2x120xi32, #tpu.memory_space<vmem>> -> memref<1x1x120xi32, #tpu.memory_space<vmem>>
    %dma_wait3A_61 = tpu.memref_squeeze %dma_wait3A_60 : memref<1x1x120xi32, #tpu.memory_space<vmem>> -> memref<120xi32, #tpu.memory_space<vmem>>
    %dma_wait3A_62 = arith.constant 0 : i32
    %dma_wait3A_63 = arith.constant 0 : i32
    %dma_wait3A_64 = tpu.memref_slice %arg3[%dma_wait3A_62, %dma_wait3A_63] : memref<80128x128xf32, #tpu.memory_space<hbm>> -> memref<80128x128xf32, #tpu.memory_space<hbm>>
    tpu.wait_indirect_dma semaphore(%arg12 : memref<!tpu.dma_semaphore, #tpu.memory_space<semaphore_mem>>) src(%dma_wait3A_64 : memref<80128x128xf32, #tpu.memory_space<hbm>>) dst(%arg8 : memref<120x128xf32, #tpu.memory_space<vmem>>)
    %run_scoped3A_65 = arith.constant 1 : i32
    %run_scoped3A_66 = arith.constant 1 : i32
    "tpu.region"() ({
      %run_scoped3A_83 = tpu.sem_alloc : memref<!tpu.dma_semaphore, #tpu.memory_space<semaphore_mem>>
      %dma_start3A_84 = arith.constant 0 : i32
      %dma_start3A_85 = tpu.memref_slice %arg6[%run_scoped3A_65, %run_scoped3A_66, %dma_start3A_84] : memref<3x2x120xi32, #tpu.memory_space<vmem>> -> memref<1x1x120xi32, #tpu.memory_space<vmem>>
      %dma_start3A_86 = tpu.memref_squeeze %dma_start3A_85 : memref<1x1x120xi32, #tpu.memory_space<vmem>> -> memref<120xi32, #tpu.memory_space<vmem>>
      %dma_start3A_87 = arith.constant 0 : i32
      %dma_start3A_88 = arith.constant 0 : i32
      %dma_start3A_89 = tpu.memref_slice %arg10[%dma_start3A_87, %dma_start3A_88] : memref<10016x128xf32, #tpu.memory_space<vmem_shared>> -> memref<10016x128xf32, #tpu.memory_space<vmem_shared>>
      tpu.enqueue_indirect_dma source(%arg8 : memref<120x128xf32, #tpu.memory_space<vmem>>) target(%dma_start3A_89 : memref<10016x128xf32, #tpu.memory_space<vmem_shared>>) offsets(%dma_start3A_86 : memref<120xi32, #tpu.memory_space<vmem>>) semaphore(%run_scoped3A_83 : memref<!tpu.dma_semaphore, #tpu.memory_space<semaphore_mem>>) {add = true}
      %dma_wait3A_90 = arith.constant 0 : i32
      %dma_wait3A_91 = tpu.memref_slice %arg6[%run_scoped3A_65, %run_scoped3A_66, %dma_wait3A_90] : memref<3x2x120xi32, #tpu.memory_space<vmem>> -> memref<1x1x120xi32, #tpu.memory_space<vmem>>
      %dma_wait3A_92 = tpu.memref_squeeze %dma_wait3A_91 : memref<1x1x120xi32, #tpu.memory_space<vmem>> -> memref<120xi32, #tpu.memory_space<vmem>>
      %dma_wait3A_93 = arith.constant 0 : i32
      %dma_wait3A_94 = arith.constant 0 : i32
      %dma_wait3A_95 = tpu.memref_slice %arg10[%dma_wait3A_93, %dma_wait3A_94] : memref<10016x128xf32, #tpu.memory_space<vmem_shared>> -> memref<10016x128xf32, #tpu.memory_space<vmem_shared>>
      tpu.wait_indirect_dma semaphore(%run_scoped3A_83 : memref<!tpu.dma_semaphore, #tpu.memory_space<semaphore_mem>>) src(%arg8 : memref<120x128xf32, #tpu.memory_space<vmem>>) dst(%dma_wait3A_95 : memref<10016x128xf32, #tpu.memory_space<vmem_shared>>)
      tpu.yield
    }) : () -> ()
    %dma_wait3A_67 = arith.constant 2 : i32
    %dma_wait3A_68 = arith.constant 0 : i32
    %dma_wait3A_69 = arith.constant 0 : i32
    %dma_wait3A_70 = tpu.memref_slice %arg6[%dma_wait3A_67, %dma_wait3A_68, %dma_wait3A_69] : memref<3x2x120xi32, #tpu.memory_space<vmem>> -> memref<1x1x120xi32, #tpu.memory_space<vmem>>
    %dma_wait3A_71 = tpu.memref_squeeze %dma_wait3A_70 : memref<1x1x120xi32, #tpu.memory_space<vmem>> -> memref<120xi32, #tpu.memory_space<vmem>>
    %dma_wait3A_72 = arith.constant 0 : i32
    %dma_wait3A_73 = arith.constant 0 : i32
    %dma_wait3A_74 = tpu.memref_slice %arg3[%dma_wait3A_72, %dma_wait3A_73] : memref<80128x128xf32, #tpu.memory_space<hbm>> -> memref<80128x128xf32, #tpu.memory_space<hbm>>
    tpu.wait_indirect_dma semaphore(%arg13 : memref<!tpu.dma_semaphore, #tpu.memory_space<semaphore_mem>>) src(%dma_wait3A_74 : memref<80128x128xf32, #tpu.memory_space<hbm>>) dst(%arg9 : memref<120x128xf32, #tpu.memory_space<vmem>>)
    %run_scoped3A_75 = arith.constant 2 : i32
    %run_scoped3A_76 = arith.constant 1 : i32
    "tpu.region"() ({
      %run_scoped3A_83 = tpu.sem_alloc : memref<!tpu.dma_semaphore, #tpu.memory_space<semaphore_mem>>
      %dma_start3A_84 = arith.constant 0 : i32
      %dma_start3A_85 = tpu.memref_slice %arg6[%run_scoped3A_75, %run_scoped3A_76, %dma_start3A_84] : memref<3x2x120xi32, #tpu.memory_space<vmem>> -> memref<1x1x120xi32, #tpu.memory_space<vmem>>
      %dma_start3A_86 = tpu.memref_squeeze %dma_start3A_85 : memref<1x1x120xi32, #tpu.memory_space<vmem>> -> memref<120xi32, #tpu.memory_space<vmem>>
      %dma_start3A_87 = arith.constant 0 : i32
      %dma_start3A_88 = arith.constant 0 : i32
      %dma_start3A_89 = tpu.memref_slice %arg10[%dma_start3A_87, %dma_start3A_88] : memref<10016x128xf32, #tpu.memory_space<vmem_shared>> -> memref<10016x128xf32, #tpu.memory_space<vmem_shared>>
      tpu.enqueue_indirect_dma source(%arg9 : memref<120x128xf32, #tpu.memory_space<vmem>>) target(%dma_start3A_89 : memref<10016x128xf32, #tpu.memory_space<vmem_shared>>) offsets(%dma_start3A_86 : memref<120xi32, #tpu.memory_space<vmem>>) semaphore(%run_scoped3A_83 : memref<!tpu.dma_semaphore, #tpu.memory_space<semaphore_mem>>) {add = true}
      %dma_wait3A_90 = arith.constant 0 : i32
      %dma_wait3A_91 = tpu.memref_slice %arg6[%run_scoped3A_75, %run_scoped3A_76, %dma_wait3A_90] : memref<3x2x120xi32, #tpu.memory_space<vmem>> -> memref<1x1x120xi32, #tpu.memory_space<vmem>>
      %dma_wait3A_92 = tpu.memref_squeeze %dma_wait3A_91 : memref<1x1x120xi32, #tpu.memory_space<vmem>> -> memref<120xi32, #tpu.memory_space<vmem>>
      %dma_wait3A_93 = arith.constant 0 : i32
      %dma_wait3A_94 = arith.constant 0 : i32
      %dma_wait3A_95 = tpu.memref_slice %arg10[%dma_wait3A_93, %dma_wait3A_94] : memref<10016x128xf32, #tpu.memory_space<vmem_shared>> -> memref<10016x128xf32, #tpu.memory_space<vmem_shared>>
      tpu.wait_indirect_dma semaphore(%run_scoped3A_83 : memref<!tpu.dma_semaphore, #tpu.memory_space<semaphore_mem>>) src(%arg9 : memref<120x128xf32, #tpu.memory_space<vmem>>) dst(%dma_wait3A_95 : memref<10016x128xf32, #tpu.memory_space<vmem_shared>>)
      tpu.yield
    }) : () -> ()
    %barrier3A_77 = arith.constant 0 : index
    tpu.barrier barrier_id(%barrier3A_77)
    %eq3A_78 = arith.constant 0 : i32
    %eq3A_79 = arith.cmpi eq, %arg1, %eq3A_78 : i32
    %convert_element_type3A_80 = arith.extui %eq3A_79 : i1 to i32
    %cond3A_81 = arith.constant 0 : i32
    %cond3A_82 = arith.cmpi ne, %convert_element_type3A_80, %cond3A_81 : i32
    scf.if %cond3A_82 {
      "tpu.region"() ({
        %run_scoped3A_83 = tpu.sem_alloc : memref<!tpu.dma_semaphore, #tpu.memory_space<semaphore_mem>>
        %dma_start3A_84 = arith.constant 0 : i32
        %dma_start3A_85 = arith.constant 0 : i32
        %dma_start3A_86 = tpu.memref_slice %arg5[%arg0, %dma_start3A_84, %dma_start3A_85] : memref<2x10016x128xf32, #tpu.memory_space<hbm>> -> memref<1x10016x128xf32, #tpu.memory_space<hbm>>
        %dma_start3A_87 = tpu.memref_squeeze %dma_start3A_86 : memref<1x10016x128xf32, #tpu.memory_space<hbm>> -> memref<10016x128xf32, #tpu.memory_space<hbm>>
        tpu.enqueue_dma source(%arg10 : memref<10016x128xf32, #tpu.memory_space<vmem_shared>>) target(%dma_start3A_87 : memref<10016x128xf32, #tpu.memory_space<hbm>>) target_semaphore(%run_scoped3A_83 : memref<!tpu.dma_semaphore, #tpu.memory_space<semaphore_mem>>)
        %dma_wait3A_88 = arith.constant 0 : i32
        %dma_wait3A_89 = arith.constant 0 : i32
        %dma_wait3A_90 = tpu.memref_slice %arg5[%arg0, %dma_wait3A_88, %dma_wait3A_89] : memref<2x10016x128xf32, #tpu.memory_space<hbm>> -> memref<1x10016x128xf32, #tpu.memory_space<hbm>>
        %dma_wait3A_91 = tpu.memref_squeeze %dma_wait3A_90 : memref<1x10016x128xf32, #tpu.memory_space<hbm>> -> memref<10016x128xf32, #tpu.memory_space<hbm>>
        tpu.wait_dma2 semaphore(%run_scoped3A_83 : memref<!tpu.dma_semaphore, #tpu.memory_space<semaphore_mem>>) src(%arg10 : memref<10016x128xf32, #tpu.memory_space<vmem_shared>>) dst(%dma_wait3A_91 : memref<10016x128xf32, #tpu.memory_space<hbm>>)
        tpu.yield
      }) : () -> ()
    } else {
    }
    return
  }
}

#map = affine_map<(d0, d1) -> (0, 0, 0)>
#map1 = affine_map<(d0, d1) -> (0, 0)>
module attributes {stable_mosaic.version = 14 : i64} {
  func.func @_sc_edge_body(%arg0: i32, %arg1: i32, %arg2: memref<2688x2x120xi32, #tpu.memory_space<hbm>>, %arg3: memref<80128x128xf32, #tpu.memory_space<hbm>>, %arg4: memref<10016x128xf32, #tpu.memory_space<hbm>>, %arg5: memref<2x10016x128xf32, #tpu.memory_space<hbm>>, %arg6: memref<3x2x120xi32, #tpu.memory_space<vmem>>, %arg7: memref<120x128xf32, #tpu.memory_space<vmem>>, %arg8: memref<120x128xf32, #tpu.memory_space<vmem>>, %arg9: memref<120x128xf32, #tpu.memory_space<vmem>>, %arg10: memref<10016x128xf32, #tpu.memory_space<vmem_shared>>, %arg11: memref<!tpu.dma_semaphore, #tpu.memory_space<semaphore_mem>>, %arg12: memref<!tpu.dma_semaphore, #tpu.memory_space<semaphore_mem>>, %arg13: memref<!tpu.dma_semaphore, #tpu.memory_space<semaphore_mem>>) attributes {dimension_semantics = [#tpu.dimension_semantics<core_parallel>, #tpu.dimension_semantics<subcore_parallel>], iteration_bounds = array<i64: 2, 16>, scalar_prefetch = 0 : i64, scratch_operands = 8 : i64, tpu.core_type = #tpu.core_type<sc_vector_subcore>, window_params = [{transform_indices = #map}, {transform_indices = #map1}, {transform_indices = #map1}, {transform_indices = #map}]} {
    %mul3A = arith.constant 168 : i32
    %mul3A_0 = arith.muli %arg1, %mul3A : i32
    %mul3A_1 = arith.constant 135 : i32
    %mul3A_2 = arith.muli %arg0, %mul3A_1 : i32
    %add3A = arith.addi %mul3A_0, %mul3A_2 : i32
    %eq3A = arith.constant 0 : i32
    %eq3A_3 = arith.cmpi eq, %arg0, %eq3A : i32
    %jit3A = arith.constant 44 : i32
    %jit3A_4 = arith.constant 10 : i32
    %select_n3A = arith.select %eq3A_3, %jit3A, %jit3A_4 : i32
    %eq3A_5 = arith.constant 0 : i32
    %eq3A_6 = arith.cmpi eq, %arg1, %eq3A_5 : i32
    %convert_element_type3A = arith.extui %eq3A_6 : i1 to i32
    %cond3A = arith.constant 0 : i32
    %cond3A_7 = arith.cmpi ne, %convert_element_type3A, %cond3A : i32
    scf.if %cond3A_7 {
      "tpu.region"() ({
        %run_scoped3A_83 = tpu.sem_alloc : memref<!tpu.dma_semaphore, #tpu.memory_space<semaphore_mem>>
        tpu.enqueue_dma source(%arg4 : memref<10016x128xf32, #tpu.memory_space<hbm>>) target(%arg10 : memref<10016x128xf32, #tpu.memory_space<vmem_shared>>) target_semaphore(%run_scoped3A_83 : memref<!tpu.dma_semaphore, #tpu.memory_space<semaphore_mem>>)
        tpu.wait_dma2 semaphore(%run_scoped3A_83 : memref<!tpu.dma_semaphore, #tpu.memory_space<semaphore_mem>>) src(%arg4 : memref<10016x128xf32, #tpu.memory_space<hbm>>) dst(%arg10 : memref<10016x128xf32, #tpu.memory_space<vmem_shared>>)
        tpu.yield
      }) : () -> ()
    } else {
    }
    %barrier3A = arith.constant 0 : index
    tpu.barrier barrier_id(%barrier3A)
    %add3A_8 = arith.constant 0 : i32
    %add3A_9 = arith.addi %add3A, %add3A_8 : i32
    %run_scoped3A = arith.constant 0 : i32
    "tpu.region"() ({
      %run_scoped3A_83 = tpu.sem_alloc : memref<!tpu.dma_semaphore, #tpu.memory_space<semaphore_mem>>
      %dma_start3A_84 = arith.constant 0 : i32
      %dma_start3A_85 = arith.constant 0 : i32
      %dma_start3A_86 = tpu.memref_slice %arg6[%run_scoped3A, %dma_start3A_84, %dma_start3A_85] : memref<3x2x120xi32, #tpu.memory_space<vmem>> -> memref<1x2x120xi32, #tpu.memory_space<vmem>>
      %dma_start3A_87 = tpu.memref_squeeze %dma_start3A_86 : memref<1x2x120xi32, #tpu.memory_space<vmem>> -> memref<2x120xi32, #tpu.memory_space<vmem>>
      %dma_start3A_88 = arith.constant 0 : i32
      %dma_start3A_89 = arith.constant 0 : i32
      %dma_start3A_90 = tpu.memref_slice %arg2[%add3A_9, %dma_start3A_88, %dma_start3A_89] : memref<2688x2x120xi32, #tpu.memory_space<hbm>> -> memref<1x2x120xi32, #tpu.memory_space<hbm>>
      %dma_start3A_91 = tpu.memref_squeeze %dma_start3A_90 : memref<1x2x120xi32, #tpu.memory_space<hbm>> -> memref<2x120xi32, #tpu.memory_space<hbm>>
      %dma_start3A_92 = arith.constant 0 : i32
      %dma_start3A_93 = arith.constant 0 : i32
      %dma_start3A_94 = tpu.memref_slice %arg6[%run_scoped3A, %dma_start3A_92, %dma_start3A_93] : memref<3x2x120xi32, #tpu.memory_space<vmem>> -> memref<1x2x120xi32, #tpu.memory_space<vmem>>
      %dma_start3A_95 = tpu.memref_squeeze %dma_start3A_94 : memref<1x2x120xi32, #tpu.memory_space<vmem>> -> memref<2x120xi32, #tpu.memory_space<vmem>>
      %dma_start3A_96 = arith.constant 0 : i32
      %dma_start3A_97 = arith.constant 0 : i32
      %dma_start3A_98 = tpu.memref_slice %arg2[%add3A_9, %dma_start3A_96, %dma_start3A_97] : memref<2688x2x120xi32, #tpu.memory_space<hbm>> -> memref<1x2x120xi32, #tpu.memory_space<hbm>>
      %dma_start3A_99 = tpu.memref_squeeze %dma_start3A_98 : memref<1x2x120xi32, #tpu.memory_space<hbm>> -> memref<2x120xi32, #tpu.memory_space<hbm>>
      tpu.enqueue_dma source(%dma_start3A_99 : memref<2x120xi32, #tpu.memory_space<hbm>>) target(%dma_start3A_95 : memref<2x120xi32, #tpu.memory_space<vmem>>) target_semaphore(%run_scoped3A_83 : memref<!tpu.dma_semaphore, #tpu.memory_space<semaphore_mem>>)
      %dma_wait3A_100 = arith.constant 0 : i32
      %dma_wait3A_101 = arith.constant 0 : i32
      %dma_wait3A_102 = tpu.memref_slice %arg6[%run_scoped3A, %dma_wait3A_100, %dma_wait3A_101] : memref<3x2x120xi32, #tpu.memory_space<vmem>> -> memref<1x2x120xi32, #tpu.memory_space<vmem>>
      %dma_wait3A_103 = tpu.memref_squeeze %dma_wait3A_102 : memref<1x2x120xi32, #tpu.memory_space<vmem>> -> memref<2x120xi32, #tpu.memory_space<vmem>>
      %dma_wait3A_104 = arith.constant 0 : i32
      %dma_wait3A_105 = arith.constant 0 : i32
      %dma_wait3A_106 = tpu.memref_slice %arg2[%add3A_9, %dma_wait3A_104, %dma_wait3A_105] : memref<2688x2x120xi32, #tpu.memory_space<hbm>> -> memref<1x2x120xi32, #tpu.memory_space<hbm>>
      %dma_wait3A_107 = tpu.memref_squeeze %dma_wait3A_106 : memref<1x2x120xi32, #tpu.memory_space<hbm>> -> memref<2x120xi32, #tpu.memory_space<hbm>>
      %dma_wait3A_108 = arith.constant 0 : i32
      %dma_wait3A_109 = arith.constant 0 : i32
      %dma_wait3A_110 = tpu.memref_slice %arg6[%run_scoped3A, %dma_wait3A_108, %dma_wait3A_109] : memref<3x2x120xi32, #tpu.memory_space<vmem>> -> memref<1x2x120xi32, #tpu.memory_space<vmem>>
      %dma_wait3A_111 = tpu.memref_squeeze %dma_wait3A_110 : memref<1x2x120xi32, #tpu.memory_space<vmem>> -> memref<2x120xi32, #tpu.memory_space<vmem>>
      %dma_wait3A_112 = arith.constant 0 : i32
      %dma_wait3A_113 = arith.constant 0 : i32
      %dma_wait3A_114 = tpu.memref_slice %arg2[%add3A_9, %dma_wait3A_112, %dma_wait3A_113] : memref<2688x2x120xi32, #tpu.memory_space<hbm>> -> memref<1x2x120xi32, #tpu.memory_space<hbm>>
      %dma_wait3A_115 = tpu.memref_squeeze %dma_wait3A_114 : memref<1x2x120xi32, #tpu.memory_space<hbm>> -> memref<2x120xi32, #tpu.memory_space<hbm>>
      tpu.wait_dma2 semaphore(%run_scoped3A_83 : memref<!tpu.dma_semaphore, #tpu.memory_space<semaphore_mem>>) src(%dma_wait3A_115 : memref<2x120xi32, #tpu.memory_space<hbm>>) dst(%dma_wait3A_111 : memref<2x120xi32, #tpu.memory_space<vmem>>)
      tpu.yield
    }) : () -> ()
    %dma_start3A = arith.constant 0 : i32
    %dma_start3A_10 = arith.constant 0 : i32
    %dma_start3A_11 = arith.constant 0 : i32
    %dma_start3A_12 = tpu.memref_slice %arg6[%dma_start3A, %dma_start3A_10, %dma_start3A_11] : memref<3x2x120xi32, #tpu.memory_space<vmem>> -> memref<1x1x120xi32, #tpu.memory_space<vmem>>
    %dma_start3A_13 = tpu.memref_squeeze %dma_start3A_12 : memref<1x1x120xi32, #tpu.memory_space<vmem>> -> memref<120xi32, #tpu.memory_space<vmem>>
    %dma_start3A_14 = arith.constant 0 : i32
    %dma_start3A_15 = arith.constant 0 : i32
    %dma_start3A_16 = tpu.memref_slice %arg3[%dma_start3A_14, %dma_start3A_15] : memref<80128x128xf32, #tpu.memory_space<hbm>> -> memref<80128x128xf32, #tpu.memory_space<hbm>>
    tpu.enqueue_indirect_dma source(%dma_start3A_16 : memref<80128x128xf32, #tpu.memory_space<hbm>>) target(%arg7 : memref<120x128xf32, #tpu.memory_space<vmem>>) offsets(%dma_start3A_13 : memref<120xi32, #tpu.memory_space<vmem>>) semaphore(%arg11 : memref<!tpu.dma_semaphore, #tpu.memory_space<semaphore_mem>>)
    %add3A_17 = arith.constant 1 : i32
    %add3A_18 = arith.addi %add3A, %add3A_17 : i32
    %run_scoped3A_19 = arith.constant 1 : i32
    "tpu.region"() ({
      %run_scoped3A_83 = tpu.sem_alloc : memref<!tpu.dma_semaphore, #tpu.memory_space<semaphore_mem>>
      %dma_start3A_84 = arith.constant 0 : i32
      %dma_start3A_85 = arith.constant 0 : i32
      %dma_start3A_86 = tpu.memref_slice %arg6[%run_scoped3A_19, %dma_start3A_84, %dma_start3A_85] : memref<3x2x120xi32, #tpu.memory_space<vmem>> -> memref<1x2x120xi32, #tpu.memory_space<vmem>>
      %dma_start3A_87 = tpu.memref_squeeze %dma_start3A_86 : memref<1x2x120xi32, #tpu.memory_space<vmem>> -> memref<2x120xi32, #tpu.memory_space<vmem>>
      %dma_start3A_88 = arith.constant 0 : i32
      %dma_start3A_89 = arith.constant 0 : i32
      %dma_start3A_90 = tpu.memref_slice %arg2[%add3A_18, %dma_start3A_88, %dma_start3A_89] : memref<2688x2x120xi32, #tpu.memory_space<hbm>> -> memref<1x2x120xi32, #tpu.memory_space<hbm>>
      %dma_start3A_91 = tpu.memref_squeeze %dma_start3A_90 : memref<1x2x120xi32, #tpu.memory_space<hbm>> -> memref<2x120xi32, #tpu.memory_space<hbm>>
      %dma_start3A_92 = arith.constant 0 : i32
      %dma_start3A_93 = arith.constant 0 : i32
      %dma_start3A_94 = tpu.memref_slice %arg6[%run_scoped3A_19, %dma_start3A_92, %dma_start3A_93] : memref<3x2x120xi32, #tpu.memory_space<vmem>> -> memref<1x2x120xi32, #tpu.memory_space<vmem>>
      %dma_start3A_95 = tpu.memref_squeeze %dma_start3A_94 : memref<1x2x120xi32, #tpu.memory_space<vmem>> -> memref<2x120xi32, #tpu.memory_space<vmem>>
      %dma_start3A_96 = arith.constant 0 : i32
      %dma_start3A_97 = arith.constant 0 : i32
      %dma_start3A_98 = tpu.memref_slice %arg2[%add3A_18, %dma_start3A_96, %dma_start3A_97] : memref<2688x2x120xi32, #tpu.memory_space<hbm>> -> memref<1x2x120xi32, #tpu.memory_space<hbm>>
      %dma_start3A_99 = tpu.memref_squeeze %dma_start3A_98 : memref<1x2x120xi32, #tpu.memory_space<hbm>> -> memref<2x120xi32, #tpu.memory_space<hbm>>
      tpu.enqueue_dma source(%dma_start3A_99 : memref<2x120xi32, #tpu.memory_space<hbm>>) target(%dma_start3A_95 : memref<2x120xi32, #tpu.memory_space<vmem>>) target_semaphore(%run_scoped3A_83 : memref<!tpu.dma_semaphore, #tpu.memory_space<semaphore_mem>>)
      %dma_wait3A_100 = arith.constant 0 : i32
      %dma_wait3A_101 = arith.constant 0 : i32
      %dma_wait3A_102 = tpu.memref_slice %arg6[%run_scoped3A_19, %dma_wait3A_100, %dma_wait3A_101] : memref<3x2x120xi32, #tpu.memory_space<vmem>> -> memref<1x2x120xi32, #tpu.memory_space<vmem>>
      %dma_wait3A_103 = tpu.memref_squeeze %dma_wait3A_102 : memref<1x2x120xi32, #tpu.memory_space<vmem>> -> memref<2x120xi32, #tpu.memory_space<vmem>>
      %dma_wait3A_104 = arith.constant 0 : i32
      %dma_wait3A_105 = arith.constant 0 : i32
      %dma_wait3A_106 = tpu.memref_slice %arg2[%add3A_18, %dma_wait3A_104, %dma_wait3A_105] : memref<2688x2x120xi32, #tpu.memory_space<hbm>> -> memref<1x2x120xi32, #tpu.memory_space<hbm>>
      %dma_wait3A_107 = tpu.memref_squeeze %dma_wait3A_106 : memref<1x2x120xi32, #tpu.memory_space<hbm>> -> memref<2x120xi32, #tpu.memory_space<hbm>>
      %dma_wait3A_108 = arith.constant 0 : i32
      %dma_wait3A_109 = arith.constant 0 : i32
      %dma_wait3A_110 = tpu.memref_slice %arg6[%run_scoped3A_19, %dma_wait3A_108, %dma_wait3A_109] : memref<3x2x120xi32, #tpu.memory_space<vmem>> -> memref<1x2x120xi32, #tpu.memory_space<vmem>>
      %dma_wait3A_111 = tpu.memref_squeeze %dma_wait3A_110 : memref<1x2x120xi32, #tpu.memory_space<vmem>> -> memref<2x120xi32, #tpu.memory_space<vmem>>
      %dma_wait3A_112 = arith.constant 0 : i32
      %dma_wait3A_113 = arith.constant 0 : i32
      %dma_wait3A_114 = tpu.memref_slice %arg2[%add3A_18, %dma_wait3A_112, %dma_wait3A_113] : memref<2688x2x120xi32, #tpu.memory_space<hbm>> -> memref<1x2x120xi32, #tpu.memory_space<hbm>>
      %dma_wait3A_115 = tpu.memref_squeeze %dma_wait3A_114 : memref<1x2x120xi32, #tpu.memory_space<hbm>> -> memref<2x120xi32, #tpu.memory_space<hbm>>
      tpu.wait_dma2 semaphore(%run_scoped3A_83 : memref<!tpu.dma_semaphore, #tpu.memory_space<semaphore_mem>>) src(%dma_wait3A_115 : memref<2x120xi32, #tpu.memory_space<hbm>>) dst(%dma_wait3A_111 : memref<2x120xi32, #tpu.memory_space<vmem>>)
      tpu.yield
    }) : () -> ()
    %dma_start3A_20 = arith.constant 1 : i32
    %dma_start3A_21 = arith.constant 0 : i32
    %dma_start3A_22 = arith.constant 0 : i32
    %dma_start3A_23 = tpu.memref_slice %arg6[%dma_start3A_20, %dma_start3A_21, %dma_start3A_22] : memref<3x2x120xi32, #tpu.memory_space<vmem>> -> memref<1x1x120xi32, #tpu.memory_space<vmem>>
    %dma_start3A_24 = tpu.memref_squeeze %dma_start3A_23 : memref<1x1x120xi32, #tpu.memory_space<vmem>> -> memref<120xi32, #tpu.memory_space<vmem>>
    %dma_start3A_25 = arith.constant 0 : i32
    %dma_start3A_26 = arith.constant 0 : i32
    %dma_start3A_27 = tpu.memref_slice %arg3[%dma_start3A_25, %dma_start3A_26] : memref<80128x128xf32, #tpu.memory_space<hbm>> -> memref<80128x128xf32, #tpu.memory_space<hbm>>
    tpu.enqueue_indirect_dma source(%dma_start3A_27 : memref<80128x128xf32, #tpu.memory_space<hbm>>) target(%arg8 : memref<120x128xf32, #tpu.memory_space<vmem>>) offsets(%dma_start3A_24 : memref<120xi32, #tpu.memory_space<vmem>>) semaphore(%arg12 : memref<!tpu.dma_semaphore, #tpu.memory_space<semaphore_mem>>)
    %add3A_28 = arith.constant 2 : i32
    %add3A_29 = arith.addi %add3A, %add3A_28 : i32
    %run_scoped3A_30 = arith.constant 2 : i32
    "tpu.region"() ({
      %run_scoped3A_83 = tpu.sem_alloc : memref<!tpu.dma_semaphore, #tpu.memory_space<semaphore_mem>>
      %dma_start3A_84 = arith.constant 0 : i32
      %dma_start3A_85 = arith.constant 0 : i32
      %dma_start3A_86 = tpu.memref_slice %arg6[%run_scoped3A_30, %dma_start3A_84, %dma_start3A_85] : memref<3x2x120xi32, #tpu.memory_space<vmem>> -> memref<1x2x120xi32, #tpu.memory_space<vmem>>
      %dma_start3A_87 = tpu.memref_squeeze %dma_start3A_86 : memref<1x2x120xi32, #tpu.memory_space<vmem>> -> memref<2x120xi32, #tpu.memory_space<vmem>>
      %dma_start3A_88 = arith.constant 0 : i32
      %dma_start3A_89 = arith.constant 0 : i32
      %dma_start3A_90 = tpu.memref_slice %arg2[%add3A_29, %dma_start3A_88, %dma_start3A_89] : memref<2688x2x120xi32, #tpu.memory_space<hbm>> -> memref<1x2x120xi32, #tpu.memory_space<hbm>>
      %dma_start3A_91 = tpu.memref_squeeze %dma_start3A_90 : memref<1x2x120xi32, #tpu.memory_space<hbm>> -> memref<2x120xi32, #tpu.memory_space<hbm>>
      %dma_start3A_92 = arith.constant 0 : i32
      %dma_start3A_93 = arith.constant 0 : i32
      %dma_start3A_94 = tpu.memref_slice %arg6[%run_scoped3A_30, %dma_start3A_92, %dma_start3A_93] : memref<3x2x120xi32, #tpu.memory_space<vmem>> -> memref<1x2x120xi32, #tpu.memory_space<vmem>>
      %dma_start3A_95 = tpu.memref_squeeze %dma_start3A_94 : memref<1x2x120xi32, #tpu.memory_space<vmem>> -> memref<2x120xi32, #tpu.memory_space<vmem>>
      %dma_start3A_96 = arith.constant 0 : i32
      %dma_start3A_97 = arith.constant 0 : i32
      %dma_start3A_98 = tpu.memref_slice %arg2[%add3A_29, %dma_start3A_96, %dma_start3A_97] : memref<2688x2x120xi32, #tpu.memory_space<hbm>> -> memref<1x2x120xi32, #tpu.memory_space<hbm>>
      %dma_start3A_99 = tpu.memref_squeeze %dma_start3A_98 : memref<1x2x120xi32, #tpu.memory_space<hbm>> -> memref<2x120xi32, #tpu.memory_space<hbm>>
      tpu.enqueue_dma source(%dma_start3A_99 : memref<2x120xi32, #tpu.memory_space<hbm>>) target(%dma_start3A_95 : memref<2x120xi32, #tpu.memory_space<vmem>>) target_semaphore(%run_scoped3A_83 : memref<!tpu.dma_semaphore, #tpu.memory_space<semaphore_mem>>)
      %dma_wait3A_100 = arith.constant 0 : i32
      %dma_wait3A_101 = arith.constant 0 : i32
      %dma_wait3A_102 = tpu.memref_slice %arg6[%run_scoped3A_30, %dma_wait3A_100, %dma_wait3A_101] : memref<3x2x120xi32, #tpu.memory_space<vmem>> -> memref<1x2x120xi32, #tpu.memory_space<vmem>>
      %dma_wait3A_103 = tpu.memref_squeeze %dma_wait3A_102 : memref<1x2x120xi32, #tpu.memory_space<vmem>> -> memref<2x120xi32, #tpu.memory_space<vmem>>
      %dma_wait3A_104 = arith.constant 0 : i32
      %dma_wait3A_105 = arith.constant 0 : i32
      %dma_wait3A_106 = tpu.memref_slice %arg2[%add3A_29, %dma_wait3A_104, %dma_wait3A_105] : memref<2688x2x120xi32, #tpu.memory_space<hbm>> -> memref<1x2x120xi32, #tpu.memory_space<hbm>>
      %dma_wait3A_107 = tpu.memref_squeeze %dma_wait3A_106 : memref<1x2x120xi32, #tpu.memory_space<hbm>> -> memref<2x120xi32, #tpu.memory_space<hbm>>
      %dma_wait3A_108 = arith.constant 0 : i32
      %dma_wait3A_109 = arith.constant 0 : i32
      %dma_wait3A_110 = tpu.memref_slice %arg6[%run_scoped3A_30, %dma_wait3A_108, %dma_wait3A_109] : memref<3x2x120xi32, #tpu.memory_space<vmem>> -> memref<1x2x120xi32, #tpu.memory_space<vmem>>
      %dma_wait3A_111 = tpu.memref_squeeze %dma_wait3A_110 : memref<1x2x120xi32, #tpu.memory_space<vmem>> -> memref<2x120xi32, #tpu.memory_space<vmem>>
      %dma_wait3A_112 = arith.constant 0 : i32
      %dma_wait3A_113 = arith.constant 0 : i32
      %dma_wait3A_114 = tpu.memref_slice %arg2[%add3A_29, %dma_wait3A_112, %dma_wait3A_113] : memref<2688x2x120xi32, #tpu.memory_space<hbm>> -> memref<1x2x120xi32, #tpu.memory_space<hbm>>
      %dma_wait3A_115 = tpu.memref_squeeze %dma_wait3A_114 : memref<1x2x120xi32, #tpu.memory_space<hbm>> -> memref<2x120xi32, #tpu.memory_space<hbm>>
      tpu.wait_dma2 semaphore(%run_scoped3A_83 : memref<!tpu.dma_semaphore, #tpu.memory_space<semaphore_mem>>) src(%dma_wait3A_115 : memref<2x120xi32, #tpu.memory_space<hbm>>) dst(%dma_wait3A_111 : memref<2x120xi32, #tpu.memory_space<vmem>>)
      tpu.yield
    }) : () -> ()
    %dma_start3A_31 = arith.constant 2 : i32
    %dma_start3A_32 = arith.constant 0 : i32
    %dma_start3A_33 = arith.constant 0 : i32
    %dma_start3A_34 = tpu.memref_slice %arg6[%dma_start3A_31, %dma_start3A_32, %dma_start3A_33] : memref<3x2x120xi32, #tpu.memory_space<vmem>> -> memref<1x1x120xi32, #tpu.memory_space<vmem>>
    %dma_start3A_35 = tpu.memref_squeeze %dma_start3A_34 : memref<1x1x120xi32, #tpu.memory_space<vmem>> -> memref<120xi32, #tpu.memory_space<vmem>>
    %dma_start3A_36 = arith.constant 0 : i32
    %dma_start3A_37 = arith.constant 0 : i32
    %dma_start3A_38 = tpu.memref_slice %arg3[%dma_start3A_36, %dma_start3A_37] : memref<80128x128xf32, #tpu.memory_space<hbm>> -> memref<80128x128xf32, #tpu.memory_space<hbm>>
    tpu.enqueue_indirect_dma source(%dma_start3A_38 : memref<80128x128xf32, #tpu.memory_space<hbm>>) target(%arg9 : memref<120x128xf32, #tpu.memory_space<vmem>>) offsets(%dma_start3A_35 : memref<120xi32, #tpu.memory_space<vmem>>) semaphore(%arg13 : memref<!tpu.dma_semaphore, #tpu.memory_space<semaphore_mem>>)
    %while3A = arith.constant 0 : i32
    %while3A_39 = arith.constant 0 : i32
    %while3A_40 = arith.subi %select_n3A, %while3A_39 : i32
    %while3A_41 = arith.addi %while3A_39, %while3A_40 : i32
    %while3A_42 = arith.constant 1 : i32
    %while3A_43 = arith.divsi %while3A_40, %while3A_42 : i32
    %while3A_44 = arith.muli %while3A_43, %while3A_42 : i32
    %while3A_45 = arith.addi %while3A_39, %while3A_44 : i32
    %while3A_46 = arith.constant 1 : i32
    scf.for %while3A_83 = %while3A_39 to %while3A_45 step %while3A_46  : i32 {
      %mul3A_84 = arith.constant 3 : i32
      %mul3A_85 = arith.muli %while3A_83, %mul3A_84 : i32
      %add3A_86 = arith.constant 0 : i32
      %add3A_87 = arith.addi %mul3A_85, %add3A_86 : i32
      %dma_wait3A_88 = arith.constant 0 : i32
      %dma_wait3A_89 = arith.constant 0 : i32
      %dma_wait3A_90 = arith.constant 0 : i32
      %dma_wait3A_91 = tpu.memref_slice %arg6[%dma_wait3A_88, %dma_wait3A_89, %dma_wait3A_90] : memref<3x2x120xi32, #tpu.memory_space<vmem>> -> memref<1x1x120xi32, #tpu.memory_space<vmem>>
      %dma_wait3A_92 = tpu.memref_squeeze %dma_wait3A_91 : memref<1x1x120xi32, #tpu.memory_space<vmem>> -> memref<120xi32, #tpu.memory_space<vmem>>
      %dma_wait3A_93 = arith.constant 0 : i32
      %dma_wait3A_94 = arith.constant 0 : i32
      %dma_wait3A_95 = tpu.memref_slice %arg3[%dma_wait3A_93, %dma_wait3A_94] : memref<80128x128xf32, #tpu.memory_space<hbm>> -> memref<80128x128xf32, #tpu.memory_space<hbm>>
      tpu.wait_indirect_dma semaphore(%arg11 : memref<!tpu.dma_semaphore, #tpu.memory_space<semaphore_mem>>) src(%dma_wait3A_95 : memref<80128x128xf32, #tpu.memory_space<hbm>>) dst(%arg7 : memref<120x128xf32, #tpu.memory_space<vmem>>)
      %run_scoped3A_96 = arith.constant 0 : i32
      %run_scoped3A_97 = arith.constant 1 : i32
      "tpu.region"() ({
        %run_scoped3A_162 = tpu.sem_alloc : memref<!tpu.dma_semaphore, #tpu.memory_space<semaphore_mem>>
        %dma_start3A_163 = arith.constant 0 : i32
        %dma_start3A_164 = tpu.memref_slice %arg6[%run_scoped3A_96, %run_scoped3A_97, %dma_start3A_163] : memref<3x2x120xi32, #tpu.memory_space<vmem>> -> memref<1x1x120xi32, #tpu.memory_space<vmem>>
        %dma_start3A_165 = tpu.memref_squeeze %dma_start3A_164 : memref<1x1x120xi32, #tpu.memory_space<vmem>> -> memref<120xi32, #tpu.memory_space<vmem>>
        %dma_start3A_166 = arith.constant 0 : i32
        %dma_start3A_167 = arith.constant 0 : i32
        %dma_start3A_168 = tpu.memref_slice %arg10[%dma_start3A_166, %dma_start3A_167] : memref<10016x128xf32, #tpu.memory_space<vmem_shared>> -> memref<10016x128xf32, #tpu.memory_space<vmem_shared>>
        tpu.enqueue_indirect_dma source(%arg7 : memref<120x128xf32, #tpu.memory_space<vmem>>) target(%dma_start3A_168 : memref<10016x128xf32, #tpu.memory_space<vmem_shared>>) offsets(%dma_start3A_165 : memref<120xi32, #tpu.memory_space<vmem>>) semaphore(%run_scoped3A_162 : memref<!tpu.dma_semaphore, #tpu.memory_space<semaphore_mem>>) {add = true}
        %dma_wait3A_169 = arith.constant 0 : i32
        %dma_wait3A_170 = tpu.memref_slice %arg6[%run_scoped3A_96, %run_scoped3A_97, %dma_wait3A_169] : memref<3x2x120xi32, #tpu.memory_space<vmem>> -> memref<1x1x120xi32, #tpu.memory_space<vmem>>
        %dma_wait3A_171 = tpu.memref_squeeze %dma_wait3A_170 : memref<1x1x120xi32, #tpu.memory_space<vmem>> -> memref<120xi32, #tpu.memory_space<vmem>>
        %dma_wait3A_172 = arith.constant 0 : i32
        %dma_wait3A_173 = arith.constant 0 : i32
        %dma_wait3A_174 = tpu.memref_slice %arg10[%dma_wait3A_172, %dma_wait3A_173] : memref<10016x128xf32, #tpu.memory_space<vmem_shared>> -> memref<10016x128xf32, #tpu.memory_space<vmem_shared>>
        tpu.wait_indirect_dma semaphore(%run_scoped3A_162 : memref<!tpu.dma_semaphore, #tpu.memory_space<semaphore_mem>>) src(%arg7 : memref<120x128xf32, #tpu.memory_space<vmem>>) dst(%dma_wait3A_174 : memref<10016x128xf32, #tpu.memory_space<vmem_shared>>)
        tpu.yield
      }) : () -> ()
      %add3A_98 = arith.addi %add3A, %add3A_87 : i32
      %add3A_99 = arith.constant 3 : i32
      %add3A_100 = arith.addi %add3A_98, %add3A_99 : i32
      %run_scoped3A_101 = arith.constant 0 : i32
      "tpu.region"() ({
        %run_scoped3A_162 = tpu.sem_alloc : memref<!tpu.dma_semaphore, #tpu.memory_space<semaphore_mem>>
        %dma_start3A_163 = arith.constant 0 : i32
        %dma_start3A_164 = arith.constant 0 : i32
        %dma_start3A_165 = tpu.memref_slice %arg6[%run_scoped3A_101, %dma_start3A_163, %dma_start3A_164] : memref<3x2x120xi32, #tpu.memory_space<vmem>> -> memref<1x2x120xi32, #tpu.memory_space<vmem>>
        %dma_start3A_166 = tpu.memref_squeeze %dma_start3A_165 : memref<1x2x120xi32, #tpu.memory_space<vmem>> -> memref<2x120xi32, #tpu.memory_space<vmem>>
        %dma_start3A_167 = arith.constant 0 : i32
        %dma_start3A_168 = arith.constant 0 : i32
        %dma_start3A_169 = tpu.memref_slice %arg2[%add3A_100, %dma_start3A_167, %dma_start3A_168] : memref<2688x2x120xi32, #tpu.memory_space<hbm>> -> memref<1x2x120xi32, #tpu.memory_space<hbm>>
        %dma_start3A_170 = tpu.memref_squeeze %dma_start3A_169 : memref<1x2x120xi32, #tpu.memory_space<hbm>> -> memref<2x120xi32, #tpu.memory_space<hbm>>
        %dma_start3A_171 = arith.constant 0 : i32
        %dma_start3A_172 = arith.constant 0 : i32
        %dma_start3A_173 = tpu.memref_slice %arg6[%run_scoped3A_101, %dma_start3A_171, %dma_start3A_172] : memref<3x2x120xi32, #tpu.memory_space<vmem>> -> memref<1x2x120xi32, #tpu.memory_space<vmem>>
        %dma_start3A_174 = tpu.memref_squeeze %dma_start3A_173 : memref<1x2x120xi32, #tpu.memory_space<vmem>> -> memref<2x120xi32, #tpu.memory_space<vmem>>
        %dma_start3A_175 = arith.constant 0 : i32
        %dma_start3A_176 = arith.constant 0 : i32
        %dma_start3A_177 = tpu.memref_slice %arg2[%add3A_100, %dma_start3A_175, %dma_start3A_176] : memref<2688x2x120xi32, #tpu.memory_space<hbm>> -> memref<1x2x120xi32, #tpu.memory_space<hbm>>
        %dma_start3A_178 = tpu.memref_squeeze %dma_start3A_177 : memref<1x2x120xi32, #tpu.memory_space<hbm>> -> memref<2x120xi32, #tpu.memory_space<hbm>>
        tpu.enqueue_dma source(%dma_start3A_178 : memref<2x120xi32, #tpu.memory_space<hbm>>) target(%dma_start3A_174 : memref<2x120xi32, #tpu.memory_space<vmem>>) target_semaphore(%run_scoped3A_162 : memref<!tpu.dma_semaphore, #tpu.memory_space<semaphore_mem>>)
        %dma_wait3A_179 = arith.constant 0 : i32
        %dma_wait3A_180 = arith.constant 0 : i32
        %dma_wait3A_181 = tpu.memref_slice %arg6[%run_scoped3A_101, %dma_wait3A_179, %dma_wait3A_180] : memref<3x2x120xi32, #tpu.memory_space<vmem>> -> memref<1x2x120xi32, #tpu.memory_space<vmem>>
        %dma_wait3A_182 = tpu.memref_squeeze %dma_wait3A_181 : memref<1x2x120xi32, #tpu.memory_space<vmem>> -> memref<2x120xi32, #tpu.memory_space<vmem>>
        %dma_wait3A_183 = arith.constant 0 : i32
        %dma_wait3A_184 = arith.constant 0 : i32
        %dma_wait3A_185 = tpu.memref_slice %arg2[%add3A_100, %dma_wait3A_183, %dma_wait3A_184] : memref<2688x2x120xi32, #tpu.memory_space<hbm>> -> memref<1x2x120xi32, #tpu.memory_space<hbm>>
        %dma_wait3A_186 = tpu.memref_squeeze %dma_wait3A_185 : memref<1x2x120xi32, #tpu.memory_space<hbm>> -> memref<2x120xi32, #tpu.memory_space<hbm>>
        %dma_wait3A_187 = arith.constant 0 : i32
        %dma_wait3A_188 = arith.constant 0 : i32
        %dma_wait3A_189 = tpu.memref_slice %arg6[%run_scoped3A_101, %dma_wait3A_187, %dma_wait3A_188] : memref<3x2x120xi32, #tpu.memory_space<vmem>> -> memref<1x2x120xi32, #tpu.memory_space<vmem>>
        %dma_wait3A_190 = tpu.memref_squeeze %dma_wait3A_189 : memref<1x2x120xi32, #tpu.memory_space<vmem>> -> memref<2x120xi32, #tpu.memory_space<vmem>>
        %dma_wait3A_191 = arith.constant 0 : i32
        %dma_wait3A_192 = arith.constant 0 : i32
        %dma_wait3A_193 = tpu.memref_slice %arg2[%add3A_100, %dma_wait3A_191, %dma_wait3A_192] : memref<2688x2x120xi32, #tpu.memory_space<hbm>> -> memref<1x2x120xi32, #tpu.memory_space<hbm>>
        %dma_wait3A_194 = tpu.memref_squeeze %dma_wait3A_193 : memref<1x2x120xi32, #tpu.memory_space<hbm>> -> memref<2x120xi32, #tpu.memory_space<hbm>>
        tpu.wait_dma2 semaphore(%run_scoped3A_162 : memref<!tpu.dma_semaphore, #tpu.memory_space<semaphore_mem>>) src(%dma_wait3A_194 : memref<2x120xi32, #tpu.memory_space<hbm>>) dst(%dma_wait3A_190 : memref<2x120xi32, #tpu.memory_space<vmem>>)
        tpu.yield
      }) : () -> ()
      %dma_start3A_102 = arith.constant 0 : i32
      %dma_start3A_103 = arith.constant 0 : i32
      %dma_start3A_104 = arith.constant 0 : i32
      %dma_start3A_105 = tpu.memref_slice %arg6[%dma_start3A_102, %dma_start3A_103, %dma_start3A_104] : memref<3x2x120xi32, #tpu.memory_space<vmem>> -> memref<1x1x120xi32, #tpu.memory_space<vmem>>
      %dma_start3A_106 = tpu.memref_squeeze %dma_start3A_105 : memref<1x1x120xi32, #tpu.memory_space<vmem>> -> memref<120xi32, #tpu.memory_space<vmem>>
      %dma_start3A_107 = arith.constant 0 : i32
      %dma_start3A_108 = arith.constant 0 : i32
      %dma_start3A_109 = tpu.memref_slice %arg3[%dma_start3A_107, %dma_start3A_108] : memref<80128x128xf32, #tpu.memory_space<hbm>> -> memref<80128x128xf32, #tpu.memory_space<hbm>>
      tpu.enqueue_indirect_dma source(%dma_start3A_109 : memref<80128x128xf32, #tpu.memory_space<hbm>>) target(%arg7 : memref<120x128xf32, #tpu.memory_space<vmem>>) offsets(%dma_start3A_106 : memref<120xi32, #tpu.memory_space<vmem>>) semaphore(%arg11 : memref<!tpu.dma_semaphore, #tpu.memory_space<semaphore_mem>>)
      %mul3A_110 = arith.constant 3 : i32
      %mul3A_111 = arith.muli %while3A_83, %mul3A_110 : i32
      %add3A_112 = arith.constant 1 : i32
      %add3A_113 = arith.addi %mul3A_111, %add3A_112 : i32
      %dma_wait3A_114 = arith.constant 1 : i32
      %dma_wait3A_115 = arith.constant 0 : i32
      %dma_wait3A_116 = arith.constant 0 : i32
      %dma_wait3A_117 = tpu.memref_slice %arg6[%dma_wait3A_114, %dma_wait3A_115, %dma_wait3A_116] : memref<3x2x120xi32, #tpu.memory_space<vmem>> -> memref<1x1x120xi32, #tpu.memory_space<vmem>>
      %dma_wait3A_118 = tpu.memref_squeeze %dma_wait3A_117 : memref<1x1x120xi32, #tpu.memory_space<vmem>> -> memref<120xi32, #tpu.memory_space<vmem>>
      %dma_wait3A_119 = arith.constant 0 : i32
      %dma_wait3A_120 = arith.constant 0 : i32
      %dma_wait3A_121 = tpu.memref_slice %arg3[%dma_wait3A_119, %dma_wait3A_120] : memref<80128x128xf32, #tpu.memory_space<hbm>> -> memref<80128x128xf32, #tpu.memory_space<hbm>>
      tpu.wait_indirect_dma semaphore(%arg12 : memref<!tpu.dma_semaphore, #tpu.memory_space<semaphore_mem>>) src(%dma_wait3A_121 : memref<80128x128xf32, #tpu.memory_space<hbm>>) dst(%arg8 : memref<120x128xf32, #tpu.memory_space<vmem>>)
      %run_scoped3A_122 = arith.constant 1 : i32
      %run_scoped3A_123 = arith.constant 1 : i32
      "tpu.region"() ({
        %run_scoped3A_162 = tpu.sem_alloc : memref<!tpu.dma_semaphore, #tpu.memory_space<semaphore_mem>>
        %dma_start3A_163 = arith.constant 0 : i32
        %dma_start3A_164 = tpu.memref_slice %arg6[%run_scoped3A_122, %run_scoped3A_123, %dma_start3A_163] : memref<3x2x120xi32, #tpu.memory_space<vmem>> -> memref<1x1x120xi32, #tpu.memory_space<vmem>>
        %dma_start3A_165 = tpu.memref_squeeze %dma_start3A_164 : memref<1x1x120xi32, #tpu.memory_space<vmem>> -> memref<120xi32, #tpu.memory_space<vmem>>
        %dma_start3A_166 = arith.constant 0 : i32
        %dma_start3A_167 = arith.constant 0 : i32
        %dma_start3A_168 = tpu.memref_slice %arg10[%dma_start3A_166, %dma_start3A_167] : memref<10016x128xf32, #tpu.memory_space<vmem_shared>> -> memref<10016x128xf32, #tpu.memory_space<vmem_shared>>
        tpu.enqueue_indirect_dma source(%arg8 : memref<120x128xf32, #tpu.memory_space<vmem>>) target(%dma_start3A_168 : memref<10016x128xf32, #tpu.memory_space<vmem_shared>>) offsets(%dma_start3A_165 : memref<120xi32, #tpu.memory_space<vmem>>) semaphore(%run_scoped3A_162 : memref<!tpu.dma_semaphore, #tpu.memory_space<semaphore_mem>>) {add = true}
        %dma_wait3A_169 = arith.constant 0 : i32
        %dma_wait3A_170 = tpu.memref_slice %arg6[%run_scoped3A_122, %run_scoped3A_123, %dma_wait3A_169] : memref<3x2x120xi32, #tpu.memory_space<vmem>> -> memref<1x1x120xi32, #tpu.memory_space<vmem>>
        %dma_wait3A_171 = tpu.memref_squeeze %dma_wait3A_170 : memref<1x1x120xi32, #tpu.memory_space<vmem>> -> memref<120xi32, #tpu.memory_space<vmem>>
        %dma_wait3A_172 = arith.constant 0 : i32
        %dma_wait3A_173 = arith.constant 0 : i32
        %dma_wait3A_174 = tpu.memref_slice %arg10[%dma_wait3A_172, %dma_wait3A_173] : memref<10016x128xf32, #tpu.memory_space<vmem_shared>> -> memref<10016x128xf32, #tpu.memory_space<vmem_shared>>
        tpu.wait_indirect_dma semaphore(%run_scoped3A_162 : memref<!tpu.dma_semaphore, #tpu.memory_space<semaphore_mem>>) src(%arg8 : memref<120x128xf32, #tpu.memory_space<vmem>>) dst(%dma_wait3A_174 : memref<10016x128xf32, #tpu.memory_space<vmem_shared>>)
        tpu.yield
      }) : () -> ()
      %add3A_124 = arith.addi %add3A, %add3A_113 : i32
      %add3A_125 = arith.constant 3 : i32
      %add3A_126 = arith.addi %add3A_124, %add3A_125 : i32
      %run_scoped3A_127 = arith.constant 1 : i32
      "tpu.region"() ({
        %run_scoped3A_162 = tpu.sem_alloc : memref<!tpu.dma_semaphore, #tpu.memory_space<semaphore_mem>>
        %dma_start3A_163 = arith.constant 0 : i32
        %dma_start3A_164 = arith.constant 0 : i32
        %dma_start3A_165 = tpu.memref_slice %arg6[%run_scoped3A_127, %dma_start3A_163, %dma_start3A_164] : memref<3x2x120xi32, #tpu.memory_space<vmem>> -> memref<1x2x120xi32, #tpu.memory_space<vmem>>
        %dma_start3A_166 = tpu.memref_squeeze %dma_start3A_165 : memref<1x2x120xi32, #tpu.memory_space<vmem>> -> memref<2x120xi32, #tpu.memory_space<vmem>>
        %dma_start3A_167 = arith.constant 0 : i32
        %dma_start3A_168 = arith.constant 0 : i32
        %dma_start3A_169 = tpu.memref_slice %arg2[%add3A_126, %dma_start3A_167, %dma_start3A_168] : memref<2688x2x120xi32, #tpu.memory_space<hbm>> -> memref<1x2x120xi32, #tpu.memory_space<hbm>>
        %dma_start3A_170 = tpu.memref_squeeze %dma_start3A_169 : memref<1x2x120xi32, #tpu.memory_space<hbm>> -> memref<2x120xi32, #tpu.memory_space<hbm>>
        %dma_start3A_171 = arith.constant 0 : i32
        %dma_start3A_172 = arith.constant 0 : i32
        %dma_start3A_173 = tpu.memref_slice %arg6[%run_scoped3A_127, %dma_start3A_171, %dma_start3A_172] : memref<3x2x120xi32, #tpu.memory_space<vmem>> -> memref<1x2x120xi32, #tpu.memory_space<vmem>>
        %dma_start3A_174 = tpu.memref_squeeze %dma_start3A_173 : memref<1x2x120xi32, #tpu.memory_space<vmem>> -> memref<2x120xi32, #tpu.memory_space<vmem>>
        %dma_start3A_175 = arith.constant 0 : i32
        %dma_start3A_176 = arith.constant 0 : i32
        %dma_start3A_177 = tpu.memref_slice %arg2[%add3A_126, %dma_start3A_175, %dma_start3A_176] : memref<2688x2x120xi32, #tpu.memory_space<hbm>> -> memref<1x2x120xi32, #tpu.memory_space<hbm>>
        %dma_start3A_178 = tpu.memref_squeeze %dma_start3A_177 : memref<1x2x120xi32, #tpu.memory_space<hbm>> -> memref<2x120xi32, #tpu.memory_space<hbm>>
        tpu.enqueue_dma source(%dma_start3A_178 : memref<2x120xi32, #tpu.memory_space<hbm>>) target(%dma_start3A_174 : memref<2x120xi32, #tpu.memory_space<vmem>>) target_semaphore(%run_scoped3A_162 : memref<!tpu.dma_semaphore, #tpu.memory_space<semaphore_mem>>)
        %dma_wait3A_179 = arith.constant 0 : i32
        %dma_wait3A_180 = arith.constant 0 : i32
        %dma_wait3A_181 = tpu.memref_slice %arg6[%run_scoped3A_127, %dma_wait3A_179, %dma_wait3A_180] : memref<3x2x120xi32, #tpu.memory_space<vmem>> -> memref<1x2x120xi32, #tpu.memory_space<vmem>>
        %dma_wait3A_182 = tpu.memref_squeeze %dma_wait3A_181 : memref<1x2x120xi32, #tpu.memory_space<vmem>> -> memref<2x120xi32, #tpu.memory_space<vmem>>
        %dma_wait3A_183 = arith.constant 0 : i32
        %dma_wait3A_184 = arith.constant 0 : i32
        %dma_wait3A_185 = tpu.memref_slice %arg2[%add3A_126, %dma_wait3A_183, %dma_wait3A_184] : memref<2688x2x120xi32, #tpu.memory_space<hbm>> -> memref<1x2x120xi32, #tpu.memory_space<hbm>>
        %dma_wait3A_186 = tpu.memref_squeeze %dma_wait3A_185 : memref<1x2x120xi32, #tpu.memory_space<hbm>> -> memref<2x120xi32, #tpu.memory_space<hbm>>
        %dma_wait3A_187 = arith.constant 0 : i32
        %dma_wait3A_188 = arith.constant 0 : i32
        %dma_wait3A_189 = tpu.memref_slice %arg6[%run_scoped3A_127, %dma_wait3A_187, %dma_wait3A_188] : memref<3x2x120xi32, #tpu.memory_space<vmem>> -> memref<1x2x120xi32, #tpu.memory_space<vmem>>
        %dma_wait3A_190 = tpu.memref_squeeze %dma_wait3A_189 : memref<1x2x120xi32, #tpu.memory_space<vmem>> -> memref<2x120xi32, #tpu.memory_space<vmem>>
        %dma_wait3A_191 = arith.constant 0 : i32
        %dma_wait3A_192 = arith.constant 0 : i32
        %dma_wait3A_193 = tpu.memref_slice %arg2[%add3A_126, %dma_wait3A_191, %dma_wait3A_192] : memref<2688x2x120xi32, #tpu.memory_space<hbm>> -> memref<1x2x120xi32, #tpu.memory_space<hbm>>
        %dma_wait3A_194 = tpu.memref_squeeze %dma_wait3A_193 : memref<1x2x120xi32, #tpu.memory_space<hbm>> -> memref<2x120xi32, #tpu.memory_space<hbm>>
        tpu.wait_dma2 semaphore(%run_scoped3A_162 : memref<!tpu.dma_semaphore, #tpu.memory_space<semaphore_mem>>) src(%dma_wait3A_194 : memref<2x120xi32, #tpu.memory_space<hbm>>) dst(%dma_wait3A_190 : memref<2x120xi32, #tpu.memory_space<vmem>>)
        tpu.yield
      }) : () -> ()
      %dma_start3A_128 = arith.constant 1 : i32
      %dma_start3A_129 = arith.constant 0 : i32
      %dma_start3A_130 = arith.constant 0 : i32
      %dma_start3A_131 = tpu.memref_slice %arg6[%dma_start3A_128, %dma_start3A_129, %dma_start3A_130] : memref<3x2x120xi32, #tpu.memory_space<vmem>> -> memref<1x1x120xi32, #tpu.memory_space<vmem>>
      %dma_start3A_132 = tpu.memref_squeeze %dma_start3A_131 : memref<1x1x120xi32, #tpu.memory_space<vmem>> -> memref<120xi32, #tpu.memory_space<vmem>>
      %dma_start3A_133 = arith.constant 0 : i32
      %dma_start3A_134 = arith.constant 0 : i32
      %dma_start3A_135 = tpu.memref_slice %arg3[%dma_start3A_133, %dma_start3A_134] : memref<80128x128xf32, #tpu.memory_space<hbm>> -> memref<80128x128xf32, #tpu.memory_space<hbm>>
      tpu.enqueue_indirect_dma source(%dma_start3A_135 : memref<80128x128xf32, #tpu.memory_space<hbm>>) target(%arg8 : memref<120x128xf32, #tpu.memory_space<vmem>>) offsets(%dma_start3A_132 : memref<120xi32, #tpu.memory_space<vmem>>) semaphore(%arg12 : memref<!tpu.dma_semaphore, #tpu.memory_space<semaphore_mem>>)
      %mul3A_136 = arith.constant 3 : i32
      %mul3A_137 = arith.muli %while3A_83, %mul3A_136 : i32
      %add3A_138 = arith.constant 2 : i32
      %add3A_139 = arith.addi %mul3A_137, %add3A_138 : i32
      %dma_wait3A_140 = arith.constant 2 : i32
      %dma_wait3A_141 = arith.constant 0 : i32
      %dma_wait3A_142 = arith.constant 0 : i32
      %dma_wait3A_143 = tpu.memref_slice %arg6[%dma_wait3A_140, %dma_wait3A_141, %dma_wait3A_142] : memref<3x2x120xi32, #tpu.memory_space<vmem>> -> memref<1x1x120xi32, #tpu.memory_space<vmem>>
      %dma_wait3A_144 = tpu.memref_squeeze %dma_wait3A_143 : memref<1x1x120xi32, #tpu.memory_space<vmem>> -> memref<120xi32, #tpu.memory_space<vmem>>
      %dma_wait3A_145 = arith.constant 0 : i32
      %dma_wait3A_146 = arith.constant 0 : i32
      %dma_wait3A_147 = tpu.memref_slice %arg3[%dma_wait3A_145, %dma_wait3A_146] : memref<80128x128xf32, #tpu.memory_space<hbm>> -> memref<80128x128xf32, #tpu.memory_space<hbm>>
      tpu.wait_indirect_dma semaphore(%arg13 : memref<!tpu.dma_semaphore, #tpu.memory_space<semaphore_mem>>) src(%dma_wait3A_147 : memref<80128x128xf32, #tpu.memory_space<hbm>>) dst(%arg9 : memref<120x128xf32, #tpu.memory_space<vmem>>)
      %run_scoped3A_148 = arith.constant 2 : i32
      %run_scoped3A_149 = arith.constant 1 : i32
      "tpu.region"() ({
        %run_scoped3A_162 = tpu.sem_alloc : memref<!tpu.dma_semaphore, #tpu.memory_space<semaphore_mem>>
        %dma_start3A_163 = arith.constant 0 : i32
        %dma_start3A_164 = tpu.memref_slice %arg6[%run_scoped3A_148, %run_scoped3A_149, %dma_start3A_163] : memref<3x2x120xi32, #tpu.memory_space<vmem>> -> memref<1x1x120xi32, #tpu.memory_space<vmem>>
        %dma_start3A_165 = tpu.memref_squeeze %dma_start3A_164 : memref<1x1x120xi32, #tpu.memory_space<vmem>> -> memref<120xi32, #tpu.memory_space<vmem>>
        %dma_start3A_166 = arith.constant 0 : i32
        %dma_start3A_167 = arith.constant 0 : i32
        %dma_start3A_168 = tpu.memref_slice %arg10[%dma_start3A_166, %dma_start3A_167] : memref<10016x128xf32, #tpu.memory_space<vmem_shared>> -> memref<10016x128xf32, #tpu.memory_space<vmem_shared>>
        tpu.enqueue_indirect_dma source(%arg9 : memref<120x128xf32, #tpu.memory_space<vmem>>) target(%dma_start3A_168 : memref<10016x128xf32, #tpu.memory_space<vmem_shared>>) offsets(%dma_start3A_165 : memref<120xi32, #tpu.memory_space<vmem>>) semaphore(%run_scoped3A_162 : memref<!tpu.dma_semaphore, #tpu.memory_space<semaphore_mem>>) {add = true}
        %dma_wait3A_169 = arith.constant 0 : i32
        %dma_wait3A_170 = tpu.memref_slice %arg6[%run_scoped3A_148, %run_scoped3A_149, %dma_wait3A_169] : memref<3x2x120xi32, #tpu.memory_space<vmem>> -> memref<1x1x120xi32, #tpu.memory_space<vmem>>
        %dma_wait3A_171 = tpu.memref_squeeze %dma_wait3A_170 : memref<1x1x120xi32, #tpu.memory_space<vmem>> -> memref<120xi32, #tpu.memory_space<vmem>>
        %dma_wait3A_172 = arith.constant 0 : i32
        %dma_wait3A_173 = arith.constant 0 : i32
        %dma_wait3A_174 = tpu.memref_slice %arg10[%dma_wait3A_172, %dma_wait3A_173] : memref<10016x128xf32, #tpu.memory_space<vmem_shared>> -> memref<10016x128xf32, #tpu.memory_space<vmem_shared>>
        tpu.wait_indirect_dma semaphore(%run_scoped3A_162 : memref<!tpu.dma_semaphore, #tpu.memory_space<semaphore_mem>>) src(%arg9 : memref<120x128xf32, #tpu.memory_space<vmem>>) dst(%dma_wait3A_174 : memref<10016x128xf32, #tpu.memory_space<vmem_shared>>)
        tpu.yield
      }) : () -> ()
      %add3A_150 = arith.addi %add3A, %add3A_139 : i32
      %add3A_151 = arith.constant 3 : i32
      %add3A_152 = arith.addi %add3A_150, %add3A_151 : i32
      %run_scoped3A_153 = arith.constant 2 : i32
      "tpu.region"() ({
        %run_scoped3A_162 = tpu.sem_alloc : memref<!tpu.dma_semaphore, #tpu.memory_space<semaphore_mem>>
        %dma_start3A_163 = arith.constant 0 : i32
        %dma_start3A_164 = arith.constant 0 : i32
        %dma_start3A_165 = tpu.memref_slice %arg6[%run_scoped3A_153, %dma_start3A_163, %dma_start3A_164] : memref<3x2x120xi32, #tpu.memory_space<vmem>> -> memref<1x2x120xi32, #tpu.memory_space<vmem>>
        %dma_start3A_166 = tpu.memref_squeeze %dma_start3A_165 : memref<1x2x120xi32, #tpu.memory_space<vmem>> -> memref<2x120xi32, #tpu.memory_space<vmem>>
        %dma_start3A_167 = arith.constant 0 : i32
        %dma_start3A_168 = arith.constant 0 : i32
        %dma_start3A_169 = tpu.memref_slice %arg2[%add3A_152, %dma_start3A_167, %dma_start3A_168] : memref<2688x2x120xi32, #tpu.memory_space<hbm>> -> memref<1x2x120xi32, #tpu.memory_space<hbm>>
        %dma_start3A_170 = tpu.memref_squeeze %dma_start3A_169 : memref<1x2x120xi32, #tpu.memory_space<hbm>> -> memref<2x120xi32, #tpu.memory_space<hbm>>
        %dma_start3A_171 = arith.constant 0 : i32
        %dma_start3A_172 = arith.constant 0 : i32
        %dma_start3A_173 = tpu.memref_slice %arg6[%run_scoped3A_153, %dma_start3A_171, %dma_start3A_172] : memref<3x2x120xi32, #tpu.memory_space<vmem>> -> memref<1x2x120xi32, #tpu.memory_space<vmem>>
        %dma_start3A_174 = tpu.memref_squeeze %dma_start3A_173 : memref<1x2x120xi32, #tpu.memory_space<vmem>> -> memref<2x120xi32, #tpu.memory_space<vmem>>
        %dma_start3A_175 = arith.constant 0 : i32
        %dma_start3A_176 = arith.constant 0 : i32
        %dma_start3A_177 = tpu.memref_slice %arg2[%add3A_152, %dma_start3A_175, %dma_start3A_176] : memref<2688x2x120xi32, #tpu.memory_space<hbm>> -> memref<1x2x120xi32, #tpu.memory_space<hbm>>
        %dma_start3A_178 = tpu.memref_squeeze %dma_start3A_177 : memref<1x2x120xi32, #tpu.memory_space<hbm>> -> memref<2x120xi32, #tpu.memory_space<hbm>>
        tpu.enqueue_dma source(%dma_start3A_178 : memref<2x120xi32, #tpu.memory_space<hbm>>) target(%dma_start3A_174 : memref<2x120xi32, #tpu.memory_space<vmem>>) target_semaphore(%run_scoped3A_162 : memref<!tpu.dma_semaphore, #tpu.memory_space<semaphore_mem>>)
        %dma_wait3A_179 = arith.constant 0 : i32
        %dma_wait3A_180 = arith.constant 0 : i32
        %dma_wait3A_181 = tpu.memref_slice %arg6[%run_scoped3A_153, %dma_wait3A_179, %dma_wait3A_180] : memref<3x2x120xi32, #tpu.memory_space<vmem>> -> memref<1x2x120xi32, #tpu.memory_space<vmem>>
        %dma_wait3A_182 = tpu.memref_squeeze %dma_wait3A_181 : memref<1x2x120xi32, #tpu.memory_space<vmem>> -> memref<2x120xi32, #tpu.memory_space<vmem>>
        %dma_wait3A_183 = arith.constant 0 : i32
        %dma_wait3A_184 = arith.constant 0 : i32
        %dma_wait3A_185 = tpu.memref_slice %arg2[%add3A_152, %dma_wait3A_183, %dma_wait3A_184] : memref<2688x2x120xi32, #tpu.memory_space<hbm>> -> memref<1x2x120xi32, #tpu.memory_space<hbm>>
        %dma_wait3A_186 = tpu.memref_squeeze %dma_wait3A_185 : memref<1x2x120xi32, #tpu.memory_space<hbm>> -> memref<2x120xi32, #tpu.memory_space<hbm>>
        %dma_wait3A_187 = arith.constant 0 : i32
        %dma_wait3A_188 = arith.constant 0 : i32
        %dma_wait3A_189 = tpu.memref_slice %arg6[%run_scoped3A_153, %dma_wait3A_187, %dma_wait3A_188] : memref<3x2x120xi32, #tpu.memory_space<vmem>> -> memref<1x2x120xi32, #tpu.memory_space<vmem>>
        %dma_wait3A_190 = tpu.memref_squeeze %dma_wait3A_189 : memref<1x2x120xi32, #tpu.memory_space<vmem>> -> memref<2x120xi32, #tpu.memory_space<vmem>>
        %dma_wait3A_191 = arith.constant 0 : i32
        %dma_wait3A_192 = arith.constant 0 : i32
        %dma_wait3A_193 = tpu.memref_slice %arg2[%add3A_152, %dma_wait3A_191, %dma_wait3A_192] : memref<2688x2x120xi32, #tpu.memory_space<hbm>> -> memref<1x2x120xi32, #tpu.memory_space<hbm>>
        %dma_wait3A_194 = tpu.memref_squeeze %dma_wait3A_193 : memref<1x2x120xi32, #tpu.memory_space<hbm>> -> memref<2x120xi32, #tpu.memory_space<hbm>>
        tpu.wait_dma2 semaphore(%run_scoped3A_162 : memref<!tpu.dma_semaphore, #tpu.memory_space<semaphore_mem>>) src(%dma_wait3A_194 : memref<2x120xi32, #tpu.memory_space<hbm>>) dst(%dma_wait3A_190 : memref<2x120xi32, #tpu.memory_space<vmem>>)
        tpu.yield
      }) : () -> ()
      %dma_start3A_154 = arith.constant 2 : i32
      %dma_start3A_155 = arith.constant 0 : i32
      %dma_start3A_156 = arith.constant 0 : i32
      %dma_start3A_157 = tpu.memref_slice %arg6[%dma_start3A_154, %dma_start3A_155, %dma_start3A_156] : memref<3x2x120xi32, #tpu.memory_space<vmem>> -> memref<1x1x120xi32, #tpu.memory_space<vmem>>
      %dma_start3A_158 = tpu.memref_squeeze %dma_start3A_157 : memref<1x1x120xi32, #tpu.memory_space<vmem>> -> memref<120xi32, #tpu.memory_space<vmem>>
      %dma_start3A_159 = arith.constant 0 : i32
      %dma_start3A_160 = arith.constant 0 : i32
      %dma_start3A_161 = tpu.memref_slice %arg3[%dma_start3A_159, %dma_start3A_160] : memref<80128x128xf32, #tpu.memory_space<hbm>> -> memref<80128x128xf32, #tpu.memory_space<hbm>>
      tpu.enqueue_indirect_dma source(%dma_start3A_161 : memref<80128x128xf32, #tpu.memory_space<hbm>>) target(%arg9 : memref<120x128xf32, #tpu.memory_space<vmem>>) offsets(%dma_start3A_158 : memref<120xi32, #tpu.memory_space<vmem>>) semaphore(%arg13 : memref<!tpu.dma_semaphore, #tpu.memory_space<semaphore_mem>>)
    }
    %while3A_47 = arith.constant 1 : i32
    scf.for %while3A_83 = %while3A_45 to %while3A_41 step %while3A_47  : i32 {
      %mul3A_84 = arith.constant 3 : i32
      %mul3A_85 = arith.muli %while3A_83, %mul3A_84 : i32
      %add3A_86 = arith.constant 0 : i32
      %add3A_87 = arith.addi %mul3A_85, %add3A_86 : i32
      %dma_wait3A_88 = arith.constant 0 : i32
      %dma_wait3A_89 = arith.constant 0 : i32
      %dma_wait3A_90 = arith.constant 0 : i32
      %dma_wait3A_91 = tpu.memref_slice %arg6[%dma_wait3A_88, %dma_wait3A_89, %dma_wait3A_90] : memref<3x2x120xi32, #tpu.memory_space<vmem>> -> memref<1x1x120xi32, #tpu.memory_space<vmem>>
      %dma_wait3A_92 = tpu.memref_squeeze %dma_wait3A_91 : memref<1x1x120xi32, #tpu.memory_space<vmem>> -> memref<120xi32, #tpu.memory_space<vmem>>
      %dma_wait3A_93 = arith.constant 0 : i32
      %dma_wait3A_94 = arith.constant 0 : i32
      %dma_wait3A_95 = tpu.memref_slice %arg3[%dma_wait3A_93, %dma_wait3A_94] : memref<80128x128xf32, #tpu.memory_space<hbm>> -> memref<80128x128xf32, #tpu.memory_space<hbm>>
      tpu.wait_indirect_dma semaphore(%arg11 : memref<!tpu.dma_semaphore, #tpu.memory_space<semaphore_mem>>) src(%dma_wait3A_95 : memref<80128x128xf32, #tpu.memory_space<hbm>>) dst(%arg7 : memref<120x128xf32, #tpu.memory_space<vmem>>)
      %run_scoped3A_96 = arith.constant 0 : i32
      %run_scoped3A_97 = arith.constant 1 : i32
      "tpu.region"() ({
        %run_scoped3A_162 = tpu.sem_alloc : memref<!tpu.dma_semaphore, #tpu.memory_space<semaphore_mem>>
        %dma_start3A_163 = arith.constant 0 : i32
        %dma_start3A_164 = tpu.memref_slice %arg6[%run_scoped3A_96, %run_scoped3A_97, %dma_start3A_163] : memref<3x2x120xi32, #tpu.memory_space<vmem>> -> memref<1x1x120xi32, #tpu.memory_space<vmem>>
        %dma_start3A_165 = tpu.memref_squeeze %dma_start3A_164 : memref<1x1x120xi32, #tpu.memory_space<vmem>> -> memref<120xi32, #tpu.memory_space<vmem>>
        %dma_start3A_166 = arith.constant 0 : i32
        %dma_start3A_167 = arith.constant 0 : i32
        %dma_start3A_168 = tpu.memref_slice %arg10[%dma_start3A_166, %dma_start3A_167] : memref<10016x128xf32, #tpu.memory_space<vmem_shared>> -> memref<10016x128xf32, #tpu.memory_space<vmem_shared>>
        tpu.enqueue_indirect_dma source(%arg7 : memref<120x128xf32, #tpu.memory_space<vmem>>) target(%dma_start3A_168 : memref<10016x128xf32, #tpu.memory_space<vmem_shared>>) offsets(%dma_start3A_165 : memref<120xi32, #tpu.memory_space<vmem>>) semaphore(%run_scoped3A_162 : memref<!tpu.dma_semaphore, #tpu.memory_space<semaphore_mem>>) {add = true}
        %dma_wait3A_169 = arith.constant 0 : i32
        %dma_wait3A_170 = tpu.memref_slice %arg6[%run_scoped3A_96, %run_scoped3A_97, %dma_wait3A_169] : memref<3x2x120xi32, #tpu.memory_space<vmem>> -> memref<1x1x120xi32, #tpu.memory_space<vmem>>
        %dma_wait3A_171 = tpu.memref_squeeze %dma_wait3A_170 : memref<1x1x120xi32, #tpu.memory_space<vmem>> -> memref<120xi32, #tpu.memory_space<vmem>>
        %dma_wait3A_172 = arith.constant 0 : i32
        %dma_wait3A_173 = arith.constant 0 : i32
        %dma_wait3A_174 = tpu.memref_slice %arg10[%dma_wait3A_172, %dma_wait3A_173] : memref<10016x128xf32, #tpu.memory_space<vmem_shared>> -> memref<10016x128xf32, #tpu.memory_space<vmem_shared>>
        tpu.wait_indirect_dma semaphore(%run_scoped3A_162 : memref<!tpu.dma_semaphore, #tpu.memory_space<semaphore_mem>>) src(%arg7 : memref<120x128xf32, #tpu.memory_space<vmem>>) dst(%dma_wait3A_174 : memref<10016x128xf32, #tpu.memory_space<vmem_shared>>)
        tpu.yield
      }) : () -> ()
      %add3A_98 = arith.addi %add3A, %add3A_87 : i32
      %add3A_99 = arith.constant 3 : i32
      %add3A_100 = arith.addi %add3A_98, %add3A_99 : i32
      %run_scoped3A_101 = arith.constant 0 : i32
      "tpu.region"() ({
        %run_scoped3A_162 = tpu.sem_alloc : memref<!tpu.dma_semaphore, #tpu.memory_space<semaphore_mem>>
        %dma_start3A_163 = arith.constant 0 : i32
        %dma_start3A_164 = arith.constant 0 : i32
        %dma_start3A_165 = tpu.memref_slice %arg6[%run_scoped3A_101, %dma_start3A_163, %dma_start3A_164] : memref<3x2x120xi32, #tpu.memory_space<vmem>> -> memref<1x2x120xi32, #tpu.memory_space<vmem>>
        %dma_start3A_166 = tpu.memref_squeeze %dma_start3A_165 : memref<1x2x120xi32, #tpu.memory_space<vmem>> -> memref<2x120xi32, #tpu.memory_space<vmem>>
        %dma_start3A_167 = arith.constant 0 : i32
        %dma_start3A_168 = arith.constant 0 : i32
        %dma_start3A_169 = tpu.memref_slice %arg2[%add3A_100, %dma_start3A_167, %dma_start3A_168] : memref<2688x2x120xi32, #tpu.memory_space<hbm>> -> memref<1x2x120xi32, #tpu.memory_space<hbm>>
        %dma_start3A_170 = tpu.memref_squeeze %dma_start3A_169 : memref<1x2x120xi32, #tpu.memory_space<hbm>> -> memref<2x120xi32, #tpu.memory_space<hbm>>
        %dma_start3A_171 = arith.constant 0 : i32
        %dma_start3A_172 = arith.constant 0 : i32
        %dma_start3A_173 = tpu.memref_slice %arg6[%run_scoped3A_101, %dma_start3A_171, %dma_start3A_172] : memref<3x2x120xi32, #tpu.memory_space<vmem>> -> memref<1x2x120xi32, #tpu.memory_space<vmem>>
        %dma_start3A_174 = tpu.memref_squeeze %dma_start3A_173 : memref<1x2x120xi32, #tpu.memory_space<vmem>> -> memref<2x120xi32, #tpu.memory_space<vmem>>
        %dma_start3A_175 = arith.constant 0 : i32
        %dma_start3A_176 = arith.constant 0 : i32
        %dma_start3A_177 = tpu.memref_slice %arg2[%add3A_100, %dma_start3A_175, %dma_start3A_176] : memref<2688x2x120xi32, #tpu.memory_space<hbm>> -> memref<1x2x120xi32, #tpu.memory_space<hbm>>
        %dma_start3A_178 = tpu.memref_squeeze %dma_start3A_177 : memref<1x2x120xi32, #tpu.memory_space<hbm>> -> memref<2x120xi32, #tpu.memory_space<hbm>>
        tpu.enqueue_dma source(%dma_start3A_178 : memref<2x120xi32, #tpu.memory_space<hbm>>) target(%dma_start3A_174 : memref<2x120xi32, #tpu.memory_space<vmem>>) target_semaphore(%run_scoped3A_162 : memref<!tpu.dma_semaphore, #tpu.memory_space<semaphore_mem>>)
        %dma_wait3A_179 = arith.constant 0 : i32
        %dma_wait3A_180 = arith.constant 0 : i32
        %dma_wait3A_181 = tpu.memref_slice %arg6[%run_scoped3A_101, %dma_wait3A_179, %dma_wait3A_180] : memref<3x2x120xi32, #tpu.memory_space<vmem>> -> memref<1x2x120xi32, #tpu.memory_space<vmem>>
        %dma_wait3A_182 = tpu.memref_squeeze %dma_wait3A_181 : memref<1x2x120xi32, #tpu.memory_space<vmem>> -> memref<2x120xi32, #tpu.memory_space<vmem>>
        %dma_wait3A_183 = arith.constant 0 : i32
        %dma_wait3A_184 = arith.constant 0 : i32
        %dma_wait3A_185 = tpu.memref_slice %arg2[%add3A_100, %dma_wait3A_183, %dma_wait3A_184] : memref<2688x2x120xi32, #tpu.memory_space<hbm>> -> memref<1x2x120xi32, #tpu.memory_space<hbm>>
        %dma_wait3A_186 = tpu.memref_squeeze %dma_wait3A_185 : memref<1x2x120xi32, #tpu.memory_space<hbm>> -> memref<2x120xi32, #tpu.memory_space<hbm>>
        %dma_wait3A_187 = arith.constant 0 : i32
        %dma_wait3A_188 = arith.constant 0 : i32
        %dma_wait3A_189 = tpu.memref_slice %arg6[%run_scoped3A_101, %dma_wait3A_187, %dma_wait3A_188] : memref<3x2x120xi32, #tpu.memory_space<vmem>> -> memref<1x2x120xi32, #tpu.memory_space<vmem>>
        %dma_wait3A_190 = tpu.memref_squeeze %dma_wait3A_189 : memref<1x2x120xi32, #tpu.memory_space<vmem>> -> memref<2x120xi32, #tpu.memory_space<vmem>>
        %dma_wait3A_191 = arith.constant 0 : i32
        %dma_wait3A_192 = arith.constant 0 : i32
        %dma_wait3A_193 = tpu.memref_slice %arg2[%add3A_100, %dma_wait3A_191, %dma_wait3A_192] : memref<2688x2x120xi32, #tpu.memory_space<hbm>> -> memref<1x2x120xi32, #tpu.memory_space<hbm>>
        %dma_wait3A_194 = tpu.memref_squeeze %dma_wait3A_193 : memref<1x2x120xi32, #tpu.memory_space<hbm>> -> memref<2x120xi32, #tpu.memory_space<hbm>>
        tpu.wait_dma2 semaphore(%run_scoped3A_162 : memref<!tpu.dma_semaphore, #tpu.memory_space<semaphore_mem>>) src(%dma_wait3A_194 : memref<2x120xi32, #tpu.memory_space<hbm>>) dst(%dma_wait3A_190 : memref<2x120xi32, #tpu.memory_space<vmem>>)
        tpu.yield
      }) : () -> ()
      %dma_start3A_102 = arith.constant 0 : i32
      %dma_start3A_103 = arith.constant 0 : i32
      %dma_start3A_104 = arith.constant 0 : i32
      %dma_start3A_105 = tpu.memref_slice %arg6[%dma_start3A_102, %dma_start3A_103, %dma_start3A_104] : memref<3x2x120xi32, #tpu.memory_space<vmem>> -> memref<1x1x120xi32, #tpu.memory_space<vmem>>
      %dma_start3A_106 = tpu.memref_squeeze %dma_start3A_105 : memref<1x1x120xi32, #tpu.memory_space<vmem>> -> memref<120xi32, #tpu.memory_space<vmem>>
      %dma_start3A_107 = arith.constant 0 : i32
      %dma_start3A_108 = arith.constant 0 : i32
      %dma_start3A_109 = tpu.memref_slice %arg3[%dma_start3A_107, %dma_start3A_108] : memref<80128x128xf32, #tpu.memory_space<hbm>> -> memref<80128x128xf32, #tpu.memory_space<hbm>>
      tpu.enqueue_indirect_dma source(%dma_start3A_109 : memref<80128x128xf32, #tpu.memory_space<hbm>>) target(%arg7 : memref<120x128xf32, #tpu.memory_space<vmem>>) offsets(%dma_start3A_106 : memref<120xi32, #tpu.memory_space<vmem>>) semaphore(%arg11 : memref<!tpu.dma_semaphore, #tpu.memory_space<semaphore_mem>>)
      %mul3A_110 = arith.constant 3 : i32
      %mul3A_111 = arith.muli %while3A_83, %mul3A_110 : i32
      %add3A_112 = arith.constant 1 : i32
      %add3A_113 = arith.addi %mul3A_111, %add3A_112 : i32
      %dma_wait3A_114 = arith.constant 1 : i32
      %dma_wait3A_115 = arith.constant 0 : i32
      %dma_wait3A_116 = arith.constant 0 : i32
      %dma_wait3A_117 = tpu.memref_slice %arg6[%dma_wait3A_114, %dma_wait3A_115, %dma_wait3A_116] : memref<3x2x120xi32, #tpu.memory_space<vmem>> -> memref<1x1x120xi32, #tpu.memory_space<vmem>>
      %dma_wait3A_118 = tpu.memref_squeeze %dma_wait3A_117 : memref<1x1x120xi32, #tpu.memory_space<vmem>> -> memref<120xi32, #tpu.memory_space<vmem>>
      %dma_wait3A_119 = arith.constant 0 : i32
      %dma_wait3A_120 = arith.constant 0 : i32
      %dma_wait3A_121 = tpu.memref_slice %arg3[%dma_wait3A_119, %dma_wait3A_120] : memref<80128x128xf32, #tpu.memory_space<hbm>> -> memref<80128x128xf32, #tpu.memory_space<hbm>>
      tpu.wait_indirect_dma semaphore(%arg12 : memref<!tpu.dma_semaphore, #tpu.memory_space<semaphore_mem>>) src(%dma_wait3A_121 : memref<80128x128xf32, #tpu.memory_space<hbm>>) dst(%arg8 : memref<120x128xf32, #tpu.memory_space<vmem>>)
      %run_scoped3A_122 = arith.constant 1 : i32
      %run_scoped3A_123 = arith.constant 1 : i32
      "tpu.region"() ({
        %run_scoped3A_162 = tpu.sem_alloc : memref<!tpu.dma_semaphore, #tpu.memory_space<semaphore_mem>>
        %dma_start3A_163 = arith.constant 0 : i32
        %dma_start3A_164 = tpu.memref_slice %arg6[%run_scoped3A_122, %run_scoped3A_123, %dma_start3A_163] : memref<3x2x120xi32, #tpu.memory_space<vmem>> -> memref<1x1x120xi32, #tpu.memory_space<vmem>>
        %dma_start3A_165 = tpu.memref_squeeze %dma_start3A_164 : memref<1x1x120xi32, #tpu.memory_space<vmem>> -> memref<120xi32, #tpu.memory_space<vmem>>
        %dma_start3A_166 = arith.constant 0 : i32
        %dma_start3A_167 = arith.constant 0 : i32
        %dma_start3A_168 = tpu.memref_slice %arg10[%dma_start3A_166, %dma_start3A_167] : memref<10016x128xf32, #tpu.memory_space<vmem_shared>> -> memref<10016x128xf32, #tpu.memory_space<vmem_shared>>
        tpu.enqueue_indirect_dma source(%arg8 : memref<120x128xf32, #tpu.memory_space<vmem>>) target(%dma_start3A_168 : memref<10016x128xf32, #tpu.memory_space<vmem_shared>>) offsets(%dma_start3A_165 : memref<120xi32, #tpu.memory_space<vmem>>) semaphore(%run_scoped3A_162 : memref<!tpu.dma_semaphore, #tpu.memory_space<semaphore_mem>>) {add = true}
        %dma_wait3A_169 = arith.constant 0 : i32
        %dma_wait3A_170 = tpu.memref_slice %arg6[%run_scoped3A_122, %run_scoped3A_123, %dma_wait3A_169] : memref<3x2x120xi32, #tpu.memory_space<vmem>> -> memref<1x1x120xi32, #tpu.memory_space<vmem>>
        %dma_wait3A_171 = tpu.memref_squeeze %dma_wait3A_170 : memref<1x1x120xi32, #tpu.memory_space<vmem>> -> memref<120xi32, #tpu.memory_space<vmem>>
        %dma_wait3A_172 = arith.constant 0 : i32
        %dma_wait3A_173 = arith.constant 0 : i32
        %dma_wait3A_174 = tpu.memref_slice %arg10[%dma_wait3A_172, %dma_wait3A_173] : memref<10016x128xf32, #tpu.memory_space<vmem_shared>> -> memref<10016x128xf32, #tpu.memory_space<vmem_shared>>
        tpu.wait_indirect_dma semaphore(%run_scoped3A_162 : memref<!tpu.dma_semaphore, #tpu.memory_space<semaphore_mem>>) src(%arg8 : memref<120x128xf32, #tpu.memory_space<vmem>>) dst(%dma_wait3A_174 : memref<10016x128xf32, #tpu.memory_space<vmem_shared>>)
        tpu.yield
      }) : () -> ()
      %add3A_124 = arith.addi %add3A, %add3A_113 : i32
      %add3A_125 = arith.constant 3 : i32
      %add3A_126 = arith.addi %add3A_124, %add3A_125 : i32
      %run_scoped3A_127 = arith.constant 1 : i32
      "tpu.region"() ({
        %run_scoped3A_162 = tpu.sem_alloc : memref<!tpu.dma_semaphore, #tpu.memory_space<semaphore_mem>>
        %dma_start3A_163 = arith.constant 0 : i32
        %dma_start3A_164 = arith.constant 0 : i32
        %dma_start3A_165 = tpu.memref_slice %arg6[%run_scoped3A_127, %dma_start3A_163, %dma_start3A_164] : memref<3x2x120xi32, #tpu.memory_space<vmem>> -> memref<1x2x120xi32, #tpu.memory_space<vmem>>
        %dma_start3A_166 = tpu.memref_squeeze %dma_start3A_165 : memref<1x2x120xi32, #tpu.memory_space<vmem>> -> memref<2x120xi32, #tpu.memory_space<vmem>>
        %dma_start3A_167 = arith.constant 0 : i32
        %dma_start3A_168 = arith.constant 0 : i32
        %dma_start3A_169 = tpu.memref_slice %arg2[%add3A_126, %dma_start3A_167, %dma_start3A_168] : memref<2688x2x120xi32, #tpu.memory_space<hbm>> -> memref<1x2x120xi32, #tpu.memory_space<hbm>>
        %dma_start3A_170 = tpu.memref_squeeze %dma_start3A_169 : memref<1x2x120xi32, #tpu.memory_space<hbm>> -> memref<2x120xi32, #tpu.memory_space<hbm>>
        %dma_start3A_171 = arith.constant 0 : i32
        %dma_start3A_172 = arith.constant 0 : i32
        %dma_start3A_173 = tpu.memref_slice %arg6[%run_scoped3A_127, %dma_start3A_171, %dma_start3A_172] : memref<3x2x120xi32, #tpu.memory_space<vmem>> -> memref<1x2x120xi32, #tpu.memory_space<vmem>>
        %dma_start3A_174 = tpu.memref_squeeze %dma_start3A_173 : memref<1x2x120xi32, #tpu.memory_space<vmem>> -> memref<2x120xi32, #tpu.memory_space<vmem>>
        %dma_start3A_175 = arith.constant 0 : i32
        %dma_start3A_176 = arith.constant 0 : i32
        %dma_start3A_177 = tpu.memref_slice %arg2[%add3A_126, %dma_start3A_175, %dma_start3A_176] : memref<2688x2x120xi32, #tpu.memory_space<hbm>> -> memref<1x2x120xi32, #tpu.memory_space<hbm>>
        %dma_start3A_178 = tpu.memref_squeeze %dma_start3A_177 : memref<1x2x120xi32, #tpu.memory_space<hbm>> -> memref<2x120xi32, #tpu.memory_space<hbm>>
        tpu.enqueue_dma source(%dma_start3A_178 : memref<2x120xi32, #tpu.memory_space<hbm>>) target(%dma_start3A_174 : memref<2x120xi32, #tpu.memory_space<vmem>>) target_semaphore(%run_scoped3A_162 : memref<!tpu.dma_semaphore, #tpu.memory_space<semaphore_mem>>)
        %dma_wait3A_179 = arith.constant 0 : i32
        %dma_wait3A_180 = arith.constant 0 : i32
        %dma_wait3A_181 = tpu.memref_slice %arg6[%run_scoped3A_127, %dma_wait3A_179, %dma_wait3A_180] : memref<3x2x120xi32, #tpu.memory_space<vmem>> -> memref<1x2x120xi32, #tpu.memory_space<vmem>>
        %dma_wait3A_182 = tpu.memref_squeeze %dma_wait3A_181 : memref<1x2x120xi32, #tpu.memory_space<vmem>> -> memref<2x120xi32, #tpu.memory_space<vmem>>
        %dma_wait3A_183 = arith.constant 0 : i32
        %dma_wait3A_184 = arith.constant 0 : i32
        %dma_wait3A_185 = tpu.memref_slice %arg2[%add3A_126, %dma_wait3A_183, %dma_wait3A_184] : memref<2688x2x120xi32, #tpu.memory_space<hbm>> -> memref<1x2x120xi32, #tpu.memory_space<hbm>>
        %dma_wait3A_186 = tpu.memref_squeeze %dma_wait3A_185 : memref<1x2x120xi32, #tpu.memory_space<hbm>> -> memref<2x120xi32, #tpu.memory_space<hbm>>
        %dma_wait3A_187 = arith.constant 0 : i32
        %dma_wait3A_188 = arith.constant 0 : i32
        %dma_wait3A_189 = tpu.memref_slice %arg6[%run_scoped3A_127, %dma_wait3A_187, %dma_wait3A_188] : memref<3x2x120xi32, #tpu.memory_space<vmem>> -> memref<1x2x120xi32, #tpu.memory_space<vmem>>
        %dma_wait3A_190 = tpu.memref_squeeze %dma_wait3A_189 : memref<1x2x120xi32, #tpu.memory_space<vmem>> -> memref<2x120xi32, #tpu.memory_space<vmem>>
        %dma_wait3A_191 = arith.constant 0 : i32
        %dma_wait3A_192 = arith.constant 0 : i32
        %dma_wait3A_193 = tpu.memref_slice %arg2[%add3A_126, %dma_wait3A_191, %dma_wait3A_192] : memref<2688x2x120xi32, #tpu.memory_space<hbm>> -> memref<1x2x120xi32, #tpu.memory_space<hbm>>
        %dma_wait3A_194 = tpu.memref_squeeze %dma_wait3A_193 : memref<1x2x120xi32, #tpu.memory_space<hbm>> -> memref<2x120xi32, #tpu.memory_space<hbm>>
        tpu.wait_dma2 semaphore(%run_scoped3A_162 : memref<!tpu.dma_semaphore, #tpu.memory_space<semaphore_mem>>) src(%dma_wait3A_194 : memref<2x120xi32, #tpu.memory_space<hbm>>) dst(%dma_wait3A_190 : memref<2x120xi32, #tpu.memory_space<vmem>>)
        tpu.yield
      }) : () -> ()
      %dma_start3A_128 = arith.constant 1 : i32
      %dma_start3A_129 = arith.constant 0 : i32
      %dma_start3A_130 = arith.constant 0 : i32
      %dma_start3A_131 = tpu.memref_slice %arg6[%dma_start3A_128, %dma_start3A_129, %dma_start3A_130] : memref<3x2x120xi32, #tpu.memory_space<vmem>> -> memref<1x1x120xi32, #tpu.memory_space<vmem>>
      %dma_start3A_132 = tpu.memref_squeeze %dma_start3A_131 : memref<1x1x120xi32, #tpu.memory_space<vmem>> -> memref<120xi32, #tpu.memory_space<vmem>>
      %dma_start3A_133 = arith.constant 0 : i32
      %dma_start3A_134 = arith.constant 0 : i32
      %dma_start3A_135 = tpu.memref_slice %arg3[%dma_start3A_133, %dma_start3A_134] : memref<80128x128xf32, #tpu.memory_space<hbm>> -> memref<80128x128xf32, #tpu.memory_space<hbm>>
      tpu.enqueue_indirect_dma source(%dma_start3A_135 : memref<80128x128xf32, #tpu.memory_space<hbm>>) target(%arg8 : memref<120x128xf32, #tpu.memory_space<vmem>>) offsets(%dma_start3A_132 : memref<120xi32, #tpu.memory_space<vmem>>) semaphore(%arg12 : memref<!tpu.dma_semaphore, #tpu.memory_space<semaphore_mem>>)
      %mul3A_136 = arith.constant 3 : i32
      %mul3A_137 = arith.muli %while3A_83, %mul3A_136 : i32
      %add3A_138 = arith.constant 2 : i32
      %add3A_139 = arith.addi %mul3A_137, %add3A_138 : i32
      %dma_wait3A_140 = arith.constant 2 : i32
      %dma_wait3A_141 = arith.constant 0 : i32
      %dma_wait3A_142 = arith.constant 0 : i32
      %dma_wait3A_143 = tpu.memref_slice %arg6[%dma_wait3A_140, %dma_wait3A_141, %dma_wait3A_142] : memref<3x2x120xi32, #tpu.memory_space<vmem>> -> memref<1x1x120xi32, #tpu.memory_space<vmem>>
      %dma_wait3A_144 = tpu.memref_squeeze %dma_wait3A_143 : memref<1x1x120xi32, #tpu.memory_space<vmem>> -> memref<120xi32, #tpu.memory_space<vmem>>
      %dma_wait3A_145 = arith.constant 0 : i32
      %dma_wait3A_146 = arith.constant 0 : i32
      %dma_wait3A_147 = tpu.memref_slice %arg3[%dma_wait3A_145, %dma_wait3A_146] : memref<80128x128xf32, #tpu.memory_space<hbm>> -> memref<80128x128xf32, #tpu.memory_space<hbm>>
      tpu.wait_indirect_dma semaphore(%arg13 : memref<!tpu.dma_semaphore, #tpu.memory_space<semaphore_mem>>) src(%dma_wait3A_147 : memref<80128x128xf32, #tpu.memory_space<hbm>>) dst(%arg9 : memref<120x128xf32, #tpu.memory_space<vmem>>)
      %run_scoped3A_148 = arith.constant 2 : i32
      %run_scoped3A_149 = arith.constant 1 : i32
      "tpu.region"() ({
        %run_scoped3A_162 = tpu.sem_alloc : memref<!tpu.dma_semaphore, #tpu.memory_space<semaphore_mem>>
        %dma_start3A_163 = arith.constant 0 : i32
        %dma_start3A_164 = tpu.memref_slice %arg6[%run_scoped3A_148, %run_scoped3A_149, %dma_start3A_163] : memref<3x2x120xi32, #tpu.memory_space<vmem>> -> memref<1x1x120xi32, #tpu.memory_space<vmem>>
        %dma_start3A_165 = tpu.memref_squeeze %dma_start3A_164 : memref<1x1x120xi32, #tpu.memory_space<vmem>> -> memref<120xi32, #tpu.memory_space<vmem>>
        %dma_start3A_166 = arith.constant 0 : i32
        %dma_start3A_167 = arith.constant 0 : i32
        %dma_start3A_168 = tpu.memref_slice %arg10[%dma_start3A_166, %dma_start3A_167] : memref<10016x128xf32, #tpu.memory_space<vmem_shared>> -> memref<10016x128xf32, #tpu.memory_space<vmem_shared>>
        tpu.enqueue_indirect_dma source(%arg9 : memref<120x128xf32, #tpu.memory_space<vmem>>) target(%dma_start3A_168 : memref<10016x128xf32, #tpu.memory_space<vmem_shared>>) offsets(%dma_start3A_165 : memref<120xi32, #tpu.memory_space<vmem>>) semaphore(%run_scoped3A_162 : memref<!tpu.dma_semaphore, #tpu.memory_space<semaphore_mem>>) {add = true}
        %dma_wait3A_169 = arith.constant 0 : i32
        %dma_wait3A_170 = tpu.memref_slice %arg6[%run_scoped3A_148, %run_scoped3A_149, %dma_wait3A_169] : memref<3x2x120xi32, #tpu.memory_space<vmem>> -> memref<1x1x120xi32, #tpu.memory_space<vmem>>
        %dma_wait3A_171 = tpu.memref_squeeze %dma_wait3A_170 : memref<1x1x120xi32, #tpu.memory_space<vmem>> -> memref<120xi32, #tpu.memory_space<vmem>>
        %dma_wait3A_172 = arith.constant 0 : i32
        %dma_wait3A_173 = arith.constant 0 : i32
        %dma_wait3A_174 = tpu.memref_slice %arg10[%dma_wait3A_172, %dma_wait3A_173] : memref<10016x128xf32, #tpu.memory_space<vmem_shared>> -> memref<10016x128xf32, #tpu.memory_space<vmem_shared>>
        tpu.wait_indirect_dma semaphore(%run_scoped3A_162 : memref<!tpu.dma_semaphore, #tpu.memory_space<semaphore_mem>>) src(%arg9 : memref<120x128xf32, #tpu.memory_space<vmem>>) dst(%dma_wait3A_174 : memref<10016x128xf32, #tpu.memory_space<vmem_shared>>)
        tpu.yield
      }) : () -> ()
      %add3A_150 = arith.addi %add3A, %add3A_139 : i32
      %add3A_151 = arith.constant 3 : i32
      %add3A_152 = arith.addi %add3A_150, %add3A_151 : i32
      %run_scoped3A_153 = arith.constant 2 : i32
      "tpu.region"() ({
        %run_scoped3A_162 = tpu.sem_alloc : memref<!tpu.dma_semaphore, #tpu.memory_space<semaphore_mem>>
        %dma_start3A_163 = arith.constant 0 : i32
        %dma_start3A_164 = arith.constant 0 : i32
        %dma_start3A_165 = tpu.memref_slice %arg6[%run_scoped3A_153, %dma_start3A_163, %dma_start3A_164] : memref<3x2x120xi32, #tpu.memory_space<vmem>> -> memref<1x2x120xi32, #tpu.memory_space<vmem>>
        %dma_start3A_166 = tpu.memref_squeeze %dma_start3A_165 : memref<1x2x120xi32, #tpu.memory_space<vmem>> -> memref<2x120xi32, #tpu.memory_space<vmem>>
        %dma_start3A_167 = arith.constant 0 : i32
        %dma_start3A_168 = arith.constant 0 : i32
        %dma_start3A_169 = tpu.memref_slice %arg2[%add3A_152, %dma_start3A_167, %dma_start3A_168] : memref<2688x2x120xi32, #tpu.memory_space<hbm>> -> memref<1x2x120xi32, #tpu.memory_space<hbm>>
        %dma_start3A_170 = tpu.memref_squeeze %dma_start3A_169 : memref<1x2x120xi32, #tpu.memory_space<hbm>> -> memref<2x120xi32, #tpu.memory_space<hbm>>
        %dma_start3A_171 = arith.constant 0 : i32
        %dma_start3A_172 = arith.constant 0 : i32
        %dma_start3A_173 = tpu.memref_slice %arg6[%run_scoped3A_153, %dma_start3A_171, %dma_start3A_172] : memref<3x2x120xi32, #tpu.memory_space<vmem>> -> memref<1x2x120xi32, #tpu.memory_space<vmem>>
        %dma_start3A_174 = tpu.memref_squeeze %dma_start3A_173 : memref<1x2x120xi32, #tpu.memory_space<vmem>> -> memref<2x120xi32, #tpu.memory_space<vmem>>
        %dma_start3A_175 = arith.constant 0 : i32
        %dma_start3A_176 = arith.constant 0 : i32
        %dma_start3A_177 = tpu.memref_slice %arg2[%add3A_152, %dma_start3A_175, %dma_start3A_176] : memref<2688x2x120xi32, #tpu.memory_space<hbm>> -> memref<1x2x120xi32, #tpu.memory_space<hbm>>
        %dma_start3A_178 = tpu.memref_squeeze %dma_start3A_177 : memref<1x2x120xi32, #tpu.memory_space<hbm>> -> memref<2x120xi32, #tpu.memory_space<hbm>>
        tpu.enqueue_dma source(%dma_start3A_178 : memref<2x120xi32, #tpu.memory_space<hbm>>) target(%dma_start3A_174 : memref<2x120xi32, #tpu.memory_space<vmem>>) target_semaphore(%run_scoped3A_162 : memref<!tpu.dma_semaphore, #tpu.memory_space<semaphore_mem>>)
        %dma_wait3A_179 = arith.constant 0 : i32
        %dma_wait3A_180 = arith.constant 0 : i32
        %dma_wait3A_181 = tpu.memref_slice %arg6[%run_scoped3A_153, %dma_wait3A_179, %dma_wait3A_180] : memref<3x2x120xi32, #tpu.memory_space<vmem>> -> memref<1x2x120xi32, #tpu.memory_space<vmem>>
        %dma_wait3A_182 = tpu.memref_squeeze %dma_wait3A_181 : memref<1x2x120xi32, #tpu.memory_space<vmem>> -> memref<2x120xi32, #tpu.memory_space<vmem>>
        %dma_wait3A_183 = arith.constant 0 : i32
        %dma_wait3A_184 = arith.constant 0 : i32
        %dma_wait3A_185 = tpu.memref_slice %arg2[%add3A_152, %dma_wait3A_183, %dma_wait3A_184] : memref<2688x2x120xi32, #tpu.memory_space<hbm>> -> memref<1x2x120xi32, #tpu.memory_space<hbm>>
        %dma_wait3A_186 = tpu.memref_squeeze %dma_wait3A_185 : memref<1x2x120xi32, #tpu.memory_space<hbm>> -> memref<2x120xi32, #tpu.memory_space<hbm>>
        %dma_wait3A_187 = arith.constant 0 : i32
        %dma_wait3A_188 = arith.constant 0 : i32
        %dma_wait3A_189 = tpu.memref_slice %arg6[%run_scoped3A_153, %dma_wait3A_187, %dma_wait3A_188] : memref<3x2x120xi32, #tpu.memory_space<vmem>> -> memref<1x2x120xi32, #tpu.memory_space<vmem>>
        %dma_wait3A_190 = tpu.memref_squeeze %dma_wait3A_189 : memref<1x2x120xi32, #tpu.memory_space<vmem>> -> memref<2x120xi32, #tpu.memory_space<vmem>>
        %dma_wait3A_191 = arith.constant 0 : i32
        %dma_wait3A_192 = arith.constant 0 : i32
        %dma_wait3A_193 = tpu.memref_slice %arg2[%add3A_152, %dma_wait3A_191, %dma_wait3A_192] : memref<2688x2x120xi32, #tpu.memory_space<hbm>> -> memref<1x2x120xi32, #tpu.memory_space<hbm>>
        %dma_wait3A_194 = tpu.memref_squeeze %dma_wait3A_193 : memref<1x2x120xi32, #tpu.memory_space<hbm>> -> memref<2x120xi32, #tpu.memory_space<hbm>>
        tpu.wait_dma2 semaphore(%run_scoped3A_162 : memref<!tpu.dma_semaphore, #tpu.memory_space<semaphore_mem>>) src(%dma_wait3A_194 : memref<2x120xi32, #tpu.memory_space<hbm>>) dst(%dma_wait3A_190 : memref<2x120xi32, #tpu.memory_space<vmem>>)
        tpu.yield
      }) : () -> ()
      %dma_start3A_154 = arith.constant 2 : i32
      %dma_start3A_155 = arith.constant 0 : i32
      %dma_start3A_156 = arith.constant 0 : i32
      %dma_start3A_157 = tpu.memref_slice %arg6[%dma_start3A_154, %dma_start3A_155, %dma_start3A_156] : memref<3x2x120xi32, #tpu.memory_space<vmem>> -> memref<1x1x120xi32, #tpu.memory_space<vmem>>
      %dma_start3A_158 = tpu.memref_squeeze %dma_start3A_157 : memref<1x1x120xi32, #tpu.memory_space<vmem>> -> memref<120xi32, #tpu.memory_space<vmem>>
      %dma_start3A_159 = arith.constant 0 : i32
      %dma_start3A_160 = arith.constant 0 : i32
      %dma_start3A_161 = tpu.memref_slice %arg3[%dma_start3A_159, %dma_start3A_160] : memref<80128x128xf32, #tpu.memory_space<hbm>> -> memref<80128x128xf32, #tpu.memory_space<hbm>>
      tpu.enqueue_indirect_dma source(%dma_start3A_161 : memref<80128x128xf32, #tpu.memory_space<hbm>>) target(%arg9 : memref<120x128xf32, #tpu.memory_space<vmem>>) offsets(%dma_start3A_158 : memref<120xi32, #tpu.memory_space<vmem>>) semaphore(%arg13 : memref<!tpu.dma_semaphore, #tpu.memory_space<semaphore_mem>>)
    }
    %dma_wait3A = arith.constant 0 : i32
    %dma_wait3A_48 = arith.constant 0 : i32
    %dma_wait3A_49 = arith.constant 0 : i32
    %dma_wait3A_50 = tpu.memref_slice %arg6[%dma_wait3A, %dma_wait3A_48, %dma_wait3A_49] : memref<3x2x120xi32, #tpu.memory_space<vmem>> -> memref<1x1x120xi32, #tpu.memory_space<vmem>>
    %dma_wait3A_51 = tpu.memref_squeeze %dma_wait3A_50 : memref<1x1x120xi32, #tpu.memory_space<vmem>> -> memref<120xi32, #tpu.memory_space<vmem>>
    %dma_wait3A_52 = arith.constant 0 : i32
    %dma_wait3A_53 = arith.constant 0 : i32
    %dma_wait3A_54 = tpu.memref_slice %arg3[%dma_wait3A_52, %dma_wait3A_53] : memref<80128x128xf32, #tpu.memory_space<hbm>> -> memref<80128x128xf32, #tpu.memory_space<hbm>>
    tpu.wait_indirect_dma semaphore(%arg11 : memref<!tpu.dma_semaphore, #tpu.memory_space<semaphore_mem>>) src(%dma_wait3A_54 : memref<80128x128xf32, #tpu.memory_space<hbm>>) dst(%arg7 : memref<120x128xf32, #tpu.memory_space<vmem>>)
    %run_scoped3A_55 = arith.constant 0 : i32
    %run_scoped3A_56 = arith.constant 1 : i32
    "tpu.region"() ({
      %run_scoped3A_83 = tpu.sem_alloc : memref<!tpu.dma_semaphore, #tpu.memory_space<semaphore_mem>>
      %dma_start3A_84 = arith.constant 0 : i32
      %dma_start3A_85 = tpu.memref_slice %arg6[%run_scoped3A_55, %run_scoped3A_56, %dma_start3A_84] : memref<3x2x120xi32, #tpu.memory_space<vmem>> -> memref<1x1x120xi32, #tpu.memory_space<vmem>>
      %dma_start3A_86 = tpu.memref_squeeze %dma_start3A_85 : memref<1x1x120xi32, #tpu.memory_space<vmem>> -> memref<120xi32, #tpu.memory_space<vmem>>
      %dma_start3A_87 = arith.constant 0 : i32
      %dma_start3A_88 = arith.constant 0 : i32
      %dma_start3A_89 = tpu.memref_slice %arg10[%dma_start3A_87, %dma_start3A_88] : memref<10016x128xf32, #tpu.memory_space<vmem_shared>> -> memref<10016x128xf32, #tpu.memory_space<vmem_shared>>
      tpu.enqueue_indirect_dma source(%arg7 : memref<120x128xf32, #tpu.memory_space<vmem>>) target(%dma_start3A_89 : memref<10016x128xf32, #tpu.memory_space<vmem_shared>>) offsets(%dma_start3A_86 : memref<120xi32, #tpu.memory_space<vmem>>) semaphore(%run_scoped3A_83 : memref<!tpu.dma_semaphore, #tpu.memory_space<semaphore_mem>>) {add = true}
      %dma_wait3A_90 = arith.constant 0 : i32
      %dma_wait3A_91 = tpu.memref_slice %arg6[%run_scoped3A_55, %run_scoped3A_56, %dma_wait3A_90] : memref<3x2x120xi32, #tpu.memory_space<vmem>> -> memref<1x1x120xi32, #tpu.memory_space<vmem>>
      %dma_wait3A_92 = tpu.memref_squeeze %dma_wait3A_91 : memref<1x1x120xi32, #tpu.memory_space<vmem>> -> memref<120xi32, #tpu.memory_space<vmem>>
      %dma_wait3A_93 = arith.constant 0 : i32
      %dma_wait3A_94 = arith.constant 0 : i32
      %dma_wait3A_95 = tpu.memref_slice %arg10[%dma_wait3A_93, %dma_wait3A_94] : memref<10016x128xf32, #tpu.memory_space<vmem_shared>> -> memref<10016x128xf32, #tpu.memory_space<vmem_shared>>
      tpu.wait_indirect_dma semaphore(%run_scoped3A_83 : memref<!tpu.dma_semaphore, #tpu.memory_space<semaphore_mem>>) src(%arg7 : memref<120x128xf32, #tpu.memory_space<vmem>>) dst(%dma_wait3A_95 : memref<10016x128xf32, #tpu.memory_space<vmem_shared>>)
      tpu.yield
    }) : () -> ()
    %dma_wait3A_57 = arith.constant 1 : i32
    %dma_wait3A_58 = arith.constant 0 : i32
    %dma_wait3A_59 = arith.constant 0 : i32
    %dma_wait3A_60 = tpu.memref_slice %arg6[%dma_wait3A_57, %dma_wait3A_58, %dma_wait3A_59] : memref<3x2x120xi32, #tpu.memory_space<vmem>> -> memref<1x1x120xi32, #tpu.memory_space<vmem>>
    %dma_wait3A_61 = tpu.memref_squeeze %dma_wait3A_60 : memref<1x1x120xi32, #tpu.memory_space<vmem>> -> memref<120xi32, #tpu.memory_space<vmem>>
    %dma_wait3A_62 = arith.constant 0 : i32
    %dma_wait3A_63 = arith.constant 0 : i32
    %dma_wait3A_64 = tpu.memref_slice %arg3[%dma_wait3A_62, %dma_wait3A_63] : memref<80128x128xf32, #tpu.memory_space<hbm>> -> memref<80128x128xf32, #tpu.memory_space<hbm>>
    tpu.wait_indirect_dma semaphore(%arg12 : memref<!tpu.dma_semaphore, #tpu.memory_space<semaphore_mem>>) src(%dma_wait3A_64 : memref<80128x128xf32, #tpu.memory_space<hbm>>) dst(%arg8 : memref<120x128xf32, #tpu.memory_space<vmem>>)
    %run_scoped3A_65 = arith.constant 1 : i32
    %run_scoped3A_66 = arith.constant 1 : i32
    "tpu.region"() ({
      %run_scoped3A_83 = tpu.sem_alloc : memref<!tpu.dma_semaphore, #tpu.memory_space<semaphore_mem>>
      %dma_start3A_84 = arith.constant 0 : i32
      %dma_start3A_85 = tpu.memref_slice %arg6[%run_scoped3A_65, %run_scoped3A_66, %dma_start3A_84] : memref<3x2x120xi32, #tpu.memory_space<vmem>> -> memref<1x1x120xi32, #tpu.memory_space<vmem>>
      %dma_start3A_86 = tpu.memref_squeeze %dma_start3A_85 : memref<1x1x120xi32, #tpu.memory_space<vmem>> -> memref<120xi32, #tpu.memory_space<vmem>>
      %dma_start3A_87 = arith.constant 0 : i32
      %dma_start3A_88 = arith.constant 0 : i32
      %dma_start3A_89 = tpu.memref_slice %arg10[%dma_start3A_87, %dma_start3A_88] : memref<10016x128xf32, #tpu.memory_space<vmem_shared>> -> memref<10016x128xf32, #tpu.memory_space<vmem_shared>>
      tpu.enqueue_indirect_dma source(%arg8 : memref<120x128xf32, #tpu.memory_space<vmem>>) target(%dma_start3A_89 : memref<10016x128xf32, #tpu.memory_space<vmem_shared>>) offsets(%dma_start3A_86 : memref<120xi32, #tpu.memory_space<vmem>>) semaphore(%run_scoped3A_83 : memref<!tpu.dma_semaphore, #tpu.memory_space<semaphore_mem>>) {add = true}
      %dma_wait3A_90 = arith.constant 0 : i32
      %dma_wait3A_91 = tpu.memref_slice %arg6[%run_scoped3A_65, %run_scoped3A_66, %dma_wait3A_90] : memref<3x2x120xi32, #tpu.memory_space<vmem>> -> memref<1x1x120xi32, #tpu.memory_space<vmem>>
      %dma_wait3A_92 = tpu.memref_squeeze %dma_wait3A_91 : memref<1x1x120xi32, #tpu.memory_space<vmem>> -> memref<120xi32, #tpu.memory_space<vmem>>
      %dma_wait3A_93 = arith.constant 0 : i32
      %dma_wait3A_94 = arith.constant 0 : i32
      %dma_wait3A_95 = tpu.memref_slice %arg10[%dma_wait3A_93, %dma_wait3A_94] : memref<10016x128xf32, #tpu.memory_space<vmem_shared>> -> memref<10016x128xf32, #tpu.memory_space<vmem_shared>>
      tpu.wait_indirect_dma semaphore(%run_scoped3A_83 : memref<!tpu.dma_semaphore, #tpu.memory_space<semaphore_mem>>) src(%arg8 : memref<120x128xf32, #tpu.memory_space<vmem>>) dst(%dma_wait3A_95 : memref<10016x128xf32, #tpu.memory_space<vmem_shared>>)
      tpu.yield
    }) : () -> ()
    %dma_wait3A_67 = arith.constant 2 : i32
    %dma_wait3A_68 = arith.constant 0 : i32
    %dma_wait3A_69 = arith.constant 0 : i32
    %dma_wait3A_70 = tpu.memref_slice %arg6[%dma_wait3A_67, %dma_wait3A_68, %dma_wait3A_69] : memref<3x2x120xi32, #tpu.memory_space<vmem>> -> memref<1x1x120xi32, #tpu.memory_space<vmem>>
    %dma_wait3A_71 = tpu.memref_squeeze %dma_wait3A_70 : memref<1x1x120xi32, #tpu.memory_space<vmem>> -> memref<120xi32, #tpu.memory_space<vmem>>
    %dma_wait3A_72 = arith.constant 0 : i32
    %dma_wait3A_73 = arith.constant 0 : i32
    %dma_wait3A_74 = tpu.memref_slice %arg3[%dma_wait3A_72, %dma_wait3A_73] : memref<80128x128xf32, #tpu.memory_space<hbm>> -> memref<80128x128xf32, #tpu.memory_space<hbm>>
    tpu.wait_indirect_dma semaphore(%arg13 : memref<!tpu.dma_semaphore, #tpu.memory_space<semaphore_mem>>) src(%dma_wait3A_74 : memref<80128x128xf32, #tpu.memory_space<hbm>>) dst(%arg9 : memref<120x128xf32, #tpu.memory_space<vmem>>)
    %run_scoped3A_75 = arith.constant 2 : i32
    %run_scoped3A_76 = arith.constant 1 : i32
    "tpu.region"() ({
      %run_scoped3A_83 = tpu.sem_alloc : memref<!tpu.dma_semaphore, #tpu.memory_space<semaphore_mem>>
      %dma_start3A_84 = arith.constant 0 : i32
      %dma_start3A_85 = tpu.memref_slice %arg6[%run_scoped3A_75, %run_scoped3A_76, %dma_start3A_84] : memref<3x2x120xi32, #tpu.memory_space<vmem>> -> memref<1x1x120xi32, #tpu.memory_space<vmem>>
      %dma_start3A_86 = tpu.memref_squeeze %dma_start3A_85 : memref<1x1x120xi32, #tpu.memory_space<vmem>> -> memref<120xi32, #tpu.memory_space<vmem>>
      %dma_start3A_87 = arith.constant 0 : i32
      %dma_start3A_88 = arith.constant 0 : i32
      %dma_start3A_89 = tpu.memref_slice %arg10[%dma_start3A_87, %dma_start3A_88] : memref<10016x128xf32, #tpu.memory_space<vmem_shared>> -> memref<10016x128xf32, #tpu.memory_space<vmem_shared>>
      tpu.enqueue_indirect_dma source(%arg9 : memref<120x128xf32, #tpu.memory_space<vmem>>) target(%dma_start3A_89 : memref<10016x128xf32, #tpu.memory_space<vmem_shared>>) offsets(%dma_start3A_86 : memref<120xi32, #tpu.memory_space<vmem>>) semaphore(%run_scoped3A_83 : memref<!tpu.dma_semaphore, #tpu.memory_space<semaphore_mem>>) {add = true}
      %dma_wait3A_90 = arith.constant 0 : i32
      %dma_wait3A_91 = tpu.memref_slice %arg6[%run_scoped3A_75, %run_scoped3A_76, %dma_wait3A_90] : memref<3x2x120xi32, #tpu.memory_space<vmem>> -> memref<1x1x120xi32, #tpu.memory_space<vmem>>
      %dma_wait3A_92 = tpu.memref_squeeze %dma_wait3A_91 : memref<1x1x120xi32, #tpu.memory_space<vmem>> -> memref<120xi32, #tpu.memory_space<vmem>>
      %dma_wait3A_93 = arith.constant 0 : i32
      %dma_wait3A_94 = arith.constant 0 : i32
      %dma_wait3A_95 = tpu.memref_slice %arg10[%dma_wait3A_93, %dma_wait3A_94] : memref<10016x128xf32, #tpu.memory_space<vmem_shared>> -> memref<10016x128xf32, #tpu.memory_space<vmem_shared>>
      tpu.wait_indirect_dma semaphore(%run_scoped3A_83 : memref<!tpu.dma_semaphore, #tpu.memory_space<semaphore_mem>>) src(%arg9 : memref<120x128xf32, #tpu.memory_space<vmem>>) dst(%dma_wait3A_95 : memref<10016x128xf32, #tpu.memory_space<vmem_shared>>)
      tpu.yield
    }) : () -> ()
    %barrier3A_77 = arith.constant 0 : index
    tpu.barrier barrier_id(%barrier3A_77)
    %eq3A_78 = arith.constant 0 : i32
    %eq3A_79 = arith.cmpi eq, %arg1, %eq3A_78 : i32
    %convert_element_type3A_80 = arith.extui %eq3A_79 : i1 to i32
    %cond3A_81 = arith.constant 0 : i32
    %cond3A_82 = arith.cmpi ne, %convert_element_type3A_80, %cond3A_81 : i32
    scf.if %cond3A_82 {
      "tpu.region"() ({
        %run_scoped3A_83 = tpu.sem_alloc : memref<!tpu.dma_semaphore, #tpu.memory_space<semaphore_mem>>
        %dma_start3A_84 = arith.constant 0 : i32
        %dma_start3A_85 = arith.constant 0 : i32
        %dma_start3A_86 = tpu.memref_slice %arg5[%arg0, %dma_start3A_84, %dma_start3A_85] : memref<2x10016x128xf32, #tpu.memory_space<hbm>> -> memref<1x10016x128xf32, #tpu.memory_space<hbm>>
        %dma_start3A_87 = tpu.memref_squeeze %dma_start3A_86 : memref<1x10016x128xf32, #tpu.memory_space<hbm>> -> memref<10016x128xf32, #tpu.memory_space<hbm>>
        tpu.enqueue_dma source(%arg10 : memref<10016x128xf32, #tpu.memory_space<vmem_shared>>) target(%dma_start3A_87 : memref<10016x128xf32, #tpu.memory_space<hbm>>) target_semaphore(%run_scoped3A_83 : memref<!tpu.dma_semaphore, #tpu.memory_space<semaphore_mem>>)
        %dma_wait3A_88 = arith.constant 0 : i32
        %dma_wait3A_89 = arith.constant 0 : i32
        %dma_wait3A_90 = tpu.memref_slice %arg5[%arg0, %dma_wait3A_88, %dma_wait3A_89] : memref<2x10016x128xf32, #tpu.memory_space<hbm>> -> memref<1x10016x128xf32, #tpu.memory_space<hbm>>
        %dma_wait3A_91 = tpu.memref_squeeze %dma_wait3A_90 : memref<1x10016x128xf32, #tpu.memory_space<hbm>> -> memref<10016x128xf32, #tpu.memory_space<hbm>>
        tpu.wait_dma2 semaphore(%run_scoped3A_83 : memref<!tpu.dma_semaphore, #tpu.memory_space<semaphore_mem>>) src(%arg10 : memref<10016x128xf32, #tpu.memory_space<vmem_shared>>) dst(%dma_wait3A_91 : memref<10016x128xf32, #tpu.memory_space<hbm>>)
        tpu.yield
      }) : () -> ()
    } else {
    }
    return
  }
}

module attributes {stable_mosaic.version = 14 : i64} {
  func.func @_embed_body(%arg0: memref<10016x1xi32, #tpu.memory_space<vmem>>, %arg1: memref<128x128xf32, #tpu.memory_space<vmem>>, %arg2: memref<10016x128xf32, #tpu.memory_space<vmem>>) attributes {dimension_semantics = [], scalar_prefetch = 0 : i64, scratch_operands = 0 : i64, tpu.core_type = #tpu.core_type<tc>} {
    %iota3A = tpu.iota {dimensions = array<i32: 1>} : vector<1x128xi32>
    %get3A = arith.constant 0 : index
    %get3A_0 = arith.constant 0 : index
    %get3A_1 = vector.load %arg0[%get3A, %get3A_0] : memref<10016x1xi32, #tpu.memory_space<vmem>>, vector<10016x1xi32>
    %eq3A = vector.broadcast %get3A_1 : vector<10016x1xi32> to vector<10016x128xi32>
    %eq3A_2 = vector.broadcast %iota3A : vector<1x128xi32> to vector<10016x128xi32>
    %eq3A_3 = arith.cmpi eq, %eq3A, %eq3A_2 : vector<10016x128xi32>
    %convert_element_type3A = arith.extui %eq3A_3 : vector<10016x128xi1> to vector<10016x128xi32>
    %convert_element_type3A_4 = arith.sitofp %convert_element_type3A : vector<10016x128xi32> to vector<10016x128xf32>
    %get3A_5 = arith.constant 0 : index
    %get3A_6 = arith.constant 0 : index
    %get3A_7 = vector.load %arg1[%get3A_5, %get3A_6] : memref<128x128xf32, #tpu.memory_space<vmem>>, vector<128x128xf32>
    %dot_general3A = arith.constant dense<0.000000e+00> : vector<10016x128xf32>
    %dot_general3A_8 = tpu.matmul %convert_element_type3A_4, %get3A_7, %dot_general3A {dimension_numbers = #tpu.dot_dimension_numbers<[1], [0], [0], [1], [0, 0, 1, 1], [], []>, precision = #tpu.contract_precision<fp32>, transpose_lhs_hint = false} : vector<10016x128xf32>, vector<128x128xf32>, vector<10016x128xf32> -> vector<10016x128xf32>
    %iota3A_9 = tpu.iota {dimensions = array<i32: 0>} : vector<10016x1xi32>
    %lt3A = arith.constant 10000 : i32
    %lt3A_10 = vector.broadcast %lt3A : i32 to vector<10016x1xi32>
    %lt3A_11 = arith.cmpi slt, %iota3A_9, %lt3A_10 : vector<10016x1xi32>
    %jit3A = arith.constant -1.000000e+09 : f32
    %broadcast_in_dim3A = vector.shape_cast %lt3A_11 : vector<10016x1xi1> to vector<10016x1xi1>
    %broadcast_in_dim3A_12 = vector.broadcast %broadcast_in_dim3A : vector<10016x1xi1> to vector<10016x128xi1>
    %broadcast_in_dim3A_13 = vector.broadcast %jit3A : f32 to vector<10016x128xf32>
    %select_n3A = arith.select %broadcast_in_dim3A_12, %dot_general3A_8, %broadcast_in_dim3A_13 : vector<10016x128xi1>, vector<10016x128xf32>
    %swap3A = arith.constant 0 : index
    %swap3A_14 = arith.constant 0 : index
    %swap3A_15 = vector.load %arg2[%swap3A, %swap3A_14] : memref<10016x128xf32, #tpu.memory_space<vmem>>, vector<10016x128xf32>
    tpu.vector_store %arg2[%swap3A, %swap3A_14], %select_n3A {strides = array<i32>} : memref<10016x128xf32, #tpu.memory_space<vmem>>, vector<10016x128xf32>,
    return
  }
}

module attributes {stable_mosaic.version = 14 : i64} {
  func.func @_makeg_body(%arg0: i32, %arg1: memref<10016x128xf32, #tpu.memory_space<vmem>>, %arg2: memref<8x128xf32, #tpu.memory_space<vmem>>, %arg3: memref<10016x128xf32, #tpu.memory_space<vmem>>) attributes {dimension_semantics = [#tpu.dimension_semantics<arbitrary>], iteration_bounds = array<i64: 8>, scalar_prefetch = 0 : i64, scratch_operands = 0 : i64, tpu.core_type = #tpu.core_type<tc>, window_params = [{pipeline_mode = #tpu.pipeline_mode<synchronous>, transform_indices = @transform_0, window_bounds = array<i64: 10016, 128>}, {pipeline_mode = #tpu.pipeline_mode<synchronous>, transform_indices = @transform_1, window_bounds = array<i64: 8, 128>}, {transform_indices = @transform_2, window_bounds = array<i64: 10016, 128>}]} {
    %get3A = arith.index_cast %arg0 : i32 to index
    %get3A_0 = arith.constant 0 : index
    %get3A_1 = vector.load %arg2[%get3A, %get3A_0] : memref<8x128xf32, #tpu.memory_space<vmem>>, vector<1x128xf32>
    %get3A_2 = arith.constant 0 : index
    %get3A_3 = arith.constant 0 : index
    %get3A_4 = vector.load %arg1[%get3A_2, %get3A_3] : memref<10016x128xf32, #tpu.memory_space<vmem>>, vector<10016x128xf32>
    %add3A = vector.broadcast %get3A_1 : vector<1x128xf32> to vector<10016x128xf32>
    %add3A_5 = arith.addf %get3A_4, %add3A : vector<10016x128xf32>
    %max3A = arith.constant 0.000000e+00 : f32
    %max3A_6 = vector.broadcast %max3A : f32 to vector<10016x128xf32>
    %max3A_7 = arith.maximumf %add3A_5, %max3A_6 : vector<10016x128xf32>
    %swap3A = arith.constant 0 : index
    %swap3A_8 = arith.constant 0 : index
    %swap3A_9 = vector.load %arg3[%swap3A, %swap3A_8] : memref<10016x128xf32, #tpu.memory_space<vmem>>, vector<10016x128xf32>
    tpu.vector_store %arg3[%swap3A, %swap3A_8], %max3A_7 {strides = array<i32>} : memref<10016x128xf32, #tpu.memory_space<vmem>>, vector<10016x128xf32>,
    return
  }
  func.func @transform_0(%arg0: i32) -> (i32, i32) {
    %c0_i32 = arith.constant 0 : i32
    %c0_i32_0 = arith.constant 0 : i32
    %c0_i32_1 = arith.constant 0 : i32
    return %c0_i32, %c0_i32_0 : i32, i32
  }
  func.func @transform_1(%arg0: i32) -> (i32, i32) {
    %c0_i32 = arith.constant 0 : i32
    %c0_i32_0 = arith.constant 0 : i32
    %c0_i32_1 = arith.constant 0 : i32
    return %c0_i32, %c0_i32_0 : i32, i32
  }
  func.func @transform_2(%arg0: i32) -> (i32, i32) {
    %c0_i32 = arith.constant 0 : i32
    %c0_i32_0 = arith.constant 0 : i32
    return %arg0, %c0_i32 : i32, i32
  }
}

module attributes {stable_mosaic.version = 14 : i64} {
  func.func @_dense_mid_body(%arg0: memref<10016x128xf32, #tpu.memory_space<vmem>>, %arg1: memref<2x10016x128xf32, #tpu.memory_space<vmem>>, %arg2: memref<128x256xf32, #tpu.memory_space<vmem>>, %arg3: memref<1x256xf32, #tpu.memory_space<vmem>>, %arg4: memref<256x128xf32, #tpu.memory_space<vmem>>, %arg5: memref<1x128xf32, #tpu.memory_space<vmem>>, %arg6: memref<1x1xf32, #tpu.memory_space<vmem>>, %arg7: memref<1x128xf32, #tpu.memory_space<vmem>>, %arg8: memref<1x128xf32, #tpu.memory_space<vmem>>, %arg9: memref<10016x128xf32, #tpu.memory_space<vmem>>) attributes {dimension_semantics = [], scalar_prefetch = 0 : i64, scratch_operands = 0 : i64, tpu.core_type = #tpu.core_type<tc>} {
    %get3A = arith.constant 0 : index
    %get3A_0 = arith.constant 0 : index
    %get3A_1 = vector.load %arg0[%get3A, %get3A_0] : memref<10016x128xf32, #tpu.memory_space<vmem>>, vector<10000x128xf32>
    %get3A_2 = arith.constant 0 : index
    %get3A_3 = arith.constant 0 : index
    %get3A_4 = vector.load %arg6[%get3A_2, %get3A_3] : memref<1x1xf32, #tpu.memory_space<vmem>>, vector<1x1xf32>
    %get3A_5 = vector.extract %get3A_4[0, 0] : f32 from vector<1x1xf32>
    %add3A = arith.constant 1.000000e+00 : f32
    %add3A_6 = arith.addf %add3A, %get3A_5 : f32
    %mul3A = vector.broadcast %add3A_6 : f32 to vector<10000x128xf32>
    %mul3A_7 = arith.mulf %mul3A, %get3A_1 : vector<10000x128xf32>
    %get3A_8 = arith.constant 0 : index
    %get3A_9 = arith.constant 0 : index
    %get3A_10 = arith.constant 0 : index
    %get3A_11 = vector.load %arg1[%get3A_8, %get3A_9, %get3A_10] : memref<2x10016x128xf32, #tpu.memory_space<vmem>>, vector<1x10000x128xf32>
    %get3A_12 = vector.shape_cast %get3A_11 : vector<1x10000x128xf32> to vector<10000x128xf32>
    %add3A_13 = arith.addf %mul3A_7, %get3A_12 : vector<10000x128xf32>
    %get3A_14 = arith.constant 1 : index
    %get3A_15 = arith.constant 0 : index
    %get3A_16 = arith.constant 0 : index
    %get3A_17 = vector.load %arg1[%get3A_14, %get3A_15, %get3A_16] : memref<2x10016x128xf32, #tpu.memory_space<vmem>>, vector<1x10000x128xf32>
    %get3A_18 = vector.shape_cast %get3A_17 : vector<1x10000x128xf32> to vector<10000x128xf32>
    %add3A_19 = arith.addf %add3A_13, %get3A_18 : vector<10000x128xf32>
    %get3A_20 = arith.constant 0 : index
    %get3A_21 = arith.constant 0 : index
    %get3A_22 = vector.load %arg2[%get3A_20, %get3A_21] : memref<128x256xf32, #tpu.memory_space<vmem>>, vector<128x256xf32>
    %dot_general3A = arith.constant dense<0.000000e+00> : vector<10000x256xf32>
    %dot_general3A_23 = tpu.matmul %add3A_19, %get3A_22, %dot_general3A {dimension_numbers = #tpu.dot_dimension_numbers<[1], [0], [0], [1], [0, 0, 1, 1], [], []>, transpose_lhs_hint = false} : vector<10000x128xf32>, vector<128x256xf32>, vector<10000x256xf32> -> vector<10000x256xf32>
    %get3A_24 = arith.constant 0 : index
    %get3A_25 = arith.constant 0 : index
    %get3A_26 = vector.load %arg3[%get3A_24, %get3A_25] : memref<1x256xf32, #tpu.memory_space<vmem>>, vector<1x256xf32>
    %add3A_27 = vector.broadcast %get3A_26 : vector<1x256xf32> to vector<10000x256xf32>
    %add3A_28 = arith.addf %dot_general3A_23, %add3A_27 : vector<10000x256xf32>
    %max3A = arith.constant 0.000000e+00 : f32
    %max3A_29 = vector.broadcast %max3A : f32 to vector<10000x256xf32>
    %max3A_30 = arith.maximumf %add3A_28, %max3A_29 : vector<10000x256xf32>
    %get3A_31 = arith.constant 0 : index
    %get3A_32 = arith.constant 0 : index
    %get3A_33 = vector.load %arg4[%get3A_31, %get3A_32] : memref<256x128xf32, #tpu.memory_space<vmem>>, vector<256x128xf32>
    %dot_general3A_34 = arith.constant dense<0.000000e+00> : vector<10000x128xf32>
    %dot_general3A_35 = tpu.matmul %max3A_30, %get3A_33, %dot_general3A_34 {dimension_numbers = #tpu.dot_dimension_numbers<[1], [0], [0], [1], [0, 0, 1, 1], [], []>, transpose_lhs_hint = false} : vector<10000x256xf32>, vector<256x128xf32>, vector<10000x128xf32> -> vector<10000x128xf32>
    %get3A_36 = arith.constant 0 : index
    %get3A_37 = arith.constant 0 : index
    %get3A_38 = vector.load %arg5[%get3A_36, %get3A_37] : memref<1x128xf32, #tpu.memory_space<vmem>>, vector<1x128xf32>
    %add3A_39 = vector.broadcast %get3A_38 : vector<1x128xf32> to vector<10000x128xf32>
    %add3A_40 = arith.addf %dot_general3A_35, %add3A_39 : vector<10000x128xf32>
    %reduce_sum3A = arith.constant dense<0.000000e+00> : vector<128xf32>
    %reduce_sum3A_41 = vector.multi_reduction <add>, %add3A_40, %reduce_sum3A [0] : vector<10000x128xf32> to vector<128xf32>
    %broadcast_in_dim3A = vector.shape_cast %reduce_sum3A_41 : vector<128xf32> to vector<1x128xf32>
    %div3A = arith.constant 1.000000e+04 : f32
    %div3A_42 = vector.broadcast %div3A : f32 to vector<1x128xf32>
    %div3A_43 = arith.divf %broadcast_in_dim3A, %div3A_42 : vector<1x128xf32>
    %sub3A = vector.broadcast %div3A_43 : vector<1x128xf32> to vector<10000x128xf32>
    %sub3A_44 = arith.subf %add3A_40, %sub3A : vector<10000x128xf32>
    %mul3A_45 = arith.mulf %sub3A_44, %sub3A_44 : vector<10000x128xf32>
    %reduce_sum3A_46 = arith.constant dense<0.000000e+00> : vector<128xf32>
    %reduce_sum3A_47 = vector.multi_reduction <add>, %mul3A_45, %reduce_sum3A_46 [0] : vector<10000x128xf32> to vector<128xf32>
    %broadcast_in_dim3A_48 = vector.shape_cast %reduce_sum3A_47 : vector<128xf32> to vector<1x128xf32>
    %div3A_49 = arith.constant 1.000000e+04 : f32
    %div3A_50 = vector.broadcast %div3A_49 : f32 to vector<1x128xf32>
    %div3A_51 = arith.divf %broadcast_in_dim3A_48, %div3A_50 : vector<1x128xf32>
    %get3A_52 = arith.constant 0 : index
    %get3A_53 = arith.constant 0 : index
    %get3A_54 = vector.load %arg7[%get3A_52, %get3A_53] : memref<1x128xf32, #tpu.memory_space<vmem>>, vector<1x128xf32>
    %mul3A_55 = vector.broadcast %get3A_54 : vector<1x128xf32> to vector<10000x128xf32>
    %mul3A_56 = arith.mulf %mul3A_55, %sub3A_44 : vector<10000x128xf32>
    %add3A_57 = arith.constant 9.99999974E-6 : f32
    %add3A_58 = vector.broadcast %add3A_57 : f32 to vector<1x128xf32>
    %add3A_59 = arith.addf %div3A_51, %add3A_58 : vector<1x128xf32>
    %rsqrt3A = math.rsqrt %add3A_59 : vector<1x128xf32>
    %mul3A_60 = vector.broadcast %rsqrt3A : vector<1x128xf32> to vector<10000x128xf32>
    %mul3A_61 = arith.mulf %mul3A_56, %mul3A_60 : vector<10000x128xf32>
    %get3A_62 = arith.constant 0 : index
    %get3A_63 = arith.constant 0 : index
    %get3A_64 = vector.load %arg8[%get3A_62, %get3A_63] : memref<1x128xf32, #tpu.memory_space<vmem>>, vector<1x128xf32>
    %add3A_65 = vector.broadcast %get3A_64 : vector<1x128xf32> to vector<10000x128xf32>
    %add3A_66 = arith.addf %mul3A_61, %add3A_65 : vector<10000x128xf32>
    %max3A_67 = arith.constant 0.000000e+00 : f32
    %max3A_68 = vector.broadcast %max3A_67 : f32 to vector<10000x128xf32>
    %max3A_69 = arith.maximumf %add3A_66, %max3A_68 : vector<10000x128xf32>
    %swap3A = arith.constant 0 : index
    %swap3A_70 = arith.constant 0 : index
    %swap3A_71 = vector.load %arg9[%swap3A, %swap3A_70] : memref<10016x128xf32, #tpu.memory_space<vmem>>, vector<10000x128xf32>
    tpu.vector_store %arg9[%swap3A, %swap3A_70], %max3A_69 {strides = array<i32>} : memref<10016x128xf32, #tpu.memory_space<vmem>>, vector<10000x128xf32>,
    %broadcast_in_dim3A_72 = arith.constant -1.000000e+09 : f32
    %broadcast_in_dim3A_73 = vector.broadcast %broadcast_in_dim3A_72 : f32 to vector<16x128xf32>
    %swap3A_74 = arith.constant 10000 : index
    %swap3A_75 = arith.constant 0 : index
    %swap3A_76 = vector.load %arg9[%swap3A_74, %swap3A_75] : memref<10016x128xf32, #tpu.memory_space<vmem>>, vector<16x128xf32>
    tpu.vector_store %arg9[%swap3A_74, %swap3A_75], %broadcast_in_dim3A_73 {strides = array<i32>} : memref<10016x128xf32, #tpu.memory_space<vmem>>, vector<16x128xf32>,
    return
  }
}

module attributes {stable_mosaic.version = 14 : i64} {
  func.func @_dense_pool_body(%arg0: memref<10016x128xf32, #tpu.memory_space<vmem>>, %arg1: memref<2x10016x128xf32, #tpu.memory_space<vmem>>, %arg2: memref<128x256xf32, #tpu.memory_space<vmem>>, %arg3: memref<1x256xf32, #tpu.memory_space<vmem>>, %arg4: memref<256x128xf32, #tpu.memory_space<vmem>>, %arg5: memref<1x128xf32, #tpu.memory_space<vmem>>, %arg6: memref<1x1xf32, #tpu.memory_space<vmem>>, %arg7: memref<1x128xf32, #tpu.memory_space<vmem>>, %arg8: memref<1x128xf32, #tpu.memory_space<vmem>>, %arg9: memref<10016x1xi32, #tpu.memory_space<vmem>>, %arg10: memref<400x128xf32, #tpu.memory_space<vmem>>) attributes {dimension_semantics = [], scalar_prefetch = 0 : i64, scratch_operands = 0 : i64, tpu.core_type = #tpu.core_type<tc>} {
    %get3A = arith.constant 0 : index
    %get3A_0 = arith.constant 0 : index
    %get3A_1 = vector.load %arg0[%get3A, %get3A_0] : memref<10016x128xf32, #tpu.memory_space<vmem>>, vector<10000x128xf32>
    %get3A_2 = arith.constant 0 : index
    %get3A_3 = arith.constant 0 : index
    %get3A_4 = vector.load %arg6[%get3A_2, %get3A_3] : memref<1x1xf32, #tpu.memory_space<vmem>>, vector<1x1xf32>
    %get3A_5 = vector.extract %get3A_4[0, 0] : f32 from vector<1x1xf32>
    %add3A = arith.constant 1.000000e+00 : f32
    %add3A_6 = arith.addf %add3A, %get3A_5 : f32
    %mul3A = vector.broadcast %add3A_6 : f32 to vector<10000x128xf32>
    %mul3A_7 = arith.mulf %mul3A, %get3A_1 : vector<10000x128xf32>
    %get3A_8 = arith.constant 0 : index
    %get3A_9 = arith.constant 0 : index
    %get3A_10 = arith.constant 0 : index
    %get3A_11 = vector.load %arg1[%get3A_8, %get3A_9, %get3A_10] : memref<2x10016x128xf32, #tpu.memory_space<vmem>>, vector<1x10000x128xf32>
    %get3A_12 = vector.shape_cast %get3A_11 : vector<1x10000x128xf32> to vector<10000x128xf32>
    %add3A_13 = arith.addf %mul3A_7, %get3A_12 : vector<10000x128xf32>
    %get3A_14 = arith.constant 1 : index
    %get3A_15 = arith.constant 0 : index
    %get3A_16 = arith.constant 0 : index
    %get3A_17 = vector.load %arg1[%get3A_14, %get3A_15, %get3A_16] : memref<2x10016x128xf32, #tpu.memory_space<vmem>>, vector<1x10000x128xf32>
    %get3A_18 = vector.shape_cast %get3A_17 : vector<1x10000x128xf32> to vector<10000x128xf32>
    %add3A_19 = arith.addf %add3A_13, %get3A_18 : vector<10000x128xf32>
    %get3A_20 = arith.constant 0 : index
    %get3A_21 = arith.constant 0 : index
    %get3A_22 = vector.load %arg2[%get3A_20, %get3A_21] : memref<128x256xf32, #tpu.memory_space<vmem>>, vector<128x256xf32>
    %dot_general3A = arith.constant dense<0.000000e+00> : vector<10000x256xf32>
    %dot_general3A_23 = tpu.matmul %add3A_19, %get3A_22, %dot_general3A {dimension_numbers = #tpu.dot_dimension_numbers<[1], [0], [0], [1], [0, 0, 1, 1], [], []>, transpose_lhs_hint = false} : vector<10000x128xf32>, vector<128x256xf32>, vector<10000x256xf32> -> vector<10000x256xf32>
    %get3A_24 = arith.constant 0 : index
    %get3A_25 = arith.constant 0 : index
    %get3A_26 = vector.load %arg3[%get3A_24, %get3A_25] : memref<1x256xf32, #tpu.memory_space<vmem>>, vector<1x256xf32>
    %add3A_27 = vector.broadcast %get3A_26 : vector<1x256xf32> to vector<10000x256xf32>
    %add3A_28 = arith.addf %dot_general3A_23, %add3A_27 : vector<10000x256xf32>
    %max3A = arith.constant 0.000000e+00 : f32
    %max3A_29 = vector.broadcast %max3A : f32 to vector<10000x256xf32>
    %max3A_30 = arith.maximumf %add3A_28, %max3A_29 : vector<10000x256xf32>
    %get3A_31 = arith.constant 0 : index
    %get3A_32 = arith.constant 0 : index
    %get3A_33 = vector.load %arg4[%get3A_31, %get3A_32] : memref<256x128xf32, #tpu.memory_space<vmem>>, vector<256x128xf32>
    %dot_general3A_34 = arith.constant dense<0.000000e+00> : vector<10000x128xf32>
    %dot_general3A_35 = tpu.matmul %max3A_30, %get3A_33, %dot_general3A_34 {dimension_numbers = #tpu.dot_dimension_numbers<[1], [0], [0], [1], [0, 0, 1, 1], [], []>, transpose_lhs_hint = false} : vector<10000x256xf32>, vector<256x128xf32>, vector<10000x128xf32> -> vector<10000x128xf32>
    %get3A_36 = arith.constant 0 : index
    %get3A_37 = arith.constant 0 : index
    %get3A_38 = vector.load %arg5[%get3A_36, %get3A_37] : memref<1x128xf32, #tpu.memory_space<vmem>>, vector<1x128xf32>
    %add3A_39 = vector.broadcast %get3A_38 : vector<1x128xf32> to vector<10000x128xf32>
    %add3A_40 = arith.addf %dot_general3A_35, %add3A_39 : vector<10000x128xf32>
    %reduce_sum3A = arith.constant dense<0.000000e+00> : vector<128xf32>
    %reduce_sum3A_41 = vector.multi_reduction <add>, %add3A_40, %reduce_sum3A [0] : vector<10000x128xf32> to vector<128xf32>
    %broadcast_in_dim3A = vector.shape_cast %reduce_sum3A_41 : vector<128xf32> to vector<1x128xf32>
    %div3A = arith.constant 1.000000e+04 : f32
    %div3A_42 = vector.broadcast %div3A : f32 to vector<1x128xf32>
    %div3A_43 = arith.divf %broadcast_in_dim3A, %div3A_42 : vector<1x128xf32>
    %sub3A = vector.broadcast %div3A_43 : vector<1x128xf32> to vector<10000x128xf32>
    %sub3A_44 = arith.subf %add3A_40, %sub3A : vector<10000x128xf32>
    %mul3A_45 = arith.mulf %sub3A_44, %sub3A_44 : vector<10000x128xf32>
    %reduce_sum3A_46 = arith.constant dense<0.000000e+00> : vector<128xf32>
    %reduce_sum3A_47 = vector.multi_reduction <add>, %mul3A_45, %reduce_sum3A_46 [0] : vector<10000x128xf32> to vector<128xf32>
    %broadcast_in_dim3A_48 = vector.shape_cast %reduce_sum3A_47 : vector<128xf32> to vector<1x128xf32>
    %div3A_49 = arith.constant 1.000000e+04 : f32
    %div3A_50 = vector.broadcast %div3A_49 : f32 to vector<1x128xf32>
    %div3A_51 = arith.divf %broadcast_in_dim3A_48, %div3A_50 : vector<1x128xf32>
    %get3A_52 = arith.constant 0 : index
    %get3A_53 = arith.constant 0 : index
    %get3A_54 = vector.load %arg7[%get3A_52, %get3A_53] : memref<1x128xf32, #tpu.memory_space<vmem>>, vector<1x128xf32>
    %mul3A_55 = vector.broadcast %get3A_54 : vector<1x128xf32> to vector<10000x128xf32>
    %mul3A_56 = arith.mulf %mul3A_55, %sub3A_44 : vector<10000x128xf32>
    %add3A_57 = arith.constant 9.99999974E-6 : f32
    %add3A_58 = vector.broadcast %add3A_57 : f32 to vector<1x128xf32>
    %add3A_59 = arith.addf %div3A_51, %add3A_58 : vector<1x128xf32>
    %rsqrt3A = math.rsqrt %add3A_59 : vector<1x128xf32>
    %mul3A_60 = vector.broadcast %rsqrt3A : vector<1x128xf32> to vector<10000x128xf32>
    %mul3A_61 = arith.mulf %mul3A_56, %mul3A_60 : vector<10000x128xf32>
    %get3A_62 = arith.constant 0 : index
    %get3A_63 = arith.constant 0 : index
    %get3A_64 = vector.load %arg8[%get3A_62, %get3A_63] : memref<1x128xf32, #tpu.memory_space<vmem>>, vector<1x128xf32>
    %add3A_65 = vector.broadcast %get3A_64 : vector<1x128xf32> to vector<10000x128xf32>
    %add3A_66 = arith.addf %mul3A_61, %add3A_65 : vector<10000x128xf32>
    %iota3A = tpu.iota {dimensions = array<i32: 1>} : vector<1x400xi32>
    %get3A_67 = arith.constant 0 : index
    %get3A_68 = arith.constant 0 : index
    %get3A_69 = vector.load %arg9[%get3A_67, %get3A_68] : memref<10016x1xi32, #tpu.memory_space<vmem>>, vector<10000x1xi32>
    %eq3A = vector.broadcast %get3A_69 : vector<10000x1xi32> to vector<10000x400xi32>
    %eq3A_70 = vector.broadcast %iota3A : vector<1x400xi32> to vector<10000x400xi32>
    %eq3A_71 = arith.cmpi eq, %eq3A, %eq3A_70 : vector<10000x400xi32>
    %convert_element_type3A = arith.extui %eq3A_71 : vector<10000x400xi1> to vector<10000x400xi32>
    %convert_element_type3A_72 = arith.sitofp %convert_element_type3A : vector<10000x400xi32> to vector<10000x400xf32>
    %dot_general3A_73 = arith.constant dense<0.000000e+00> : vector<400x128xf32>
    %dot_general3A_74 = tpu.matmul %convert_element_type3A_72, %add3A_66, %dot_general3A_73 {dimension_numbers = #tpu.dot_dimension_numbers<[0], [0], [1], [1], [0, 1, 1, 1], [], []>, precision = #tpu.contract_precision<fp32>, transpose_lhs_hint = false} : vector<10000x400xf32>, vector<10000x128xf32>, vector<400x128xf32> -> vector<400x128xf32>
    %reduce_sum3A_75 = arith.constant dense<0.000000e+00> : vector<400xf32>
    %reduce_sum3A_76 = vector.multi_reduction <add>, %convert_element_type3A_72, %reduce_sum3A_75 [0] : vector<10000x400xf32> to vector<400xf32>
    %broadcast_in_dim3A_77 = vector.shape_cast %reduce_sum3A_76 : vector<400xf32> to vector<400x1xf32>
    %max3A_78 = arith.constant 1.000000e+00 : f32
    %max3A_79 = vector.broadcast %max3A_78 : f32 to vector<400x1xf32>
    %max3A_80 = arith.maximumf %broadcast_in_dim3A_77, %max3A_79 : vector<400x1xf32>
    %div3A_81 = vector.broadcast %max3A_80 : vector<400x1xf32> to vector<400x128xf32>
    %div3A_82 = arith.divf %dot_general3A_74, %div3A_81 : vector<400x128xf32>
    %swap3A = arith.constant 0 : index
    %swap3A_83 = arith.constant 0 : index
    %swap3A_84 = vector.load %arg10[%swap3A, %swap3A_83] : memref<400x128xf32, #tpu.memory_space<vmem>>, vector<400x128xf32>
    tpu.vector_store %arg10[%swap3A, %swap3A_83], %div3A_82 {strides = array<i32>} : memref<400x128xf32, #tpu.memory_space<vmem>>, vector<400x128xf32>,
    return
  }
}

</mosaic_0001>

<sc_bundles>
// kernel: kernel.12.cloned.1.call-start
scs
__scs_entry_jumppad:
0x0: {  	(pc) =	sbr.rel $0x88, $3  }
0x1: {  	(tag) =	ssettag $0x0;
	lr =	simm.s32 $0x1  }
0x2: {  	[smem:$0x3F94] =	sst lr;
	_ =	strace $0xD0000000  }
0x3: {  	_ = 	snop  }
0x4: {  	_ = 	snop  }
0x5: {  	_ = 	snop  }
0x6: {  	_ = 	snop  }
0x7: {  	_ = 	snop  }
__scs_overlays_trampoline_lowered:
0x8: {  	[smem:$0x3FA3] =	sst s0  }
0x9: {  	[smem:$0x3FA4] =	sst s1  }
0xa: {  	[smem:$0x3FA5] =	sst s2  }
0xb: {  	[smem:$0x3FA6] =	sst s3  }
0xc: {  	[smem:$0x3FA7] =	sst s4  }
0xd: {  	[smem:$0x3FA8] =	sst s5  }
0xe: {  	[smem:$0x3FA9] =	sst s6  }
0xf: {  	[smem:$0x3FAA] =	sst s7  }
0x10: {  	[smem:$0x3FAB] =	sst s8  }
0x11: {  	[smem:$0x3FAC] =	sst s9;
	s0 =	simm.s32 @!p0 $0x0  }
0x12: {  	s1 =	sld [smem:$0x3F92];
	s0 =	simm.s32 @p0 $0x1  }
0x13: {  	[smem:$0x3FAD] =	sst s0;
	s0 =	simm.s32 @!p1 $0x0  }
0x14: {  	s2 =	sld [smem:$0x3F91];
	s0 =	simm.s32 @p1 $0x1  }
0x15: {  	[smem:$0x3FAE] =	sst s0;
	s0 =	simm.s32 @!p2 $0x0  }
0x16: {  	s3 =	sld [smem:$0x3FDB];
	s0 =	simm.s32 @p2 $0x1  }
0x17: {  	s4 =	simm.s32 $0x1BF5;
	[smem:$0x3FB0] =	sst s0  }
0x18: {  	s0 =	sld [smem:$0x3F93];
	_ =	swait.ge [sflag:s4], $0x0  }
0x19: {  	s7 =	sld [smem:$0x3F94]  }
0x1a: {  	s8 =	sadd.s32 $0xFFFFE003, lr  }
0x1b: {  	s9 =	sadd.s32 $0xFFFFFEF7, lr;
	s5 =	simm.s32 $0xFFFFFFFF;
	p2 =	slt.u32 s8, $0xFFFFF086  }
0x1c: {  	p1 =	slt.u32 s9, $0xF7A;
	s5 =	simm.s32 @!p2 $0x0  }
0x1d: {  	s5 =	simm.s32 @p1 $0x1;
	p0 =	seq.s32 s7, s2  }
0x1e: {  	s7 =	smul.u32 @!p0 $0xF7A, s2;
	p2 =	seq.s32 @!p0 s5, $0x0  }
0x1f: {  	s9 =	smul.u32 $0xF7A, s1;
	s8 =	simm.s32 @!p0 $0x1BF5;
	p2 =	por !p2, p0  }
0x20: {  	[sflag:s8] =	ssyncset.s32 @!p0 $0xFFFFF086;
	s6 =	sadd.s32 @!p0 s3, s7;
	s7 =	simm.s32 @!p0 $0x108  }
0x21: {  	s3 =	sadd.s32 s3, s9;
	s6 =	sadd.s32 @!p0 $0x88, s6;
	s7 =	simm.s32 @p2 $0x1082  }
0x22: {  	[simem:s7], [sflag:s8] =	dma.local @!p0 [hbm:s6], $0xF7A  }
0x23: {  	s9 =	sor.u32 $0xD0000000, s2;
	s6 =	simm.s32 $0x108;
	_ =	swait.ge @!p0 [sflag:s8], $0x0  }
0x24: {  	s3 =	sadd.s32 $0x88, s3;
	s6 =	simm.s32 @!p1 $0x1082;
	[sflag:s4] =	ssyncset.s32 $0xFFFFF086  }
0x25: {  	[simem:s6], [sflag:s4] =	dma.local [hbm:s3], $0xF7A  }
0x26: {  	[smem:$0x3F94] =	sst s1;
	(tag) =	ssettag s2;
	_ =	strace s9  }
0x27: {  	s1 =	sld [smem:$0x3FA4]  }
0x28: {  	s2 =	sld [smem:$0x3FA5]  }
0x29: {  	s4 =	sld [smem:$0x3FA7]  }
0x2a: {  	p0 =	seq.s32 s5, $0x0;
	s5 =	sld [smem:$0x3FA8]  }
0x2b: {  	s6 =	sld [smem:$0x3FA9]  }
0x2c: {  	s7 =	sld [smem:$0x3FAA]  }
0x2d: {  	s3 =	simm.s32 $0x108;
	s8 =	sld [smem:$0x3FAB]  }
0x2e: {  	s3 =	simm.s32 @!p0 $0x1082;
	s9 =	sld [smem:$0x3FAC]  }
0x2f: {  	lr =	sadd.s32 s0, s3;
	s0 =	sld [smem:$0x3FA3]  }
0x30: {  	s3 =	sld [smem:$0x3FA6]  }
0x31: {  	[smem:$0x3FAF] =	sst s10  }
0x32: {  	s10 =	sld [smem:$0x3FAD];
	_ =	sdelay $0x3  }
0x33: {  	p0 =	seq.s32 s10, $0x1;
	s10 =	sld [smem:$0x3FAF];
	_ =	sdelay $0x3  }
0x34: {  	[smem:$0x3FAF] =	sst s10  }
0x35: {  	s10 =	sld [smem:$0x3FAE];
	_ =	sdelay $0x3  }
0x36: {  	p1 =	seq.s32 s10, $0x1;
	s10 =	sld [smem:$0x3FAF];
	_ =	sdelay $0x3  }
0x37: {  	[smem:$0x3FAF] =	sst s10  }
0x38: {  	s10 =	sld [smem:$0x3FB0]  }
0x39: {  	_ = 	snop;
	(pc) =	sbr.ind lr, $3  }
0x3a: {  	_ = 	snop  }
0x3b: {  	_ = 	snop  }
0x3c: {  	p2 =	seq.s32 s10, $0x1;
	s10 =	sld [smem:$0x3FAF]  }
0x3d: {  	_ =	shalt  }
0x3e: {  	_ =	shalt  }
0x3f: {  	_ =	shalt  }
0x40: {  	_ =	shalt  }
0x41: {  	_ =	shalt  }
0x42: {  	_ =	shalt  }
0x43: {  	_ =	shalt  }
0x44: {  	_ =	shalt  }
0x45: {  	_ =	shalt  }
0x46: {  	_ =	shalt  }
0x47: {  	_ =	shalt  }
0x48: {  	_ =	shalt  }
0x49: {  	_ =	shalt  }
0x4a: {  	_ =	shalt  }
0x4b: {  	_ =	shalt  }
0x4c: {  	_ =	shalt  }
0x4d: {  	_ =	shalt  }
0x4e: {  	_ =	shalt  }
0x4f: {  	_ =	shalt  }
0x50: {  	_ =	shalt  }
0x51: {  	_ =	shalt  }
0x52: {  	_ =	shalt  }
0x53: {  	_ =	shalt  }
0x54: {  	_ =	shalt  }
0x55: {  	_ =	shalt  }
0x56: {  	_ =	shalt  }
0x57: {  	_ =	shalt  }
0x58: {  	_ =	shalt  }
0x59: {  	_ =	shalt  }
0x5a: {  	_ =	shalt  }
0x5b: {  	_ =	shalt  }
0x5c: {  	_ =	shalt  }
0x5d: {  	_ =	shalt  }
0x5e: {  	_ =	shalt  }
0x5f: {  	_ =	shalt  }
0x60: {  	_ =	shalt  }
0x61: {  	_ =	shalt  }
0x62: {  	_ =	shalt  }
0x63: {  	_ =	shalt  }
0x64: {  	_ =	shalt  }
0x65: {  	_ =	shalt  }
0x66: {  	_ =	shalt  }
0x67: {  	_ =	shalt  }
0x68: {  	_ =	shalt  }
0x69: {  	_ =	shalt  }
0x6a: {  	_ =	shalt  }
0x6b: {  	_ =	shalt  }
0x6c: {  	_ =	shalt  }
0x6d: {  	_ =	shalt  }
0x6e: {  	_ =	shalt  }
0x6f: {  	_ =	shalt  }
0x70: {  	_ =	shalt  }
0x71: {  	_ =	shalt  }
0x72: {  	_ =	shalt  }
0x73: {  	_ =	shalt  }
0x74: {  	_ =	shalt  }
0x75: {  	_ =	shalt  }
0x76: {  	_ =	shalt  }
0x77: {  	_ =	shalt  }
0x78: {  	_ =	shalt  }
0x79: {  	_ =	shalt  }
0x7a: {  	_ =	shalt  }
0x7b: {  	_ =	shalt  }
0x7c: {  	_ =	shalt  }
0x7d: {  	_ =	shalt  }
0x7e: {  	_ =	shalt  }
0x7f: {  	_ =	shalt  }
0x80: {  	_ =	shalt  }
0x81: {  	_ =	shalt  }
0x82: {  	_ =	shalt  }
0x83: {  	_ =	shalt  }
0x84: {  	_ =	shalt  }
0x85: {  	_ =	shalt  }
0x86: {  	_ =	shalt  }
0x87: {  	_ =	shalt  }
.Lfunc_end0:
.L_simem_size_0:
called_computation_lowered:
.L_overlay_start_0:
0x88: {  	s2 =	sld [smem:$0x3FD9]  }
0x89: {  	s3 =	sld [smem:$0x3FFE];
	_ =	sdelay $0x1  }
0x8a: {  	s1 =	srdreg.scid  }
0x8b: {  	s0 =	sand.u32 $0x1, s1  }
0x8c: {  	s16 =	sshll.u32 s0, $0xA;
	s2 =	sadd.s32 s3, s2  }
0x8d: {  	s2 =	sadd.s32 s2, s16  }
0x8e: {  	[smem:$0x3FBB] =	sst s2  }
0x8f: {  	_ = 	snop  }
0x90: {  	(tm) =	ssettm $0x1  }
0x91: {  	s17 =	sld [smem:$0x3FFB];
	_ =	sdelay $0x3  }
0x92: {  	_ =	strace s17  }
0x93: {  	s2 =	sld [smem:$0x3FFC];
	_ =	sdelay $0x3  }
0x94: {  	_ =	strace s2  }
0x95: {  	s2 =	sld [smem:$0x3FFD];
	_ =	sdelay $0x3  }
0x96: {  	_ =	strace s2  }
0x97: {  	_ =	strace $0x8FFFFFFF  }
0x98: {  	s18 =	sld [smem:$0x3FDB];
	_ =	sdelay $0x1  }
0x99: {  	s19 =	simm.s32 $_scs_section_size  }
0x9a: {  	s4 =	simm.s32 $_size__tile_overlayer_lowered;
	s5 =	simm.s32 $_tile_overlayer_lowered  }
0x9b: {  	s22 =	simm.s32 $0x1BFF;
	s21 =	sshll.u32 s5, $0x1;
	s2 =	sadd.s32 s19, s18  }
0x9c: {  	s6 =	simm.s32 $0x0;
	s20 =	sshll.u32 s4, $0x1;
	s4 =	sadd.s32 s21, s2  }
0x9d: {  	[timem:s6], [sflag:s22] =	dma.local [hbm:s4], s20  }
0x9e: {  	_ =	swait.ge [sflag:s22], s20  }
0x9f: {  	s3 =	ssub.s32 $0x0, s20;
	[sflag:s22] =	ssyncset.done $0x0  }
0xa0: {  	[sflag:s22] =	ssyncadd.s32 s3;
	_ =	sdelay $0x1  }
0xa1: {  	s23 =	simm.s32 $0x1B8B  }
0xa2: {  	_ =	swait.ge [sflag:s23], $0x1  }
0xa3: {  	[sflag:s23] =	ssyncset.done $0x0  }
0xa4: {  	s25 =	simm.s32 $0x1B8E;
	s24 =	sld [smem:$0x3FFE];
	[sflag:s23] =	ssyncadd.s32 $0xFFFFFFFF  }
0xa5: {  	s26 =	simm.s32 $execute0_lowered;
	[smem:$0x3FD2] =	sst s25  }
0xa6: {  	s4 =	sshll.u32 s26, $0x1;
	_ =	strace $0x80000046;
	[dreg:$0x1] =	wrdreg $0xFFFFFFFF  }
0xa7: {  	s28 =	simm.s32 $_size_execute0_lowered;
	s2 =	sadd.s32 s2, s4;
	[dreg:$0x0] =	wrdreg $0x0  }
0xa8: {  	s4 =	sshll.u32 s28, $0x1;
	[dreg:$0x2] =	wrdreg s2  }
0xa9: {  	[dreg:$0x3] =	wrdreg s4  }
0xaa: {  	[dreg:$0x4] =	wrdreg $0xC0  }
0xab: {  	_ =	task [dreg:s6], $0x5FFFF  }
0xac: {  	[dreg:$0x1] =	wrdreg $0xFFFFFFFF  }
0xad: {  	[dreg:$0x0] =	wrdreg $0x60  }
0xae: {  	[dreg:$0x2] =	wrdreg s24  }
0xaf: {  	[dreg:$0x3] =	wrdreg $0xB7000  }
0xb0: {  	[dreg:$0x4] =	wrdreg $0x9  }
0xb1: {  	_ =	task.clear_ibuf [dreg:s6], $0x5FFFF;
	_ =	strace $0x90000046  }
0xb2: {  	s29 =	simm.s32 $0x9;
	_ =	strace $0x80000048  }
0xb3: {  	_ =	swait.ge [sflag:s29], $0x1  }
0xb4: {  	[sflag:s29] =	ssyncadd.s32 $0xFFFFFFFF  }
0xb5: {  	_ =	strace $0x90000048  }
0xb6: {  	_ =	sfence  }
0xb7: {  	s30 =	sld [smem:$0x0];
	_ =	sdelay $0x2  }
0xb8: {  	s31 =	sshll.u32 s1, $0xD;
	s1 =	sshrl.u32 s1, $0x2  }
0xb9: {  	s3 =	sand.u32 $0x4000, s31;
	s1 =	sadd.s32 s1, s30  }
0xba: {  	s0 =	sor.u32 s3, s0;
	s1 =	sshll.u32 s1, $0x11  }
0xbb: {  	s0 =	sor.u32 s1, s0  }
0xbc: {  	s0 =	sadd.s32 $0x8F2B, s0  }
0xbd: {  	[sflag:s0] =	ssyncadd.remote.s32 $0x1  }
0xbe: {  	_ =	sfence.sel $0xFFFF  }
0xbf: {  	[dreg:$0x0] =	wrdreg $0xFFFFFFFF;
	(pc) =	sbr.abs _section_cstart, $3  }
0xc0: {  	[dreg:$0x1] =	wrdreg $0xFFFFFFFF  }
0xc1: {  	_ =	task.clear_ibuf [dreg:s6], $0x2FFFF;
	_ =	strace $0x9FFFFFFF  }
0xc2: {  	(tm) =	ssettm $0x7FFFFFFF  }
0xc3: {  	_ =	shalt  }
tec
execute0_lowered:
.L_overlay_start_1:
0x0: {  	(tag) =	ssettag $0x1  }
0x1: {  	s0 =	rddreg [dreg:$0x0]  }
0x2: {  	s1 =	rddreg [dreg:$0x1]  }
0x3: {  	s2 =	simm.s32 $0x0;
	s3 =	srdreg.scid;
	s8 =	stileid.u32  }
0x4: {  	s16 =	simm.s32 $0x4;
	s28 =	simm.s32 $0x3;
	s29 =	simm.s32 $0x280  }
0x5: {  	s30 =	simm.s32 $0x0;
	[smem:$0x7FF] =	sst s2;
	s7 =	smul.u32 $0xA8, s8  }
0x6: {  	s5 =	sand.u32 $0x1, s3;
	s3 =	sadd.s32 $0x2800, s0;
	s11 =	smul.u32 $0xA800, s8  }
0x7: {  	s4 =	sadd.s32 $0x17800, s0;
	s9 =	sadd.s32 $0x150800, s0;
	s6 =	smul.u32 $0x27200, s5  }
0x8: {  	_ =	strace $0x80000047;
	s17 =	ssub.s32 $0x2, s5;
	s10 =	smul.u32 $0x87, s5  }
0x9: {  	[dreg:$0x3] =	wrdreg s9;
	s19 =	smul.u32 $0x8700, s5;
	s18 =	sshrl.u32 s17, $0x1  }
0xa: {  	p0 =	seq.s32 s5, $0x0;
	s0 =	sadd.s32 s6, s0;
	s9 =	ssub.s32 s17, s18  }
0xb: {  	s7 =	sadd.s32 s10, s7;
	s6 =	simm.s32 $0x2C;
	s21 =	sadd.s32 s19, s11  }
0xc: {  	s17 =	simm.s32 $0x78;
	s18 =	simm.s32 $0x300;
	s19 =	simm.s32 $0x100  }
0xd: {  	s20 =	sshll.u32 s7, $0x5;
	s6 =	simm.s32 @!p0 $0xA;
	s24 =	sadd.s32 $0x500, s21  }
0xe: {  	s0 =	sadd.s32 $0x177A00, s0;
	s26 =	sadd.s32 $0x400, s21;
	s9 =	smax.u32 s9, $0x1  }
0xf: {  	s14 =	sadd.s32 $0x300, s21;
	p0 =	sne.s32 s8, $0x0;
	s21 =	simm.s32 $0x200  }
0x10: {  	s7 =	sadd.s32 s3, s20;
	[dreg:$0x6] =	wrdreg s0;
	s25 =	sshrl.u32 s24, $0x3  }
0x11: {  	[dreg:$0x7] =	wrdreg s9;
	s31 =	sshrl.u32 s26, $0x3;
	s15 =	sshrl.u32 @!p0 s1, $0x3  }
0x12: {  	s20 =	simm.s32 $0x3F00;
	s24 =	simm.s32 $0x80;
	s26 =	simm.s32 $0x180  }
0x13: {  	s22 =	sadd.s32 $0x20, s7;
	s23 =	sadd.s32 $0x40, s7;
	s12 =	sadd.s32 s25, s3  }
0x14: {  	s13 =	sadd.s32 s31, s3;
	s25 =	simm.s32 $0x2;
	[dreg:$0x4] =	wrdreg s22  }
0x15: {  	[dreg:$0x5] =	wrdreg s23;
	s22 =	simm.s32 $0x7B00;
	s23 =	simm.s32 $0x1  }
.LBB2_1:
0x16: {  	s0 =	simm.s32 @!p0 $0x1C04;
	s5 =	rddreg [dreg:$0x3];
	s31 =	simm.s32 @!p0 $0x4  }
0x17: {  	[spmem:s15], [sflag:s0] =	dma.local @!p0 [hbm:s5], $0x27200  }
0x18: {  	_ =	swait.ge @!p0 [sflag:s31], $0x27200  }
0x19: {  	[sflag:s31] =	ssyncset.done @!p0 $0x0  }
0x1a: {  	[sflag:s31] =	ssyncadd.s32 @!p0 $0xFFFD8E00  }
0x1b: {  	[bflag:$0x0] =	sbarrier.arrive $0xFFFF  }
0x1c: {  	[tilespmem:s2], [sflag:$0x4] =	stream.linear.gather [hbm4b:s7+s2], $0x100, $0x38;
	[tilespmem:$0x1F000] =	vst v63  }
0x1d: {  	_ =	swait.ge [sflag:s16], $0x100  }
0x1e: {  	[sflag:s16] =	ssyncset.done $0x0  }
0x1f: {  	[sflag:s16] =	ssyncadd.s32 $0xFFFFFF00  }
0x20: {  	[tilespmem:s18], [sflag:$0x1] =	stream.indirect.gather [hbm4b:s4+s17], $0x80, s2, s17, $0xb8;
	[tilespmem:$0x1F000] =	vst v63  }
0x21: {  	s9 =	rddreg [dreg:$0x4]  }
0x22: {  	[tilespmem:s19], [sflag:$0x4] =	stream.linear.gather [hbm4b:s9+s2], $0x100, $0x38;
	[tilespmem:$0x1F000] =	vst v63  }
0x23: {  	_ =	swait.ge [sflag:s16], $0x100  }
0x24: {  	[sflag:s16] =	ssyncset.done $0x0  }
0x25: {  	[sflag:s16] =	ssyncadd.s32 $0xFFFFFF00  }
0x26: {  	[tilespmem:s20], [sflag:$0x2] =	stream.indirect.gather [hbm4b:s4+s17], $0x80, s19, s17, $0xb8;
	[tilespmem:$0x1F000] =	vst v63  }
0x27: {  	s10 =	rddreg [dreg:$0x5]  }
0x28: {  	[tilespmem:s21], [sflag:$0x4] =	stream.linear.gather [hbm4b:s10+s2], $0x100, $0x38;
	[tilespmem:$0x1F000] =	vst v63  }
0x29: {  	_ =	swait.ge [sflag:s16], $0x100  }
0x2a: {  	[sflag:s16] =	ssyncset.done $0x0  }
0x2b: {  	[sflag:s16] =	ssyncadd.s32 $0xFFFFFF00  }
0x2c: {  	[tilespmem:s22], [sflag:$0x3] =	stream.indirect.gather [hbm4b:s4+s17], $0x80, s21, s17, $0xb8;
	[tilespmem:$0x1F000] =	vst v63  }
0x2d: {  	_ =	swait.ge [sflag:s23], $0x3C00  }
0x2e: {  	[sflag:s23] =	ssyncset.done $0x0  }
0x2f: {  	[sflag:s23] =	ssyncadd.s32 $0xFFFFC400  }
0x30: {  	[spmem:s1] =	stream.indirect.scatter.add.f32 [tilespmem:s18], [sflag:$0x4], $0x80, s24, s17, $0xb8;
	[tilespmem:$0x1F000] =	vst v63  }
0x31: {  	_ =	swait.ge [sflag:s16], $0x3C00  }
0x32: {  	s11 =	sshrl.u32 s14, $0x3;
	[sflag:s16] =	ssyncset.done $0x0  }
0x33: {  	s5 =	sadd.s32 s3, s11;
	[sflag:s16] =	ssyncadd.s32 $0xFFFFC400  }
0x34: {  	[tilespmem:s2], [sflag:$0x4] =	stream.linear.gather [hbm4b:s5+s2], $0x100, $0x38;
	[tilespmem:$0x1F000] =	vst v63  }
0x35: {  	_ =	swait.ge [sflag:s16], $0x100  }
0x36: {  	[sflag:s16] =	ssyncset.done $0x0  }
0x37: {  	[sflag:s16] =	ssyncadd.s32 $0xFFFFFF00  }
0x38: {  	[tilespmem:s18], [sflag:$0x1] =	stream.indirect.gather [hbm4b:s4+s17], $0x80, s2, s17, $0xb8;
	[tilespmem:$0x1F000] =	vst v63  }
0x39: {  	_ =	swait.ge [sflag:s25], $0x3C00  }
0x3a: {  	[sflag:s25] =	ssyncset.done $0x0  }
0x3b: {  	[sflag:s25] =	ssyncadd.s32 $0xFFFFC400  }
0x3c: {  	[spmem:s1] =	stream.indirect.scatter.add.f32 [tilespmem:s20], [sflag:$0x4], $0x80, s26, s17, $0xb8;
	[tilespmem:$0x1F000] =	vst v63  }
0x3d: {  	_ =	swait.ge [sflag:s16], $0x3C00  }
0x3e: {  	[sflag:s16] =	ssyncset.done $0x0  }
0x3f: {  	[sflag:s16] =	ssyncadd.s32 $0xFFFFC400  }
0x40: {  	[tilespmem:s19], [sflag:$0x4] =	stream.linear.gather [hbm4b:s13+s2], $0x100, $0x38;
	[tilespmem:$0x1F000] =	vst v63  }
0x41: {  	_ =	swait.ge [sflag:s16], $0x100  }
0x42: {  	[sflag:s16] =	ssyncset.done $0x0  }
0x43: {  	[sflag:s16] =	ssyncadd.s32 $0xFFFFFF00  }
0x44: {  	[tilespmem:s20], [sflag:$0x2] =	stream.indirect.gather [hbm4b:s4+s17], $0x80, s19, s17, $0xb8;
	[tilespmem:$0x1F000] =	vst v63  }
0x45: {  	_ =	swait.ge [sflag:s28], $0x3C00  }
0x46: {  	[sflag:s28] =	ssyncset.done $0x0  }
0x47: {  	[sflag:s28] =	ssyncadd.s32 $0xFFFFC400  }
0x48: {  	[spmem:s1] =	stream.indirect.scatter.add.f32 [tilespmem:s22], [sflag:$0x4], $0x80, s29, s17, $0xb8;
	[tilespmem:$0x1F000] =	vst v63  }
0x49: {  	_ =	swait.ge [sflag:s16], $0x3C00  }
0x4a: {  	p1 =	sne.s32 s6, $0x1;
	[sflag:s16] =	ssyncset.done $0x0  }
.Ltmp0:
0x4b: {  	[sflag:s16] =	ssyncadd.s32 $0xFFFFC400;
	(pc) =	sbr.rel @!p1 .LBB2_3-.Ltmp0, $4  }
0x4c: {  	[tilespmem:s21], [sflag:$0x4] =	stream.linear.gather [hbm4b:s12+s2], $0x100, $0x38;
	[tilespmem:$0x1F000] =	vst v63  }
0x4d: {  	_ =	swait.ge [sflag:s16], $0x100  }
0x4e: {  	s8 =	sadd.s32 $0x300, s14;
	s9 =	sadd.s32 $0x60, s12;
	[sflag:s16] =	ssyncset.done $0x0  }
0x4f: {  	s10 =	sadd.s32 $0x60, s13;
	s5 =	sadd.s32 $0xFFFFFFFF, s6;
	[sflag:s16] =	ssyncadd.s32 $0xFFFFFF00  }
.LBB2_2:
0x50: {  	[tilespmem:s22], [sflag:$0x3] =	stream.indirect.gather [hbm4b:s4+s17], $0x80, s21, s17, $0xb8;
	[tilespmem:$0x1F000] =	vst v63  }
0x51: {  	p1 =	sne.s32 s5, $0x1;
	s5 =	sadd.s32 $0xFFFFFFFF, s5;
	_ =	swait.ge [sflag:s23], $0x3C00  }
0x52: {  	[sflag:s23] =	ssyncset.done $0x0  }
0x53: {  	[sflag:s23] =	ssyncadd.s32 $0xFFFFC400  }
0x54: {  	[spmem:s1] =	stream.indirect.scatter.add.f32 [tilespmem:s18], [sflag:$0x4], $0x80, s24, s17, $0xb8;
	[tilespmem:$0x1F000] =	vst v63  }
0x55: {  	_ =	swait.ge [sflag:s16], $0x3C00  }
0x56: {  	s11 =	sshrl.u32 s8, $0x3;
	[sflag:s16] =	ssyncset.done $0x0  }
0x57: {  	s11 =	sadd.s32 s3, s11;
	[sflag:s16] =	ssyncadd.s32 $0xFFFFC400  }
0x58: {  	[tilespmem:s2], [sflag:$0x4] =	stream.linear.gather [hbm4b:s11+s2], $0x100, $0x38;
	[tilespmem:$0x1F000] =	vst v63  }
0x59: {  	_ =	swait.ge [sflag:s16], $0x100  }
0x5a: {  	[sflag:s16] =	ssyncset.done $0x0  }
0x5b: {  	[sflag:s16] =	ssyncadd.s32 $0xFFFFFF00  }
0x5c: {  	[tilespmem:s18], [sflag:$0x1] =	stream.indirect.gather [hbm4b:s4+s17], $0x80, s2, s17, $0xb8;
	[tilespmem:$0x1F000] =	vst v63  }
0x5d: {  	_ =	swait.ge [sflag:s25], $0x3C00  }
0x5e: {  	[sflag:s25] =	ssyncset.done $0x0  }
0x5f: {  	[sflag:s25] =	ssyncadd.s32 $0xFFFFC400  }
0x60: {  	[spmem:s1] =	stream.indirect.scatter.add.f32 [tilespmem:s20], [sflag:$0x4], $0x80, s26, s17, $0xb8;
	[tilespmem:$0x1F000] =	vst v63  }
0x61: {  	_ =	swait.ge [sflag:s16], $0x3C00  }
0x62: {  	[sflag:s16] =	ssyncset.done $0x0  }
0x63: {  	[sflag:s16] =	ssyncadd.s32 $0xFFFFC400  }
0x64: {  	[tilespmem:s19], [sflag:$0x4] =	stream.linear.gather [hbm4b:s10+s2], $0x100, $0x38;
	[tilespmem:$0x1F000] =	vst v63  }
0x65: {  	_ =	swait.ge [sflag:s16], $0x100  }
0x66: {  	[sflag:s16] =	ssyncset.done $0x0  }
0x67: {  	[sflag:s16] =	ssyncadd.s32 $0xFFFFFF00  }
0x68: {  	[tilespmem:s20], [sflag:$0x2] =	stream.indirect.gather [hbm4b:s4+s17], $0x80, s19, s17, $0xb8;
	[tilespmem:$0x1F000] =	vst v63  }
0x69: {  	_ =	swait.ge [sflag:s28], $0x3C00  }
0x6a: {  	[sflag:s28] =	ssyncset.done $0x0  }
0x6b: {  	[sflag:s28] =	ssyncadd.s32 $0xFFFFC400  }
0x6c: {  	[spmem:s1] =	stream.indirect.scatter.add.f32 [tilespmem:s22], [sflag:$0x4], $0x80, s29, s17, $0xb8;
	[tilespmem:$0x1F000] =	vst v63  }
0x6d: {  	_ =	swait.ge [sflag:s16], $0x3C00  }
0x6e: {  	[sflag:s16] =	ssyncset.done $0x0  }
.Ltmp1:
0x6f: {  	[sflag:s16] =	ssyncadd.s32 $0xFFFFC400;
	(pc) =	sbr.rel @p1 .LBB2_2-.Ltmp1, $4  }
0x70: {  	[tilespmem:s21], [sflag:$0x4] =	stream.linear.gather [hbm4b:s9+s2], $0x100, $0x38;
	[tilespmem:$0x1F000] =	vst v63  }
0x71: {  	_ =	swait.ge [sflag:s16], $0x100  }
0x72: {  	s8 =	sadd.s32 $0x300, s8;
	[sflag:s16] =	ssyncset.done $0x0  }
0x73: {  	s10 =	sadd.s32 $0x60, s10;
	s9 =	sadd.s32 $0x60, s9;
	[sflag:s16] =	ssyncadd.s32 $0xFFFFFF00  }
.LBB2_3:
0x74: {  	[tilespmem:s22], [sflag:$0x3] =	stream.indirect.gather [hbm4b:s4+s17], $0x80, s21, s17, $0xb8;
	[tilespmem:$0x1F000] =	vst v63  }
0x75: {  	_ =	swait.ge [sflag:s23], $0x3C00  }
0x76: {  	[sflag:s23] =	ssyncset.done $0x0  }
0x77: {  	[sflag:s23] =	ssyncadd.s32 $0xFFFFC400  }
0x78: {  	[spmem:s1] =	stream.indirect.scatter.add.f32 [tilespmem:s18], [sflag:$0x4], $0x80, s24, s17, $0xb8;
	[tilespmem:$0x1F000] =	vst v63  }
0x79: {  	_ =	swait.ge [sflag:s16], $0x3C00  }
0x7a: {  	[sflag:s16] =	ssyncset.done $0x0  }
0x7b: {  	[sflag:s16] =	ssyncadd.s32 $0xFFFFC400  }
0x7c: {  	_ =	swait.ge [sflag:s25], $0x3C00  }
0x7d: {  	[sflag:s25] =	ssyncset.done $0x0  }
0x7e: {  	[sflag:s25] =	ssyncadd.s32 $0xFFFFC400  }
0x7f: {  	[spmem:s1] =	stream.indirect.scatter.add.f32 [tilespmem:s20], [sflag:$0x4], $0x80, s26, s17, $0xb8;
	[tilespmem:$0x1F000] =	vst v63  }
0x80: {  	_ =	swait.ge [sflag:s16], $0x3C00  }
0x81: {  	[sflag:s16] =	ssyncset.done $0x0  }
0x82: {  	[sflag:s16] =	ssyncadd.s32 $0xFFFFC400  }
0x83: {  	_ =	swait.ge [sflag:s28], $0x3C00  }
0x84: {  	[sflag:s28] =	ssyncset.done $0x0  }
0x85: {  	[sflag:s28] =	ssyncadd.s32 $0xFFFFC400  }
0x86: {  	[spmem:s1] =	stream.indirect.scatter.add.f32 [tilespmem:s22], [sflag:$0x4], $0x80, s29, s17, $0xb8;
	[tilespmem:$0x1F000] =	vst v63  }
0x87: {  	_ =	swait.ge [sflag:s16], $0x3C00  }
0x88: {  	[sflag:s16] =	ssyncset.done $0x0  }
0x89: {  	[sflag:s16] =	ssyncadd.s32 $0xFFFFC400  }
0x8a: {  	[bflag:$0x0] =	sbarrier.arrive $0xFFFF  }
0x8b: {  	s5 =	rddreg [dreg:$0x6]  }
0x8c: {  	[hbm:s5], [sflag:s0] =	dma.local @!p0 [spmem:s15], $0x27200  }
0x8d: {  	_ =	swait.ge @!p0 [sflag:s31], $0x27200  }
0x8e: {  	s30 =	sadd.s32 $0x1, s30;
	s11 =	rddreg [dreg:$0x7]  }
0x8f: {  	p1 =	sne.s32 s30, s11  }
.Ltmp2:
0x90: {  	_ = 	snop;
	(pc) =	sbr.rel @p1 .LBB2_1-.Ltmp2, $3  }
0x91: {  	_ =	sdelay $0x1  }
0x92: {  	[sflag:s31] =	ssyncset.done @!p0 $0x0  }
0x93: {  	[sflag:s31] =	ssyncadd.s32 @!p0 $0xFFFD8E00  }
0x94: {  	_ =	sfence.sel $0x180000  }
0x95: {  	[bflag:$0x0] =	sbarrier.arrive $0xFFFF  }
0x96: {  	_ =	strace $0x90000047  }
0x97: {  	[bflag:$0x2] =	sbarrier.arrive $0xFFFF  }
0x98: {  	s0 =	rddreg [dreg:$0x2]  }
0x99: {  	s0 =	sadd.s32 @!p0 $0x100000, s0  }
0x9a: {  	[sflag:s0] =	ssyncadd.tile.s32 @!p0 $0x1;
	_ =	shalt  }
.Lfunc_end2:
_tile_overlayer_lowered:
.L_overlay_start_2:
0x9b: {  	(tag) =	ssettag $0x2  }
0x9c: {  	s0 =	rddreg [dreg:$0x0];
	s2 =	stileid.u32  }
0x9d: {  	s1 =	rddreg [dreg:$0x1];
	p0 =	sne.s32 s2, $0x0  }
0x9e: {  	s3 =	rddreg [dreg:$0x2];
	[bflag:$0x3] =	sbarrier.arrive $0xFFFF;
	s2 =	simm.s32 @!p0 $0x1C04  }
0x9f: {  	[timem:s3], [sflag:s2] =	dma.local @!p0 [hbm:s0], s1  }
0xa0: {  	s0 =	simm.s32 @!p0 $0x4  }
0xa1: {  	_ =	swait.ge @!p0 [sflag:s0], s1  }
0xa2: {  	s1 =	ssub.s32 @!p0 $0x0, s1;
	[sflag:s0] =	ssyncset.done @!p0 $0x0  }
0xa3: {  	[sflag:s0] =	ssyncadd.s32 @!p0 s1  }
0xa4: {  	[bflag:$0x3] =	sbarrier.arrive $0xFFFF  }
0xa5: {  	_ =	shalt  }

// kernel: kernel.15.cloned.1.call-start
scs
__scs_entry_jumppad:
0x0: {  	(pc) =	sbr.rel $0x88, $3  }
0x1: {  	(tag) =	ssettag $0x0;
	lr =	simm.s32 $0x1  }
0x2: {  	[smem:$0x3F94] =	sst lr;
	_ =	strace $0xD0000000  }
0x3: {  	_ = 	snop  }
0x4: {  	_ = 	snop  }
0x5: {  	_ = 	snop  }
0x6: {  	_ = 	snop  }
0x7: {  	_ = 	snop  }
__scs_overlays_trampoline_lowered:
0x8: {  	[smem:$0x3FA3] =	sst s0  }
0x9: {  	[smem:$0x3FA4] =	sst s1  }
0xa: {  	[smem:$0x3FA5] =	sst s2  }
0xb: {  	[smem:$0x3FA6] =	sst s3  }
0xc: {  	[smem:$0x3FA7] =	sst s4  }
0xd: {  	[smem:$0x3FA8] =	sst s5  }
0xe: {  	[smem:$0x3FA9] =	sst s6  }
0xf: {  	[smem:$0x3FAA] =	sst s7  }
0x10: {  	[smem:$0x3FAB] =	sst s8  }
0x11: {  	[smem:$0x3FAC] =	sst s9;
	s0 =	simm.s32 @!p0 $0x0  }
0x12: {  	s1 =	sld [smem:$0x3F92];
	s0 =	simm.s32 @p0 $0x1  }
0x13: {  	[smem:$0x3FAD] =	sst s0;
	s0 =	simm.s32 @!p1 $0x0  }
0x14: {  	s2 =	sld [smem:$0x3F91];
	s0 =	simm.s32 @p1 $0x1  }
0x15: {  	[smem:$0x3FAE] =	sst s0;
	s0 =	simm.s32 @!p2 $0x0  }
0x16: {  	s3 =	sld [smem:$0x3FDB];
	s0 =	simm.s32 @p2 $0x1  }
0x17: {  	s4 =	simm.s32 $0x1BF5;
	[smem:$0x3FB0] =	sst s0  }
0x18: {  	s0 =	sld [smem:$0x3F93];
	_ =	swait.ge [sflag:s4], $0x0  }
0x19: {  	s7 =	sld [smem:$0x3F94]  }
0x1a: {  	s8 =	sadd.s32 $0xFFFFE003, lr  }
0x1b: {  	s9 =	sadd.s32 $0xFFFFFEF7, lr;
	s5 =	simm.s32 $0xFFFFFFFF;
	p2 =	slt.u32 s8, $0xFFFFF086  }
0x1c: {  	p1 =	slt.u32 s9, $0xF7A;
	s5 =	simm.s32 @!p2 $0x0  }
0x1d: {  	s5 =	simm.s32 @p1 $0x1;
	p0 =	seq.s32 s7, s2  }
0x1e: {  	s7 =	smul.u32 @!p0 $0xF7A, s2;
	p2 =	seq.s32 @!p0 s5, $0x0  }
0x1f: {  	s9 =	smul.u32 $0xF7A, s1;
	s8 =	simm.s32 @!p0 $0x1BF5;
	p2 =	por !p2, p0  }
0x20: {  	[sflag:s8] =	ssyncset.s32 @!p0 $0xFFFFF086;
	s6 =	sadd.s32 @!p0 s3, s7;
	s7 =	simm.s32 @!p0 $0x108  }
0x21: {  	s3 =	sadd.s32 s3, s9;
	s6 =	sadd.s32 @!p0 $0x88, s6;
	s7 =	simm.s32 @p2 $0x1082  }
0x22: {  	[simem:s7], [sflag:s8] =	dma.local @!p0 [hbm:s6], $0xF7A  }
0x23: {  	s9 =	sor.u32 $0xD0000000, s2;
	s6 =	simm.s32 $0x108;
	_ =	swait.ge @!p0 [sflag:s8], $0x0  }
0x24: {  	s3 =	sadd.s32 $0x88, s3;
	s6 =	simm.s32 @!p1 $0x1082;
	[sflag:s4] =	ssyncset.s32 $0xFFFFF086  }
0x25: {  	[simem:s6], [sflag:s4] =	dma.local [hbm:s3], $0xF7A  }
0x26: {  	[smem:$0x3F94] =	sst s1;
	(tag) =	ssettag s2;
	_ =	strace s9  }
0x27: {  	s1 =	sld [smem:$0x3FA4]  }
0x28: {  	s2 =	sld [smem:$0x3FA5]  }
0x29: {  	s4 =	sld [smem:$0x3FA7]  }
0x2a: {  	p0 =	seq.s32 s5, $0x0;
	s5 =	sld [smem:$0x3FA8]  }
0x2b: {  	s6 =	sld [smem:$0x3FA9]  }
0x2c: {  	s7 =	sld [smem:$0x3FAA]  }
0x2d: {  	s3 =	simm.s32 $0x108;
	s8 =	sld [smem:$0x3FAB]  }
0x2e: {  	s3 =	simm.s32 @!p0 $0x1082;
	s9 =	sld [smem:$0x3FAC]  }
0x2f: {  	lr =	sadd.s32 s0, s3;
	s0 =	sld [smem:$0x3FA3]  }
0x30: {  	s3 =	sld [smem:$0x3FA6]  }
0x31: {  	[smem:$0x3FAF] =	sst s10  }
0x32: {  	s10 =	sld [smem:$0x3FAD];
	_ =	sdelay $0x3  }
0x33: {  	p0 =	seq.s32 s10, $0x1;
	s10 =	sld [smem:$0x3FAF];
	_ =	sdelay $0x3  }
0x34: {  	[smem:$0x3FAF] =	sst s10  }
0x35: {  	s10 =	sld [smem:$0x3FAE];
	_ =	sdelay $0x3  }
0x36: {  	p1 =	seq.s32 s10, $0x1;
	s10 =	sld [smem:$0x3FAF];
	_ =	sdelay $0x3  }
0x37: {  	[smem:$0x3FAF] =	sst s10  }
0x38: {  	s10 =	sld [smem:$0x3FB0]  }
0x39: {  	_ = 	snop;
	(pc) =	sbr.ind lr, $3  }
0x3a: {  	_ = 	snop  }
0x3b: {  	_ = 	snop  }
0x3c: {  	p2 =	seq.s32 s10, $0x1;
	s10 =	sld [smem:$0x3FAF]  }
0x3d: {  	_ =	shalt  }
0x3e: {  	_ =	shalt  }
0x3f: {  	_ =	shalt  }
0x40: {  	_ =	shalt  }
0x41: {  	_ =	shalt  }
0x42: {  	_ =	shalt  }
0x43: {  	_ =	shalt  }
0x44: {  	_ =	shalt  }
0x45: {  	_ =	shalt  }
0x46: {  	_ =	shalt  }
0x47: {  	_ =	shalt  }
0x48: {  	_ =	shalt  }
0x49: {  	_ =	shalt  }
0x4a: {  	_ =	shalt  }
0x4b: {  	_ =	shalt  }
0x4c: {  	_ =	shalt  }
0x4d: {  	_ =	shalt  }
0x4e: {  	_ =	shalt  }
0x4f: {  	_ =	shalt  }
0x50: {  	_ =	shalt  }
0x51: {  	_ =	shalt  }
0x52: {  	_ =	shalt  }
0x53: {  	_ =	shalt  }
0x54: {  	_ =	shalt  }
0x55: {  	_ =	shalt  }
0x56: {  	_ =	shalt  }
0x57: {  	_ =	shalt  }
0x58: {  	_ =	shalt  }
0x59: {  	_ =	shalt  }
0x5a: {  	_ =	shalt  }
0x5b: {  	_ =	shalt  }
0x5c: {  	_ =	shalt  }
0x5d: {  	_ =	shalt  }
0x5e: {  	_ =	shalt  }
0x5f: {  	_ =	shalt  }
0x60: {  	_ =	shalt  }
0x61: {  	_ =	shalt  }
0x62: {  	_ =	shalt  }
0x63: {  	_ =	shalt  }
0x64: {  	_ =	shalt  }
0x65: {  	_ =	shalt  }
0x66: {  	_ =	shalt  }
0x67: {  	_ =	shalt  }
0x68: {  	_ =	shalt  }
0x69: {  	_ =	shalt  }
0x6a: {  	_ =	shalt  }
0x6b: {  	_ =	shalt  }
0x6c: {  	_ =	shalt  }
0x6d: {  	_ =	shalt  }
0x6e: {  	_ =	shalt  }
0x6f: {  	_ =	shalt  }
0x70: {  	_ =	shalt  }
0x71: {  	_ =	shalt  }
0x72: {  	_ =	shalt  }
0x73: {  	_ =	shalt  }
0x74: {  	_ =	shalt  }
0x75: {  	_ =	shalt  }
0x76: {  	_ =	shalt  }
0x77: {  	_ =	shalt  }
0x78: {  	_ =	shalt  }
0x79: {  	_ =	shalt  }
0x7a: {  	_ =	shalt  }
0x7b: {  	_ =	shalt  }
0x7c: {  	_ =	shalt  }
0x7d: {  	_ =	shalt  }
0x7e: {  	_ =	shalt  }
0x7f: {  	_ =	shalt  }
0x80: {  	_ =	shalt  }
0x81: {  	_ =	shalt  }
0x82: {  	_ =	shalt  }
0x83: {  	_ =	shalt  }
0x84: {  	_ =	shalt  }
0x85: {  	_ =	shalt  }
0x86: {  	_ =	shalt  }
0x87: {  	_ =	shalt  }
.Lfunc_end0:
.L_simem_size_0:
called_computation.1_lowered:
.L_overlay_start_0:
0x88: {  	s2 =	sld [smem:$0x3FD9]  }
0x89: {  	s3 =	sld [smem:$0x3FFE];
	_ =	sdelay $0x1  }
0x8a: {  	s1 =	srdreg.scid  }
0x8b: {  	s0 =	sand.u32 $0x1, s1  }
0x8c: {  	s16 =	sshll.u32 s0, $0xA;
	s2 =	sadd.s32 s3, s2  }
0x8d: {  	s2 =	sadd.s32 s2, s16  }
0x8e: {  	[smem:$0x3FBB] =	sst s2  }
0x8f: {  	_ = 	snop  }
0x90: {  	(tm) =	ssettm $0x1  }
0x91: {  	s17 =	sld [smem:$0x3FFB];
	_ =	sdelay $0x3  }
0x92: {  	_ =	strace s17  }
0x93: {  	s2 =	sld [smem:$0x3FFC];
	_ =	sdelay $0x3  }
0x94: {  	_ =	strace s2  }
0x95: {  	s2 =	sld [smem:$0x3FFD];
	_ =	sdelay $0x3  }
0x96: {  	_ =	strace s2  }
0x97: {  	_ =	strace $0x8FFFFFFF  }
0x98: {  	s18 =	sld [smem:$0x3FDB];
	_ =	sdelay $0x1  }
0x99: {  	s19 =	simm.s32 $_scs_section_size  }
0x9a: {  	s4 =	simm.s32 $_size__tile_overlayer_lowered;
	s5 =	simm.s32 $_tile_overlayer_lowered  }
0x9b: {  	s22 =	simm.s32 $0x1BFF;
	s21 =	sshll.u32 s5, $0x1;
	s2 =	sadd.s32 s19, s18  }
0x9c: {  	s6 =	simm.s32 $0x0;
	s20 =	sshll.u32 s4, $0x1;
	s4 =	sadd.s32 s21, s2  }
0x9d: {  	[timem:s6], [sflag:s22] =	dma.local [hbm:s4], s20  }
0x9e: {  	_ =	swait.ge [sflag:s22], s20  }
0x9f: {  	s3 =	ssub.s32 $0x0, s20;
	[sflag:s22] =	ssyncset.done $0x0  }
0xa0: {  	[sflag:s22] =	ssyncadd.s32 s3;
	_ =	sdelay $0x1  }
0xa1: {  	s23 =	simm.s32 $0x1B8B  }
0xa2: {  	_ =	swait.ge [sflag:s23], $0x1  }
0xa3: {  	[sflag:s23] =	ssyncset.done $0x0  }
0xa4: {  	s25 =	simm.s32 $0x1B8E;
	s24 =	sld [smem:$0x3FFE];
	[sflag:s23] =	ssyncadd.s32 $0xFFFFFFFF  }
0xa5: {  	s26 =	simm.s32 $execute0_lowered;
	[smem:$0x3FD2] =	sst s25  }
0xa6: {  	s4 =	sshll.u32 s26, $0x1;
	_ =	strace $0x80000049;
	[dreg:$0x1] =	wrdreg $0xFFFFFFFF  }
0xa7: {  	s28 =	simm.s32 $_size_execute0_lowered;
	s2 =	sadd.s32 s2, s4;
	[dreg:$0x0] =	wrdreg $0x0  }
0xa8: {  	s4 =	sshll.u32 s28, $0x1;
	[dreg:$0x2] =	wrdreg s2  }
0xa9: {  	[dreg:$0x3] =	wrdreg s4  }
0xaa: {  	[dreg:$0x4] =	wrdreg $0xC0  }
0xab: {  	_ =	task [dreg:s6], $0x5FFFF  }
0xac: {  	[dreg:$0x1] =	wrdreg $0xFFFFFFFF  }
0xad: {  	[dreg:$0x0] =	wrdreg $0x60  }
0xae: {  	[dreg:$0x2] =	wrdreg s24  }
0xaf: {  	[dreg:$0x3] =	wrdreg $0xB7000  }
0xb0: {  	[dreg:$0x4] =	wrdreg $0x9  }
0xb1: {  	_ =	task.clear_ibuf [dreg:s6], $0x5FFFF;
	_ =	strace $0x90000049  }
0xb2: {  	s29 =	simm.s32 $0x9;
	_ =	strace $0x8000004B  }
0xb3: {  	_ =	swait.ge [sflag:s29], $0x1  }
0xb4: {  	[sflag:s29] =	ssyncadd.s32 $0xFFFFFFFF  }
0xb5: {  	_ =	strace $0x9000004B  }
0xb6: {  	_ =	sfence  }
0xb7: {  	s30 =	sld [smem:$0x0];
	_ =	sdelay $0x2  }
0xb8: {  	s31 =	sshll.u32 s1, $0xD;
	s1 =	sshrl.u32 s1, $0x2  }
0xb9: {  	s3 =	sand.u32 $0x4000, s31;
	s1 =	sadd.s32 s1, s30  }
0xba: {  	s0 =	sor.u32 s3, s0;
	s1 =	sshll.u32 s1, $0x11  }
0xbb: {  	s0 =	sor.u32 s1, s0  }
0xbc: {  	s0 =	sadd.s32 $0x8F2B, s0  }
0xbd: {  	[sflag:s0] =	ssyncadd.remote.s32 $0x1  }
0xbe: {  	_ =	sfence.sel $0xFFFF  }
0xbf: {  	[dreg:$0x0] =	wrdreg $0xFFFFFFFF;
	(pc) =	sbr.abs _section_cstart, $3  }
0xc0: {  	[dreg:$0x1] =	wrdreg $0xFFFFFFFF  }
0xc1: {  	_ =	task.clear_ibuf [dreg:s6], $0x2FFFF;
	_ =	strace $0x9FFFFFFF  }
0xc2: {  	(tm) =	ssettm $0x7FFFFFFF  }
0xc3: {  	_ =	shalt  }
tec
execute0_lowered:
.L_overlay_start_1:
0x0: {  	(tag) =	ssettag $0x1  }
0x1: {  	s0 =	rddreg [dreg:$0x0]  }
0x2: {  	s1 =	rddreg [dreg:$0x1]  }
0x3: {  	s2 =	simm.s32 $0x0;
	s3 =	srdreg.scid;
	s8 =	stileid.u32  }
0x4: {  	s16 =	simm.s32 $0x4;
	s28 =	simm.s32 $0x3;
	s29 =	simm.s32 $0x280  }
0x5: {  	s30 =	simm.s32 $0x0;
	[smem:$0x7FF] =	sst s2;
	s7 =	smul.u32 $0xA8, s8  }
0x6: {  	s5 =	sand.u32 $0x1, s3;
	s3 =	sadd.s32 $0x2800, s0;
	s11 =	smul.u32 $0xA800, s8  }
0x7: {  	s4 =	sadd.s32 $0x17800, s0;
	s9 =	sadd.s32 $0x150800, s0;
	s6 =	smul.u32 $0x27200, s5  }
0x8: {  	_ =	strace $0x8000004A;
	s17 =	ssub.s32 $0x2, s5;
	s10 =	smul.u32 $0x87, s5  }
0x9: {  	[dreg:$0x3] =	wrdreg s9;
	s19 =	smul.u32 $0x8700, s5;
	s18 =	sshrl.u32 s17, $0x1  }
0xa: {  	p0 =	seq.s32 s5, $0x0;
	s0 =	sadd.s32 s6, s0;
	s9 =	ssub.s32 s17, s18  }
0xb: {  	s7 =	sadd.s32 s10, s7;
	s6 =	simm.s32 $0x2C;
	s21 =	sadd.s32 s19, s11  }
0xc: {  	s17 =	simm.s32 $0x78;
	s18 =	simm.s32 $0x300;
	s19 =	simm.s32 $0x100  }
0xd: {  	s20 =	sshll.u32 s7, $0x5;
	s6 =	simm.s32 @!p0 $0xA;
	s24 =	sadd.s32 $0x500, s21  }
0xe: {  	s0 =	sadd.s32 $0x177A00, s0;
	s26 =	sadd.s32 $0x400, s21;
	s9 =	smax.u32 s9, $0x1  }
0xf: {  	s14 =	sadd.s32 $0x300, s21;
	p0 =	sne.s32 s8, $0x0;
	s21 =	simm.s32 $0x200  }
0x10: {  	s7 =	sadd.s32 s3, s20;
	[dreg:$0x6] =	wrdreg s0;
	s25 =	sshrl.u32 s24, $0x3  }
0x11: {  	[dreg:$0x7] =	wrdreg s9;
	s31 =	sshrl.u32 s26, $0x3;
	s15 =	sshrl.u32 @!p0 s1, $0x3  }
0x12: {  	s20 =	simm.s32 $0x3F00;
	s24 =	simm.s32 $0x80;
	s26 =	simm.s32 $0x180  }
0x13: {  	s22 =	sadd.s32 $0x20, s7;
	s23 =	sadd.s32 $0x40, s7;
	s12 =	sadd.s32 s25, s3  }
0x14: {  	s13 =	sadd.s32 s31, s3;
	s25 =	simm.s32 $0x2;
	[dreg:$0x4] =	wrdreg s22  }
0x15: {  	[dreg:$0x5] =	wrdreg s23;
	s22 =	simm.s32 $0x7B00;
	s23 =	simm.s32 $0x1  }
.LBB2_1:
0x16: {  	s0 =	simm.s32 @!p0 $0x1C04;
	s5 =	rddreg [dreg:$0x3];
	s31 =	simm.s32 @!p0 $0x4  }
0x17: {  	[spmem:s15], [sflag:s0] =	dma.local @!p0 [hbm:s5], $0x27200  }
0x18: {  	_ =	swait.ge @!p0 [sflag:s31], $0x27200  }
0x19: {  	[sflag:s31] =	ssyncset.done @!p0 $0x0  }
0x1a: {  	[sflag:s31] =	ssyncadd.s32 @!p0 $0xFFFD8E00  }
0x1b: {  	[bflag:$0x0] =	sbarrier.arrive $0xFFFF  }
0x1c: {  	[tilespmem:s2], [sflag:$0x4] =	stream.linear.gather [hbm4b:s7+s2], $0x100, $0x38;
	[tilespmem:$0x1F000] =	vst v63  }
0x1d: {  	_ =	swait.ge [sflag:s16], $0x100  }
0x1e: {  	[sflag:s16] =	ssyncset.done $0x0  }
0x1f: {  	[sflag:s16] =	ssyncadd.s32 $0xFFFFFF00  }
0x20: {  	[tilespmem:s18], [sflag:$0x1] =	stream.indirect.gather [hbm4b:s4+s17], $0x80, s2, s17, $0xb8;
	[tilespmem:$0x1F000] =	vst v63  }
0x21: {  	s9 =	rddreg [dreg:$0x4]  }
0x22: {  	[tilespmem:s19], [sflag:$0x4] =	stream.linear.gather [hbm4b:s9+s2], $0x100, $0x38;
	[tilespmem:$0x1F000] =	vst v63  }
0x23: {  	_ =	swait.ge [sflag:s16], $0x100  }
0x24: {  	[sflag:s16] =	ssyncset.done $0x0  }
0x25: {  	[sflag:s16] =	ssyncadd.s32 $0xFFFFFF00  }
0x26: {  	[tilespmem:s20], [sflag:$0x2] =	stream.indirect.gather [hbm4b:s4+s17], $0x80, s19, s17, $0xb8;
	[tilespmem:$0x1F000] =	vst v63  }
0x27: {  	s10 =	rddreg [dreg:$0x5]  }
0x28: {  	[tilespmem:s21], [sflag:$0x4] =	stream.linear.gather [hbm4b:s10+s2], $0x100, $0x38;
	[tilespmem:$0x1F000] =	vst v63  }
0x29: {  	_ =	swait.ge [sflag:s16], $0x100  }
0x2a: {  	[sflag:s16] =	ssyncset.done $0x0  }
0x2b: {  	[sflag:s16] =	ssyncadd.s32 $0xFFFFFF00  }
0x2c: {  	[tilespmem:s22], [sflag:$0x3] =	stream.indirect.gather [hbm4b:s4+s17], $0x80, s21, s17, $0xb8;
	[tilespmem:$0x1F000] =	vst v63  }
0x2d: {  	_ =	swait.ge [sflag:s23], $0x3C00  }
0x2e: {  	[sflag:s23] =	ssyncset.done $0x0  }
0x2f: {  	[sflag:s23] =	ssyncadd.s32 $0xFFFFC400  }
0x30: {  	[spmem:s1] =	stream.indirect.scatter.add.f32 [tilespmem:s18], [sflag:$0x4], $0x80, s24, s17, $0xb8;
	[tilespmem:$0x1F000] =	vst v63  }
0x31: {  	_ =	swait.ge [sflag:s16], $0x3C00  }
0x32: {  	s11 =	sshrl.u32 s14, $0x3;
	[sflag:s16] =	ssyncset.done $0x0  }
0x33: {  	s5 =	sadd.s32 s3, s11;
	[sflag:s16] =	ssyncadd.s32 $0xFFFFC400  }
0x34: {  	[tilespmem:s2], [sflag:$0x4] =	stream.linear.gather [hbm4b:s5+s2], $0x100, $0x38;
	[tilespmem:$0x1F000] =	vst v63  }
0x35: {  	_ =	swait.ge [sflag:s16], $0x100  }
0x36: {  	[sflag:s16] =	ssyncset.done $0x0  }
0x37: {  	[sflag:s16] =	ssyncadd.s32 $0xFFFFFF00  }
0x38: {  	[tilespmem:s18], [sflag:$0x1] =	stream.indirect.gather [hbm4b:s4+s17], $0x80, s2, s17, $0xb8;
	[tilespmem:$0x1F000] =	vst v63  }
0x39: {  	_ =	swait.ge [sflag:s25], $0x3C00  }
0x3a: {  	[sflag:s25] =	ssyncset.done $0x0  }
0x3b: {  	[sflag:s25] =	ssyncadd.s32 $0xFFFFC400  }
0x3c: {  	[spmem:s1] =	stream.indirect.scatter.add.f32 [tilespmem:s20], [sflag:$0x4], $0x80, s26, s17, $0xb8;
	[tilespmem:$0x1F000] =	vst v63  }
0x3d: {  	_ =	swait.ge [sflag:s16], $0x3C00  }
0x3e: {  	[sflag:s16] =	ssyncset.done $0x0  }
0x3f: {  	[sflag:s16] =	ssyncadd.s32 $0xFFFFC400  }
0x40: {  	[tilespmem:s19], [sflag:$0x4] =	stream.linear.gather [hbm4b:s13+s2], $0x100, $0x38;
	[tilespmem:$0x1F000] =	vst v63  }
0x41: {  	_ =	swait.ge [sflag:s16], $0x100  }
0x42: {  	[sflag:s16] =	ssyncset.done $0x0  }
0x43: {  	[sflag:s16] =	ssyncadd.s32 $0xFFFFFF00  }
0x44: {  	[tilespmem:s20], [sflag:$0x2] =	stream.indirect.gather [hbm4b:s4+s17], $0x80, s19, s17, $0xb8;
	[tilespmem:$0x1F000] =	vst v63  }
0x45: {  	_ =	swait.ge [sflag:s28], $0x3C00  }
0x46: {  	[sflag:s28] =	ssyncset.done $0x0  }
0x47: {  	[sflag:s28] =	ssyncadd.s32 $0xFFFFC400  }
0x48: {  	[spmem:s1] =	stream.indirect.scatter.add.f32 [tilespmem:s22], [sflag:$0x4], $0x80, s29, s17, $0xb8;
	[tilespmem:$0x1F000] =	vst v63  }
0x49: {  	_ =	swait.ge [sflag:s16], $0x3C00  }
0x4a: {  	p1 =	sne.s32 s6, $0x1;
	[sflag:s16] =	ssyncset.done $0x0  }
.Ltmp0:
0x4b: {  	[sflag:s16] =	ssyncadd.s32 $0xFFFFC400;
	(pc) =	sbr.rel @!p1 .LBB2_3-.Ltmp0, $4  }
0x4c: {  	[tilespmem:s21], [sflag:$0x4] =	stream.linear.gather [hbm4b:s12+s2], $0x100, $0x38;
	[tilespmem:$0x1F000] =	vst v63  }
0x4d: {  	_ =	swait.ge [sflag:s16], $0x100  }
0x4e: {  	s8 =	sadd.s32 $0x300, s14;
	s9 =	sadd.s32 $0x60, s12;
	[sflag:s16] =	ssyncset.done $0x0  }
0x4f: {  	s10 =	sadd.s32 $0x60, s13;
	s5 =	sadd.s32 $0xFFFFFFFF, s6;
	[sflag:s16] =	ssyncadd.s32 $0xFFFFFF00  }
.LBB2_2:
0x50: {  	[tilespmem:s22], [sflag:$0x3] =	stream.indirect.gather [hbm4b:s4+s17], $0x80, s21, s17, $0xb8;
	[tilespmem:$0x1F000] =	vst v63  }
0x51: {  	p1 =	sne.s32 s5, $0x1;
	s5 =	sadd.s32 $0xFFFFFFFF, s5;
	_ =	swait.ge [sflag:s23], $0x3C00  }
0x52: {  	[sflag:s23] =	ssyncset.done $0x0  }
0x53: {  	[sflag:s23] =	ssyncadd.s32 $0xFFFFC400  }
0x54: {  	[spmem:s1] =	stream.indirect.scatter.add.f32 [tilespmem:s18], [sflag:$0x4], $0x80, s24, s17, $0xb8;
	[tilespmem:$0x1F000] =	vst v63  }
0x55: {  	_ =	swait.ge [sflag:s16], $0x3C00  }
0x56: {  	s11 =	sshrl.u32 s8, $0x3;
	[sflag:s16] =	ssyncset.done $0x0  }
0x57: {  	s11 =	sadd.s32 s3, s11;
	[sflag:s16] =	ssyncadd.s32 $0xFFFFC400  }
0x58: {  	[tilespmem:s2], [sflag:$0x4] =	stream.linear.gather [hbm4b:s11+s2], $0x100, $0x38;
	[tilespmem:$0x1F000] =	vst v63  }
0x59: {  	_ =	swait.ge [sflag:s16], $0x100  }
0x5a: {  	[sflag:s16] =	ssyncset.done $0x0  }
0x5b: {  	[sflag:s16] =	ssyncadd.s32 $0xFFFFFF00  }
0x5c: {  	[tilespmem:s18], [sflag:$0x1] =	stream.indirect.gather [hbm4b:s4+s17], $0x80, s2, s17, $0xb8;
	[tilespmem:$0x1F000] =	vst v63  }
0x5d: {  	_ =	swait.ge [sflag:s25], $0x3C00  }
0x5e: {  	[sflag:s25] =	ssyncset.done $0x0  }
0x5f: {  	[sflag:s25] =	ssyncadd.s32 $0xFFFFC400  }
0x60: {  	[spmem:s1] =	stream.indirect.scatter.add.f32 [tilespmem:s20], [sflag:$0x4], $0x80, s26, s17, $0xb8;
	[tilespmem:$0x1F000] =	vst v63  }
0x61: {  	_ =	swait.ge [sflag:s16], $0x3C00  }
0x62: {  	[sflag:s16] =	ssyncset.done $0x0  }
0x63: {  	[sflag:s16] =	ssyncadd.s32 $0xFFFFC400  }
0x64: {  	[tilespmem:s19], [sflag:$0x4] =	stream.linear.gather [hbm4b:s10+s2], $0x100, $0x38;
	[tilespmem:$0x1F000] =	vst v63  }
0x65: {  	_ =	swait.ge [sflag:s16], $0x100  }
0x66: {  	[sflag:s16] =	ssyncset.done $0x0  }
0x67: {  	[sflag:s16] =	ssyncadd.s32 $0xFFFFFF00  }
0x68: {  	[tilespmem:s20], [sflag:$0x2] =	stream.indirect.gather [hbm4b:s4+s17], $0x80, s19, s17, $0xb8;
	[tilespmem:$0x1F000] =	vst v63  }
0x69: {  	_ =	swait.ge [sflag:s28], $0x3C00  }
0x6a: {  	[sflag:s28] =	ssyncset.done $0x0  }
0x6b: {  	[sflag:s28] =	ssyncadd.s32 $0xFFFFC400  }
0x6c: {  	[spmem:s1] =	stream.indirect.scatter.add.f32 [tilespmem:s22], [sflag:$0x4], $0x80, s29, s17, $0xb8;
	[tilespmem:$0x1F000] =	vst v63  }
0x6d: {  	_ =	swait.ge [sflag:s16], $0x3C00  }
0x6e: {  	[sflag:s16] =	ssyncset.done $0x0  }
.Ltmp1:
0x6f: {  	[sflag:s16] =	ssyncadd.s32 $0xFFFFC400;
	(pc) =	sbr.rel @p1 .LBB2_2-.Ltmp1, $4  }
0x70: {  	[tilespmem:s21], [sflag:$0x4] =	stream.linear.gather [hbm4b:s9+s2], $0x100, $0x38;
	[tilespmem:$0x1F000] =	vst v63  }
0x71: {  	_ =	swait.ge [sflag:s16], $0x100  }
0x72: {  	s8 =	sadd.s32 $0x300, s8;
	[sflag:s16] =	ssyncset.done $0x0  }
0x73: {  	s10 =	sadd.s32 $0x60, s10;
	s9 =	sadd.s32 $0x60, s9;
	[sflag:s16] =	ssyncadd.s32 $0xFFFFFF00  }
.LBB2_3:
0x74: {  	[tilespmem:s22], [sflag:$0x3] =	stream.indirect.gather [hbm4b:s4+s17], $0x80, s21, s17, $0xb8;
	[tilespmem:$0x1F000] =	vst v63  }
0x75: {  	_ =	swait.ge [sflag:s23], $0x3C00  }
0x76: {  	[sflag:s23] =	ssyncset.done $0x0  }
0x77: {  	[sflag:s23] =	ssyncadd.s32 $0xFFFFC400  }
0x78: {  	[spmem:s1] =	stream.indirect.scatter.add.f32 [tilespmem:s18], [sflag:$0x4], $0x80, s24, s17, $0xb8;
	[tilespmem:$0x1F000] =	vst v63  }
0x79: {  	_ =	swait.ge [sflag:s16], $0x3C00  }
0x7a: {  	[sflag:s16] =	ssyncset.done $0x0  }
0x7b: {  	[sflag:s16] =	ssyncadd.s32 $0xFFFFC400  }
0x7c: {  	_ =	swait.ge [sflag:s25], $0x3C00  }
0x7d: {  	[sflag:s25] =	ssyncset.done $0x0  }
0x7e: {  	[sflag:s25] =	ssyncadd.s32 $0xFFFFC400  }
0x7f: {  	[spmem:s1] =	stream.indirect.scatter.add.f32 [tilespmem:s20], [sflag:$0x4], $0x80, s26, s17, $0xb8;
	[tilespmem:$0x1F000] =	vst v63  }
0x80: {  	_ =	swait.ge [sflag:s16], $0x3C00  }
0x81: {  	[sflag:s16] =	ssyncset.done $0x0  }
0x82: {  	[sflag:s16] =	ssyncadd.s32 $0xFFFFC400  }
0x83: {  	_ =	swait.ge [sflag:s28], $0x3C00  }
0x84: {  	[sflag:s28] =	ssyncset.done $0x0  }
0x85: {  	[sflag:s28] =	ssyncadd.s32 $0xFFFFC400  }
0x86: {  	[spmem:s1] =	stream.indirect.scatter.add.f32 [tilespmem:s22], [sflag:$0x4], $0x80, s29, s17, $0xb8;
	[tilespmem:$0x1F000] =	vst v63  }
0x87: {  	_ =	swait.ge [sflag:s16], $0x3C00  }
0x88: {  	[sflag:s16] =	ssyncset.done $0x0  }
0x89: {  	[sflag:s16] =	ssyncadd.s32 $0xFFFFC400  }
0x8a: {  	[bflag:$0x0] =	sbarrier.arrive $0xFFFF  }
0x8b: {  	s5 =	rddreg [dreg:$0x6]  }
0x8c: {  	[hbm:s5], [sflag:s0] =	dma.local @!p0 [spmem:s15], $0x27200  }
0x8d: {  	_ =	swait.ge @!p0 [sflag:s31], $0x27200  }
0x8e: {  	s30 =	sadd.s32 $0x1, s30;
	s11 =	rddreg [dreg:$0x7]  }
0x8f: {  	p1 =	sne.s32 s30, s11  }
.Ltmp2:
0x90: {  	_ = 	snop;
	(pc) =	sbr.rel @p1 .LBB2_1-.Ltmp2, $3  }
0x91: {  	_ =	sdelay $0x1  }
0x92: {  	[sflag:s31] =	ssyncset.done @!p0 $0x0  }
0x93: {  	[sflag:s31] =	ssyncadd.s32 @!p0 $0xFFFD8E00  }
0x94: {  	_ =	sfence.sel $0x180000  }
0x95: {  	[bflag:$0x0] =	sbarrier.arrive $0xFFFF  }
0x96: {  	_ =	strace $0x9000004A  }
0x97: {  	[bflag:$0x2] =	sbarrier.arrive $0xFFFF  }
0x98: {  	s0 =	rddreg [dreg:$0x2]  }
0x99: {  	s0 =	sadd.s32 @!p0 $0x100000, s0  }
0x9a: {  	[sflag:s0] =	ssyncadd.tile.s32 @!p0 $0x1;
	_ =	shalt  }
.Lfunc_end2:
_tile_overlayer_lowered:
.L_overlay_start_2:
0x9b: {  	(tag) =	ssettag $0x2  }
0x9c: {  	s0 =	rddreg [dreg:$0x0];
	s2 =	stileid.u32  }
0x9d: {  	s1 =	rddreg [dreg:$0x1];
	p0 =	sne.s32 s2, $0x0  }
0x9e: {  	s3 =	rddreg [dreg:$0x2];
	[bflag:$0x3] =	sbarrier.arrive $0xFFFF;
	s2 =	simm.s32 @!p0 $0x1C04  }
0x9f: {  	[timem:s3], [sflag:s2] =	dma.local @!p0 [hbm:s0], s1  }
0xa0: {  	s0 =	simm.s32 @!p0 $0x4  }
0xa1: {  	_ =	swait.ge @!p0 [sflag:s0], s1  }
0xa2: {  	s1 =	ssub.s32 @!p0 $0x0, s1;
	[sflag:s0] =	ssyncset.done @!p0 $0x0  }
0xa3: {  	[sflag:s0] =	ssyncadd.s32 @!p0 s1  }
0xa4: {  	[bflag:$0x3] =	sbarrier.arrive $0xFFFF  }
0xa5: {  	_ =	shalt  }

// kernel: kernel.18.cloned.1.call-start
scs
__scs_entry_jumppad:
0x0: {  	(pc) =	sbr.rel $0x88, $3  }
0x1: {  	(tag) =	ssettag $0x0;
	lr =	simm.s32 $0x1  }
0x2: {  	[smem:$0x3F94] =	sst lr;
	_ =	strace $0xD0000000  }
0x3: {  	_ = 	snop  }
0x4: {  	_ = 	snop  }
0x5: {  	_ = 	snop  }
0x6: {  	_ = 	snop  }
0x7: {  	_ = 	snop  }
__scs_overlays_trampoline_lowered:
0x8: {  	[smem:$0x3FA3] =	sst s0  }
0x9: {  	[smem:$0x3FA4] =	sst s1  }
0xa: {  	[smem:$0x3FA5] =	sst s2  }
0xb: {  	[smem:$0x3FA6] =	sst s3  }
0xc: {  	[smem:$0x3FA7] =	sst s4  }
0xd: {  	[smem:$0x3FA8] =	sst s5  }
0xe: {  	[smem:$0x3FA9] =	sst s6  }
0xf: {  	[smem:$0x3FAA] =	sst s7  }
0x10: {  	[smem:$0x3FAB] =	sst s8  }
0x11: {  	[smem:$0x3FAC] =	sst s9;
	s0 =	simm.s32 @!p0 $0x0  }
0x12: {  	s1 =	sld [smem:$0x3F92];
	s0 =	simm.s32 @p0 $0x1  }
0x13: {  	[smem:$0x3FAD] =	sst s0;
	s0 =	simm.s32 @!p1 $0x0  }
0x14: {  	s2 =	sld [smem:$0x3F91];
	s0 =	simm.s32 @p1 $0x1  }
0x15: {  	[smem:$0x3FAE] =	sst s0;
	s0 =	simm.s32 @!p2 $0x0  }
0x16: {  	s3 =	sld [smem:$0x3FDB];
	s0 =	simm.s32 @p2 $0x1  }
0x17: {  	s4 =	simm.s32 $0x1BF5;
	[smem:$0x3FB0] =	sst s0  }
0x18: {  	s0 =	sld [smem:$0x3F93];
	_ =	swait.ge [sflag:s4], $0x0  }
0x19: {  	s7 =	sld [smem:$0x3F94]  }
0x1a: {  	s8 =	sadd.s32 $0xFFFFE003, lr  }
0x1b: {  	s9 =	sadd.s32 $0xFFFFFEF7, lr;
	s5 =	simm.s32 $0xFFFFFFFF;
	p2 =	slt.u32 s8, $0xFFFFF086  }
0x1c: {  	p1 =	slt.u32 s9, $0xF7A;
	s5 =	simm.s32 @!p2 $0x0  }
0x1d: {  	s5 =	simm.s32 @p1 $0x1;
	p0 =	seq.s32 s7, s2  }
0x1e: {  	s7 =	smul.u32 @!p0 $0xF7A, s2;
	p2 =	seq.s32 @!p0 s5, $0x0  }
0x1f: {  	s9 =	smul.u32 $0xF7A, s1;
	s8 =	simm.s32 @!p0 $0x1BF5;
	p2 =	por !p2, p0  }
0x20: {  	[sflag:s8] =	ssyncset.s32 @!p0 $0xFFFFF086;
	s6 =	sadd.s32 @!p0 s3, s7;
	s7 =	simm.s32 @!p0 $0x108  }
0x21: {  	s3 =	sadd.s32 s3, s9;
	s6 =	sadd.s32 @!p0 $0x88, s6;
	s7 =	simm.s32 @p2 $0x1082  }
0x22: {  	[simem:s7], [sflag:s8] =	dma.local @!p0 [hbm:s6], $0xF7A  }
0x23: {  	s9 =	sor.u32 $0xD0000000, s2;
	s6 =	simm.s32 $0x108;
	_ =	swait.ge @!p0 [sflag:s8], $0x0  }
0x24: {  	s3 =	sadd.s32 $0x88, s3;
	s6 =	simm.s32 @!p1 $0x1082;
	[sflag:s4] =	ssyncset.s32 $0xFFFFF086  }
0x25: {  	[simem:s6], [sflag:s4] =	dma.local [hbm:s3], $0xF7A  }
0x26: {  	[smem:$0x3F94] =	sst s1;
	(tag) =	ssettag s2;
	_ =	strace s9  }
0x27: {  	s1 =	sld [smem:$0x3FA4]  }
0x28: {  	s2 =	sld [smem:$0x3FA5]  }
0x29: {  	s4 =	sld [smem:$0x3FA7]  }
0x2a: {  	p0 =	seq.s32 s5, $0x0;
	s5 =	sld [smem:$0x3FA8]  }
0x2b: {  	s6 =	sld [smem:$0x3FA9]  }
0x2c: {  	s7 =	sld [smem:$0x3FAA]  }
0x2d: {  	s3 =	simm.s32 $0x108;
	s8 =	sld [smem:$0x3FAB]  }
0x2e: {  	s3 =	simm.s32 @!p0 $0x1082;
	s9 =	sld [smem:$0x3FAC]  }
0x2f: {  	lr =	sadd.s32 s0, s3;
	s0 =	sld [smem:$0x3FA3]  }
0x30: {  	s3 =	sld [smem:$0x3FA6]  }
0x31: {  	[smem:$0x3FAF] =	sst s10  }
0x32: {  	s10 =	sld [smem:$0x3FAD];
	_ =	sdelay $0x3  }
0x33: {  	p0 =	seq.s32 s10, $0x1;
	s10 =	sld [smem:$0x3FAF];
	_ =	sdelay $0x3  }
0x34: {  	[smem:$0x3FAF] =	sst s10  }
0x35: {  	s10 =	sld [smem:$0x3FAE];
	_ =	sdelay $0x3  }
0x36: {  	p1 =	seq.s32 s10, $0x1;
	s10 =	sld [smem:$0x3FAF];
	_ =	sdelay $0x3  }
0x37: {  	[smem:$0x3FAF] =	sst s10  }
0x38: {  	s10 =	sld [smem:$0x3FB0]  }
0x39: {  	_ = 	snop;
	(pc) =	sbr.ind lr, $3  }
0x3a: {  	_ = 	snop  }
0x3b: {  	_ = 	snop  }
0x3c: {  	p2 =	seq.s32 s10, $0x1;
	s10 =	sld [smem:$0x3FAF]  }
0x3d: {  	_ =	shalt  }
0x3e: {  	_ =	shalt  }
0x3f: {  	_ =	shalt  }
0x40: {  	_ =	shalt  }
0x41: {  	_ =	shalt  }
0x42: {  	_ =	shalt  }
0x43: {  	_ =	shalt  }
0x44: {  	_ =	shalt  }
0x45: {  	_ =	shalt  }
0x46: {  	_ =	shalt  }
0x47: {  	_ =	shalt  }
0x48: {  	_ =	shalt  }
0x49: {  	_ =	shalt  }
0x4a: {  	_ =	shalt  }
0x4b: {  	_ =	shalt  }
0x4c: {  	_ =	shalt  }
0x4d: {  	_ =	shalt  }
0x4e: {  	_ =	shalt  }
0x4f: {  	_ =	shalt  }
0x50: {  	_ =	shalt  }
0x51: {  	_ =	shalt  }
0x52: {  	_ =	shalt  }
0x53: {  	_ =	shalt  }
0x54: {  	_ =	shalt  }
0x55: {  	_ =	shalt  }
0x56: {  	_ =	shalt  }
0x57: {  	_ =	shalt  }
0x58: {  	_ =	shalt  }
0x59: {  	_ =	shalt  }
0x5a: {  	_ =	shalt  }
0x5b: {  	_ =	shalt  }
0x5c: {  	_ =	shalt  }
0x5d: {  	_ =	shalt  }
0x5e: {  	_ =	shalt  }
0x5f: {  	_ =	shalt  }
0x60: {  	_ =	shalt  }
0x61: {  	_ =	shalt  }
0x62: {  	_ =	shalt  }
0x63: {  	_ =	shalt  }
0x64: {  	_ =	shalt  }
0x65: {  	_ =	shalt  }
0x66: {  	_ =	shalt  }
0x67: {  	_ =	shalt  }
0x68: {  	_ =	shalt  }
0x69: {  	_ =	shalt  }
0x6a: {  	_ =	shalt  }
0x6b: {  	_ =	shalt  }
0x6c: {  	_ =	shalt  }
0x6d: {  	_ =	shalt  }
0x6e: {  	_ =	shalt  }
0x6f: {  	_ =	shalt  }
0x70: {  	_ =	shalt  }
0x71: {  	_ =	shalt  }
0x72: {  	_ =	shalt  }
0x73: {  	_ =	shalt  }
0x74: {  	_ =	shalt  }
0x75: {  	_ =	shalt  }
0x76: {  	_ =	shalt  }
0x77: {  	_ =	shalt  }
0x78: {  	_ =	shalt  }
0x79: {  	_ =	shalt  }
0x7a: {  	_ =	shalt  }
0x7b: {  	_ =	shalt  }
0x7c: {  	_ =	shalt  }
0x7d: {  	_ =	shalt  }
0x7e: {  	_ =	shalt  }
0x7f: {  	_ =	shalt  }
0x80: {  	_ =	shalt  }
0x81: {  	_ =	shalt  }
0x82: {  	_ =	shalt  }
0x83: {  	_ =	shalt  }
0x84: {  	_ =	shalt  }
0x85: {  	_ =	shalt  }
0x86: {  	_ =	shalt  }
0x87: {  	_ =	shalt  }
.Lfunc_end0:
.L_simem_size_0:
called_computation.2_lowered:
.L_overlay_start_0:
0x88: {  	s2 =	sld [smem:$0x3FD9]  }
0x89: {  	s3 =	sld [smem:$0x3FFE];
	_ =	sdelay $0x1  }
0x8a: {  	s1 =	srdreg.scid  }
0x8b: {  	s0 =	sand.u32 $0x1, s1  }
0x8c: {  	s16 =	sshll.u32 s0, $0xA;
	s2 =	sadd.s32 s3, s2  }
0x8d: {  	s2 =	sadd.s32 s2, s16  }
0x8e: {  	[smem:$0x3FBB] =	sst s2  }
0x8f: {  	_ = 	snop  }
0x90: {  	(tm) =	ssettm $0x1  }
0x91: {  	s17 =	sld [smem:$0x3FFB];
	_ =	sdelay $0x3  }
0x92: {  	_ =	strace s17  }
0x93: {  	s2 =	sld [smem:$0x3FFC];
	_ =	sdelay $0x3  }
0x94: {  	_ =	strace s2  }
0x95: {  	s2 =	sld [smem:$0x3FFD];
	_ =	sdelay $0x3  }
0x96: {  	_ =	strace s2  }
0x97: {  	_ =	strace $0x8FFFFFFF  }
0x98: {  	s18 =	sld [smem:$0x3FDB];
	_ =	sdelay $0x1  }
0x99: {  	s19 =	simm.s32 $_scs_section_size  }
0x9a: {  	s4 =	simm.s32 $_size__tile_overlayer_lowered;
	s5 =	simm.s32 $_tile_overlayer_lowered  }
0x9b: {  	s22 =	simm.s32 $0x1BFF;
	s21 =	sshll.u32 s5, $0x1;
	s2 =	sadd.s32 s19, s18  }
0x9c: {  	s6 =	simm.s32 $0x0;
	s20 =	sshll.u32 s4, $0x1;
	s4 =	sadd.s32 s21, s2  }
0x9d: {  	[timem:s6], [sflag:s22] =	dma.local [hbm:s4], s20  }
0x9e: {  	_ =	swait.ge [sflag:s22], s20  }
0x9f: {  	s3 =	ssub.s32 $0x0, s20;
	[sflag:s22] =	ssyncset.done $0x0  }
0xa0: {  	[sflag:s22] =	ssyncadd.s32 s3;
	_ =	sdelay $0x1  }
0xa1: {  	s23 =	simm.s32 $0x1B8B  }
0xa2: {  	_ =	swait.ge [sflag:s23], $0x1  }
0xa3: {  	[sflag:s23] =	ssyncset.done $0x0  }
0xa4: {  	s25 =	simm.s32 $0x1B8E;
	s24 =	sld [smem:$0x3FFE];
	[sflag:s23] =	ssyncadd.s32 $0xFFFFFFFF  }
0xa5: {  	s26 =	simm.s32 $execute0_lowered;
	[smem:$0x3FD2] =	sst s25  }
0xa6: {  	s4 =	sshll.u32 s26, $0x1;
	_ =	strace $0x8000004C;
	[dreg:$0x1] =	wrdreg $0xFFFFFFFF  }
0xa7: {  	s28 =	simm.s32 $_size_execute0_lowered;
	s2 =	sadd.s32 s2, s4;
	[dreg:$0x0] =	wrdreg $0x0  }
0xa8: {  	s4 =	sshll.u32 s28, $0x1;
	[dreg:$0x2] =	wrdreg s2  }
0xa9: {  	[dreg:$0x3] =	wrdreg s4  }
0xaa: {  	[dreg:$0x4] =	wrdreg $0xC0  }
0xab: {  	_ =	task [dreg:s6], $0x5FFFF  }
0xac: {  	[dreg:$0x1] =	wrdreg $0xFFFFFFFF  }
0xad: {  	[dreg:$0x0] =	wrdreg $0x60  }
0xae: {  	[dreg:$0x2] =	wrdreg s24  }
0xaf: {  	[dreg:$0x3] =	wrdreg $0xB7000  }
0xb0: {  	[dreg:$0x4] =	wrdreg $0x9  }
0xb1: {  	_ =	task.clear_ibuf [dreg:s6], $0x5FFFF;
	_ =	strace $0x9000004C  }
0xb2: {  	s29 =	simm.s32 $0x9;
	_ =	strace $0x8000004E  }
0xb3: {  	_ =	swait.ge [sflag:s29], $0x1  }
0xb4: {  	[sflag:s29] =	ssyncadd.s32 $0xFFFFFFFF  }
0xb5: {  	_ =	strace $0x9000004E  }
0xb6: {  	_ =	sfence  }
0xb7: {  	s30 =	sld [smem:$0x0];
	_ =	sdelay $0x2  }
0xb8: {  	s31 =	sshll.u32 s1, $0xD;
	s1 =	sshrl.u32 s1, $0x2  }
0xb9: {  	s3 =	sand.u32 $0x4000, s31;
	s1 =	sadd.s32 s1, s30  }
0xba: {  	s0 =	sor.u32 s3, s0;
	s1 =	sshll.u32 s1, $0x11  }
0xbb: {  	s0 =	sor.u32 s1, s0  }
0xbc: {  	s0 =	sadd.s32 $0x8F2B, s0  }
0xbd: {  	[sflag:s0] =	ssyncadd.remote.s32 $0x1  }
0xbe: {  	_ =	sfence.sel $0xFFFF  }
0xbf: {  	[dreg:$0x0] =	wrdreg $0xFFFFFFFF;
	(pc) =	sbr.abs _section_cstart, $3  }
0xc0: {  	[dreg:$0x1] =	wrdreg $0xFFFFFFFF  }
0xc1: {  	_ =	task.clear_ibuf [dreg:s6], $0x2FFFF;
	_ =	strace $0x9FFFFFFF  }
0xc2: {  	(tm) =	ssettm $0x7FFFFFFF  }
0xc3: {  	_ =	shalt  }
tec
execute0_lowered:
.L_overlay_start_1:
0x0: {  	(tag) =	ssettag $0x1  }
0x1: {  	s0 =	rddreg [dreg:$0x0]  }
0x2: {  	s1 =	rddreg [dreg:$0x1]  }
0x3: {  	s2 =	simm.s32 $0x0;
	s3 =	srdreg.scid;
	s8 =	stileid.u32  }
0x4: {  	s16 =	simm.s32 $0x4;
	s28 =	simm.s32 $0x3;
	s29 =	simm.s32 $0x280  }
0x5: {  	s30 =	simm.s32 $0x0;
	[smem:$0x7FF] =	sst s2;
	s7 =	smul.u32 $0xA8, s8  }
0x6: {  	s5 =	sand.u32 $0x1, s3;
	s3 =	sadd.s32 $0x2800, s0;
	s11 =	smul.u32 $0xA800, s8  }
0x7: {  	s4 =	sadd.s32 $0x17800, s0;
	s9 =	sadd.s32 $0x150800, s0;
	s6 =	smul.u32 $0x27200, s5  }
0x8: {  	_ =	strace $0x8000004D;
	s17 =	ssub.s32 $0x2, s5;
	s10 =	smul.u32 $0x87, s5  }
0x9: {  	[dreg:$0x3] =	wrdreg s9;
	s19 =	smul.u32 $0x8700, s5;
	s18 =	sshrl.u32 s17, $0x1  }
0xa: {  	p0 =	seq.s32 s5, $0x0;
	s0 =	sadd.s32 s6, s0;
	s9 =	ssub.s32 s17, s18  }
0xb: {  	s7 =	sadd.s32 s10, s7;
	s6 =	simm.s32 $0x2C;
	s21 =	sadd.s32 s19, s11  }
0xc: {  	s17 =	simm.s32 $0x78;
	s18 =	simm.s32 $0x300;
	s19 =	simm.s32 $0x100  }
0xd: {  	s20 =	sshll.u32 s7, $0x5;
	s6 =	simm.s32 @!p0 $0xA;
	s24 =	sadd.s32 $0x500, s21  }
0xe: {  	s0 =	sadd.s32 $0x177A00, s0;
	s26 =	sadd.s32 $0x400, s21;
	s9 =	smax.u32 s9, $0x1  }
0xf: {  	s14 =	sadd.s32 $0x300, s21;
	p0 =	sne.s32 s8, $0x0;
	s21 =	simm.s32 $0x200  }
0x10: {  	s7 =	sadd.s32 s3, s20;
	[dreg:$0x6] =	wrdreg s0;
	s25 =	sshrl.u32 s24, $0x3  }
0x11: {  	[dreg:$0x7] =	wrdreg s9;
	s31 =	sshrl.u32 s26, $0x3;
	s15 =	sshrl.u32 @!p0 s1, $0x3  }
0x12: {  	s20 =	simm.s32 $0x3F00;
	s24 =	simm.s32 $0x80;
	s26 =	simm.s32 $0x180  }
0x13: {  	s22 =	sadd.s32 $0x20, s7;
	s23 =	sadd.s32 $0x40, s7;
	s12 =	sadd.s32 s25, s3  }
0x14: {  	s13 =	sadd.s32 s31, s3;
	s25 =	simm.s32 $0x2;
	[dreg:$0x4] =	wrdreg s22  }
0x15: {  	[dreg:$0x5] =	wrdreg s23;
	s22 =	simm.s32 $0x7B00;
	s23 =	simm.s32 $0x1  }
.LBB2_1:
0x16: {  	s0 =	simm.s32 @!p0 $0x1C04;
	s5 =	rddreg [dreg:$0x3];
	s31 =	simm.s32 @!p0 $0x4  }
0x17: {  	[spmem:s15], [sflag:s0] =	dma.local @!p0 [hbm:s5], $0x27200  }
0x18: {  	_ =	swait.ge @!p0 [sflag:s31], $0x27200  }
0x19: {  	[sflag:s31] =	ssyncset.done @!p0 $0x0  }
0x1a: {  	[sflag:s31] =	ssyncadd.s32 @!p0 $0xFFFD8E00  }
0x1b: {  	[bflag:$0x0] =	sbarrier.arrive $0xFFFF  }
0x1c: {  	[tilespmem:s2], [sflag:$0x4] =	stream.linear.gather [hbm4b:s7+s2], $0x100, $0x38;
	[tilespmem:$0x1F000] =	vst v63  }
0x1d: {  	_ =	swait.ge [sflag:s16], $0x100  }
0x1e: {  	[sflag:s16] =	ssyncset.done $0x0  }
0x1f: {  	[sflag:s16] =	ssyncadd.s32 $0xFFFFFF00  }
0x20: {  	[tilespmem:s18], [sflag:$0x1] =	stream.indirect.gather [hbm4b:s4+s17], $0x80, s2, s17, $0xb8;
	[tilespmem:$0x1F000] =	vst v63  }
0x21: {  	s9 =	rddreg [dreg:$0x4]  }
0x22: {  	[tilespmem:s19], [sflag:$0x4] =	stream.linear.gather [hbm4b:s9+s2], $0x100, $0x38;
	[tilespmem:$0x1F000] =	vst v63  }
0x23: {  	_ =	swait.ge [sflag:s16], $0x100  }
0x24: {  	[sflag:s16] =	ssyncset.done $0x0  }
0x25: {  	[sflag:s16] =	ssyncadd.s32 $0xFFFFFF00  }
0x26: {  	[tilespmem:s20], [sflag:$0x2] =	stream.indirect.gather [hbm4b:s4+s17], $0x80, s19, s17, $0xb8;
	[tilespmem:$0x1F000] =	vst v63  }
0x27: {  	s10 =	rddreg [dreg:$0x5]  }
0x28: {  	[tilespmem:s21], [sflag:$0x4] =	stream.linear.gather [hbm4b:s10+s2], $0x100, $0x38;
	[tilespmem:$0x1F000] =	vst v63  }
0x29: {  	_ =	swait.ge [sflag:s16], $0x100  }
0x2a: {  	[sflag:s16] =	ssyncset.done $0x0  }
0x2b: {  	[sflag:s16] =	ssyncadd.s32 $0xFFFFFF00  }
0x2c: {  	[tilespmem:s22], [sflag:$0x3] =	stream.indirect.gather [hbm4b:s4+s17], $0x80, s21, s17, $0xb8;
	[tilespmem:$0x1F000] =	vst v63  }
0x2d: {  	_ =	swait.ge [sflag:s23], $0x3C00  }
0x2e: {  	[sflag:s23] =	ssyncset.done $0x0  }
0x2f: {  	[sflag:s23] =	ssyncadd.s32 $0xFFFFC400  }
0x30: {  	[spmem:s1] =	stream.indirect.scatter.add.f32 [tilespmem:s18], [sflag:$0x4], $0x80, s24, s17, $0xb8;
	[tilespmem:$0x1F000] =	vst v63  }
0x31: {  	_ =	swait.ge [sflag:s16], $0x3C00  }
0x32: {  	s11 =	sshrl.u32 s14, $0x3;
	[sflag:s16] =	ssyncset.done $0x0  }
0x33: {  	s5 =	sadd.s32 s3, s11;
	[sflag:s16] =	ssyncadd.s32 $0xFFFFC400  }
0x34: {  	[tilespmem:s2], [sflag:$0x4] =	stream.linear.gather [hbm4b:s5+s2], $0x100, $0x38;
	[tilespmem:$0x1F000] =	vst v63  }
0x35: {  	_ =	swait.ge [sflag:s16], $0x100  }
0x36: {  	[sflag:s16] =	ssyncset.done $0x0  }
0x37: {  	[sflag:s16] =	ssyncadd.s32 $0xFFFFFF00  }
0x38: {  	[tilespmem:s18], [sflag:$0x1] =	stream.indirect.gather [hbm4b:s4+s17], $0x80, s2, s17, $0xb8;
	[tilespmem:$0x1F000] =	vst v63  }
0x39: {  	_ =	swait.ge [sflag:s25], $0x3C00  }
0x3a: {  	[sflag:s25] =	ssyncset.done $0x0  }
0x3b: {  	[sflag:s25] =	ssyncadd.s32 $0xFFFFC400  }
0x3c: {  	[spmem:s1] =	stream.indirect.scatter.add.f32 [tilespmem:s20], [sflag:$0x4], $0x80, s26, s17, $0xb8;
	[tilespmem:$0x1F000] =	vst v63  }
0x3d: {  	_ =	swait.ge [sflag:s16], $0x3C00  }
0x3e: {  	[sflag:s16] =	ssyncset.done $0x0  }
0x3f: {  	[sflag:s16] =	ssyncadd.s32 $0xFFFFC400  }
0x40: {  	[tilespmem:s19], [sflag:$0x4] =	stream.linear.gather [hbm4b:s13+s2], $0x100, $0x38;
	[tilespmem:$0x1F000] =	vst v63  }
0x41: {  	_ =	swait.ge [sflag:s16], $0x100  }
0x42: {  	[sflag:s16] =	ssyncset.done $0x0  }
0x43: {  	[sflag:s16] =	ssyncadd.s32 $0xFFFFFF00  }
0x44: {  	[tilespmem:s20], [sflag:$0x2] =	stream.indirect.gather [hbm4b:s4+s17], $0x80, s19, s17, $0xb8;
	[tilespmem:$0x1F000] =	vst v63  }
0x45: {  	_ =	swait.ge [sflag:s28], $0x3C00  }
0x46: {  	[sflag:s28] =	ssyncset.done $0x0  }
0x47: {  	[sflag:s28] =	ssyncadd.s32 $0xFFFFC400  }
0x48: {  	[spmem:s1] =	stream.indirect.scatter.add.f32 [tilespmem:s22], [sflag:$0x4], $0x80, s29, s17, $0xb8;
	[tilespmem:$0x1F000] =	vst v63  }
0x49: {  	_ =	swait.ge [sflag:s16], $0x3C00  }
0x4a: {  	p1 =	sne.s32 s6, $0x1;
	[sflag:s16] =	ssyncset.done $0x0  }
.Ltmp0:
0x4b: {  	[sflag:s16] =	ssyncadd.s32 $0xFFFFC400;
	(pc) =	sbr.rel @!p1 .LBB2_3-.Ltmp0, $4  }
0x4c: {  	[tilespmem:s21], [sflag:$0x4] =	stream.linear.gather [hbm4b:s12+s2], $0x100, $0x38;
	[tilespmem:$0x1F000] =	vst v63  }
0x4d: {  	_ =	swait.ge [sflag:s16], $0x100  }
0x4e: {  	s8 =	sadd.s32 $0x300, s14;
	s9 =	sadd.s32 $0x60, s12;
	[sflag:s16] =	ssyncset.done $0x0  }
0x4f: {  	s10 =	sadd.s32 $0x60, s13;
	s5 =	sadd.s32 $0xFFFFFFFF, s6;
	[sflag:s16] =	ssyncadd.s32 $0xFFFFFF00  }
.LBB2_2:
0x50: {  	[tilespmem:s22], [sflag:$0x3] =	stream.indirect.gather [hbm4b:s4+s17], $0x80, s21, s17, $0xb8;
	[tilespmem:$0x1F000] =	vst v63  }
0x51: {  	p1 =	sne.s32 s5, $0x1;
	s5 =	sadd.s32 $0xFFFFFFFF, s5;
	_ =	swait.ge [sflag:s23], $0x3C00  }
0x52: {  	[sflag:s23] =	ssyncset.done $0x0  }
0x53: {  	[sflag:s23] =	ssyncadd.s32 $0xFFFFC400  }
0x54: {  	[spmem:s1] =	stream.indirect.scatter.add.f32 [tilespmem:s18], [sflag:$0x4], $0x80, s24, s17, $0xb8;
	[tilespmem:$0x1F000] =	vst v63  }
0x55: {  	_ =	swait.ge [sflag:s16], $0x3C00  }
0x56: {  	s11 =	sshrl.u32 s8, $0x3;
	[sflag:s16] =	ssyncset.done $0x0  }
0x57: {  	s11 =	sadd.s32 s3, s11;
	[sflag:s16] =	ssyncadd.s32 $0xFFFFC400  }
0x58: {  	[tilespmem:s2], [sflag:$0x4] =	stream.linear.gather [hbm4b:s11+s2], $0x100, $0x38;
	[tilespmem:$0x1F000] =	vst v63  }
0x59: {  	_ =	swait.ge [sflag:s16], $0x100  }
0x5a: {  	[sflag:s16] =	ssyncset.done $0x0  }
0x5b: {  	[sflag:s16] =	ssyncadd.s32 $0xFFFFFF00  }
0x5c: {  	[tilespmem:s18], [sflag:$0x1] =	stream.indirect.gather [hbm4b:s4+s17], $0x80, s2, s17, $0xb8;
	[tilespmem:$0x1F000] =	vst v63  }
0x5d: {  	_ =	swait.ge [sflag:s25], $0x3C00  }
0x5e: {  	[sflag:s25] =	ssyncset.done $0x0  }
0x5f: {  	[sflag:s25] =	ssyncadd.s32 $0xFFFFC400  }
0x60: {  	[spmem:s1] =	stream.indirect.scatter.add.f32 [tilespmem:s20], [sflag:$0x4], $0x80, s26, s17, $0xb8;
	[tilespmem:$0x1F000] =	vst v63  }
0x61: {  	_ =	swait.ge [sflag:s16], $0x3C00  }
0x62: {  	[sflag:s16] =	ssyncset.done $0x0  }
0x63: {  	[sflag:s16] =	ssyncadd.s32 $0xFFFFC400  }
0x64: {  	[tilespmem:s19], [sflag:$0x4] =	stream.linear.gather [hbm4b:s10+s2], $0x100, $0x38;
	[tilespmem:$0x1F000] =	vst v63  }
0x65: {  	_ =	swait.ge [sflag:s16], $0x100  }
0x66: {  	[sflag:s16] =	ssyncset.done $0x0  }
0x67: {  	[sflag:s16] =	ssyncadd.s32 $0xFFFFFF00  }
0x68: {  	[tilespmem:s20], [sflag:$0x2] =	stream.indirect.gather [hbm4b:s4+s17], $0x80, s19, s17, $0xb8;
	[tilespmem:$0x1F000] =	vst v63  }
0x69: {  	_ =	swait.ge [sflag:s28], $0x3C00  }
0x6a: {  	[sflag:s28] =	ssyncset.done $0x0  }
0x6b: {  	[sflag:s28] =	ssyncadd.s32 $0xFFFFC400  }
0x6c: {  	[spmem:s1] =	stream.indirect.scatter.add.f32 [tilespmem:s22], [sflag:$0x4], $0x80, s29, s17, $0xb8;
	[tilespmem:$0x1F000] =	vst v63  }
0x6d: {  	_ =	swait.ge [sflag:s16], $0x3C00  }
0x6e: {  	[sflag:s16] =	ssyncset.done $0x0  }
.Ltmp1:
0x6f: {  	[sflag:s16] =	ssyncadd.s32 $0xFFFFC400;
	(pc) =	sbr.rel @p1 .LBB2_2-.Ltmp1, $4  }
0x70: {  	[tilespmem:s21], [sflag:$0x4] =	stream.linear.gather [hbm4b:s9+s2], $0x100, $0x38;
	[tilespmem:$0x1F000] =	vst v63  }
0x71: {  	_ =	swait.ge [sflag:s16], $0x100  }
0x72: {  	s8 =	sadd.s32 $0x300, s8;
	[sflag:s16] =	ssyncset.done $0x0  }
0x73: {  	s10 =	sadd.s32 $0x60, s10;
	s9 =	sadd.s32 $0x60, s9;
	[sflag:s16] =	ssyncadd.s32 $0xFFFFFF00  }
.LBB2_3:
0x74: {  	[tilespmem:s22], [sflag:$0x3] =	stream.indirect.gather [hbm4b:s4+s17], $0x80, s21, s17, $0xb8;
	[tilespmem:$0x1F000] =	vst v63  }
0x75: {  	_ =	swait.ge [sflag:s23], $0x3C00  }
0x76: {  	[sflag:s23] =	ssyncset.done $0x0  }
0x77: {  	[sflag:s23] =	ssyncadd.s32 $0xFFFFC400  }
0x78: {  	[spmem:s1] =	stream.indirect.scatter.add.f32 [tilespmem:s18], [sflag:$0x4], $0x80, s24, s17, $0xb8;
	[tilespmem:$0x1F000] =	vst v63  }
0x79: {  	_ =	swait.ge [sflag:s16], $0x3C00  }
0x7a: {  	[sflag:s16] =	ssyncset.done $0x0  }
0x7b: {  	[sflag:s16] =	ssyncadd.s32 $0xFFFFC400  }
0x7c: {  	_ =	swait.ge [sflag:s25], $0x3C00  }
0x7d: {  	[sflag:s25] =	ssyncset.done $0x0  }
0x7e: {  	[sflag:s25] =	ssyncadd.s32 $0xFFFFC400  }
0x7f: {  	[spmem:s1] =	stream.indirect.scatter.add.f32 [tilespmem:s20], [sflag:$0x4], $0x80, s26, s17, $0xb8;
	[tilespmem:$0x1F000] =	vst v63  }
0x80: {  	_ =	swait.ge [sflag:s16], $0x3C00  }
0x81: {  	[sflag:s16] =	ssyncset.done $0x0  }
0x82: {  	[sflag:s16] =	ssyncadd.s32 $0xFFFFC400  }
0x83: {  	_ =	swait.ge [sflag:s28], $0x3C00  }
0x84: {  	[sflag:s28] =	ssyncset.done $0x0  }
0x85: {  	[sflag:s28] =	ssyncadd.s32 $0xFFFFC400  }
0x86: {  	[spmem:s1] =	stream.indirect.scatter.add.f32 [tilespmem:s22], [sflag:$0x4], $0x80, s29, s17, $0xb8;
	[tilespmem:$0x1F000] =	vst v63  }
0x87: {  	_ =	swait.ge [sflag:s16], $0x3C00  }
0x88: {  	[sflag:s16] =	ssyncset.done $0x0  }
0x89: {  	[sflag:s16] =	ssyncadd.s32 $0xFFFFC400  }
0x8a: {  	[bflag:$0x0] =	sbarrier.arrive $0xFFFF  }
0x8b: {  	s5 =	rddreg [dreg:$0x6]  }
0x8c: {  	[hbm:s5], [sflag:s0] =	dma.local @!p0 [spmem:s15], $0x27200  }
0x8d: {  	_ =	swait.ge @!p0 [sflag:s31], $0x27200  }
0x8e: {  	s30 =	sadd.s32 $0x1, s30;
	s11 =	rddreg [dreg:$0x7]  }
0x8f: {  	p1 =	sne.s32 s30, s11  }
.Ltmp2:
0x90: {  	_ = 	snop;
	(pc) =	sbr.rel @p1 .LBB2_1-.Ltmp2, $3  }
0x91: {  	_ =	sdelay $0x1  }
0x92: {  	[sflag:s31] =	ssyncset.done @!p0 $0x0  }
0x93: {  	[sflag:s31] =	ssyncadd.s32 @!p0 $0xFFFD8E00  }
0x94: {  	_ =	sfence.sel $0x180000  }
0x95: {  	[bflag:$0x0] =	sbarrier.arrive $0xFFFF  }
0x96: {  	_ =	strace $0x9000004D  }
0x97: {  	[bflag:$0x2] =	sbarrier.arrive $0xFFFF  }
0x98: {  	s0 =	rddreg [dreg:$0x2]  }
0x99: {  	s0 =	sadd.s32 @!p0 $0x100000, s0  }
0x9a: {  	[sflag:s0] =	ssyncadd.tile.s32 @!p0 $0x1;
	_ =	shalt  }
.Lfunc_end2:
_tile_overlayer_lowered:
.L_overlay_start_2:
0x9b: {  	(tag) =	ssettag $0x2  }
0x9c: {  	s0 =	rddreg [dreg:$0x0];
	s2 =	stileid.u32  }
0x9d: {  	s1 =	rddreg [dreg:$0x1];
	p0 =	sne.s32 s2, $0x0  }
0x9e: {  	s3 =	rddreg [dreg:$0x2];
	[bflag:$0x3] =	sbarrier.arrive $0xFFFF;
	s2 =	simm.s32 @!p0 $0x1C04  }
0x9f: {  	[timem:s3], [sflag:s2] =	dma.local @!p0 [hbm:s0], s1  }
0xa0: {  	s0 =	simm.s32 @!p0 $0x4  }
0xa1: {  	_ =	swait.ge @!p0 [sflag:s0], s1  }
0xa2: {  	s1 =	ssub.s32 @!p0 $0x0, s1;
	[sflag:s0] =	ssyncset.done @!p0 $0x0  }
0xa3: {  	[sflag:s0] =	ssyncadd.s32 @!p0 s1  }
0xa4: {  	[bflag:$0x3] =	sbarrier.arrive $0xFFFF  }
0xa5: {  	_ =	shalt  }

</sc_bundles>
